<compile_context>
chip_gen: v7x
topology: tpu7x:2x2x1
jax: 0.10.2.dev20260603
libtpu: 0.0.44.dev20260713+nightly
codegen_flags: <defaults>
</compile_context>

<pallas_src>
import jax
import jax.numpy as jnp
from jax import lax
from jax.experimental import pallas as pl
from jax.experimental.pallas import tpu as pltpu
from jax.experimental.pallas import tpu_sc as plsc

BATCH = 4096
SEQ = 200
EMB_DIM = 128
NUM_WORKERS = 32
HALF_SEQ = SEQ // 2
NCHUNK = EMB_DIM // 16


def _bag_body(R, text_hbm, emb_hbm, out_hbm, idx_v, rows_v, out_stage, sem0, sem1, sem2):
    wid = lax.axis_index("s") * 2 + lax.axis_index("c")
    base = wid * R
    sems = (sem0, sem1, sem2)

    pltpu.sync_copy(text_hbm.at[pl.ds(base, R)], idx_v)

    def issue_half(r, b, h):
        pltpu.async_copy(emb_hbm.at[idx_v.at[r, h]], rows_v.at[b, h], sems[b])

    def issue(r, b):
        issue_half(r, b, 0)
        issue_half(r, b, 1)

    def wait_half(r, b, h):
        pltpu.make_async_copy(emb_hbm.at[idx_v.at[r, h]], rows_v.at[b, h], sems[b]).wait()

    def accum_half(b, h, acc):
        def tok_step(t, acc):
            for u in range(4):
                acc = tuple(
                    acc[c] + rows_v[b, h, 4 * t + u, pl.ds(c * 16, 16)]
                    for c in range(NCHUNK)
                )
            return acc

        return lax.fori_loop(0, HALF_SEQ // 4, tok_step, acc)

    def store_row(r, acc):
        for c in range(NCHUNK):
            out_stage[r, pl.ds(c * 16, 16)] = acc[c]

    nl = (R - 1) // 3
    issue(0, 0)
    issue(1, 1)
    issue(2, 2)

    def body(g, _):
        for b in range(3):
            r = 3 * g + b
            glim = (R - 4 - b) // 3
            wait_half(r, b, 0)
            wait_half(r, b, 1)
            acc = tuple(jnp.zeros((16,), jnp.float32) for _ in range(NCHUNK))
            acc = accum_half(b, 0, acc)
            acc = accum_half(b, 1, acc)
            store_row(r, acc)
            if glim >= nl - 1:
                issue(r + 3, b)
            else:
                @pl.when(g <= glim)
                def _():
                    issue(r + 3, b)
        return 0

    lax.fori_loop(0, nl, body, 0)
    for r in range(3 * nl, R):
        wait_half(r, r % 3, 0)
        wait_half(r, r % 3, 1)
        acc = tuple(jnp.zeros((16,), jnp.float32) for _ in range(NCHUNK))
        acc = accum_half(r % 3, 0, acc)
        acc = accum_half(r % 3, 1, acc)
        store_row(r, acc)
    pltpu.sync_copy(out_stage, out_hbm.at[pl.ds(base, R)])


def _embedding_bag(text3, emb):
    import functools
    nbatch = text3.shape[0]
    R = nbatch // NUM_WORKERS
    mesh = plsc.VectorSubcoreMesh(core_axis_name="c", subcore_axis_name="s")
    run = pl.kernel(
        functools.partial(_bag_body, R),
        out_type=jax.ShapeDtypeStruct((nbatch, EMB_DIM), jnp.float32),
        mesh=mesh,
        scratch_types=[
            pltpu.VMEM((R, 2, HALF_SEQ), jnp.int32),
            pltpu.VMEM((3, 2, HALF_SEQ, EMB_DIM), jnp.float32),
            pltpu.VMEM((R, EMB_DIM), jnp.float32),
            pltpu.SemaphoreType.DMA,
            pltpu.SemaphoreType.DMA,
            pltpu.SemaphoreType.DMA,
        ],
    )
    return run(text3, emb)


def _mlp_body(x_ref, w1_ref, b1_ref, w2_ref, b2_ref, wc_ref, bc_ref, out_ref):
    x = jnp.tanh(x_ref[...])
    h1 = jnp.tanh(jnp.dot(x, w1_ref[...].T, preferred_element_type=jnp.float32) + b1_ref[...])
    h2 = jnp.tanh(jnp.dot(h1, w2_ref[...].T, preferred_element_type=jnp.float32) + b2_ref[...])
    logits = jnp.dot(h2, wc_ref[...].T, preferred_element_type=jnp.float32) + bc_ref[...]
    m = jnp.max(logits, axis=-1, keepdims=True)
    e = jnp.exp(logits - m)
    out_ref[...] = e / jnp.sum(e, axis=-1, keepdims=True)


def _mlp(summed, W1, b1, W2, b2, Wc, bc):
    blk = 512
    grid = (summed.shape[0] // blk,)
    full = lambda shape: pl.BlockSpec(shape, lambda i: (0,) * len(shape))
    return pl.pallas_call(
        _mlp_body,
        grid=grid,
        in_specs=[
            pl.BlockSpec((blk, EMB_DIM), lambda i: (i, 0)),
            full(W1.shape),
            full(b1.shape),
            full(W2.shape),
            full(b2.shape),
            full(Wc.shape),
            full(bc.shape),
        ],
        out_specs=pl.BlockSpec((blk, 2), lambda i: (i, 0)),
        out_shape=jax.ShapeDtypeStruct((summed.shape[0], 2), jnp.float32),
    )(summed, W1, b1, W2, b2, Wc, bc)


def kernel(text, emb, W1, b1, W2, b2, Wc, bc):
    text3 = text.astype(jnp.int32).reshape(BATCH, 2, HALF_SEQ)
    b1r = b1.reshape(1, -1)
    b2r = b2.reshape(1, -1)
    bcr = bc.reshape(1, -1)
    summed = _embedding_bag(text3, emb)
    return _mlp(summed, W1, b1r, W2, b2r, Wc, bcr)

# --- scband reference (transcript-rebuilt; emitter-appended) ---
"""Pipeline reference for scband-bow-text-classifier-54726473285768 (READ-ONLY COPY).

The authoritative reference and input builder live on the scoring server;
editing this copy changes nothing except your own understanding.
"""

import jax, jax.numpy as jnp
import numpy as np

DICT_DIM = 100000
EMB_DIM = 128
HIDDEN_DIM = 128
FC_HIDDEN_DIM = 96
NUM_LABELS = 2
PADDING_IDX = DICT_DIM - 1
BATCH = 4096
SEQ = 200


def setup_inputs(seed: int = 0) -> dict:
    key = jax.random.key(seed)
    ks = jax.random.split(key, 8)
    text = jax.random.randint(ks[0], (BATCH, SEQ), 0, DICT_DIM)
    emb = jax.random.normal(ks[1], (DICT_DIM, EMB_DIM), dtype=jnp.float32) * 0.1
    emb = emb.at[PADDING_IDX].set(0.0)  # padding_idx row is zero in torch
    W1 = jax.random.normal(ks[2], (HIDDEN_DIM, HIDDEN_DIM), dtype=jnp.float32) * (1.0 / np.sqrt(HIDDEN_DIM))
    b1 = jnp.zeros((HIDDEN_DIM,), dtype=jnp.float32)
    W2 = jax.random.normal(ks[3], (FC_HIDDEN_DIM, HIDDEN_DIM), dtype=jnp.float32) * (1.0 / np.sqrt(HIDDEN_DIM))
    b2 = jnp.zeros((FC_HIDDEN_DIM,), dtype=jnp.float32)
    Wc = jax.random.normal(ks[4], (NUM_LABELS, FC_HIDDEN_DIM), dtype=jnp.float32) * (1.0 / np.sqrt(FC_HIDDEN_DIM))
    bc = jnp.zeros((NUM_LABELS,), dtype=jnp.float32)
    return {"text": text, "emb": emb, "W1": W1, "b1": b1, "W2": W2, "b2": b2, "Wc": Wc, "bc": bc}


def reference(text, emb, W1, b1, W2, b2, Wc, bc):
    # embedding lookup (SparseCore gather)
    embedded_text = jnp.take(emb, text, axis=0)  # [B, S, D]
    # mask: tokens != padding_idx (get_text_mask with a 2-D token tensor)
    mask = (text != PADDING_IDX)
    embedded_text = embedded_text * mask[..., None].astype(embedded_text.dtype)
    summed = embedded_text.sum(axis=1)
    encoded_text = jnp.tanh(summed)
    fc_1 = jnp.tanh(encoded_text @ W1.T + b1)
    fc_2 = jnp.tanh(fc_1 @ W2.T + b2)
    logits = fc_2 @ Wc.T + bc
    probs = jax.nn.softmax(logits, axis=-1)
    return probs

if __name__ == "__main__":
    import jax
    _d = setup_inputs()
    print(jax.jit(kernel)(*tuple(_d.values())))

</pallas_src>

<mosaic_0001>
#map = affine_map<(d0, d1) -> (0, 0, 0)>
#map1 = affine_map<(d0, d1) -> (0, 0)>
module attributes {stable_mosaic.version = 14 : i64} {
  func.func @_bag_body(%arg0: i32, %arg1: i32, %arg2: memref<4096x2x100xi32, #tpu.memory_space<hbm>>, %arg3: memref<100000x128xf32, #tpu.memory_space<hbm>>, %arg4: memref<4096x128xf32, #tpu.memory_space<hbm>>, %arg5: memref<128x2x100xi32, #tpu.memory_space<vmem>>, %arg6: memref<3x2x100x128xf32, #tpu.memory_space<vmem>>, %arg7: memref<128x128xf32, #tpu.memory_space<vmem>>, %arg8: memref<!tpu.dma_semaphore, #tpu.memory_space<semaphore_mem>>, %arg9: memref<!tpu.dma_semaphore, #tpu.memory_space<semaphore_mem>>, %arg10: memref<!tpu.dma_semaphore, #tpu.memory_space<semaphore_mem>>) attributes {dimension_semantics = [#tpu.dimension_semantics<core_parallel>, #tpu.dimension_semantics<subcore_parallel>], iteration_bounds = array<i64: 2, 16>, scalar_prefetch = 0 : i64, scratch_operands = 6 : i64, tpu.core_type = #tpu.core_type<sc_vector_subcore>, window_params = [{transform_indices = #map}, {transform_indices = #map1}, {transform_indices = #map1}]} {
    %mul3A = arith.constant 2 : i32
    %mul3A_0 = arith.muli %arg1, %mul3A : i32
    %add3A = arith.addi %mul3A_0, %arg0 : i32
    %mul3A_1 = arith.constant 128 : i32
    %mul3A_2 = arith.muli %add3A, %mul3A_1 : i32
    "tpu.region"() ({
      %run_scoped3A = tpu.sem_alloc : memref<!tpu.dma_semaphore, #tpu.memory_space<semaphore_mem>>
      %dma_start3A_297 = arith.constant 0 : i32
      %dma_start3A_298 = arith.constant 0 : i32
      %dma_start3A_299 = tpu.memref_slice %arg2[%mul3A_2, %dma_start3A_297, %dma_start3A_298] : memref<4096x2x100xi32, #tpu.memory_space<hbm>> -> memref<128x2x100xi32, #tpu.memory_space<hbm>>
      %dma_start3A_300 = arith.constant 0 : i32
      %dma_start3A_301 = arith.constant 0 : i32
      %dma_start3A_302 = tpu.memref_slice %arg2[%mul3A_2, %dma_start3A_300, %dma_start3A_301] : memref<4096x2x100xi32, #tpu.memory_space<hbm>> -> memref<128x2x100xi32, #tpu.memory_space<hbm>>
      tpu.enqueue_dma source(%dma_start3A_302 : memref<128x2x100xi32, #tpu.memory_space<hbm>>) target(%arg5 : memref<128x2x100xi32, #tpu.memory_space<vmem>>) target_semaphore(%run_scoped3A : memref<!tpu.dma_semaphore, #tpu.memory_space<semaphore_mem>>)
      %dma_wait3A_303 = arith.constant 0 : i32
      %dma_wait3A_304 = arith.constant 0 : i32
      %dma_wait3A_305 = tpu.memref_slice %arg2[%mul3A_2, %dma_wait3A_303, %dma_wait3A_304] : memref<4096x2x100xi32, #tpu.memory_space<hbm>> -> memref<128x2x100xi32, #tpu.memory_space<hbm>>
      %dma_wait3A_306 = arith.constant 0 : i32
      %dma_wait3A_307 = arith.constant 0 : i32
      %dma_wait3A_308 = tpu.memref_slice %arg2[%mul3A_2, %dma_wait3A_306, %dma_wait3A_307] : memref<4096x2x100xi32, #tpu.memory_space<hbm>> -> memref<128x2x100xi32, #tpu.memory_space<hbm>>
      tpu.wait_dma2 semaphore(%run_scoped3A : memref<!tpu.dma_semaphore, #tpu.memory_space<semaphore_mem>>) src(%dma_wait3A_308 : memref<128x2x100xi32, #tpu.memory_space<hbm>>) dst(%arg5 : memref<128x2x100xi32, #tpu.memory_space<vmem>>)
      tpu.yield
    }) : () -> ()
    %dma_start3A = arith.constant 0 : i32
    %dma_start3A_3 = arith.constant 0 : i32
    %dma_start3A_4 = arith.constant 0 : i32
    %dma_start3A_5 = arith.constant 0 : i32
    %dma_start3A_6 = arith.constant 0 : i32
    %dma_start3A_7 = arith.constant 0 : i32
    %dma_start3A_8 = tpu.memref_slice %arg6[%dma_start3A_4, %dma_start3A_5, %dma_start3A_6, %dma_start3A_7] : memref<3x2x100x128xf32, #tpu.memory_space<vmem>> -> memref<1x1x100x128xf32, #tpu.memory_space<vmem>>
    %dma_start3A_9 = tpu.memref_squeeze %dma_start3A_8 : memref<1x1x100x128xf32, #tpu.memory_space<vmem>> -> memref<100x128xf32, #tpu.memory_space<vmem>>
    %dma_start3A_10 = arith.constant 0 : i32
    %dma_start3A_11 = tpu.memref_slice %arg5[%dma_start3A, %dma_start3A_3, %dma_start3A_10] : memref<128x2x100xi32, #tpu.memory_space<vmem>> -> memref<1x1x100xi32, #tpu.memory_space<vmem>>
    %dma_start3A_12 = tpu.memref_squeeze %dma_start3A_11 : memref<1x1x100xi32, #tpu.memory_space<vmem>> -> memref<100xi32, #tpu.memory_space<vmem>>
    %dma_start3A_13 = arith.constant 0 : i32
    %dma_start3A_14 = arith.constant 0 : i32
    %dma_start3A_15 = tpu.memref_slice %arg3[%dma_start3A_13, %dma_start3A_14] : memref<100000x128xf32, #tpu.memory_space<hbm>> -> memref<100000x128xf32, #tpu.memory_space<hbm>>
    tpu.enqueue_indirect_dma source(%dma_start3A_15 : memref<100000x128xf32, #tpu.memory_space<hbm>>) target(%dma_start3A_9 : memref<100x128xf32, #tpu.memory_space<vmem>>) offsets(%dma_start3A_12 : memref<100xi32, #tpu.memory_space<vmem>>) semaphore(%arg8 : memref<!tpu.dma_semaphore, #tpu.memory_space<semaphore_mem>>)
    %dma_start3A_16 = arith.constant 0 : i32
    %dma_start3A_17 = arith.constant 1 : i32
    %dma_start3A_18 = arith.constant 0 : i32
    %dma_start3A_19 = arith.constant 1 : i32
    %dma_start3A_20 = arith.constant 0 : i32
    %dma_start3A_21 = arith.constant 0 : i32
    %dma_start3A_22 = tpu.memref_slice %arg6[%dma_start3A_18, %dma_start3A_19, %dma_start3A_20, %dma_start3A_21] : memref<3x2x100x128xf32, #tpu.memory_space<vmem>> -> memref<1x1x100x128xf32, #tpu.memory_space<vmem>>
    %dma_start3A_23 = tpu.memref_squeeze %dma_start3A_22 : memref<1x1x100x128xf32, #tpu.memory_space<vmem>> -> memref<100x128xf32, #tpu.memory_space<vmem>>
    %dma_start3A_24 = arith.constant 0 : i32
    %dma_start3A_25 = tpu.memref_slice %arg5[%dma_start3A_16, %dma_start3A_17, %dma_start3A_24] : memref<128x2x100xi32, #tpu.memory_space<vmem>> -> memref<1x1x100xi32, #tpu.memory_space<vmem>>
    %dma_start3A_26 = tpu.memref_squeeze %dma_start3A_25 : memref<1x1x100xi32, #tpu.memory_space<vmem>> -> memref<100xi32, #tpu.memory_space<vmem>>
    %dma_start3A_27 = arith.constant 0 : i32
    %dma_start3A_28 = arith.constant 0 : i32
    %dma_start3A_29 = tpu.memref_slice %arg3[%dma_start3A_27, %dma_start3A_28] : memref<100000x128xf32, #tpu.memory_space<hbm>> -> memref<100000x128xf32, #tpu.memory_space<hbm>>
    tpu.enqueue_indirect_dma source(%dma_start3A_29 : memref<100000x128xf32, #tpu.memory_space<hbm>>) target(%dma_start3A_23 : memref<100x128xf32, #tpu.memory_space<vmem>>) offsets(%dma_start3A_26 : memref<100xi32, #tpu.memory_space<vmem>>) semaphore(%arg8 : memref<!tpu.dma_semaphore, #tpu.memory_space<semaphore_mem>>)
    %dma_start3A_30 = arith.constant 1 : i32
    %dma_start3A_31 = arith.constant 0 : i32
    %dma_start3A_32 = arith.constant 1 : i32
    %dma_start3A_33 = arith.constant 0 : i32
    %dma_start3A_34 = arith.constant 0 : i32
    %dma_start3A_35 = arith.constant 0 : i32
    %dma_start3A_36 = tpu.memref_slice %arg6[%dma_start3A_32, %dma_start3A_33, %dma_start3A_34, %dma_start3A_35] : memref<3x2x100x128xf32, #tpu.memory_space<vmem>> -> memref<1x1x100x128xf32, #tpu.memory_space<vmem>>
    %dma_start3A_37 = tpu.memref_squeeze %dma_start3A_36 : memref<1x1x100x128xf32, #tpu.memory_space<vmem>> -> memref<100x128xf32, #tpu.memory_space<vmem>>
    %dma_start3A_38 = arith.constant 0 : i32
    %dma_start3A_39 = tpu.memref_slice %arg5[%dma_start3A_30, %dma_start3A_31, %dma_start3A_38] : memref<128x2x100xi32, #tpu.memory_space<vmem>> -> memref<1x1x100xi32, #tpu.memory_space<vmem>>
    %dma_start3A_40 = tpu.memref_squeeze %dma_start3A_39 : memref<1x1x100xi32, #tpu.memory_space<vmem>> -> memref<100xi32, #tpu.memory_space<vmem>>
    %dma_start3A_41 = arith.constant 0 : i32
    %dma_start3A_42 = arith.constant 0 : i32
    %dma_start3A_43 = tpu.memref_slice %arg3[%dma_start3A_41, %dma_start3A_42] : memref<100000x128xf32, #tpu.memory_space<hbm>> -> memref<100000x128xf32, #tpu.memory_space<hbm>>
    tpu.enqueue_indirect_dma source(%dma_start3A_43 : memref<100000x128xf32, #tpu.memory_space<hbm>>) target(%dma_start3A_37 : memref<100x128xf32, #tpu.memory_space<vmem>>) offsets(%dma_start3A_40 : memref<100xi32, #tpu.memory_space<vmem>>) semaphore(%arg9 : memref<!tpu.dma_semaphore, #tpu.memory_space<semaphore_mem>>)
    %dma_start3A_44 = arith.constant 1 : i32
    %dma_start3A_45 = arith.constant 1 : i32
    %dma_start3A_46 = arith.constant 1 : i32
    %dma_start3A_47 = arith.constant 1 : i32
    %dma_start3A_48 = arith.constant 0 : i32
    %dma_start3A_49 = arith.constant 0 : i32
    %dma_start3A_50 = tpu.memref_slice %arg6[%dma_start3A_46, %dma_start3A_47, %dma_start3A_48, %dma_start3A_49] : memref<3x2x100x128xf32, #tpu.memory_space<vmem>> -> memref<1x1x100x128xf32, #tpu.memory_space<vmem>>
    %dma_start3A_51 = tpu.memref_squeeze %dma_start3A_50 : memref<1x1x100x128xf32, #tpu.memory_space<vmem>> -> memref<100x128xf32, #tpu.memory_space<vmem>>
    %dma_start3A_52 = arith.constant 0 : i32
    %dma_start3A_53 = tpu.memref_slice %arg5[%dma_start3A_44, %dma_start3A_45, %dma_start3A_52] : memref<128x2x100xi32, #tpu.memory_space<vmem>> -> memref<1x1x100xi32, #tpu.memory_space<vmem>>
    %dma_start3A_54 = tpu.memref_squeeze %dma_start3A_53 : memref<1x1x100xi32, #tpu.memory_space<vmem>> -> memref<100xi32, #tpu.memory_space<vmem>>
    %dma_start3A_55 = arith.constant 0 : i32
    %dma_start3A_56 = arith.constant 0 : i32
    %dma_start3A_57 = tpu.memref_slice %arg3[%dma_start3A_55, %dma_start3A_56] : memref<100000x128xf32, #tpu.memory_space<hbm>> -> memref<100000x128xf32, #tpu.memory_space<hbm>>
    tpu.enqueue_indirect_dma source(%dma_start3A_57 : memref<100000x128xf32, #tpu.memory_space<hbm>>) target(%dma_start3A_51 : memref<100x128xf32, #tpu.memory_space<vmem>>) offsets(%dma_start3A_54 : memref<100xi32, #tpu.memory_space<vmem>>) semaphore(%arg9 : memref<!tpu.dma_semaphore, #tpu.memory_space<semaphore_mem>>)
    %dma_start3A_58 = arith.constant 2 : i32
    %dma_start3A_59 = arith.constant 0 : i32
    %dma_start3A_60 = arith.constant 2 : i32
    %dma_start3A_61 = arith.constant 0 : i32
    %dma_start3A_62 = arith.constant 0 : i32
    %dma_start3A_63 = arith.constant 0 : i32
    %dma_start3A_64 = tpu.memref_slice %arg6[%dma_start3A_60, %dma_start3A_61, %dma_start3A_62, %dma_start3A_63] : memref<3x2x100x128xf32, #tpu.memory_space<vmem>> -> memref<1x1x100x128xf32, #tpu.memory_space<vmem>>
    %dma_start3A_65 = tpu.memref_squeeze %dma_start3A_64 : memref<1x1x100x128xf32, #tpu.memory_space<vmem>> -> memref<100x128xf32, #tpu.memory_space<vmem>>
    %dma_start3A_66 = arith.constant 0 : i32
    %dma_start3A_67 = tpu.memref_slice %arg5[%dma_start3A_58, %dma_start3A_59, %dma_start3A_66] : memref<128x2x100xi32, #tpu.memory_space<vmem>> -> memref<1x1x100xi32, #tpu.memory_space<vmem>>
    %dma_start3A_68 = tpu.memref_squeeze %dma_start3A_67 : memref<1x1x100xi32, #tpu.memory_space<vmem>> -> memref<100xi32, #tpu.memory_space<vmem>>
    %dma_start3A_69 = arith.constant 0 : i32
    %dma_start3A_70 = arith.constant 0 : i32
    %dma_start3A_71 = tpu.memref_slice %arg3[%dma_start3A_69, %dma_start3A_70] : memref<100000x128xf32, #tpu.memory_space<hbm>> -> memref<100000x128xf32, #tpu.memory_space<hbm>>
    tpu.enqueue_indirect_dma source(%dma_start3A_71 : memref<100000x128xf32, #tpu.memory_space<hbm>>) target(%dma_start3A_65 : memref<100x128xf32, #tpu.memory_space<vmem>>) offsets(%dma_start3A_68 : memref<100xi32, #tpu.memory_space<vmem>>) semaphore(%arg10 : memref<!tpu.dma_semaphore, #tpu.memory_space<semaphore_mem>>)
    %dma_start3A_72 = arith.constant 2 : i32
    %dma_start3A_73 = arith.constant 1 : i32
    %dma_start3A_74 = arith.constant 2 : i32
    %dma_start3A_75 = arith.constant 1 : i32
    %dma_start3A_76 = arith.constant 0 : i32
    %dma_start3A_77 = arith.constant 0 : i32
    %dma_start3A_78 = tpu.memref_slice %arg6[%dma_start3A_74, %dma_start3A_75, %dma_start3A_76, %dma_start3A_77] : memref<3x2x100x128xf32, #tpu.memory_space<vmem>> -> memref<1x1x100x128xf32, #tpu.memory_space<vmem>>
    %dma_start3A_79 = tpu.memref_squeeze %dma_start3A_78 : memref<1x1x100x128xf32, #tpu.memory_space<vmem>> -> memref<100x128xf32, #tpu.memory_space<vmem>>
    %dma_start3A_80 = arith.constant 0 : i32
    %dma_start3A_81 = tpu.memref_slice %arg5[%dma_start3A_72, %dma_start3A_73, %dma_start3A_80] : memref<128x2x100xi32, #tpu.memory_space<vmem>> -> memref<1x1x100xi32, #tpu.memory_space<vmem>>
    %dma_start3A_82 = tpu.memref_squeeze %dma_start3A_81 : memref<1x1x100xi32, #tpu.memory_space<vmem>> -> memref<100xi32, #tpu.memory_space<vmem>>
    %dma_start3A_83 = arith.constant 0 : i32
    %dma_start3A_84 = arith.constant 0 : i32
    %dma_start3A_85 = tpu.memref_slice %arg3[%dma_start3A_83, %dma_start3A_84] : memref<100000x128xf32, #tpu.memory_space<hbm>> -> memref<100000x128xf32, #tpu.memory_space<hbm>>
    tpu.enqueue_indirect_dma source(%dma_start3A_85 : memref<100000x128xf32, #tpu.memory_space<hbm>>) target(%dma_start3A_79 : memref<100x128xf32, #tpu.memory_space<vmem>>) offsets(%dma_start3A_82 : memref<100xi32, #tpu.memory_space<vmem>>) semaphore(%arg10 : memref<!tpu.dma_semaphore, #tpu.memory_space<semaphore_mem>>)
    %scan3A = arith.constant 0 : i32
    %scan3A_86 = arith.constant 0 : i32
    %scan3A_87 = arith.constant 42 : i32
    %scan3A_88 = arith.addi %scan3A_86, %scan3A_87 : i32
    %scan3A_89 = arith.constant 1 : i32
    %scan3A_90 = scf.for %scan3A_297 = %scan3A_86 to %scan3A_88 step %scan3A_89 iter_args(%scan3A_298 = %scan3A) -> (i32)  : i32 {
      %mul3A_299 = arith.constant 3 : i32
      %mul3A_300 = arith.muli %mul3A_299, %scan3A_297 : i32
      %add3A_301 = arith.constant 0 : i32
      %add3A_302 = arith.addi %mul3A_300, %add3A_301 : i32
      %dma_wait3A_303 = arith.constant 0 : i32
      %dma_wait3A_304 = arith.constant 0 : i32
      %dma_wait3A_305 = arith.constant 0 : i32
      %dma_wait3A_306 = arith.constant 0 : i32
      %dma_wait3A_307 = arith.constant 0 : i32
      %dma_wait3A_308 = tpu.memref_slice %arg6[%dma_wait3A_304, %dma_wait3A_305, %dma_wait3A_306, %dma_wait3A_307] : memref<3x2x100x128xf32, #tpu.memory_space<vmem>> -> memref<1x1x100x128xf32, #tpu.memory_space<vmem>>
      %dma_wait3A_309 = tpu.memref_squeeze %dma_wait3A_308 : memref<1x1x100x128xf32, #tpu.memory_space<vmem>> -> memref<100x128xf32, #tpu.memory_space<vmem>>
      %dma_wait3A_310 = arith.constant 0 : i32
      %dma_wait3A_311 = tpu.memref_slice %arg5[%add3A_302, %dma_wait3A_303, %dma_wait3A_310] : memref<128x2x100xi32, #tpu.memory_space<vmem>> -> memref<1x1x100xi32, #tpu.memory_space<vmem>>
      %dma_wait3A_312 = tpu.memref_squeeze %dma_wait3A_311 : memref<1x1x100xi32, #tpu.memory_space<vmem>> -> memref<100xi32, #tpu.memory_space<vmem>>
      %dma_wait3A_313 = arith.constant 0 : i32
      %dma_wait3A_314 = arith.constant 0 : i32
      %dma_wait3A_315 = tpu.memref_slice %arg3[%dma_wait3A_313, %dma_wait3A_314] : memref<100000x128xf32, #tpu.memory_space<hbm>> -> memref<100000x128xf32, #tpu.memory_space<hbm>>
      tpu.wait_indirect_dma semaphore(%arg8 : memref<!tpu.dma_semaphore, #tpu.memory_space<semaphore_mem>>) src(%dma_wait3A_315 : memref<100000x128xf32, #tpu.memory_space<hbm>>) dst(%dma_wait3A_309 : memref<100x128xf32, #tpu.memory_space<vmem>>)
      %dma_wait3A_316 = arith.constant 1 : i32
      %dma_wait3A_317 = arith.constant 0 : i32
      %dma_wait3A_318 = arith.constant 1 : i32
      %dma_wait3A_319 = arith.constant 0 : i32
      %dma_wait3A_320 = arith.constant 0 : i32
      %dma_wait3A_321 = tpu.memref_slice %arg6[%dma_wait3A_317, %dma_wait3A_318, %dma_wait3A_319, %dma_wait3A_320] : memref<3x2x100x128xf32, #tpu.memory_space<vmem>> -> memref<1x1x100x128xf32, #tpu.memory_space<vmem>>
      %dma_wait3A_322 = tpu.memref_squeeze %dma_wait3A_321 : memref<1x1x100x128xf32, #tpu.memory_space<vmem>> -> memref<100x128xf32, #tpu.memory_space<vmem>>
      %dma_wait3A_323 = arith.constant 0 : i32
      %dma_wait3A_324 = tpu.memref_slice %arg5[%add3A_302, %dma_wait3A_316, %dma_wait3A_323] : memref<128x2x100xi32, #tpu.memory_space<vmem>> -> memref<1x1x100xi32, #tpu.memory_space<vmem>>
      %dma_wait3A_325 = tpu.memref_squeeze %dma_wait3A_324 : memref<1x1x100xi32, #tpu.memory_space<vmem>> -> memref<100xi32, #tpu.memory_space<vmem>>
      %dma_wait3A_326 = arith.constant 0 : i32
      %dma_wait3A_327 = arith.constant 0 : i32
      %dma_wait3A_328 = tpu.memref_slice %arg3[%dma_wait3A_326, %dma_wait3A_327] : memref<100000x128xf32, #tpu.memory_space<hbm>> -> memref<100000x128xf32, #tpu.memory_space<hbm>>
      tpu.wait_indirect_dma semaphore(%arg8 : memref<!tpu.dma_semaphore, #tpu.memory_space<semaphore_mem>>) src(%dma_wait3A_328 : memref<100000x128xf32, #tpu.memory_space<hbm>>) dst(%dma_wait3A_322 : memref<100x128xf32, #tpu.memory_space<vmem>>)
      %broadcast_in_dim3A_329 = arith.constant 0.000000e+00 : f32
      %broadcast_in_dim3A_330 = vector.broadcast %broadcast_in_dim3A_329 : f32 to vector<16xf32>
      %broadcast_in_dim3A_331 = arith.constant 0.000000e+00 : f32
      %broadcast_in_dim3A_332 = vector.broadcast %broadcast_in_dim3A_331 : f32 to vector<16xf32>
      %broadcast_in_dim3A_333 = arith.constant 0.000000e+00 : f32
      %broadcast_in_dim3A_334 = vector.broadcast %broadcast_in_dim3A_333 : f32 to vector<16xf32>
      %broadcast_in_dim3A_335 = arith.constant 0.000000e+00 : f32
      %broadcast_in_dim3A_336 = vector.broadcast %broadcast_in_dim3A_335 : f32 to vector<16xf32>
      %broadcast_in_dim3A_337 = arith.constant 0.000000e+00 : f32
      %broadcast_in_dim3A_338 = vector.broadcast %broadcast_in_dim3A_337 : f32 to vector<16xf32>
      %broadcast_in_dim3A_339 = arith.constant 0.000000e+00 : f32
      %broadcast_in_dim3A_340 = vector.broadcast %broadcast_in_dim3A_339 : f32 to vector<16xf32>
      %broadcast_in_dim3A_341 = arith.constant 0.000000e+00 : f32
      %broadcast_in_dim3A_342 = vector.broadcast %broadcast_in_dim3A_341 : f32 to vector<16xf32>
      %broadcast_in_dim3A_343 = arith.constant 0.000000e+00 : f32
      %broadcast_in_dim3A_344 = vector.broadcast %broadcast_in_dim3A_343 : f32 to vector<16xf32>
      %scan3A_345 = arith.constant 0 : i32
      %scan3A_346 = arith.constant 25 : i32
      %scan3A_347 = arith.addi %scan3A_345, %scan3A_346 : i32
      %scan3A_348 = arith.constant 1 : i32
      %scan3A_349:8 = scf.for %scan3A_652 = %scan3A_345 to %scan3A_347 step %scan3A_348 iter_args(%scan3A_653 = %broadcast_in_dim3A_330, %scan3A_654 = %broadcast_in_dim3A_332, %scan3A_655 = %broadcast_in_dim3A_334, %scan3A_656 = %broadcast_in_dim3A_336, %scan3A_657 = %broadcast_in_dim3A_338, %scan3A_658 = %broadcast_in_dim3A_340, %scan3A_659 = %broadcast_in_dim3A_342, %scan3A_660 = %broadcast_in_dim3A_344) -> (vector<16xf32>, vector<16xf32>, vector<16xf32>, vector<16xf32>, vector<16xf32>, vector<16xf32>, vector<16xf32>, vector<16xf32>)  : i32 {
        %mul3A_661 = arith.constant 4 : i32
        %mul3A_662 = arith.muli %mul3A_661, %scan3A_652 : i32
        %add3A_663 = arith.constant 0 : i32
        %add3A_664 = arith.addi %mul3A_662, %add3A_663 : i32
        %get3A = arith.constant 0 : i32
        %get3A_665 = arith.constant 0 : i32
        %get3A_666 = arith.index_cast %get3A : i32 to index
        %get3A_667 = arith.index_cast %get3A_665 : i32 to index
        %get3A_668 = arith.index_cast %add3A_664 : i32 to index
        %get3A_669 = arith.constant 0 : index
        %get3A_670 = tpu.vector_load %arg6[%get3A_666, %get3A_667, %get3A_668, %get3A_669] {strides = array<i32>} : memref<3x2x100x128xf32, #tpu.memory_space<vmem>>, vector<1x1x1x16xf32>,
        %get3A_671 = vector.shape_cast %get3A_670 : vector<1x1x1x16xf32> to vector<16xf32>
        %add3A_672 = arith.addf %scan3A_653, %get3A_671 : vector<16xf32>
        %mul3A_673 = arith.constant 4 : i32
        %mul3A_674 = arith.muli %mul3A_673, %scan3A_652 : i32
        %add3A_675 = arith.constant 0 : i32
        %add3A_676 = arith.addi %mul3A_674, %add3A_675 : i32
        %get3A_677 = arith.constant 0 : i32
        %get3A_678 = arith.constant 0 : i32
        %get3A_679 = arith.index_cast %get3A_677 : i32 to index
        %get3A_680 = arith.index_cast %get3A_678 : i32 to index
        %get3A_681 = arith.index_cast %add3A_676 : i32 to index
        %get3A_682 = arith.constant 16 : index
        %get3A_683 = tpu.vector_load %arg6[%get3A_679, %get3A_680, %get3A_681, %get3A_682] {strides = array<i32>} : memref<3x2x100x128xf32, #tpu.memory_space<vmem>>, vector<1x1x1x16xf32>,
        %get3A_684 = vector.shape_cast %get3A_683 : vector<1x1x1x16xf32> to vector<16xf32>
        %add3A_685 = arith.addf %scan3A_654, %get3A_684 : vector<16xf32>
        %mul3A_686 = arith.constant 4 : i32
        %mul3A_687 = arith.muli %mul3A_686, %scan3A_652 : i32
        %add3A_688 = arith.constant 0 : i32
        %add3A_689 = arith.addi %mul3A_687, %add3A_688 : i32
        %get3A_690 = arith.constant 0 : i32
        %get3A_691 = arith.constant 0 : i32
        %get3A_692 = arith.index_cast %get3A_690 : i32 to index
        %get3A_693 = arith.index_cast %get3A_691 : i32 to index
        %get3A_694 = arith.index_cast %add3A_689 : i32 to index
        %get3A_695 = arith.constant 32 : index
        %get3A_696 = tpu.vector_load %arg6[%get3A_692, %get3A_693, %get3A_694, %get3A_695] {strides = array<i32>} : memref<3x2x100x128xf32, #tpu.memory_space<vmem>>, vector<1x1x1x16xf32>,
        %get3A_697 = vector.shape_cast %get3A_696 : vector<1x1x1x16xf32> to vector<16xf32>
        %add3A_698 = arith.addf %scan3A_655, %get3A_697 : vector<16xf32>
        %mul3A_699 = arith.constant 4 : i32
        %mul3A_700 = arith.muli %mul3A_699, %scan3A_652 : i32
        %add3A_701 = arith.constant 0 : i32
        %add3A_702 = arith.addi %mul3A_700, %add3A_701 : i32
        %get3A_703 = arith.constant 0 : i32
        %get3A_704 = arith.constant 0 : i32
        %get3A_705 = arith.index_cast %get3A_703 : i32 to index
        %get3A_706 = arith.index_cast %get3A_704 : i32 to index
        %get3A_707 = arith.index_cast %add3A_702 : i32 to index
        %get3A_708 = arith.constant 48 : index
        %get3A_709 = tpu.vector_load %arg6[%get3A_705, %get3A_706, %get3A_707, %get3A_708] {strides = array<i32>} : memref<3x2x100x128xf32, #tpu.memory_space<vmem>>, vector<1x1x1x16xf32>,
        %get3A_710 = vector.shape_cast %get3A_709 : vector<1x1x1x16xf32> to vector<16xf32>
        %add3A_711 = arith.addf %scan3A_656, %get3A_710 : vector<16xf32>
        %mul3A_712 = arith.constant 4 : i32
        %mul3A_713 = arith.muli %mul3A_712, %scan3A_652 : i32
        %add3A_714 = arith.constant 0 : i32
        %add3A_715 = arith.addi %mul3A_713, %add3A_714 : i32
        %get3A_716 = arith.constant 0 : i32
        %get3A_717 = arith.constant 0 : i32
        %get3A_718 = arith.index_cast %get3A_716 : i32 to index
        %get3A_719 = arith.index_cast %get3A_717 : i32 to index
        %get3A_720 = arith.index_cast %add3A_715 : i32 to index
        %get3A_721 = arith.constant 64 : index
        %get3A_722 = tpu.vector_load %arg6[%get3A_718, %get3A_719, %get3A_720, %get3A_721] {strides = array<i32>} : memref<3x2x100x128xf32, #tpu.memory_space<vmem>>, vector<1x1x1x16xf32>,
        %get3A_723 = vector.shape_cast %get3A_722 : vector<1x1x1x16xf32> to vector<16xf32>
        %add3A_724 = arith.addf %scan3A_657, %get3A_723 : vector<16xf32>
        %mul3A_725 = arith.constant 4 : i32
        %mul3A_726 = arith.muli %mul3A_725, %scan3A_652 : i32
        %add3A_727 = arith.constant 0 : i32
        %add3A_728 = arith.addi %mul3A_726, %add3A_727 : i32
        %get3A_729 = arith.constant 0 : i32
        %get3A_730 = arith.constant 0 : i32
        %get3A_731 = arith.index_cast %get3A_729 : i32 to index
        %get3A_732 = arith.index_cast %get3A_730 : i32 to index
        %get3A_733 = arith.index_cast %add3A_728 : i32 to index
        %get3A_734 = arith.constant 80 : index
        %get3A_735 = tpu.vector_load %arg6[%get3A_731, %get3A_732, %get3A_733, %get3A_734] {strides = array<i32>} : memref<3x2x100x128xf32, #tpu.memory_space<vmem>>, vector<1x1x1x16xf32>,
        %get3A_736 = vector.shape_cast %get3A_735 : vector<1x1x1x16xf32> to vector<16xf32>
        %add3A_737 = arith.addf %scan3A_658, %get3A_736 : vector<16xf32>
        %mul3A_738 = arith.constant 4 : i32
        %mul3A_739 = arith.muli %mul3A_738, %scan3A_652 : i32
        %add3A_740 = arith.constant 0 : i32
        %add3A_741 = arith.addi %mul3A_739, %add3A_740 : i32
        %get3A_742 = arith.constant 0 : i32
        %get3A_743 = arith.constant 0 : i32
        %get3A_744 = arith.index_cast %get3A_742 : i32 to index
        %get3A_745 = arith.index_cast %get3A_743 : i32 to index
        %get3A_746 = arith.index_cast %add3A_741 : i32 to index
        %get3A_747 = arith.constant 96 : index
        %get3A_748 = tpu.vector_load %arg6[%get3A_744, %get3A_745, %get3A_746, %get3A_747] {strides = array<i32>} : memref<3x2x100x128xf32, #tpu.memory_space<vmem>>, vector<1x1x1x16xf32>,
        %get3A_749 = vector.shape_cast %get3A_748 : vector<1x1x1x16xf32> to vector<16xf32>
        %add3A_750 = arith.addf %scan3A_659, %get3A_749 : vector<16xf32>
        %mul3A_751 = arith.constant 4 : i32
        %mul3A_752 = arith.muli %mul3A_751, %scan3A_652 : i32
        %add3A_753 = arith.constant 0 : i32
        %add3A_754 = arith.addi %mul3A_752, %add3A_753 : i32
        %get3A_755 = arith.constant 0 : i32
        %get3A_756 = arith.constant 0 : i32
        %get3A_757 = arith.index_cast %get3A_755 : i32 to index
        %get3A_758 = arith.index_cast %get3A_756 : i32 to index
        %get3A_759 = arith.index_cast %add3A_754 : i32 to index
        %get3A_760 = arith.constant 112 : index
        %get3A_761 = tpu.vector_load %arg6[%get3A_757, %get3A_758, %get3A_759, %get3A_760] {strides = array<i32>} : memref<3x2x100x128xf32, #tpu.memory_space<vmem>>, vector<1x1x1x16xf32>,
        %get3A_762 = vector.shape_cast %get3A_761 : vector<1x1x1x16xf32> to vector<16xf32>
        %add3A_763 = arith.addf %scan3A_660, %get3A_762 : vector<16xf32>
        %mul3A_764 = arith.constant 4 : i32
        %mul3A_765 = arith.muli %mul3A_764, %scan3A_652 : i32
        %add3A_766 = arith.constant 1 : i32
        %add3A_767 = arith.addi %mul3A_765, %add3A_766 : i32
        %get3A_768 = arith.constant 0 : i32
        %get3A_769 = arith.constant 0 : i32
        %get3A_770 = arith.index_cast %get3A_768 : i32 to index
        %get3A_771 = arith.index_cast %get3A_769 : i32 to index
        %get3A_772 = arith.index_cast %add3A_767 : i32 to index
        %get3A_773 = arith.constant 0 : index
        %get3A_774 = tpu.vector_load %arg6[%get3A_770, %get3A_771, %get3A_772, %get3A_773] {strides = array<i32>} : memref<3x2x100x128xf32, #tpu.memory_space<vmem>>, vector<1x1x1x16xf32>,
        %get3A_775 = vector.shape_cast %get3A_774 : vector<1x1x1x16xf32> to vector<16xf32>
        %add3A_776 = arith.addf %add3A_672, %get3A_775 : vector<16xf32>
        %mul3A_777 = arith.constant 4 : i32
        %mul3A_778 = arith.muli %mul3A_777, %scan3A_652 : i32
        %add3A_779 = arith.constant 1 : i32
        %add3A_780 = arith.addi %mul3A_778, %add3A_779 : i32
        %get3A_781 = arith.constant 0 : i32
        %get3A_782 = arith.constant 0 : i32
        %get3A_783 = arith.index_cast %get3A_781 : i32 to index
        %get3A_784 = arith.index_cast %get3A_782 : i32 to index
        %get3A_785 = arith.index_cast %add3A_780 : i32 to index
        %get3A_786 = arith.constant 16 : index
        %get3A_787 = tpu.vector_load %arg6[%get3A_783, %get3A_784, %get3A_785, %get3A_786] {strides = array<i32>} : memref<3x2x100x128xf32, #tpu.memory_space<vmem>>, vector<1x1x1x16xf32>,
        %get3A_788 = vector.shape_cast %get3A_787 : vector<1x1x1x16xf32> to vector<16xf32>
        %add3A_789 = arith.addf %add3A_685, %get3A_788 : vector<16xf32>
        %mul3A_790 = arith.constant 4 : i32
        %mul3A_791 = arith.muli %mul3A_790, %scan3A_652 : i32
        %add3A_792 = arith.constant 1 : i32
        %add3A_793 = arith.addi %mul3A_791, %add3A_792 : i32
        %get3A_794 = arith.constant 0 : i32
        %get3A_795 = arith.constant 0 : i32
        %get3A_796 = arith.index_cast %get3A_794 : i32 to index
        %get3A_797 = arith.index_cast %get3A_795 : i32 to index
        %get3A_798 = arith.index_cast %add3A_793 : i32 to index
        %get3A_799 = arith.constant 32 : index
        %get3A_800 = tpu.vector_load %arg6[%get3A_796, %get3A_797, %get3A_798, %get3A_799] {strides = array<i32>} : memref<3x2x100x128xf32, #tpu.memory_space<vmem>>, vector<1x1x1x16xf32>,
        %get3A_801 = vector.shape_cast %get3A_800 : vector<1x1x1x16xf32> to vector<16xf32>
        %add3A_802 = arith.addf %add3A_698, %get3A_801 : vector<16xf32>
        %mul3A_803 = arith.constant 4 : i32
        %mul3A_804 = arith.muli %mul3A_803, %scan3A_652 : i32
        %add3A_805 = arith.constant 1 : i32
        %add3A_806 = arith.addi %mul3A_804, %add3A_805 : i32
        %get3A_807 = arith.constant 0 : i32
        %get3A_808 = arith.constant 0 : i32
        %get3A_809 = arith.index_cast %get3A_807 : i32 to index
        %get3A_810 = arith.index_cast %get3A_808 : i32 to index
        %get3A_811 = arith.index_cast %add3A_806 : i32 to index
        %get3A_812 = arith.constant 48 : index
        %get3A_813 = tpu.vector_load %arg6[%get3A_809, %get3A_810, %get3A_811, %get3A_812] {strides = array<i32>} : memref<3x2x100x128xf32, #tpu.memory_space<vmem>>, vector<1x1x1x16xf32>,
        %get3A_814 = vector.shape_cast %get3A_813 : vector<1x1x1x16xf32> to vector<16xf32>
        %add3A_815 = arith.addf %add3A_711, %get3A_814 : vector<16xf32>
        %mul3A_816 = arith.constant 4 : i32
        %mul3A_817 = arith.muli %mul3A_816, %scan3A_652 : i32
        %add3A_818 = arith.constant 1 : i32
        %add3A_819 = arith.addi %mul3A_817, %add3A_818 : i32
        %get3A_820 = arith.constant 0 : i32
        %get3A_821 = arith.constant 0 : i32
        %get3A_822 = arith.index_cast %get3A_820 : i32 to index
        %get3A_823 = arith.index_cast %get3A_821 : i32 to index
        %get3A_824 = arith.index_cast %add3A_819 : i32 to index
        %get3A_825 = arith.constant 64 : index
        %get3A_826 = tpu.vector_load %arg6[%get3A_822, %get3A_823, %get3A_824, %get3A_825] {strides = array<i32>} : memref<3x2x100x128xf32, #tpu.memory_space<vmem>>, vector<1x1x1x16xf32>,
        %get3A_827 = vector.shape_cast %get3A_826 : vector<1x1x1x16xf32> to vector<16xf32>
        %add3A_828 = arith.addf %add3A_724, %get3A_827 : vector<16xf32>
        %mul3A_829 = arith.constant 4 : i32
        %mul3A_830 = arith.muli %mul3A_829, %scan3A_652 : i32
        %add3A_831 = arith.constant 1 : i32
        %add3A_832 = arith.addi %mul3A_830, %add3A_831 : i32
        %get3A_833 = arith.constant 0 : i32
        %get3A_834 = arith.constant 0 : i32
        %get3A_835 = arith.index_cast %get3A_833 : i32 to index
        %get3A_836 = arith.index_cast %get3A_834 : i32 to index
        %get3A_837 = arith.index_cast %add3A_832 : i32 to index
        %get3A_838 = arith.constant 80 : index
        %get3A_839 = tpu.vector_load %arg6[%get3A_835, %get3A_836, %get3A_837, %get3A_838] {strides = array<i32>} : memref<3x2x100x128xf32, #tpu.memory_space<vmem>>, vector<1x1x1x16xf32>,
        %get3A_840 = vector.shape_cast %get3A_839 : vector<1x1x1x16xf32> to vector<16xf32>
        %add3A_841 = arith.addf %add3A_737, %get3A_840 : vector<16xf32>
        %mul3A_842 = arith.constant 4 : i32
        %mul3A_843 = arith.muli %mul3A_842, %scan3A_652 : i32
        %add3A_844 = arith.constant 1 : i32
        %add3A_845 = arith.addi %mul3A_843, %add3A_844 : i32
        %get3A_846 = arith.constant 0 : i32
        %get3A_847 = arith.constant 0 : i32
        %get3A_848 = arith.index_cast %get3A_846 : i32 to index
        %get3A_849 = arith.index_cast %get3A_847 : i32 to index
        %get3A_850 = arith.index_cast %add3A_845 : i32 to index
        %get3A_851 = arith.constant 96 : index
        %get3A_852 = tpu.vector_load %arg6[%get3A_848, %get3A_849, %get3A_850, %get3A_851] {strides = array<i32>} : memref<3x2x100x128xf32, #tpu.memory_space<vmem>>, vector<1x1x1x16xf32>,
        %get3A_853 = vector.shape_cast %get3A_852 : vector<1x1x1x16xf32> to vector<16xf32>
        %add3A_854 = arith.addf %add3A_750, %get3A_853 : vector<16xf32>
        %mul3A_855 = arith.constant 4 : i32
        %mul3A_856 = arith.muli %mul3A_855, %scan3A_652 : i32
        %add3A_857 = arith.constant 1 : i32
        %add3A_858 = arith.addi %mul3A_856, %add3A_857 : i32
        %get3A_859 = arith.constant 0 : i32
        %get3A_860 = arith.constant 0 : i32
        %get3A_861 = arith.index_cast %get3A_859 : i32 to index
        %get3A_862 = arith.index_cast %get3A_860 : i32 to index
        %get3A_863 = arith.index_cast %add3A_858 : i32 to index
        %get3A_864 = arith.constant 112 : index
        %get3A_865 = tpu.vector_load %arg6[%get3A_861, %get3A_862, %get3A_863, %get3A_864] {strides = array<i32>} : memref<3x2x100x128xf32, #tpu.memory_space<vmem>>, vector<1x1x1x16xf32>,
        %get3A_866 = vector.shape_cast %get3A_865 : vector<1x1x1x16xf32> to vector<16xf32>
        %add3A_867 = arith.addf %add3A_763, %get3A_866 : vector<16xf32>
        %mul3A_868 = arith.constant 4 : i32
        %mul3A_869 = arith.muli %mul3A_868, %scan3A_652 : i32
        %add3A_870 = arith.constant 2 : i32
        %add3A_871 = arith.addi %mul3A_869, %add3A_870 : i32
        %get3A_872 = arith.constant 0 : i32
        %get3A_873 = arith.constant 0 : i32
        %get3A_874 = arith.index_cast %get3A_872 : i32 to index
        %get3A_875 = arith.index_cast %get3A_873 : i32 to index
        %get3A_876 = arith.index_cast %add3A_871 : i32 to index
        %get3A_877 = arith.constant 0 : index
        %get3A_878 = tpu.vector_load %arg6[%get3A_874, %get3A_875, %get3A_876, %get3A_877] {strides = array<i32>} : memref<3x2x100x128xf32, #tpu.memory_space<vmem>>, vector<1x1x1x16xf32>,
        %get3A_879 = vector.shape_cast %get3A_878 : vector<1x1x1x16xf32> to vector<16xf32>
        %add3A_880 = arith.addf %add3A_776, %get3A_879 : vector<16xf32>
        %mul3A_881 = arith.constant 4 : i32
        %mul3A_882 = arith.muli %mul3A_881, %scan3A_652 : i32
        %add3A_883 = arith.constant 2 : i32
        %add3A_884 = arith.addi %mul3A_882, %add3A_883 : i32
        %get3A_885 = arith.constant 0 : i32
        %get3A_886 = arith.constant 0 : i32
        %get3A_887 = arith.index_cast %get3A_885 : i32 to index
        %get3A_888 = arith.index_cast %get3A_886 : i32 to index
        %get3A_889 = arith.index_cast %add3A_884 : i32 to index
        %get3A_890 = arith.constant 16 : index
        %get3A_891 = tpu.vector_load %arg6[%get3A_887, %get3A_888, %get3A_889, %get3A_890] {strides = array<i32>} : memref<3x2x100x128xf32, #tpu.memory_space<vmem>>, vector<1x1x1x16xf32>,
        %get3A_892 = vector.shape_cast %get3A_891 : vector<1x1x1x16xf32> to vector<16xf32>
        %add3A_893 = arith.addf %add3A_789, %get3A_892 : vector<16xf32>
        %mul3A_894 = arith.constant 4 : i32
        %mul3A_895 = arith.muli %mul3A_894, %scan3A_652 : i32
        %add3A_896 = arith.constant 2 : i32
        %add3A_897 = arith.addi %mul3A_895, %add3A_896 : i32
        %get3A_898 = arith.constant 0 : i32
        %get3A_899 = arith.constant 0 : i32
        %get3A_900 = arith.index_cast %get3A_898 : i32 to index
        %get3A_901 = arith.index_cast %get3A_899 : i32 to index
        %get3A_902 = arith.index_cast %add3A_897 : i32 to index
        %get3A_903 = arith.constant 32 : index
        %get3A_904 = tpu.vector_load %arg6[%get3A_900, %get3A_901, %get3A_902, %get3A_903] {strides = array<i32>} : memref<3x2x100x128xf32, #tpu.memory_space<vmem>>, vector<1x1x1x16xf32>,
        %get3A_905 = vector.shape_cast %get3A_904 : vector<1x1x1x16xf32> to vector<16xf32>
        %add3A_906 = arith.addf %add3A_802, %get3A_905 : vector<16xf32>
        %mul3A_907 = arith.constant 4 : i32
        %mul3A_908 = arith.muli %mul3A_907, %scan3A_652 : i32
        %add3A_909 = arith.constant 2 : i32
        %add3A_910 = arith.addi %mul3A_908, %add3A_909 : i32
        %get3A_911 = arith.constant 0 : i32
        %get3A_912 = arith.constant 0 : i32
        %get3A_913 = arith.index_cast %get3A_911 : i32 to index
        %get3A_914 = arith.index_cast %get3A_912 : i32 to index
        %get3A_915 = arith.index_cast %add3A_910 : i32 to index
        %get3A_916 = arith.constant 48 : index
        %get3A_917 = tpu.vector_load %arg6[%get3A_913, %get3A_914, %get3A_915, %get3A_916] {strides = array<i32>} : memref<3x2x100x128xf32, #tpu.memory_space<vmem>>, vector<1x1x1x16xf32>,
        %get3A_918 = vector.shape_cast %get3A_917 : vector<1x1x1x16xf32> to vector<16xf32>
        %add3A_919 = arith.addf %add3A_815, %get3A_918 : vector<16xf32>
        %mul3A_920 = arith.constant 4 : i32
        %mul3A_921 = arith.muli %mul3A_920, %scan3A_652 : i32
        %add3A_922 = arith.constant 2 : i32
        %add3A_923 = arith.addi %mul3A_921, %add3A_922 : i32
        %get3A_924 = arith.constant 0 : i32
        %get3A_925 = arith.constant 0 : i32
        %get3A_926 = arith.index_cast %get3A_924 : i32 to index
        %get3A_927 = arith.index_cast %get3A_925 : i32 to index
        %get3A_928 = arith.index_cast %add3A_923 : i32 to index
        %get3A_929 = arith.constant 64 : index
        %get3A_930 = tpu.vector_load %arg6[%get3A_926, %get3A_927, %get3A_928, %get3A_929] {strides = array<i32>} : memref<3x2x100x128xf32, #tpu.memory_space<vmem>>, vector<1x1x1x16xf32>,
        %get3A_931 = vector.shape_cast %get3A_930 : vector<1x1x1x16xf32> to vector<16xf32>
        %add3A_932 = arith.addf %add3A_828, %get3A_931 : vector<16xf32>
        %mul3A_933 = arith.constant 4 : i32
        %mul3A_934 = arith.muli %mul3A_933, %scan3A_652 : i32
        %add3A_935 = arith.constant 2 : i32
        %add3A_936 = arith.addi %mul3A_934, %add3A_935 : i32
        %get3A_937 = arith.constant 0 : i32
        %get3A_938 = arith.constant 0 : i32
        %get3A_939 = arith.index_cast %get3A_937 : i32 to index
        %get3A_940 = arith.index_cast %get3A_938 : i32 to index
        %get3A_941 = arith.index_cast %add3A_936 : i32 to index
        %get3A_942 = arith.constant 80 : index
        %get3A_943 = tpu.vector_load %arg6[%get3A_939, %get3A_940, %get3A_941, %get3A_942] {strides = array<i32>} : memref<3x2x100x128xf32, #tpu.memory_space<vmem>>, vector<1x1x1x16xf32>,
        %get3A_944 = vector.shape_cast %get3A_943 : vector<1x1x1x16xf32> to vector<16xf32>
        %add3A_945 = arith.addf %add3A_841, %get3A_944 : vector<16xf32>
        %mul3A_946 = arith.constant 4 : i32
        %mul3A_947 = arith.muli %mul3A_946, %scan3A_652 : i32
        %add3A_948 = arith.constant 2 : i32
        %add3A_949 = arith.addi %mul3A_947, %add3A_948 : i32
        %get3A_950 = arith.constant 0 : i32
        %get3A_951 = arith.constant 0 : i32
        %get3A_952 = arith.index_cast %get3A_950 : i32 to index
        %get3A_953 = arith.index_cast %get3A_951 : i32 to index
        %get3A_954 = arith.index_cast %add3A_949 : i32 to index
        %get3A_955 = arith.constant 96 : index
        %get3A_956 = tpu.vector_load %arg6[%get3A_952, %get3A_953, %get3A_954, %get3A_955] {strides = array<i32>} : memref<3x2x100x128xf32, #tpu.memory_space<vmem>>, vector<1x1x1x16xf32>,
        %get3A_957 = vector.shape_cast %get3A_956 : vector<1x1x1x16xf32> to vector<16xf32>
        %add3A_958 = arith.addf %add3A_854, %get3A_957 : vector<16xf32>
        %mul3A_959 = arith.constant 4 : i32
        %mul3A_960 = arith.muli %mul3A_959, %scan3A_652 : i32
        %add3A_961 = arith.constant 2 : i32
        %add3A_962 = arith.addi %mul3A_960, %add3A_961 : i32
        %get3A_963 = arith.constant 0 : i32
        %get3A_964 = arith.constant 0 : i32
        %get3A_965 = arith.index_cast %get3A_963 : i32 to index
        %get3A_966 = arith.index_cast %get3A_964 : i32 to index
        %get3A_967 = arith.index_cast %add3A_962 : i32 to index
        %get3A_968 = arith.constant 112 : index
        %get3A_969 = tpu.vector_load %arg6[%get3A_965, %get3A_966, %get3A_967, %get3A_968] {strides = array<i32>} : memref<3x2x100x128xf32, #tpu.memory_space<vmem>>, vector<1x1x1x16xf32>,
        %get3A_970 = vector.shape_cast %get3A_969 : vector<1x1x1x16xf32> to vector<16xf32>
        %add3A_971 = arith.addf %add3A_867, %get3A_970 : vector<16xf32>
        %mul3A_972 = arith.constant 4 : i32
        %mul3A_973 = arith.muli %mul3A_972, %scan3A_652 : i32
        %add3A_974 = arith.constant 3 : i32
        %add3A_975 = arith.addi %mul3A_973, %add3A_974 : i32
        %get3A_976 = arith.constant 0 : i32
        %get3A_977 = arith.constant 0 : i32
        %get3A_978 = arith.index_cast %get3A_976 : i32 to index
        %get3A_979 = arith.index_cast %get3A_977 : i32 to index
        %get3A_980 = arith.index_cast %add3A_975 : i32 to index
        %get3A_981 = arith.constant 0 : index
        %get3A_982 = tpu.vector_load %arg6[%get3A_978, %get3A_979, %get3A_980, %get3A_981] {strides = array<i32>} : memref<3x2x100x128xf32, #tpu.memory_space<vmem>>, vector<1x1x1x16xf32>,
        %get3A_983 = vector.shape_cast %get3A_982 : vector<1x1x1x16xf32> to vector<16xf32>
        %add3A_984 = arith.addf %add3A_880, %get3A_983 : vector<16xf32>
        %mul3A_985 = arith.constant 4 : i32
        %mul3A_986 = arith.muli %mul3A_985, %scan3A_652 : i32
        %add3A_987 = arith.constant 3 : i32
        %add3A_988 = arith.addi %mul3A_986, %add3A_987 : i32
        %get3A_989 = arith.constant 0 : i32
        %get3A_990 = arith.constant 0 : i32
        %get3A_991 = arith.index_cast %get3A_989 : i32 to index
        %get3A_992 = arith.index_cast %get3A_990 : i32 to index
        %get3A_993 = arith.index_cast %add3A_988 : i32 to index
        %get3A_994 = arith.constant 16 : index
        %get3A_995 = tpu.vector_load %arg6[%get3A_991, %get3A_992, %get3A_993, %get3A_994] {strides = array<i32>} : memref<3x2x100x128xf32, #tpu.memory_space<vmem>>, vector<1x1x1x16xf32>,
        %get3A_996 = vector.shape_cast %get3A_995 : vector<1x1x1x16xf32> to vector<16xf32>
        %add3A_997 = arith.addf %add3A_893, %get3A_996 : vector<16xf32>
        %mul3A_998 = arith.constant 4 : i32
        %mul3A_999 = arith.muli %mul3A_998, %scan3A_652 : i32
        %add3A_1000 = arith.constant 3 : i32
        %add3A_1001 = arith.addi %mul3A_999, %add3A_1000 : i32
        %get3A_1002 = arith.constant 0 : i32
        %get3A_1003 = arith.constant 0 : i32
        %get3A_1004 = arith.index_cast %get3A_1002 : i32 to index
        %get3A_1005 = arith.index_cast %get3A_1003 : i32 to index
        %get3A_1006 = arith.index_cast %add3A_1001 : i32 to index
        %get3A_1007 = arith.constant 32 : index
        %get3A_1008 = tpu.vector_load %arg6[%get3A_1004, %get3A_1005, %get3A_1006, %get3A_1007] {strides = array<i32>} : memref<3x2x100x128xf32, #tpu.memory_space<vmem>>, vector<1x1x1x16xf32>,
        %get3A_1009 = vector.shape_cast %get3A_1008 : vector<1x1x1x16xf32> to vector<16xf32>
        %add3A_1010 = arith.addf %add3A_906, %get3A_1009 : vector<16xf32>
        %mul3A_1011 = arith.constant 4 : i32
        %mul3A_1012 = arith.muli %mul3A_1011, %scan3A_652 : i32
        %add3A_1013 = arith.constant 3 : i32
        %add3A_1014 = arith.addi %mul3A_1012, %add3A_1013 : i32
        %get3A_1015 = arith.constant 0 : i32
        %get3A_1016 = arith.constant 0 : i32
        %get3A_1017 = arith.index_cast %get3A_1015 : i32 to index
        %get3A_1018 = arith.index_cast %get3A_1016 : i32 to index
        %get3A_1019 = arith.index_cast %add3A_1014 : i32 to index
        %get3A_1020 = arith.constant 48 : index
        %get3A_1021 = tpu.vector_load %arg6[%get3A_1017, %get3A_1018, %get3A_1019, %get3A_1020] {strides = array<i32>} : memref<3x2x100x128xf32, #tpu.memory_space<vmem>>, vector<1x1x1x16xf32>,
        %get3A_1022 = vector.shape_cast %get3A_1021 : vector<1x1x1x16xf32> to vector<16xf32>
        %add3A_1023 = arith.addf %add3A_919, %get3A_1022 : vector<16xf32>
        %mul3A_1024 = arith.constant 4 : i32
        %mul3A_1025 = arith.muli %mul3A_1024, %scan3A_652 : i32
        %add3A_1026 = arith.constant 3 : i32
        %add3A_1027 = arith.addi %mul3A_1025, %add3A_1026 : i32
        %get3A_1028 = arith.constant 0 : i32
        %get3A_1029 = arith.constant 0 : i32
        %get3A_1030 = arith.index_cast %get3A_1028 : i32 to index
        %get3A_1031 = arith.index_cast %get3A_1029 : i32 to index
        %get3A_1032 = arith.index_cast %add3A_1027 : i32 to index
        %get3A_1033 = arith.constant 64 : index
        %get3A_1034 = tpu.vector_load %arg6[%get3A_1030, %get3A_1031, %get3A_1032, %get3A_1033] {strides = array<i32>} : memref<3x2x100x128xf32, #tpu.memory_space<vmem>>, vector<1x1x1x16xf32>,
        %get3A_1035 = vector.shape_cast %get3A_1034 : vector<1x1x1x16xf32> to vector<16xf32>
        %add3A_1036 = arith.addf %add3A_932, %get3A_1035 : vector<16xf32>
        %mul3A_1037 = arith.constant 4 : i32
        %mul3A_1038 = arith.muli %mul3A_1037, %scan3A_652 : i32
        %add3A_1039 = arith.constant 3 : i32
        %add3A_1040 = arith.addi %mul3A_1038, %add3A_1039 : i32
        %get3A_1041 = arith.constant 0 : i32
        %get3A_1042 = arith.constant 0 : i32
        %get3A_1043 = arith.index_cast %get3A_1041 : i32 to index
        %get3A_1044 = arith.index_cast %get3A_1042 : i32 to index
        %get3A_1045 = arith.index_cast %add3A_1040 : i32 to index
        %get3A_1046 = arith.constant 80 : index
        %get3A_1047 = tpu.vector_load %arg6[%get3A_1043, %get3A_1044, %get3A_1045, %get3A_1046] {strides = array<i32>} : memref<3x2x100x128xf32, #tpu.memory_space<vmem>>, vector<1x1x1x16xf32>,
        %get3A_1048 = vector.shape_cast %get3A_1047 : vector<1x1x1x16xf32> to vector<16xf32>
        %add3A_1049 = arith.addf %add3A_945, %get3A_1048 : vector<16xf32>
        %mul3A_1050 = arith.constant 4 : i32
        %mul3A_1051 = arith.muli %mul3A_1050, %scan3A_652 : i32
        %add3A_1052 = arith.constant 3 : i32
        %add3A_1053 = arith.addi %mul3A_1051, %add3A_1052 : i32
        %get3A_1054 = arith.constant 0 : i32
        %get3A_1055 = arith.constant 0 : i32
        %get3A_1056 = arith.index_cast %get3A_1054 : i32 to index
        %get3A_1057 = arith.index_cast %get3A_1055 : i32 to index
        %get3A_1058 = arith.index_cast %add3A_1053 : i32 to index
        %get3A_1059 = arith.constant 96 : index
        %get3A_1060 = tpu.vector_load %arg6[%get3A_1056, %get3A_1057, %get3A_1058, %get3A_1059] {strides = array<i32>} : memref<3x2x100x128xf32, #tpu.memory_space<vmem>>, vector<1x1x1x16xf32>,
        %get3A_1061 = vector.shape_cast %get3A_1060 : vector<1x1x1x16xf32> to vector<16xf32>
        %add3A_1062 = arith.addf %add3A_958, %get3A_1061 : vector<16xf32>
        %mul3A_1063 = arith.constant 4 : i32
        %mul3A_1064 = arith.muli %mul3A_1063, %scan3A_652 : i32
        %add3A_1065 = arith.constant 3 : i32
        %add3A_1066 = arith.addi %mul3A_1064, %add3A_1065 : i32
        %get3A_1067 = arith.constant 0 : i32
        %get3A_1068 = arith.constant 0 : i32
        %get3A_1069 = arith.index_cast %get3A_1067 : i32 to index
        %get3A_1070 = arith.index_cast %get3A_1068 : i32 to index
        %get3A_1071 = arith.index_cast %add3A_1066 : i32 to index
        %get3A_1072 = arith.constant 112 : index
        %get3A_1073 = tpu.vector_load %arg6[%get3A_1069, %get3A_1070, %get3A_1071, %get3A_1072] {strides = array<i32>} : memref<3x2x100x128xf32, #tpu.memory_space<vmem>>, vector<1x1x1x16xf32>,
        %get3A_1074 = vector.shape_cast %get3A_1073 : vector<1x1x1x16xf32> to vector<16xf32>
        %add3A_1075 = arith.addf %add3A_971, %get3A_1074 : vector<16xf32>
        scf.yield %add3A_984, %add3A_997, %add3A_1010, %add3A_1023, %add3A_1036, %add3A_1049, %add3A_1062, %add3A_1075 : vector<16xf32>, vector<16xf32>, vector<16xf32>, vector<16xf32>, vector<16xf32>, vector<16xf32>, vector<16xf32>, vector<16xf32>
      }
      %scan3A_350 = arith.constant 25 : i32
      %scan3A_351 = arith.constant 0 : i32
      %scan3A_352 = arith.constant 25 : i32
      %scan3A_353 = arith.addi %scan3A_351, %scan3A_352 : i32
      %scan3A_354 = arith.constant 1 : i32
      %scan3A_355:8 = scf.for %scan3A_652 = %scan3A_351 to %scan3A_353 step %scan3A_354 iter_args(%scan3A_653 = %scan3A_349#0, %scan3A_654 = %scan3A_349#1, %scan3A_655 = %scan3A_349#2, %scan3A_656 = %scan3A_349#3, %scan3A_657 = %scan3A_349#4, %scan3A_658 = %scan3A_349#5, %scan3A_659 = %scan3A_349#6, %scan3A_660 = %scan3A_349#7) -> (vector<16xf32>, vector<16xf32>, vector<16xf32>, vector<16xf32>, vector<16xf32>, vector<16xf32>, vector<16xf32>, vector<16xf32>)  : i32 {
        %mul3A_661 = arith.constant 4 : i32
        %mul3A_662 = arith.muli %mul3A_661, %scan3A_652 : i32
        %add3A_663 = arith.constant 0 : i32
        %add3A_664 = arith.addi %mul3A_662, %add3A_663 : i32
        %get3A = arith.constant 0 : i32
        %get3A_665 = arith.constant 1 : i32
        %get3A_666 = arith.index_cast %get3A : i32 to index
        %get3A_667 = arith.index_cast %get3A_665 : i32 to index
        %get3A_668 = arith.index_cast %add3A_664 : i32 to index
        %get3A_669 = arith.constant 0 : index
        %get3A_670 = tpu.vector_load %arg6[%get3A_666, %get3A_667, %get3A_668, %get3A_669] {strides = array<i32>} : memref<3x2x100x128xf32, #tpu.memory_space<vmem>>, vector<1x1x1x16xf32>,
        %get3A_671 = vector.shape_cast %get3A_670 : vector<1x1x1x16xf32> to vector<16xf32>
        %add3A_672 = arith.addf %scan3A_653, %get3A_671 : vector<16xf32>
        %mul3A_673 = arith.constant 4 : i32
        %mul3A_674 = arith.muli %mul3A_673, %scan3A_652 : i32
        %add3A_675 = arith.constant 0 : i32
        %add3A_676 = arith.addi %mul3A_674, %add3A_675 : i32
        %get3A_677 = arith.constant 0 : i32
        %get3A_678 = arith.constant 1 : i32
        %get3A_679 = arith.index_cast %get3A_677 : i32 to index
        %get3A_680 = arith.index_cast %get3A_678 : i32 to index
        %get3A_681 = arith.index_cast %add3A_676 : i32 to index
        %get3A_682 = arith.constant 16 : index
        %get3A_683 = tpu.vector_load %arg6[%get3A_679, %get3A_680, %get3A_681, %get3A_682] {strides = array<i32>} : memref<3x2x100x128xf32, #tpu.memory_space<vmem>>, vector<1x1x1x16xf32>,
        %get3A_684 = vector.shape_cast %get3A_683 : vector<1x1x1x16xf32> to vector<16xf32>
        %add3A_685 = arith.addf %scan3A_654, %get3A_684 : vector<16xf32>
        %mul3A_686 = arith.constant 4 : i32
        %mul3A_687 = arith.muli %mul3A_686, %scan3A_652 : i32
        %add3A_688 = arith.constant 0 : i32
        %add3A_689 = arith.addi %mul3A_687, %add3A_688 : i32
        %get3A_690 = arith.constant 0 : i32
        %get3A_691 = arith.constant 1 : i32
        %get3A_692 = arith.index_cast %get3A_690 : i32 to index
        %get3A_693 = arith.index_cast %get3A_691 : i32 to index
        %get3A_694 = arith.index_cast %add3A_689 : i32 to index
        %get3A_695 = arith.constant 32 : index
        %get3A_696 = tpu.vector_load %arg6[%get3A_692, %get3A_693, %get3A_694, %get3A_695] {strides = array<i32>} : memref<3x2x100x128xf32, #tpu.memory_space<vmem>>, vector<1x1x1x16xf32>,
        %get3A_697 = vector.shape_cast %get3A_696 : vector<1x1x1x16xf32> to vector<16xf32>
        %add3A_698 = arith.addf %scan3A_655, %get3A_697 : vector<16xf32>
        %mul3A_699 = arith.constant 4 : i32
        %mul3A_700 = arith.muli %mul3A_699, %scan3A_652 : i32
        %add3A_701 = arith.constant 0 : i32
        %add3A_702 = arith.addi %mul3A_700, %add3A_701 : i32
        %get3A_703 = arith.constant 0 : i32
        %get3A_704 = arith.constant 1 : i32
        %get3A_705 = arith.index_cast %get3A_703 : i32 to index
        %get3A_706 = arith.index_cast %get3A_704 : i32 to index
        %get3A_707 = arith.index_cast %add3A_702 : i32 to index
        %get3A_708 = arith.constant 48 : index
        %get3A_709 = tpu.vector_load %arg6[%get3A_705, %get3A_706, %get3A_707, %get3A_708] {strides = array<i32>} : memref<3x2x100x128xf32, #tpu.memory_space<vmem>>, vector<1x1x1x16xf32>,
        %get3A_710 = vector.shape_cast %get3A_709 : vector<1x1x1x16xf32> to vector<16xf32>
        %add3A_711 = arith.addf %scan3A_656, %get3A_710 : vector<16xf32>
        %mul3A_712 = arith.constant 4 : i32
        %mul3A_713 = arith.muli %mul3A_712, %scan3A_652 : i32
        %add3A_714 = arith.constant 0 : i32
        %add3A_715 = arith.addi %mul3A_713, %add3A_714 : i32
        %get3A_716 = arith.constant 0 : i32
        %get3A_717 = arith.constant 1 : i32
        %get3A_718 = arith.index_cast %get3A_716 : i32 to index
        %get3A_719 = arith.index_cast %get3A_717 : i32 to index
        %get3A_720 = arith.index_cast %add3A_715 : i32 to index
        %get3A_721 = arith.constant 64 : index
        %get3A_722 = tpu.vector_load %arg6[%get3A_718, %get3A_719, %get3A_720, %get3A_721] {strides = array<i32>} : memref<3x2x100x128xf32, #tpu.memory_space<vmem>>, vector<1x1x1x16xf32>,
        %get3A_723 = vector.shape_cast %get3A_722 : vector<1x1x1x16xf32> to vector<16xf32>
        %add3A_724 = arith.addf %scan3A_657, %get3A_723 : vector<16xf32>
        %mul3A_725 = arith.constant 4 : i32
        %mul3A_726 = arith.muli %mul3A_725, %scan3A_652 : i32
        %add3A_727 = arith.constant 0 : i32
        %add3A_728 = arith.addi %mul3A_726, %add3A_727 : i32
        %get3A_729 = arith.constant 0 : i32
        %get3A_730 = arith.constant 1 : i32
        %get3A_731 = arith.index_cast %get3A_729 : i32 to index
        %get3A_732 = arith.index_cast %get3A_730 : i32 to index
        %get3A_733 = arith.index_cast %add3A_728 : i32 to index
        %get3A_734 = arith.constant 80 : index
        %get3A_735 = tpu.vector_load %arg6[%get3A_731, %get3A_732, %get3A_733, %get3A_734] {strides = array<i32>} : memref<3x2x100x128xf32, #tpu.memory_space<vmem>>, vector<1x1x1x16xf32>,
        %get3A_736 = vector.shape_cast %get3A_735 : vector<1x1x1x16xf32> to vector<16xf32>
        %add3A_737 = arith.addf %scan3A_658, %get3A_736 : vector<16xf32>
        %mul3A_738 = arith.constant 4 : i32
        %mul3A_739 = arith.muli %mul3A_738, %scan3A_652 : i32
        %add3A_740 = arith.constant 0 : i32
        %add3A_741 = arith.addi %mul3A_739, %add3A_740 : i32
        %get3A_742 = arith.constant 0 : i32
        %get3A_743 = arith.constant 1 : i32
        %get3A_744 = arith.index_cast %get3A_742 : i32 to index
        %get3A_745 = arith.index_cast %get3A_743 : i32 to index
        %get3A_746 = arith.index_cast %add3A_741 : i32 to index
        %get3A_747 = arith.constant 96 : index
        %get3A_748 = tpu.vector_load %arg6[%get3A_744, %get3A_745, %get3A_746, %get3A_747] {strides = array<i32>} : memref<3x2x100x128xf32, #tpu.memory_space<vmem>>, vector<1x1x1x16xf32>,
        %get3A_749 = vector.shape_cast %get3A_748 : vector<1x1x1x16xf32> to vector<16xf32>
        %add3A_750 = arith.addf %scan3A_659, %get3A_749 : vector<16xf32>
        %mul3A_751 = arith.constant 4 : i32
        %mul3A_752 = arith.muli %mul3A_751, %scan3A_652 : i32
        %add3A_753 = arith.constant 0 : i32
        %add3A_754 = arith.addi %mul3A_752, %add3A_753 : i32
        %get3A_755 = arith.constant 0 : i32
        %get3A_756 = arith.constant 1 : i32
        %get3A_757 = arith.index_cast %get3A_755 : i32 to index
        %get3A_758 = arith.index_cast %get3A_756 : i32 to index
        %get3A_759 = arith.index_cast %add3A_754 : i32 to index
        %get3A_760 = arith.constant 112 : index
        %get3A_761 = tpu.vector_load %arg6[%get3A_757, %get3A_758, %get3A_759, %get3A_760] {strides = array<i32>} : memref<3x2x100x128xf32, #tpu.memory_space<vmem>>, vector<1x1x1x16xf32>,
        %get3A_762 = vector.shape_cast %get3A_761 : vector<1x1x1x16xf32> to vector<16xf32>
        %add3A_763 = arith.addf %scan3A_660, %get3A_762 : vector<16xf32>
        %mul3A_764 = arith.constant 4 : i32
        %mul3A_765 = arith.muli %mul3A_764, %scan3A_652 : i32
        %add3A_766 = arith.constant 1 : i32
        %add3A_767 = arith.addi %mul3A_765, %add3A_766 : i32
        %get3A_768 = arith.constant 0 : i32
        %get3A_769 = arith.constant 1 : i32
        %get3A_770 = arith.index_cast %get3A_768 : i32 to index
        %get3A_771 = arith.index_cast %get3A_769 : i32 to index
        %get3A_772 = arith.index_cast %add3A_767 : i32 to index
        %get3A_773 = arith.constant 0 : index
        %get3A_774 = tpu.vector_load %arg6[%get3A_770, %get3A_771, %get3A_772, %get3A_773] {strides = array<i32>} : memref<3x2x100x128xf32, #tpu.memory_space<vmem>>, vector<1x1x1x16xf32>,
        %get3A_775 = vector.shape_cast %get3A_774 : vector<1x1x1x16xf32> to vector<16xf32>
        %add3A_776 = arith.addf %add3A_672, %get3A_775 : vector<16xf32>
        %mul3A_777 = arith.constant 4 : i32
        %mul3A_778 = arith.muli %mul3A_777, %scan3A_652 : i32
        %add3A_779 = arith.constant 1 : i32
        %add3A_780 = arith.addi %mul3A_778, %add3A_779 : i32
        %get3A_781 = arith.constant 0 : i32
        %get3A_782 = arith.constant 1 : i32
        %get3A_783 = arith.index_cast %get3A_781 : i32 to index
        %get3A_784 = arith.index_cast %get3A_782 : i32 to index
        %get3A_785 = arith.index_cast %add3A_780 : i32 to index
        %get3A_786 = arith.constant 16 : index
        %get3A_787 = tpu.vector_load %arg6[%get3A_783, %get3A_784, %get3A_785, %get3A_786] {strides = array<i32>} : memref<3x2x100x128xf32, #tpu.memory_space<vmem>>, vector<1x1x1x16xf32>,
        %get3A_788 = vector.shape_cast %get3A_787 : vector<1x1x1x16xf32> to vector<16xf32>
        %add3A_789 = arith.addf %add3A_685, %get3A_788 : vector<16xf32>
        %mul3A_790 = arith.constant 4 : i32
        %mul3A_791 = arith.muli %mul3A_790, %scan3A_652 : i32
        %add3A_792 = arith.constant 1 : i32
        %add3A_793 = arith.addi %mul3A_791, %add3A_792 : i32
        %get3A_794 = arith.constant 0 : i32
        %get3A_795 = arith.constant 1 : i32
        %get3A_796 = arith.index_cast %get3A_794 : i32 to index
        %get3A_797 = arith.index_cast %get3A_795 : i32 to index
        %get3A_798 = arith.index_cast %add3A_793 : i32 to index
        %get3A_799 = arith.constant 32 : index
        %get3A_800 = tpu.vector_load %arg6[%get3A_796, %get3A_797, %get3A_798, %get3A_799] {strides = array<i32>} : memref<3x2x100x128xf32, #tpu.memory_space<vmem>>, vector<1x1x1x16xf32>,
        %get3A_801 = vector.shape_cast %get3A_800 : vector<1x1x1x16xf32> to vector<16xf32>
        %add3A_802 = arith.addf %add3A_698, %get3A_801 : vector<16xf32>
        %mul3A_803 = arith.constant 4 : i32
        %mul3A_804 = arith.muli %mul3A_803, %scan3A_652 : i32
        %add3A_805 = arith.constant 1 : i32
        %add3A_806 = arith.addi %mul3A_804, %add3A_805 : i32
        %get3A_807 = arith.constant 0 : i32
        %get3A_808 = arith.constant 1 : i32
        %get3A_809 = arith.index_cast %get3A_807 : i32 to index
        %get3A_810 = arith.index_cast %get3A_808 : i32 to index
        %get3A_811 = arith.index_cast %add3A_806 : i32 to index
        %get3A_812 = arith.constant 48 : index
        %get3A_813 = tpu.vector_load %arg6[%get3A_809, %get3A_810, %get3A_811, %get3A_812] {strides = array<i32>} : memref<3x2x100x128xf32, #tpu.memory_space<vmem>>, vector<1x1x1x16xf32>,
        %get3A_814 = vector.shape_cast %get3A_813 : vector<1x1x1x16xf32> to vector<16xf32>
        %add3A_815 = arith.addf %add3A_711, %get3A_814 : vector<16xf32>
        %mul3A_816 = arith.constant 4 : i32
        %mul3A_817 = arith.muli %mul3A_816, %scan3A_652 : i32
        %add3A_818 = arith.constant 1 : i32
        %add3A_819 = arith.addi %mul3A_817, %add3A_818 : i32
        %get3A_820 = arith.constant 0 : i32
        %get3A_821 = arith.constant 1 : i32
        %get3A_822 = arith.index_cast %get3A_820 : i32 to index
        %get3A_823 = arith.index_cast %get3A_821 : i32 to index
        %get3A_824 = arith.index_cast %add3A_819 : i32 to index
        %get3A_825 = arith.constant 64 : index
        %get3A_826 = tpu.vector_load %arg6[%get3A_822, %get3A_823, %get3A_824, %get3A_825] {strides = array<i32>} : memref<3x2x100x128xf32, #tpu.memory_space<vmem>>, vector<1x1x1x16xf32>,
        %get3A_827 = vector.shape_cast %get3A_826 : vector<1x1x1x16xf32> to vector<16xf32>
        %add3A_828 = arith.addf %add3A_724, %get3A_827 : vector<16xf32>
        %mul3A_829 = arith.constant 4 : i32
        %mul3A_830 = arith.muli %mul3A_829, %scan3A_652 : i32
        %add3A_831 = arith.constant 1 : i32
        %add3A_832 = arith.addi %mul3A_830, %add3A_831 : i32
        %get3A_833 = arith.constant 0 : i32
        %get3A_834 = arith.constant 1 : i32
        %get3A_835 = arith.index_cast %get3A_833 : i32 to index
        %get3A_836 = arith.index_cast %get3A_834 : i32 to index
        %get3A_837 = arith.index_cast %add3A_832 : i32 to index
        %get3A_838 = arith.constant 80 : index
        %get3A_839 = tpu.vector_load %arg6[%get3A_835, %get3A_836, %get3A_837, %get3A_838] {strides = array<i32>} : memref<3x2x100x128xf32, #tpu.memory_space<vmem>>, vector<1x1x1x16xf32>,
        %get3A_840 = vector.shape_cast %get3A_839 : vector<1x1x1x16xf32> to vector<16xf32>
        %add3A_841 = arith.addf %add3A_737, %get3A_840 : vector<16xf32>
        %mul3A_842 = arith.constant 4 : i32
        %mul3A_843 = arith.muli %mul3A_842, %scan3A_652 : i32
        %add3A_844 = arith.constant 1 : i32
        %add3A_845 = arith.addi %mul3A_843, %add3A_844 : i32
        %get3A_846 = arith.constant 0 : i32
        %get3A_847 = arith.constant 1 : i32
        %get3A_848 = arith.index_cast %get3A_846 : i32 to index
        %get3A_849 = arith.index_cast %get3A_847 : i32 to index
        %get3A_850 = arith.index_cast %add3A_845 : i32 to index
        %get3A_851 = arith.constant 96 : index
        %get3A_852 = tpu.vector_load %arg6[%get3A_848, %get3A_849, %get3A_850, %get3A_851] {strides = array<i32>} : memref<3x2x100x128xf32, #tpu.memory_space<vmem>>, vector<1x1x1x16xf32>,
        %get3A_853 = vector.shape_cast %get3A_852 : vector<1x1x1x16xf32> to vector<16xf32>
        %add3A_854 = arith.addf %add3A_750, %get3A_853 : vector<16xf32>
        %mul3A_855 = arith.constant 4 : i32
        %mul3A_856 = arith.muli %mul3A_855, %scan3A_652 : i32
        %add3A_857 = arith.constant 1 : i32
        %add3A_858 = arith.addi %mul3A_856, %add3A_857 : i32
        %get3A_859 = arith.constant 0 : i32
        %get3A_860 = arith.constant 1 : i32
        %get3A_861 = arith.index_cast %get3A_859 : i32 to index
        %get3A_862 = arith.index_cast %get3A_860 : i32 to index
        %get3A_863 = arith.index_cast %add3A_858 : i32 to index
        %get3A_864 = arith.constant 112 : index
        %get3A_865 = tpu.vector_load %arg6[%get3A_861, %get3A_862, %get3A_863, %get3A_864] {strides = array<i32>} : memref<3x2x100x128xf32, #tpu.memory_space<vmem>>, vector<1x1x1x16xf32>,
        %get3A_866 = vector.shape_cast %get3A_865 : vector<1x1x1x16xf32> to vector<16xf32>
        %add3A_867 = arith.addf %add3A_763, %get3A_866 : vector<16xf32>
        %mul3A_868 = arith.constant 4 : i32
        %mul3A_869 = arith.muli %mul3A_868, %scan3A_652 : i32
        %add3A_870 = arith.constant 2 : i32
        %add3A_871 = arith.addi %mul3A_869, %add3A_870 : i32
        %get3A_872 = arith.constant 0 : i32
        %get3A_873 = arith.constant 1 : i32
        %get3A_874 = arith.index_cast %get3A_872 : i32 to index
        %get3A_875 = arith.index_cast %get3A_873 : i32 to index
        %get3A_876 = arith.index_cast %add3A_871 : i32 to index
        %get3A_877 = arith.constant 0 : index
        %get3A_878 = tpu.vector_load %arg6[%get3A_874, %get3A_875, %get3A_876, %get3A_877] {strides = array<i32>} : memref<3x2x100x128xf32, #tpu.memory_space<vmem>>, vector<1x1x1x16xf32>,
        %get3A_879 = vector.shape_cast %get3A_878 : vector<1x1x1x16xf32> to vector<16xf32>
        %add3A_880 = arith.addf %add3A_776, %get3A_879 : vector<16xf32>
        %mul3A_881 = arith.constant 4 : i32
        %mul3A_882 = arith.muli %mul3A_881, %scan3A_652 : i32
        %add3A_883 = arith.constant 2 : i32
        %add3A_884 = arith.addi %mul3A_882, %add3A_883 : i32
        %get3A_885 = arith.constant 0 : i32
        %get3A_886 = arith.constant 1 : i32
        %get3A_887 = arith.index_cast %get3A_885 : i32 to index
        %get3A_888 = arith.index_cast %get3A_886 : i32 to index
        %get3A_889 = arith.index_cast %add3A_884 : i32 to index
        %get3A_890 = arith.constant 16 : index
        %get3A_891 = tpu.vector_load %arg6[%get3A_887, %get3A_888, %get3A_889, %get3A_890] {strides = array<i32>} : memref<3x2x100x128xf32, #tpu.memory_space<vmem>>, vector<1x1x1x16xf32>,
        %get3A_892 = vector.shape_cast %get3A_891 : vector<1x1x1x16xf32> to vector<16xf32>
        %add3A_893 = arith.addf %add3A_789, %get3A_892 : vector<16xf32>
        %mul3A_894 = arith.constant 4 : i32
        %mul3A_895 = arith.muli %mul3A_894, %scan3A_652 : i32
        %add3A_896 = arith.constant 2 : i32
        %add3A_897 = arith.addi %mul3A_895, %add3A_896 : i32
        %get3A_898 = arith.constant 0 : i32
        %get3A_899 = arith.constant 1 : i32
        %get3A_900 = arith.index_cast %get3A_898 : i32 to index
        %get3A_901 = arith.index_cast %get3A_899 : i32 to index
        %get3A_902 = arith.index_cast %add3A_897 : i32 to index
        %get3A_903 = arith.constant 32 : index
        %get3A_904 = tpu.vector_load %arg6[%get3A_900, %get3A_901, %get3A_902, %get3A_903] {strides = array<i32>} : memref<3x2x100x128xf32, #tpu.memory_space<vmem>>, vector<1x1x1x16xf32>,
        %get3A_905 = vector.shape_cast %get3A_904 : vector<1x1x1x16xf32> to vector<16xf32>
        %add3A_906 = arith.addf %add3A_802, %get3A_905 : vector<16xf32>
        %mul3A_907 = arith.constant 4 : i32
        %mul3A_908 = arith.muli %mul3A_907, %scan3A_652 : i32
        %add3A_909 = arith.constant 2 : i32
        %add3A_910 = arith.addi %mul3A_908, %add3A_909 : i32
        %get3A_911 = arith.constant 0 : i32
        %get3A_912 = arith.constant 1 : i32
        %get3A_913 = arith.index_cast %get3A_911 : i32 to index
        %get3A_914 = arith.index_cast %get3A_912 : i32 to index
        %get3A_915 = arith.index_cast %add3A_910 : i32 to index
        %get3A_916 = arith.constant 48 : index
        %get3A_917 = tpu.vector_load %arg6[%get3A_913, %get3A_914, %get3A_915, %get3A_916] {strides = array<i32>} : memref<3x2x100x128xf32, #tpu.memory_space<vmem>>, vector<1x1x1x16xf32>,
        %get3A_918 = vector.shape_cast %get3A_917 : vector<1x1x1x16xf32> to vector<16xf32>
        %add3A_919 = arith.addf %add3A_815, %get3A_918 : vector<16xf32>
        %mul3A_920 = arith.constant 4 : i32
        %mul3A_921 = arith.muli %mul3A_920, %scan3A_652 : i32
        %add3A_922 = arith.constant 2 : i32
        %add3A_923 = arith.addi %mul3A_921, %add3A_922 : i32
        %get3A_924 = arith.constant 0 : i32
        %get3A_925 = arith.constant 1 : i32
        %get3A_926 = arith.index_cast %get3A_924 : i32 to index
        %get3A_927 = arith.index_cast %get3A_925 : i32 to index
        %get3A_928 = arith.index_cast %add3A_923 : i32 to index
        %get3A_929 = arith.constant 64 : index
        %get3A_930 = tpu.vector_load %arg6[%get3A_926, %get3A_927, %get3A_928, %get3A_929] {strides = array<i32>} : memref<3x2x100x128xf32, #tpu.memory_space<vmem>>, vector<1x1x1x16xf32>,
        %get3A_931 = vector.shape_cast %get3A_930 : vector<1x1x1x16xf32> to vector<16xf32>
        %add3A_932 = arith.addf %add3A_828, %get3A_931 : vector<16xf32>
        %mul3A_933 = arith.constant 4 : i32
        %mul3A_934 = arith.muli %mul3A_933, %scan3A_652 : i32
        %add3A_935 = arith.constant 2 : i32
        %add3A_936 = arith.addi %mul3A_934, %add3A_935 : i32
        %get3A_937 = arith.constant 0 : i32
        %get3A_938 = arith.constant 1 : i32
        %get3A_939 = arith.index_cast %get3A_937 : i32 to index
        %get3A_940 = arith.index_cast %get3A_938 : i32 to index
        %get3A_941 = arith.index_cast %add3A_936 : i32 to index
        %get3A_942 = arith.constant 80 : index
        %get3A_943 = tpu.vector_load %arg6[%get3A_939, %get3A_940, %get3A_941, %get3A_942] {strides = array<i32>} : memref<3x2x100x128xf32, #tpu.memory_space<vmem>>, vector<1x1x1x16xf32>,
        %get3A_944 = vector.shape_cast %get3A_943 : vector<1x1x1x16xf32> to vector<16xf32>
        %add3A_945 = arith.addf %add3A_841, %get3A_944 : vector<16xf32>
        %mul3A_946 = arith.constant 4 : i32
        %mul3A_947 = arith.muli %mul3A_946, %scan3A_652 : i32
        %add3A_948 = arith.constant 2 : i32
        %add3A_949 = arith.addi %mul3A_947, %add3A_948 : i32
        %get3A_950 = arith.constant 0 : i32
        %get3A_951 = arith.constant 1 : i32
        %get3A_952 = arith.index_cast %get3A_950 : i32 to index
        %get3A_953 = arith.index_cast %get3A_951 : i32 to index
        %get3A_954 = arith.index_cast %add3A_949 : i32 to index
        %get3A_955 = arith.constant 96 : index
        %get3A_956 = tpu.vector_load %arg6[%get3A_952, %get3A_953, %get3A_954, %get3A_955] {strides = array<i32>} : memref<3x2x100x128xf32, #tpu.memory_space<vmem>>, vector<1x1x1x16xf32>,
        %get3A_957 = vector.shape_cast %get3A_956 : vector<1x1x1x16xf32> to vector<16xf32>
        %add3A_958 = arith.addf %add3A_854, %get3A_957 : vector<16xf32>
        %mul3A_959 = arith.constant 4 : i32
        %mul3A_960 = arith.muli %mul3A_959, %scan3A_652 : i32
        %add3A_961 = arith.constant 2 : i32
        %add3A_962 = arith.addi %mul3A_960, %add3A_961 : i32
        %get3A_963 = arith.constant 0 : i32
        %get3A_964 = arith.constant 1 : i32
        %get3A_965 = arith.index_cast %get3A_963 : i32 to index
        %get3A_966 = arith.index_cast %get3A_964 : i32 to index
        %get3A_967 = arith.index_cast %add3A_962 : i32 to index
        %get3A_968 = arith.constant 112 : index
        %get3A_969 = tpu.vector_load %arg6[%get3A_965, %get3A_966, %get3A_967, %get3A_968] {strides = array<i32>} : memref<3x2x100x128xf32, #tpu.memory_space<vmem>>, vector<1x1x1x16xf32>,
        %get3A_970 = vector.shape_cast %get3A_969 : vector<1x1x1x16xf32> to vector<16xf32>
        %add3A_971 = arith.addf %add3A_867, %get3A_970 : vector<16xf32>
        %mul3A_972 = arith.constant 4 : i32
        %mul3A_973 = arith.muli %mul3A_972, %scan3A_652 : i32
        %add3A_974 = arith.constant 3 : i32
        %add3A_975 = arith.addi %mul3A_973, %add3A_974 : i32
        %get3A_976 = arith.constant 0 : i32
        %get3A_977 = arith.constant 1 : i32
        %get3A_978 = arith.index_cast %get3A_976 : i32 to index
        %get3A_979 = arith.index_cast %get3A_977 : i32 to index
        %get3A_980 = arith.index_cast %add3A_975 : i32 to index
        %get3A_981 = arith.constant 0 : index
        %get3A_982 = tpu.vector_load %arg6[%get3A_978, %get3A_979, %get3A_980, %get3A_981] {strides = array<i32>} : memref<3x2x100x128xf32, #tpu.memory_space<vmem>>, vector<1x1x1x16xf32>,
        %get3A_983 = vector.shape_cast %get3A_982 : vector<1x1x1x16xf32> to vector<16xf32>
        %add3A_984 = arith.addf %add3A_880, %get3A_983 : vector<16xf32>
        %mul3A_985 = arith.constant 4 : i32
        %mul3A_986 = arith.muli %mul3A_985, %scan3A_652 : i32
        %add3A_987 = arith.constant 3 : i32
        %add3A_988 = arith.addi %mul3A_986, %add3A_987 : i32
        %get3A_989 = arith.constant 0 : i32
        %get3A_990 = arith.constant 1 : i32
        %get3A_991 = arith.index_cast %get3A_989 : i32 to index
        %get3A_992 = arith.index_cast %get3A_990 : i32 to index
        %get3A_993 = arith.index_cast %add3A_988 : i32 to index
        %get3A_994 = arith.constant 16 : index
        %get3A_995 = tpu.vector_load %arg6[%get3A_991, %get3A_992, %get3A_993, %get3A_994] {strides = array<i32>} : memref<3x2x100x128xf32, #tpu.memory_space<vmem>>, vector<1x1x1x16xf32>,
        %get3A_996 = vector.shape_cast %get3A_995 : vector<1x1x1x16xf32> to vector<16xf32>
        %add3A_997 = arith.addf %add3A_893, %get3A_996 : vector<16xf32>
        %mul3A_998 = arith.constant 4 : i32
        %mul3A_999 = arith.muli %mul3A_998, %scan3A_652 : i32
        %add3A_1000 = arith.constant 3 : i32
        %add3A_1001 = arith.addi %mul3A_999, %add3A_1000 : i32
        %get3A_1002 = arith.constant 0 : i32
        %get3A_1003 = arith.constant 1 : i32
        %get3A_1004 = arith.index_cast %get3A_1002 : i32 to index
        %get3A_1005 = arith.index_cast %get3A_1003 : i32 to index
        %get3A_1006 = arith.index_cast %add3A_1001 : i32 to index
        %get3A_1007 = arith.constant 32 : index
        %get3A_1008 = tpu.vector_load %arg6[%get3A_1004, %get3A_1005, %get3A_1006, %get3A_1007] {strides = array<i32>} : memref<3x2x100x128xf32, #tpu.memory_space<vmem>>, vector<1x1x1x16xf32>,
        %get3A_1009 = vector.shape_cast %get3A_1008 : vector<1x1x1x16xf32> to vector<16xf32>
        %add3A_1010 = arith.addf %add3A_906, %get3A_1009 : vector<16xf32>
        %mul3A_1011 = arith.constant 4 : i32
        %mul3A_1012 = arith.muli %mul3A_1011, %scan3A_652 : i32
        %add3A_1013 = arith.constant 3 : i32
        %add3A_1014 = arith.addi %mul3A_1012, %add3A_1013 : i32
        %get3A_1015 = arith.constant 0 : i32
        %get3A_1016 = arith.constant 1 : i32
        %get3A_1017 = arith.index_cast %get3A_1015 : i32 to index
        %get3A_1018 = arith.index_cast %get3A_1016 : i32 to index
        %get3A_1019 = arith.index_cast %add3A_1014 : i32 to index
        %get3A_1020 = arith.constant 48 : index
        %get3A_1021 = tpu.vector_load %arg6[%get3A_1017, %get3A_1018, %get3A_1019, %get3A_1020] {strides = array<i32>} : memref<3x2x100x128xf32, #tpu.memory_space<vmem>>, vector<1x1x1x16xf32>,
        %get3A_1022 = vector.shape_cast %get3A_1021 : vector<1x1x1x16xf32> to vector<16xf32>
        %add3A_1023 = arith.addf %add3A_919, %get3A_1022 : vector<16xf32>
        %mul3A_1024 = arith.constant 4 : i32
        %mul3A_1025 = arith.muli %mul3A_1024, %scan3A_652 : i32
        %add3A_1026 = arith.constant 3 : i32
        %add3A_1027 = arith.addi %mul3A_1025, %add3A_1026 : i32
        %get3A_1028 = arith.constant 0 : i32
        %get3A_1029 = arith.constant 1 : i32
        %get3A_1030 = arith.index_cast %get3A_1028 : i32 to index
        %get3A_1031 = arith.index_cast %get3A_1029 : i32 to index
        %get3A_1032 = arith.index_cast %add3A_1027 : i32 to index
        %get3A_1033 = arith.constant 64 : index
        %get3A_1034 = tpu.vector_load %arg6[%get3A_1030, %get3A_1031, %get3A_1032, %get3A_1033] {strides = array<i32>} : memref<3x2x100x128xf32, #tpu.memory_space<vmem>>, vector<1x1x1x16xf32>,
        %get3A_1035 = vector.shape_cast %get3A_1034 : vector<1x1x1x16xf32> to vector<16xf32>
        %add3A_1036 = arith.addf %add3A_932, %get3A_1035 : vector<16xf32>
        %mul3A_1037 = arith.constant 4 : i32
        %mul3A_1038 = arith.muli %mul3A_1037, %scan3A_652 : i32
        %add3A_1039 = arith.constant 3 : i32
        %add3A_1040 = arith.addi %mul3A_1038, %add3A_1039 : i32
        %get3A_1041 = arith.constant 0 : i32
        %get3A_1042 = arith.constant 1 : i32
        %get3A_1043 = arith.index_cast %get3A_1041 : i32 to index
        %get3A_1044 = arith.index_cast %get3A_1042 : i32 to index
        %get3A_1045 = arith.index_cast %add3A_1040 : i32 to index
        %get3A_1046 = arith.constant 80 : index
        %get3A_1047 = tpu.vector_load %arg6[%get3A_1043, %get3A_1044, %get3A_1045, %get3A_1046] {strides = array<i32>} : memref<3x2x100x128xf32, #tpu.memory_space<vmem>>, vector<1x1x1x16xf32>,
        %get3A_1048 = vector.shape_cast %get3A_1047 : vector<1x1x1x16xf32> to vector<16xf32>
        %add3A_1049 = arith.addf %add3A_945, %get3A_1048 : vector<16xf32>
        %mul3A_1050 = arith.constant 4 : i32
        %mul3A_1051 = arith.muli %mul3A_1050, %scan3A_652 : i32
        %add3A_1052 = arith.constant 3 : i32
        %add3A_1053 = arith.addi %mul3A_1051, %add3A_1052 : i32
        %get3A_1054 = arith.constant 0 : i32
        %get3A_1055 = arith.constant 1 : i32
        %get3A_1056 = arith.index_cast %get3A_1054 : i32 to index
        %get3A_1057 = arith.index_cast %get3A_1055 : i32 to index
        %get3A_1058 = arith.index_cast %add3A_1053 : i32 to index
        %get3A_1059 = arith.constant 96 : index
        %get3A_1060 = tpu.vector_load %arg6[%get3A_1056, %get3A_1057, %get3A_1058, %get3A_1059] {strides = array<i32>} : memref<3x2x100x128xf32, #tpu.memory_space<vmem>>, vector<1x1x1x16xf32>,
        %get3A_1061 = vector.shape_cast %get3A_1060 : vector<1x1x1x16xf32> to vector<16xf32>
        %add3A_1062 = arith.addf %add3A_958, %get3A_1061 : vector<16xf32>
        %mul3A_1063 = arith.constant 4 : i32
        %mul3A_1064 = arith.muli %mul3A_1063, %scan3A_652 : i32
        %add3A_1065 = arith.constant 3 : i32
        %add3A_1066 = arith.addi %mul3A_1064, %add3A_1065 : i32
        %get3A_1067 = arith.constant 0 : i32
        %get3A_1068 = arith.constant 1 : i32
        %get3A_1069 = arith.index_cast %get3A_1067 : i32 to index
        %get3A_1070 = arith.index_cast %get3A_1068 : i32 to index
        %get3A_1071 = arith.index_cast %add3A_1066 : i32 to index
        %get3A_1072 = arith.constant 112 : index
        %get3A_1073 = tpu.vector_load %arg6[%get3A_1069, %get3A_1070, %get3A_1071, %get3A_1072] {strides = array<i32>} : memref<3x2x100x128xf32, #tpu.memory_space<vmem>>, vector<1x1x1x16xf32>,
        %get3A_1074 = vector.shape_cast %get3A_1073 : vector<1x1x1x16xf32> to vector<16xf32>
        %add3A_1075 = arith.addf %add3A_971, %get3A_1074 : vector<16xf32>
        scf.yield %add3A_984, %add3A_997, %add3A_1010, %add3A_1023, %add3A_1036, %add3A_1049, %add3A_1062, %add3A_1075 : vector<16xf32>, vector<16xf32>, vector<16xf32>, vector<16xf32>, vector<16xf32>, vector<16xf32>, vector<16xf32>, vector<16xf32>
      }
      %scan3A_356 = arith.constant 25 : i32
      %swap3A_357 = arith.index_cast %add3A_302 : i32 to index
      %swap3A_358 = arith.constant 0 : index
      %swap3A_359 = tpu.vector_load %arg7[%swap3A_357, %swap3A_358] {strides = array<i32>} : memref<128x128xf32, #tpu.memory_space<vmem>>, vector<1x16xf32>,
      %swap3A_360 = vector.shape_cast %swap3A_359 : vector<1x16xf32> to vector<16xf32>
      %swap3A_361 = vector.shape_cast %scan3A_355#0 : vector<16xf32> to vector<1x16xf32>
      tpu.vector_store %arg7[%swap3A_357, %swap3A_358], %swap3A_361 {strides = array<i32>} : memref<128x128xf32, #tpu.memory_space<vmem>>, vector<1x16xf32>,
      %swap3A_362 = arith.index_cast %add3A_302 : i32 to index
      %swap3A_363 = arith.constant 16 : index
      %swap3A_364 = tpu.vector_load %arg7[%swap3A_362, %swap3A_363] {strides = array<i32>} : memref<128x128xf32, #tpu.memory_space<vmem>>, vector<1x16xf32>,
      %swap3A_365 = vector.shape_cast %swap3A_364 : vector<1x16xf32> to vector<16xf32>
      %swap3A_366 = vector.shape_cast %scan3A_355#1 : vector<16xf32> to vector<1x16xf32>
      tpu.vector_store %arg7[%swap3A_362, %swap3A_363], %swap3A_366 {strides = array<i32>} : memref<128x128xf32, #tpu.memory_space<vmem>>, vector<1x16xf32>,
      %swap3A_367 = arith.index_cast %add3A_302 : i32 to index
      %swap3A_368 = arith.constant 32 : index
      %swap3A_369 = tpu.vector_load %arg7[%swap3A_367, %swap3A_368] {strides = array<i32>} : memref<128x128xf32, #tpu.memory_space<vmem>>, vector<1x16xf32>,
      %swap3A_370 = vector.shape_cast %swap3A_369 : vector<1x16xf32> to vector<16xf32>
      %swap3A_371 = vector.shape_cast %scan3A_355#2 : vector<16xf32> to vector<1x16xf32>
      tpu.vector_store %arg7[%swap3A_367, %swap3A_368], %swap3A_371 {strides = array<i32>} : memref<128x128xf32, #tpu.memory_space<vmem>>, vector<1x16xf32>,
      %swap3A_372 = arith.index_cast %add3A_302 : i32 to index
      %swap3A_373 = arith.constant 48 : index
      %swap3A_374 = tpu.vector_load %arg7[%swap3A_372, %swap3A_373] {strides = array<i32>} : memref<128x128xf32, #tpu.memory_space<vmem>>, vector<1x16xf32>,
      %swap3A_375 = vector.shape_cast %swap3A_374 : vector<1x16xf32> to vector<16xf32>
      %swap3A_376 = vector.shape_cast %scan3A_355#3 : vector<16xf32> to vector<1x16xf32>
      tpu.vector_store %arg7[%swap3A_372, %swap3A_373], %swap3A_376 {strides = array<i32>} : memref<128x128xf32, #tpu.memory_space<vmem>>, vector<1x16xf32>,
      %swap3A_377 = arith.index_cast %add3A_302 : i32 to index
      %swap3A_378 = arith.constant 64 : index
      %swap3A_379 = tpu.vector_load %arg7[%swap3A_377, %swap3A_378] {strides = array<i32>} : memref<128x128xf32, #tpu.memory_space<vmem>>, vector<1x16xf32>,
      %swap3A_380 = vector.shape_cast %swap3A_379 : vector<1x16xf32> to vector<16xf32>
      %swap3A_381 = vector.shape_cast %scan3A_355#4 : vector<16xf32> to vector<1x16xf32>
      tpu.vector_store %arg7[%swap3A_377, %swap3A_378], %swap3A_381 {strides = array<i32>} : memref<128x128xf32, #tpu.memory_space<vmem>>, vector<1x16xf32>,
      %swap3A_382 = arith.index_cast %add3A_302 : i32 to index
      %swap3A_383 = arith.constant 80 : index
      %swap3A_384 = tpu.vector_load %arg7[%swap3A_382, %swap3A_383] {strides = array<i32>} : memref<128x128xf32, #tpu.memory_space<vmem>>, vector<1x16xf32>,
      %swap3A_385 = vector.shape_cast %swap3A_384 : vector<1x16xf32> to vector<16xf32>
      %swap3A_386 = vector.shape_cast %scan3A_355#5 : vector<16xf32> to vector<1x16xf32>
      tpu.vector_store %arg7[%swap3A_382, %swap3A_383], %swap3A_386 {strides = array<i32>} : memref<128x128xf32, #tpu.memory_space<vmem>>, vector<1x16xf32>,
      %swap3A_387 = arith.index_cast %add3A_302 : i32 to index
      %swap3A_388 = arith.constant 96 : index
      %swap3A_389 = tpu.vector_load %arg7[%swap3A_387, %swap3A_388] {strides = array<i32>} : memref<128x128xf32, #tpu.memory_space<vmem>>, vector<1x16xf32>,
      %swap3A_390 = vector.shape_cast %swap3A_389 : vector<1x16xf32> to vector<16xf32>
      %swap3A_391 = vector.shape_cast %scan3A_355#6 : vector<16xf32> to vector<1x16xf32>
      tpu.vector_store %arg7[%swap3A_387, %swap3A_388], %swap3A_391 {strides = array<i32>} : memref<128x128xf32, #tpu.memory_space<vmem>>, vector<1x16xf32>,
      %swap3A_392 = arith.index_cast %add3A_302 : i32 to index
      %swap3A_393 = arith.constant 112 : index
      %swap3A_394 = tpu.vector_load %arg7[%swap3A_392, %swap3A_393] {strides = array<i32>} : memref<128x128xf32, #tpu.memory_space<vmem>>, vector<1x16xf32>,
      %swap3A_395 = vector.shape_cast %swap3A_394 : vector<1x16xf32> to vector<16xf32>
      %swap3A_396 = vector.shape_cast %scan3A_355#7 : vector<16xf32> to vector<1x16xf32>
      tpu.vector_store %arg7[%swap3A_392, %swap3A_393], %swap3A_396 {strides = array<i32>} : memref<128x128xf32, #tpu.memory_space<vmem>>, vector<1x16xf32>,
      %add3A_397 = arith.constant 3 : i32
      %add3A_398 = arith.addi %add3A_302, %add3A_397 : i32
      %dma_start3A_399 = arith.constant 0 : i32
      %dma_start3A_400 = arith.constant 0 : i32
      %dma_start3A_401 = arith.constant 0 : i32
      %dma_start3A_402 = arith.constant 0 : i32
      %dma_start3A_403 = arith.constant 0 : i32
      %dma_start3A_404 = tpu.memref_slice %arg6[%dma_start3A_400, %dma_start3A_401, %dma_start3A_402, %dma_start3A_403] : memref<3x2x100x128xf32, #tpu.memory_space<vmem>> -> memref<1x1x100x128xf32, #tpu.memory_space<vmem>>
      %dma_start3A_405 = tpu.memref_squeeze %dma_start3A_404 : memref<1x1x100x128xf32, #tpu.memory_space<vmem>> -> memref<100x128xf32, #tpu.memory_space<vmem>>
      %dma_start3A_406 = arith.constant 0 : i32
      %dma_start3A_407 = tpu.memref_slice %arg5[%add3A_398, %dma_start3A_399, %dma_start3A_406] : memref<128x2x100xi32, #tpu.memory_space<vmem>> -> memref<1x1x100xi32, #tpu.memory_space<vmem>>
      %dma_start3A_408 = tpu.memref_squeeze %dma_start3A_407 : memref<1x1x100xi32, #tpu.memory_space<vmem>> -> memref<100xi32, #tpu.memory_space<vmem>>
      %dma_start3A_409 = arith.constant 0 : i32
      %dma_start3A_410 = arith.constant 0 : i32
      %dma_start3A_411 = tpu.memref_slice %arg3[%dma_start3A_409, %dma_start3A_410] : memref<100000x128xf32, #tpu.memory_space<hbm>> -> memref<100000x128xf32, #tpu.memory_space<hbm>>
      tpu.enqueue_indirect_dma source(%dma_start3A_411 : memref<100000x128xf32, #tpu.memory_space<hbm>>) target(%dma_start3A_405 : memref<100x128xf32, #tpu.memory_space<vmem>>) offsets(%dma_start3A_408 : memref<100xi32, #tpu.memory_space<vmem>>) semaphore(%arg8 : memref<!tpu.dma_semaphore, #tpu.memory_space<semaphore_mem>>)
      %dma_start3A_412 = arith.constant 1 : i32
      %dma_start3A_413 = arith.constant 0 : i32
      %dma_start3A_414 = arith.constant 1 : i32
      %dma_start3A_415 = arith.constant 0 : i32
      %dma_start3A_416 = arith.constant 0 : i32
      %dma_start3A_417 = tpu.memref_slice %arg6[%dma_start3A_413, %dma_start3A_414, %dma_start3A_415, %dma_start3A_416] : memref<3x2x100x128xf32, #tpu.memory_space<vmem>> -> memref<1x1x100x128xf32, #tpu.memory_space<vmem>>
      %dma_start3A_418 = tpu.memref_squeeze %dma_start3A_417 : memref<1x1x100x128xf32, #tpu.memory_space<vmem>> -> memref<100x128xf32, #tpu.memory_space<vmem>>
      %dma_start3A_419 = arith.constant 0 : i32
      %dma_start3A_420 = tpu.memref_slice %arg5[%add3A_398, %dma_start3A_412, %dma_start3A_419] : memref<128x2x100xi32, #tpu.memory_space<vmem>> -> memref<1x1x100xi32, #tpu.memory_space<vmem>>
      %dma_start3A_421 = tpu.memref_squeeze %dma_start3A_420 : memref<1x1x100xi32, #tpu.memory_space<vmem>> -> memref<100xi32, #tpu.memory_space<vmem>>
      %dma_start3A_422 = arith.constant 0 : i32
      %dma_start3A_423 = arith.constant 0 : i32
      %dma_start3A_424 = tpu.memref_slice %arg3[%dma_start3A_422, %dma_start3A_423] : memref<100000x128xf32, #tpu.memory_space<hbm>> -> memref<100000x128xf32, #tpu.memory_space<hbm>>
      tpu.enqueue_indirect_dma source(%dma_start3A_424 : memref<100000x128xf32, #tpu.memory_space<hbm>>) target(%dma_start3A_418 : memref<100x128xf32, #tpu.memory_space<vmem>>) offsets(%dma_start3A_421 : memref<100xi32, #tpu.memory_space<vmem>>) semaphore(%arg8 : memref<!tpu.dma_semaphore, #tpu.memory_space<semaphore_mem>>)
      %mul3A_425 = arith.constant 3 : i32
      %mul3A_426 = arith.muli %mul3A_425, %scan3A_297 : i32
      %add3A_427 = arith.constant 1 : i32
      %add3A_428 = arith.addi %mul3A_426, %add3A_427 : i32
      %dma_wait3A_429 = arith.constant 0 : i32
      %dma_wait3A_430 = arith.constant 1 : i32
      %dma_wait3A_431 = arith.constant 0 : i32
      %dma_wait3A_432 = arith.constant 0 : i32
      %dma_wait3A_433 = arith.constant 0 : i32
      %dma_wait3A_434 = tpu.memref_slice %arg6[%dma_wait3A_430, %dma_wait3A_431, %dma_wait3A_432, %dma_wait3A_433] : memref<3x2x100x128xf32, #tpu.memory_space<vmem>> -> memref<1x1x100x128xf32, #tpu.memory_space<vmem>>
      %dma_wait3A_435 = tpu.memref_squeeze %dma_wait3A_434 : memref<1x1x100x128xf32, #tpu.memory_space<vmem>> -> memref<100x128xf32, #tpu.memory_space<vmem>>
      %dma_wait3A_436 = arith.constant 0 : i32
      %dma_wait3A_437 = tpu.memref_slice %arg5[%add3A_428, %dma_wait3A_429, %dma_wait3A_436] : memref<128x2x100xi32, #tpu.memory_space<vmem>> -> memref<1x1x100xi32, #tpu.memory_space<vmem>>
      %dma_wait3A_438 = tpu.memref_squeeze %dma_wait3A_437 : memref<1x1x100xi32, #tpu.memory_space<vmem>> -> memref<100xi32, #tpu.memory_space<vmem>>
      %dma_wait3A_439 = arith.constant 0 : i32
      %dma_wait3A_440 = arith.constant 0 : i32
      %dma_wait3A_441 = tpu.memref_slice %arg3[%dma_wait3A_439, %dma_wait3A_440] : memref<100000x128xf32, #tpu.memory_space<hbm>> -> memref<100000x128xf32, #tpu.memory_space<hbm>>
      tpu.wait_indirect_dma semaphore(%arg9 : memref<!tpu.dma_semaphore, #tpu.memory_space<semaphore_mem>>) src(%dma_wait3A_441 : memref<100000x128xf32, #tpu.memory_space<hbm>>) dst(%dma_wait3A_435 : memref<100x128xf32, #tpu.memory_space<vmem>>)
      %dma_wait3A_442 = arith.constant 1 : i32
      %dma_wait3A_443 = arith.constant 1 : i32
      %dma_wait3A_444 = arith.constant 1 : i32
      %dma_wait3A_445 = arith.constant 0 : i32
      %dma_wait3A_446 = arith.constant 0 : i32
      %dma_wait3A_447 = tpu.memref_slice %arg6[%dma_wait3A_443, %dma_wait3A_444, %dma_wait3A_445, %dma_wait3A_446] : memref<3x2x100x128xf32, #tpu.memory_space<vmem>> -> memref<1x1x100x128xf32, #tpu.memory_space<vmem>>
      %dma_wait3A_448 = tpu.memref_squeeze %dma_wait3A_447 : memref<1x1x100x128xf32, #tpu.memory_space<vmem>> -> memref<100x128xf32, #tpu.memory_space<vmem>>
      %dma_wait3A_449 = arith.constant 0 : i32
      %dma_wait3A_450 = tpu.memref_slice %arg5[%add3A_428, %dma_wait3A_442, %dma_wait3A_449] : memref<128x2x100xi32, #tpu.memory_space<vmem>> -> memref<1x1x100xi32, #tpu.memory_space<vmem>>
      %dma_wait3A_451 = tpu.memref_squeeze %dma_wait3A_450 : memref<1x1x100xi32, #tpu.memory_space<vmem>> -> memref<100xi32, #tpu.memory_space<vmem>>
      %dma_wait3A_452 = arith.constant 0 : i32
      %dma_wait3A_453 = arith.constant 0 : i32
      %dma_wait3A_454 = tpu.memref_slice %arg3[%dma_wait3A_452, %dma_wait3A_453] : memref<100000x128xf32, #tpu.memory_space<hbm>> -> memref<100000x128xf32, #tpu.memory_space<hbm>>
      tpu.wait_indirect_dma semaphore(%arg9 : memref<!tpu.dma_semaphore, #tpu.memory_space<semaphore_mem>>) src(%dma_wait3A_454 : memref<100000x128xf32, #tpu.memory_space<hbm>>) dst(%dma_wait3A_448 : memref<100x128xf32, #tpu.memory_space<vmem>>)
      %broadcast_in_dim3A_455 = arith.constant 0.000000e+00 : f32
      %broadcast_in_dim3A_456 = vector.broadcast %broadcast_in_dim3A_455 : f32 to vector<16xf32>
      %broadcast_in_dim3A_457 = arith.constant 0.000000e+00 : f32
      %broadcast_in_dim3A_458 = vector.broadcast %broadcast_in_dim3A_457 : f32 to vector<16xf32>
      %broadcast_in_dim3A_459 = arith.constant 0.000000e+00 : f32
      %broadcast_in_dim3A_460 = vector.broadcast %broadcast_in_dim3A_459 : f32 to vector<16xf32>
      %broadcast_in_dim3A_461 = arith.constant 0.000000e+00 : f32
      %broadcast_in_dim3A_462 = vector.broadcast %broadcast_in_dim3A_461 : f32 to vector<16xf32>
      %broadcast_in_dim3A_463 = arith.constant 0.000000e+00 : f32
      %broadcast_in_dim3A_464 = vector.broadcast %broadcast_in_dim3A_463 : f32 to vector<16xf32>
      %broadcast_in_dim3A_465 = arith.constant 0.000000e+00 : f32
      %broadcast_in_dim3A_466 = vector.broadcast %broadcast_in_dim3A_465 : f32 to vector<16xf32>
      %broadcast_in_dim3A_467 = arith.constant 0.000000e+00 : f32
      %broadcast_in_dim3A_468 = vector.broadcast %broadcast_in_dim3A_467 : f32 to vector<16xf32>
      %broadcast_in_dim3A_469 = arith.constant 0.000000e+00 : f32
      %broadcast_in_dim3A_470 = vector.broadcast %broadcast_in_dim3A_469 : f32 to vector<16xf32>
      %scan3A_471 = arith.constant 0 : i32
      %scan3A_472 = arith.constant 25 : i32
      %scan3A_473 = arith.addi %scan3A_471, %scan3A_472 : i32
      %scan3A_474 = arith.constant 1 : i32
      %scan3A_475:8 = scf.for %scan3A_652 = %scan3A_471 to %scan3A_473 step %scan3A_474 iter_args(%scan3A_653 = %broadcast_in_dim3A_456, %scan3A_654 = %broadcast_in_dim3A_458, %scan3A_655 = %broadcast_in_dim3A_460, %scan3A_656 = %broadcast_in_dim3A_462, %scan3A_657 = %broadcast_in_dim3A_464, %scan3A_658 = %broadcast_in_dim3A_466, %scan3A_659 = %broadcast_in_dim3A_468, %scan3A_660 = %broadcast_in_dim3A_470) -> (vector<16xf32>, vector<16xf32>, vector<16xf32>, vector<16xf32>, vector<16xf32>, vector<16xf32>, vector<16xf32>, vector<16xf32>)  : i32 {
        %mul3A_661 = arith.constant 4 : i32
        %mul3A_662 = arith.muli %mul3A_661, %scan3A_652 : i32
        %add3A_663 = arith.constant 0 : i32
        %add3A_664 = arith.addi %mul3A_662, %add3A_663 : i32
        %get3A = arith.constant 1 : i32
        %get3A_665 = arith.constant 0 : i32
        %get3A_666 = arith.index_cast %get3A : i32 to index
        %get3A_667 = arith.index_cast %get3A_665 : i32 to index
        %get3A_668 = arith.index_cast %add3A_664 : i32 to index
        %get3A_669 = arith.constant 0 : index
        %get3A_670 = tpu.vector_load %arg6[%get3A_666, %get3A_667, %get3A_668, %get3A_669] {strides = array<i32>} : memref<3x2x100x128xf32, #tpu.memory_space<vmem>>, vector<1x1x1x16xf32>,
        %get3A_671 = vector.shape_cast %get3A_670 : vector<1x1x1x16xf32> to vector<16xf32>
        %add3A_672 = arith.addf %scan3A_653, %get3A_671 : vector<16xf32>
        %mul3A_673 = arith.constant 4 : i32
        %mul3A_674 = arith.muli %mul3A_673, %scan3A_652 : i32
        %add3A_675 = arith.constant 0 : i32
        %add3A_676 = arith.addi %mul3A_674, %add3A_675 : i32
        %get3A_677 = arith.constant 1 : i32
        %get3A_678 = arith.constant 0 : i32
        %get3A_679 = arith.index_cast %get3A_677 : i32 to index
        %get3A_680 = arith.index_cast %get3A_678 : i32 to index
        %get3A_681 = arith.index_cast %add3A_676 : i32 to index
        %get3A_682 = arith.constant 16 : index
        %get3A_683 = tpu.vector_load %arg6[%get3A_679, %get3A_680, %get3A_681, %get3A_682] {strides = array<i32>} : memref<3x2x100x128xf32, #tpu.memory_space<vmem>>, vector<1x1x1x16xf32>,
        %get3A_684 = vector.shape_cast %get3A_683 : vector<1x1x1x16xf32> to vector<16xf32>
        %add3A_685 = arith.addf %scan3A_654, %get3A_684 : vector<16xf32>
        %mul3A_686 = arith.constant 4 : i32
        %mul3A_687 = arith.muli %mul3A_686, %scan3A_652 : i32
        %add3A_688 = arith.constant 0 : i32
        %add3A_689 = arith.addi %mul3A_687, %add3A_688 : i32
        %get3A_690 = arith.constant 1 : i32
        %get3A_691 = arith.constant 0 : i32
        %get3A_692 = arith.index_cast %get3A_690 : i32 to index
        %get3A_693 = arith.index_cast %get3A_691 : i32 to index
        %get3A_694 = arith.index_cast %add3A_689 : i32 to index
        %get3A_695 = arith.constant 32 : index
        %get3A_696 = tpu.vector_load %arg6[%get3A_692, %get3A_693, %get3A_694, %get3A_695] {strides = array<i32>} : memref<3x2x100x128xf32, #tpu.memory_space<vmem>>, vector<1x1x1x16xf32>,
        %get3A_697 = vector.shape_cast %get3A_696 : vector<1x1x1x16xf32> to vector<16xf32>
        %add3A_698 = arith.addf %scan3A_655, %get3A_697 : vector<16xf32>
        %mul3A_699 = arith.constant 4 : i32
        %mul3A_700 = arith.muli %mul3A_699, %scan3A_652 : i32
        %add3A_701 = arith.constant 0 : i32
        %add3A_702 = arith.addi %mul3A_700, %add3A_701 : i32
        %get3A_703 = arith.constant 1 : i32
        %get3A_704 = arith.constant 0 : i32
        %get3A_705 = arith.index_cast %get3A_703 : i32 to index
        %get3A_706 = arith.index_cast %get3A_704 : i32 to index
        %get3A_707 = arith.index_cast %add3A_702 : i32 to index
        %get3A_708 = arith.constant 48 : index
        %get3A_709 = tpu.vector_load %arg6[%get3A_705, %get3A_706, %get3A_707, %get3A_708] {strides = array<i32>} : memref<3x2x100x128xf32, #tpu.memory_space<vmem>>, vector<1x1x1x16xf32>,
        %get3A_710 = vector.shape_cast %get3A_709 : vector<1x1x1x16xf32> to vector<16xf32>
        %add3A_711 = arith.addf %scan3A_656, %get3A_710 : vector<16xf32>
        %mul3A_712 = arith.constant 4 : i32
        %mul3A_713 = arith.muli %mul3A_712, %scan3A_652 : i32
        %add3A_714 = arith.constant 0 : i32
        %add3A_715 = arith.addi %mul3A_713, %add3A_714 : i32
        %get3A_716 = arith.constant 1 : i32
        %get3A_717 = arith.constant 0 : i32
        %get3A_718 = arith.index_cast %get3A_716 : i32 to index
        %get3A_719 = arith.index_cast %get3A_717 : i32 to index
        %get3A_720 = arith.index_cast %add3A_715 : i32 to index
        %get3A_721 = arith.constant 64 : index
        %get3A_722 = tpu.vector_load %arg6[%get3A_718, %get3A_719, %get3A_720, %get3A_721] {strides = array<i32>} : memref<3x2x100x128xf32, #tpu.memory_space<vmem>>, vector<1x1x1x16xf32>,
        %get3A_723 = vector.shape_cast %get3A_722 : vector<1x1x1x16xf32> to vector<16xf32>
        %add3A_724 = arith.addf %scan3A_657, %get3A_723 : vector<16xf32>
        %mul3A_725 = arith.constant 4 : i32
        %mul3A_726 = arith.muli %mul3A_725, %scan3A_652 : i32
        %add3A_727 = arith.constant 0 : i32
        %add3A_728 = arith.addi %mul3A_726, %add3A_727 : i32
        %get3A_729 = arith.constant 1 : i32
        %get3A_730 = arith.constant 0 : i32
        %get3A_731 = arith.index_cast %get3A_729 : i32 to index
        %get3A_732 = arith.index_cast %get3A_730 : i32 to index
        %get3A_733 = arith.index_cast %add3A_728 : i32 to index
        %get3A_734 = arith.constant 80 : index
        %get3A_735 = tpu.vector_load %arg6[%get3A_731, %get3A_732, %get3A_733, %get3A_734] {strides = array<i32>} : memref<3x2x100x128xf32, #tpu.memory_space<vmem>>, vector<1x1x1x16xf32>,
        %get3A_736 = vector.shape_cast %get3A_735 : vector<1x1x1x16xf32> to vector<16xf32>
        %add3A_737 = arith.addf %scan3A_658, %get3A_736 : vector<16xf32>
        %mul3A_738 = arith.constant 4 : i32
        %mul3A_739 = arith.muli %mul3A_738, %scan3A_652 : i32
        %add3A_740 = arith.constant 0 : i32
        %add3A_741 = arith.addi %mul3A_739, %add3A_740 : i32
        %get3A_742 = arith.constant 1 : i32
        %get3A_743 = arith.constant 0 : i32
        %get3A_744 = arith.index_cast %get3A_742 : i32 to index
        %get3A_745 = arith.index_cast %get3A_743 : i32 to index
        %get3A_746 = arith.index_cast %add3A_741 : i32 to index
        %get3A_747 = arith.constant 96 : index
        %get3A_748 = tpu.vector_load %arg6[%get3A_744, %get3A_745, %get3A_746, %get3A_747] {strides = array<i32>} : memref<3x2x100x128xf32, #tpu.memory_space<vmem>>, vector<1x1x1x16xf32>,
        %get3A_749 = vector.shape_cast %get3A_748 : vector<1x1x1x16xf32> to vector<16xf32>
        %add3A_750 = arith.addf %scan3A_659, %get3A_749 : vector<16xf32>
        %mul3A_751 = arith.constant 4 : i32
        %mul3A_752 = arith.muli %mul3A_751, %scan3A_652 : i32
        %add3A_753 = arith.constant 0 : i32
        %add3A_754 = arith.addi %mul3A_752, %add3A_753 : i32
        %get3A_755 = arith.constant 1 : i32
        %get3A_756 = arith.constant 0 : i32
        %get3A_757 = arith.index_cast %get3A_755 : i32 to index
        %get3A_758 = arith.index_cast %get3A_756 : i32 to index
        %get3A_759 = arith.index_cast %add3A_754 : i32 to index
        %get3A_760 = arith.constant 112 : index
        %get3A_761 = tpu.vector_load %arg6[%get3A_757, %get3A_758, %get3A_759, %get3A_760] {strides = array<i32>} : memref<3x2x100x128xf32, #tpu.memory_space<vmem>>, vector<1x1x1x16xf32>,
        %get3A_762 = vector.shape_cast %get3A_761 : vector<1x1x1x16xf32> to vector<16xf32>
        %add3A_763 = arith.addf %scan3A_660, %get3A_762 : vector<16xf32>
        %mul3A_764 = arith.constant 4 : i32
        %mul3A_765 = arith.muli %mul3A_764, %scan3A_652 : i32
        %add3A_766 = arith.constant 1 : i32
        %add3A_767 = arith.addi %mul3A_765, %add3A_766 : i32
        %get3A_768 = arith.constant 1 : i32
        %get3A_769 = arith.constant 0 : i32
        %get3A_770 = arith.index_cast %get3A_768 : i32 to index
        %get3A_771 = arith.index_cast %get3A_769 : i32 to index
        %get3A_772 = arith.index_cast %add3A_767 : i32 to index
        %get3A_773 = arith.constant 0 : index
        %get3A_774 = tpu.vector_load %arg6[%get3A_770, %get3A_771, %get3A_772, %get3A_773] {strides = array<i32>} : memref<3x2x100x128xf32, #tpu.memory_space<vmem>>, vector<1x1x1x16xf32>,
        %get3A_775 = vector.shape_cast %get3A_774 : vector<1x1x1x16xf32> to vector<16xf32>
        %add3A_776 = arith.addf %add3A_672, %get3A_775 : vector<16xf32>
        %mul3A_777 = arith.constant 4 : i32
        %mul3A_778 = arith.muli %mul3A_777, %scan3A_652 : i32
        %add3A_779 = arith.constant 1 : i32
        %add3A_780 = arith.addi %mul3A_778, %add3A_779 : i32
        %get3A_781 = arith.constant 1 : i32
        %get3A_782 = arith.constant 0 : i32
        %get3A_783 = arith.index_cast %get3A_781 : i32 to index
        %get3A_784 = arith.index_cast %get3A_782 : i32 to index
        %get3A_785 = arith.index_cast %add3A_780 : i32 to index
        %get3A_786 = arith.constant 16 : index
        %get3A_787 = tpu.vector_load %arg6[%get3A_783, %get3A_784, %get3A_785, %get3A_786] {strides = array<i32>} : memref<3x2x100x128xf32, #tpu.memory_space<vmem>>, vector<1x1x1x16xf32>,
        %get3A_788 = vector.shape_cast %get3A_787 : vector<1x1x1x16xf32> to vector<16xf32>
        %add3A_789 = arith.addf %add3A_685, %get3A_788 : vector<16xf32>
        %mul3A_790 = arith.constant 4 : i32
        %mul3A_791 = arith.muli %mul3A_790, %scan3A_652 : i32
        %add3A_792 = arith.constant 1 : i32
        %add3A_793 = arith.addi %mul3A_791, %add3A_792 : i32
        %get3A_794 = arith.constant 1 : i32
        %get3A_795 = arith.constant 0 : i32
        %get3A_796 = arith.index_cast %get3A_794 : i32 to index
        %get3A_797 = arith.index_cast %get3A_795 : i32 to index
        %get3A_798 = arith.index_cast %add3A_793 : i32 to index
        %get3A_799 = arith.constant 32 : index
        %get3A_800 = tpu.vector_load %arg6[%get3A_796, %get3A_797, %get3A_798, %get3A_799] {strides = array<i32>} : memref<3x2x100x128xf32, #tpu.memory_space<vmem>>, vector<1x1x1x16xf32>,
        %get3A_801 = vector.shape_cast %get3A_800 : vector<1x1x1x16xf32> to vector<16xf32>
        %add3A_802 = arith.addf %add3A_698, %get3A_801 : vector<16xf32>
        %mul3A_803 = arith.constant 4 : i32
        %mul3A_804 = arith.muli %mul3A_803, %scan3A_652 : i32
        %add3A_805 = arith.constant 1 : i32
        %add3A_806 = arith.addi %mul3A_804, %add3A_805 : i32
        %get3A_807 = arith.constant 1 : i32
        %get3A_808 = arith.constant 0 : i32
        %get3A_809 = arith.index_cast %get3A_807 : i32 to index
        %get3A_810 = arith.index_cast %get3A_808 : i32 to index
        %get3A_811 = arith.index_cast %add3A_806 : i32 to index
        %get3A_812 = arith.constant 48 : index
        %get3A_813 = tpu.vector_load %arg6[%get3A_809, %get3A_810, %get3A_811, %get3A_812] {strides = array<i32>} : memref<3x2x100x128xf32, #tpu.memory_space<vmem>>, vector<1x1x1x16xf32>,
        %get3A_814 = vector.shape_cast %get3A_813 : vector<1x1x1x16xf32> to vector<16xf32>
        %add3A_815 = arith.addf %add3A_711, %get3A_814 : vector<16xf32>
        %mul3A_816 = arith.constant 4 : i32
        %mul3A_817 = arith.muli %mul3A_816, %scan3A_652 : i32
        %add3A_818 = arith.constant 1 : i32
        %add3A_819 = arith.addi %mul3A_817, %add3A_818 : i32
        %get3A_820 = arith.constant 1 : i32
        %get3A_821 = arith.constant 0 : i32
        %get3A_822 = arith.index_cast %get3A_820 : i32 to index
        %get3A_823 = arith.index_cast %get3A_821 : i32 to index
        %get3A_824 = arith.index_cast %add3A_819 : i32 to index
        %get3A_825 = arith.constant 64 : index
        %get3A_826 = tpu.vector_load %arg6[%get3A_822, %get3A_823, %get3A_824, %get3A_825] {strides = array<i32>} : memref<3x2x100x128xf32, #tpu.memory_space<vmem>>, vector<1x1x1x16xf32>,
        %get3A_827 = vector.shape_cast %get3A_826 : vector<1x1x1x16xf32> to vector<16xf32>
        %add3A_828 = arith.addf %add3A_724, %get3A_827 : vector<16xf32>
        %mul3A_829 = arith.constant 4 : i32
        %mul3A_830 = arith.muli %mul3A_829, %scan3A_652 : i32
        %add3A_831 = arith.constant 1 : i32
        %add3A_832 = arith.addi %mul3A_830, %add3A_831 : i32
        %get3A_833 = arith.constant 1 : i32
        %get3A_834 = arith.constant 0 : i32
        %get3A_835 = arith.index_cast %get3A_833 : i32 to index
        %get3A_836 = arith.index_cast %get3A_834 : i32 to index
        %get3A_837 = arith.index_cast %add3A_832 : i32 to index
        %get3A_838 = arith.constant 80 : index
        %get3A_839 = tpu.vector_load %arg6[%get3A_835, %get3A_836, %get3A_837, %get3A_838] {strides = array<i32>} : memref<3x2x100x128xf32, #tpu.memory_space<vmem>>, vector<1x1x1x16xf32>,
        %get3A_840 = vector.shape_cast %get3A_839 : vector<1x1x1x16xf32> to vector<16xf32>
        %add3A_841 = arith.addf %add3A_737, %get3A_840 : vector<16xf32>
        %mul3A_842 = arith.constant 4 : i32
        %mul3A_843 = arith.muli %mul3A_842, %scan3A_652 : i32
        %add3A_844 = arith.constant 1 : i32
        %add3A_845 = arith.addi %mul3A_843, %add3A_844 : i32
        %get3A_846 = arith.constant 1 : i32
        %get3A_847 = arith.constant 0 : i32
        %get3A_848 = arith.index_cast %get3A_846 : i32 to index
        %get3A_849 = arith.index_cast %get3A_847 : i32 to index
        %get3A_850 = arith.index_cast %add3A_845 : i32 to index
        %get3A_851 = arith.constant 96 : index
        %get3A_852 = tpu.vector_load %arg6[%get3A_848, %get3A_849, %get3A_850, %get3A_851] {strides = array<i32>} : memref<3x2x100x128xf32, #tpu.memory_space<vmem>>, vector<1x1x1x16xf32>,
        %get3A_853 = vector.shape_cast %get3A_852 : vector<1x1x1x16xf32> to vector<16xf32>
        %add3A_854 = arith.addf %add3A_750, %get3A_853 : vector<16xf32>
        %mul3A_855 = arith.constant 4 : i32
        %mul3A_856 = arith.muli %mul3A_855, %scan3A_652 : i32
        %add3A_857 = arith.constant 1 : i32
        %add3A_858 = arith.addi %mul3A_856, %add3A_857 : i32
        %get3A_859 = arith.constant 1 : i32
        %get3A_860 = arith.constant 0 : i32
        %get3A_861 = arith.index_cast %get3A_859 : i32 to index
        %get3A_862 = arith.index_cast %get3A_860 : i32 to index
        %get3A_863 = arith.index_cast %add3A_858 : i32 to index
        %get3A_864 = arith.constant 112 : index
        %get3A_865 = tpu.vector_load %arg6[%get3A_861, %get3A_862, %get3A_863, %get3A_864] {strides = array<i32>} : memref<3x2x100x128xf32, #tpu.memory_space<vmem>>, vector<1x1x1x16xf32>,
        %get3A_866 = vector.shape_cast %get3A_865 : vector<1x1x1x16xf32> to vector<16xf32>
        %add3A_867 = arith.addf %add3A_763, %get3A_866 : vector<16xf32>
        %mul3A_868 = arith.constant 4 : i32
        %mul3A_869 = arith.muli %mul3A_868, %scan3A_652 : i32
        %add3A_870 = arith.constant 2 : i32
        %add3A_871 = arith.addi %mul3A_869, %add3A_870 : i32
        %get3A_872 = arith.constant 1 : i32
        %get3A_873 = arith.constant 0 : i32
        %get3A_874 = arith.index_cast %get3A_872 : i32 to index
        %get3A_875 = arith.index_cast %get3A_873 : i32 to index
        %get3A_876 = arith.index_cast %add3A_871 : i32 to index
        %get3A_877 = arith.constant 0 : index
        %get3A_878 = tpu.vector_load %arg6[%get3A_874, %get3A_875, %get3A_876, %get3A_877] {strides = array<i32>} : memref<3x2x100x128xf32, #tpu.memory_space<vmem>>, vector<1x1x1x16xf32>,
        %get3A_879 = vector.shape_cast %get3A_878 : vector<1x1x1x16xf32> to vector<16xf32>
        %add3A_880 = arith.addf %add3A_776, %get3A_879 : vector<16xf32>
        %mul3A_881 = arith.constant 4 : i32
        %mul3A_882 = arith.muli %mul3A_881, %scan3A_652 : i32
        %add3A_883 = arith.constant 2 : i32
        %add3A_884 = arith.addi %mul3A_882, %add3A_883 : i32
        %get3A_885 = arith.constant 1 : i32
        %get3A_886 = arith.constant 0 : i32
        %get3A_887 = arith.index_cast %get3A_885 : i32 to index
        %get3A_888 = arith.index_cast %get3A_886 : i32 to index
        %get3A_889 = arith.index_cast %add3A_884 : i32 to index
        %get3A_890 = arith.constant 16 : index
        %get3A_891 = tpu.vector_load %arg6[%get3A_887, %get3A_888, %get3A_889, %get3A_890] {strides = array<i32>} : memref<3x2x100x128xf32, #tpu.memory_space<vmem>>, vector<1x1x1x16xf32>,
        %get3A_892 = vector.shape_cast %get3A_891 : vector<1x1x1x16xf32> to vector<16xf32>
        %add3A_893 = arith.addf %add3A_789, %get3A_892 : vector<16xf32>
        %mul3A_894 = arith.constant 4 : i32
        %mul3A_895 = arith.muli %mul3A_894, %scan3A_652 : i32
        %add3A_896 = arith.constant 2 : i32
        %add3A_897 = arith.addi %mul3A_895, %add3A_896 : i32
        %get3A_898 = arith.constant 1 : i32
        %get3A_899 = arith.constant 0 : i32
        %get3A_900 = arith.index_cast %get3A_898 : i32 to index
        %get3A_901 = arith.index_cast %get3A_899 : i32 to index
        %get3A_902 = arith.index_cast %add3A_897 : i32 to index
        %get3A_903 = arith.constant 32 : index
        %get3A_904 = tpu.vector_load %arg6[%get3A_900, %get3A_901, %get3A_902, %get3A_903] {strides = array<i32>} : memref<3x2x100x128xf32, #tpu.memory_space<vmem>>, vector<1x1x1x16xf32>,
        %get3A_905 = vector.shape_cast %get3A_904 : vector<1x1x1x16xf32> to vector<16xf32>
        %add3A_906 = arith.addf %add3A_802, %get3A_905 : vector<16xf32>
        %mul3A_907 = arith.constant 4 : i32
        %mul3A_908 = arith.muli %mul3A_907, %scan3A_652 : i32
        %add3A_909 = arith.constant 2 : i32
        %add3A_910 = arith.addi %mul3A_908, %add3A_909 : i32
        %get3A_911 = arith.constant 1 : i32
        %get3A_912 = arith.constant 0 : i32
        %get3A_913 = arith.index_cast %get3A_911 : i32 to index
        %get3A_914 = arith.index_cast %get3A_912 : i32 to index
        %get3A_915 = arith.index_cast %add3A_910 : i32 to index
        %get3A_916 = arith.constant 48 : index
        %get3A_917 = tpu.vector_load %arg6[%get3A_913, %get3A_914, %get3A_915, %get3A_916] {strides = array<i32>} : memref<3x2x100x128xf32, #tpu.memory_space<vmem>>, vector<1x1x1x16xf32>,
        %get3A_918 = vector.shape_cast %get3A_917 : vector<1x1x1x16xf32> to vector<16xf32>
        %add3A_919 = arith.addf %add3A_815, %get3A_918 : vector<16xf32>
        %mul3A_920 = arith.constant 4 : i32
        %mul3A_921 = arith.muli %mul3A_920, %scan3A_652 : i32
        %add3A_922 = arith.constant 2 : i32
        %add3A_923 = arith.addi %mul3A_921, %add3A_922 : i32
        %get3A_924 = arith.constant 1 : i32
        %get3A_925 = arith.constant 0 : i32
        %get3A_926 = arith.index_cast %get3A_924 : i32 to index
        %get3A_927 = arith.index_cast %get3A_925 : i32 to index
        %get3A_928 = arith.index_cast %add3A_923 : i32 to index
        %get3A_929 = arith.constant 64 : index
        %get3A_930 = tpu.vector_load %arg6[%get3A_926, %get3A_927, %get3A_928, %get3A_929] {strides = array<i32>} : memref<3x2x100x128xf32, #tpu.memory_space<vmem>>, vector<1x1x1x16xf32>,
        %get3A_931 = vector.shape_cast %get3A_930 : vector<1x1x1x16xf32> to vector<16xf32>
        %add3A_932 = arith.addf %add3A_828, %get3A_931 : vector<16xf32>
        %mul3A_933 = arith.constant 4 : i32
        %mul3A_934 = arith.muli %mul3A_933, %scan3A_652 : i32
        %add3A_935 = arith.constant 2 : i32
        %add3A_936 = arith.addi %mul3A_934, %add3A_935 : i32
        %get3A_937 = arith.constant 1 : i32
        %get3A_938 = arith.constant 0 : i32
        %get3A_939 = arith.index_cast %get3A_937 : i32 to index
        %get3A_940 = arith.index_cast %get3A_938 : i32 to index
        %get3A_941 = arith.index_cast %add3A_936 : i32 to index
        %get3A_942 = arith.constant 80 : index
        %get3A_943 = tpu.vector_load %arg6[%get3A_939, %get3A_940, %get3A_941, %get3A_942] {strides = array<i32>} : memref<3x2x100x128xf32, #tpu.memory_space<vmem>>, vector<1x1x1x16xf32>,
        %get3A_944 = vector.shape_cast %get3A_943 : vector<1x1x1x16xf32> to vector<16xf32>
        %add3A_945 = arith.addf %add3A_841, %get3A_944 : vector<16xf32>
        %mul3A_946 = arith.constant 4 : i32
        %mul3A_947 = arith.muli %mul3A_946, %scan3A_652 : i32
        %add3A_948 = arith.constant 2 : i32
        %add3A_949 = arith.addi %mul3A_947, %add3A_948 : i32
        %get3A_950 = arith.constant 1 : i32
        %get3A_951 = arith.constant 0 : i32
        %get3A_952 = arith.index_cast %get3A_950 : i32 to index
        %get3A_953 = arith.index_cast %get3A_951 : i32 to index
        %get3A_954 = arith.index_cast %add3A_949 : i32 to index
        %get3A_955 = arith.constant 96 : index
        %get3A_956 = tpu.vector_load %arg6[%get3A_952, %get3A_953, %get3A_954, %get3A_955] {strides = array<i32>} : memref<3x2x100x128xf32, #tpu.memory_space<vmem>>, vector<1x1x1x16xf32>,
        %get3A_957 = vector.shape_cast %get3A_956 : vector<1x1x1x16xf32> to vector<16xf32>
        %add3A_958 = arith.addf %add3A_854, %get3A_957 : vector<16xf32>
        %mul3A_959 = arith.constant 4 : i32
        %mul3A_960 = arith.muli %mul3A_959, %scan3A_652 : i32
        %add3A_961 = arith.constant 2 : i32
        %add3A_962 = arith.addi %mul3A_960, %add3A_961 : i32
        %get3A_963 = arith.constant 1 : i32
        %get3A_964 = arith.constant 0 : i32
        %get3A_965 = arith.index_cast %get3A_963 : i32 to index
        %get3A_966 = arith.index_cast %get3A_964 : i32 to index
        %get3A_967 = arith.index_cast %add3A_962 : i32 to index
        %get3A_968 = arith.constant 112 : index
        %get3A_969 = tpu.vector_load %arg6[%get3A_965, %get3A_966, %get3A_967, %get3A_968] {strides = array<i32>} : memref<3x2x100x128xf32, #tpu.memory_space<vmem>>, vector<1x1x1x16xf32>,
        %get3A_970 = vector.shape_cast %get3A_969 : vector<1x1x1x16xf32> to vector<16xf32>
        %add3A_971 = arith.addf %add3A_867, %get3A_970 : vector<16xf32>
        %mul3A_972 = arith.constant 4 : i32
        %mul3A_973 = arith.muli %mul3A_972, %scan3A_652 : i32
        %add3A_974 = arith.constant 3 : i32
        %add3A_975 = arith.addi %mul3A_973, %add3A_974 : i32
        %get3A_976 = arith.constant 1 : i32
        %get3A_977 = arith.constant 0 : i32
        %get3A_978 = arith.index_cast %get3A_976 : i32 to index
        %get3A_979 = arith.index_cast %get3A_977 : i32 to index
        %get3A_980 = arith.index_cast %add3A_975 : i32 to index
        %get3A_981 = arith.constant 0 : index
        %get3A_982 = tpu.vector_load %arg6[%get3A_978, %get3A_979, %get3A_980, %get3A_981] {strides = array<i32>} : memref<3x2x100x128xf32, #tpu.memory_space<vmem>>, vector<1x1x1x16xf32>,
        %get3A_983 = vector.shape_cast %get3A_982 : vector<1x1x1x16xf32> to vector<16xf32>
        %add3A_984 = arith.addf %add3A_880, %get3A_983 : vector<16xf32>
        %mul3A_985 = arith.constant 4 : i32
        %mul3A_986 = arith.muli %mul3A_985, %scan3A_652 : i32
        %add3A_987 = arith.constant 3 : i32
        %add3A_988 = arith.addi %mul3A_986, %add3A_987 : i32
        %get3A_989 = arith.constant 1 : i32
        %get3A_990 = arith.constant 0 : i32
        %get3A_991 = arith.index_cast %get3A_989 : i32 to index
        %get3A_992 = arith.index_cast %get3A_990 : i32 to index
        %get3A_993 = arith.index_cast %add3A_988 : i32 to index
        %get3A_994 = arith.constant 16 : index
        %get3A_995 = tpu.vector_load %arg6[%get3A_991, %get3A_992, %get3A_993, %get3A_994] {strides = array<i32>} : memref<3x2x100x128xf32, #tpu.memory_space<vmem>>, vector<1x1x1x16xf32>,
        %get3A_996 = vector.shape_cast %get3A_995 : vector<1x1x1x16xf32> to vector<16xf32>
        %add3A_997 = arith.addf %add3A_893, %get3A_996 : vector<16xf32>
        %mul3A_998 = arith.constant 4 : i32
        %mul3A_999 = arith.muli %mul3A_998, %scan3A_652 : i32
        %add3A_1000 = arith.constant 3 : i32
        %add3A_1001 = arith.addi %mul3A_999, %add3A_1000 : i32
        %get3A_1002 = arith.constant 1 : i32
        %get3A_1003 = arith.constant 0 : i32
        %get3A_1004 = arith.index_cast %get3A_1002 : i32 to index
        %get3A_1005 = arith.index_cast %get3A_1003 : i32 to index
        %get3A_1006 = arith.index_cast %add3A_1001 : i32 to index
        %get3A_1007 = arith.constant 32 : index
        %get3A_1008 = tpu.vector_load %arg6[%get3A_1004, %get3A_1005, %get3A_1006, %get3A_1007] {strides = array<i32>} : memref<3x2x100x128xf32, #tpu.memory_space<vmem>>, vector<1x1x1x16xf32>,
        %get3A_1009 = vector.shape_cast %get3A_1008 : vector<1x1x1x16xf32> to vector<16xf32>
        %add3A_1010 = arith.addf %add3A_906, %get3A_1009 : vector<16xf32>
        %mul3A_1011 = arith.constant 4 : i32
        %mul3A_1012 = arith.muli %mul3A_1011, %scan3A_652 : i32
        %add3A_1013 = arith.constant 3 : i32
        %add3A_1014 = arith.addi %mul3A_1012, %add3A_1013 : i32
        %get3A_1015 = arith.constant 1 : i32
        %get3A_1016 = arith.constant 0 : i32
        %get3A_1017 = arith.index_cast %get3A_1015 : i32 to index
        %get3A_1018 = arith.index_cast %get3A_1016 : i32 to index
        %get3A_1019 = arith.index_cast %add3A_1014 : i32 to index
        %get3A_1020 = arith.constant 48 : index
        %get3A_1021 = tpu.vector_load %arg6[%get3A_1017, %get3A_1018, %get3A_1019, %get3A_1020] {strides = array<i32>} : memref<3x2x100x128xf32, #tpu.memory_space<vmem>>, vector<1x1x1x16xf32>,
        %get3A_1022 = vector.shape_cast %get3A_1021 : vector<1x1x1x16xf32> to vector<16xf32>
        %add3A_1023 = arith.addf %add3A_919, %get3A_1022 : vector<16xf32>
        %mul3A_1024 = arith.constant 4 : i32
        %mul3A_1025 = arith.muli %mul3A_1024, %scan3A_652 : i32
        %add3A_1026 = arith.constant 3 : i32
        %add3A_1027 = arith.addi %mul3A_1025, %add3A_1026 : i32
        %get3A_1028 = arith.constant 1 : i32
        %get3A_1029 = arith.constant 0 : i32
        %get3A_1030 = arith.index_cast %get3A_1028 : i32 to index
        %get3A_1031 = arith.index_cast %get3A_1029 : i32 to index
        %get3A_1032 = arith.index_cast %add3A_1027 : i32 to index
        %get3A_1033 = arith.constant 64 : index
        %get3A_1034 = tpu.vector_load %arg6[%get3A_1030, %get3A_1031, %get3A_1032, %get3A_1033] {strides = array<i32>} : memref<3x2x100x128xf32, #tpu.memory_space<vmem>>, vector<1x1x1x16xf32>,
        %get3A_1035 = vector.shape_cast %get3A_1034 : vector<1x1x1x16xf32> to vector<16xf32>
        %add3A_1036 = arith.addf %add3A_932, %get3A_1035 : vector<16xf32>
        %mul3A_1037 = arith.constant 4 : i32
        %mul3A_1038 = arith.muli %mul3A_1037, %scan3A_652 : i32
        %add3A_1039 = arith.constant 3 : i32
        %add3A_1040 = arith.addi %mul3A_1038, %add3A_1039 : i32
        %get3A_1041 = arith.constant 1 : i32
        %get3A_1042 = arith.constant 0 : i32
        %get3A_1043 = arith.index_cast %get3A_1041 : i32 to index
        %get3A_1044 = arith.index_cast %get3A_1042 : i32 to index
        %get3A_1045 = arith.index_cast %add3A_1040 : i32 to index
        %get3A_1046 = arith.constant 80 : index
        %get3A_1047 = tpu.vector_load %arg6[%get3A_1043, %get3A_1044, %get3A_1045, %get3A_1046] {strides = array<i32>} : memref<3x2x100x128xf32, #tpu.memory_space<vmem>>, vector<1x1x1x16xf32>,
        %get3A_1048 = vector.shape_cast %get3A_1047 : vector<1x1x1x16xf32> to vector<16xf32>
        %add3A_1049 = arith.addf %add3A_945, %get3A_1048 : vector<16xf32>
        %mul3A_1050 = arith.constant 4 : i32
        %mul3A_1051 = arith.muli %mul3A_1050, %scan3A_652 : i32
        %add3A_1052 = arith.constant 3 : i32
        %add3A_1053 = arith.addi %mul3A_1051, %add3A_1052 : i32
        %get3A_1054 = arith.constant 1 : i32
        %get3A_1055 = arith.constant 0 : i32
        %get3A_1056 = arith.index_cast %get3A_1054 : i32 to index
        %get3A_1057 = arith.index_cast %get3A_1055 : i32 to index
        %get3A_1058 = arith.index_cast %add3A_1053 : i32 to index
        %get3A_1059 = arith.constant 96 : index
        %get3A_1060 = tpu.vector_load %arg6[%get3A_1056, %get3A_1057, %get3A_1058, %get3A_1059] {strides = array<i32>} : memref<3x2x100x128xf32, #tpu.memory_space<vmem>>, vector<1x1x1x16xf32>,
        %get3A_1061 = vector.shape_cast %get3A_1060 : vector<1x1x1x16xf32> to vector<16xf32>
        %add3A_1062 = arith.addf %add3A_958, %get3A_1061 : vector<16xf32>
        %mul3A_1063 = arith.constant 4 : i32
        %mul3A_1064 = arith.muli %mul3A_1063, %scan3A_652 : i32
        %add3A_1065 = arith.constant 3 : i32
        %add3A_1066 = arith.addi %mul3A_1064, %add3A_1065 : i32
        %get3A_1067 = arith.constant 1 : i32
        %get3A_1068 = arith.constant 0 : i32
        %get3A_1069 = arith.index_cast %get3A_1067 : i32 to index
        %get3A_1070 = arith.index_cast %get3A_1068 : i32 to index
        %get3A_1071 = arith.index_cast %add3A_1066 : i32 to index
        %get3A_1072 = arith.constant 112 : index
        %get3A_1073 = tpu.vector_load %arg6[%get3A_1069, %get3A_1070, %get3A_1071, %get3A_1072] {strides = array<i32>} : memref<3x2x100x128xf32, #tpu.memory_space<vmem>>, vector<1x1x1x16xf32>,
        %get3A_1074 = vector.shape_cast %get3A_1073 : vector<1x1x1x16xf32> to vector<16xf32>
        %add3A_1075 = arith.addf %add3A_971, %get3A_1074 : vector<16xf32>
        scf.yield %add3A_984, %add3A_997, %add3A_1010, %add3A_1023, %add3A_1036, %add3A_1049, %add3A_1062, %add3A_1075 : vector<16xf32>, vector<16xf32>, vector<16xf32>, vector<16xf32>, vector<16xf32>, vector<16xf32>, vector<16xf32>, vector<16xf32>
      }
      %scan3A_476 = arith.constant 25 : i32
      %scan3A_477 = arith.constant 0 : i32
      %scan3A_478 = arith.constant 25 : i32
      %scan3A_479 = arith.addi %scan3A_477, %scan3A_478 : i32
      %scan3A_480 = arith.constant 1 : i32
      %scan3A_481:8 = scf.for %scan3A_652 = %scan3A_477 to %scan3A_479 step %scan3A_480 iter_args(%scan3A_653 = %scan3A_475#0, %scan3A_654 = %scan3A_475#1, %scan3A_655 = %scan3A_475#2, %scan3A_656 = %scan3A_475#3, %scan3A_657 = %scan3A_475#4, %scan3A_658 = %scan3A_475#5, %scan3A_659 = %scan3A_475#6, %scan3A_660 = %scan3A_475#7) -> (vector<16xf32>, vector<16xf32>, vector<16xf32>, vector<16xf32>, vector<16xf32>, vector<16xf32>, vector<16xf32>, vector<16xf32>)  : i32 {
        %mul3A_661 = arith.constant 4 : i32
        %mul3A_662 = arith.muli %mul3A_661, %scan3A_652 : i32
        %add3A_663 = arith.constant 0 : i32
        %add3A_664 = arith.addi %mul3A_662, %add3A_663 : i32
        %get3A = arith.constant 1 : i32
        %get3A_665 = arith.constant 1 : i32
        %get3A_666 = arith.index_cast %get3A : i32 to index
        %get3A_667 = arith.index_cast %get3A_665 : i32 to index
        %get3A_668 = arith.index_cast %add3A_664 : i32 to index
        %get3A_669 = arith.constant 0 : index
        %get3A_670 = tpu.vector_load %arg6[%get3A_666, %get3A_667, %get3A_668, %get3A_669] {strides = array<i32>} : memref<3x2x100x128xf32, #tpu.memory_space<vmem>>, vector<1x1x1x16xf32>,
        %get3A_671 = vector.shape_cast %get3A_670 : vector<1x1x1x16xf32> to vector<16xf32>
        %add3A_672 = arith.addf %scan3A_653, %get3A_671 : vector<16xf32>
        %mul3A_673 = arith.constant 4 : i32
        %mul3A_674 = arith.muli %mul3A_673, %scan3A_652 : i32
        %add3A_675 = arith.constant 0 : i32
        %add3A_676 = arith.addi %mul3A_674, %add3A_675 : i32
        %get3A_677 = arith.constant 1 : i32
        %get3A_678 = arith.constant 1 : i32
        %get3A_679 = arith.index_cast %get3A_677 : i32 to index
        %get3A_680 = arith.index_cast %get3A_678 : i32 to index
        %get3A_681 = arith.index_cast %add3A_676 : i32 to index
        %get3A_682 = arith.constant 16 : index
        %get3A_683 = tpu.vector_load %arg6[%get3A_679, %get3A_680, %get3A_681, %get3A_682] {strides = array<i32>} : memref<3x2x100x128xf32, #tpu.memory_space<vmem>>, vector<1x1x1x16xf32>,
        %get3A_684 = vector.shape_cast %get3A_683 : vector<1x1x1x16xf32> to vector<16xf32>
        %add3A_685 = arith.addf %scan3A_654, %get3A_684 : vector<16xf32>
        %mul3A_686 = arith.constant 4 : i32
        %mul3A_687 = arith.muli %mul3A_686, %scan3A_652 : i32
        %add3A_688 = arith.constant 0 : i32
        %add3A_689 = arith.addi %mul3A_687, %add3A_688 : i32
        %get3A_690 = arith.constant 1 : i32
        %get3A_691 = arith.constant 1 : i32
        %get3A_692 = arith.index_cast %get3A_690 : i32 to index
        %get3A_693 = arith.index_cast %get3A_691 : i32 to index
        %get3A_694 = arith.index_cast %add3A_689 : i32 to index
        %get3A_695 = arith.constant 32 : index
        %get3A_696 = tpu.vector_load %arg6[%get3A_692, %get3A_693, %get3A_694, %get3A_695] {strides = array<i32>} : memref<3x2x100x128xf32, #tpu.memory_space<vmem>>, vector<1x1x1x16xf32>,
        %get3A_697 = vector.shape_cast %get3A_696 : vector<1x1x1x16xf32> to vector<16xf32>
        %add3A_698 = arith.addf %scan3A_655, %get3A_697 : vector<16xf32>
        %mul3A_699 = arith.constant 4 : i32
        %mul3A_700 = arith.muli %mul3A_699, %scan3A_652 : i32
        %add3A_701 = arith.constant 0 : i32
        %add3A_702 = arith.addi %mul3A_700, %add3A_701 : i32
        %get3A_703 = arith.constant 1 : i32
        %get3A_704 = arith.constant 1 : i32
        %get3A_705 = arith.index_cast %get3A_703 : i32 to index
        %get3A_706 = arith.index_cast %get3A_704 : i32 to index
        %get3A_707 = arith.index_cast %add3A_702 : i32 to index
        %get3A_708 = arith.constant 48 : index
        %get3A_709 = tpu.vector_load %arg6[%get3A_705, %get3A_706, %get3A_707, %get3A_708] {strides = array<i32>} : memref<3x2x100x128xf32, #tpu.memory_space<vmem>>, vector<1x1x1x16xf32>,
        %get3A_710 = vector.shape_cast %get3A_709 : vector<1x1x1x16xf32> to vector<16xf32>
        %add3A_711 = arith.addf %scan3A_656, %get3A_710 : vector<16xf32>
        %mul3A_712 = arith.constant 4 : i32
        %mul3A_713 = arith.muli %mul3A_712, %scan3A_652 : i32
        %add3A_714 = arith.constant 0 : i32
        %add3A_715 = arith.addi %mul3A_713, %add3A_714 : i32
        %get3A_716 = arith.constant 1 : i32
        %get3A_717 = arith.constant 1 : i32
        %get3A_718 = arith.index_cast %get3A_716 : i32 to index
        %get3A_719 = arith.index_cast %get3A_717 : i32 to index
        %get3A_720 = arith.index_cast %add3A_715 : i32 to index
        %get3A_721 = arith.constant 64 : index
        %get3A_722 = tpu.vector_load %arg6[%get3A_718, %get3A_719, %get3A_720, %get3A_721] {strides = array<i32>} : memref<3x2x100x128xf32, #tpu.memory_space<vmem>>, vector<1x1x1x16xf32>,
        %get3A_723 = vector.shape_cast %get3A_722 : vector<1x1x1x16xf32> to vector<16xf32>
        %add3A_724 = arith.addf %scan3A_657, %get3A_723 : vector<16xf32>
        %mul3A_725 = arith.constant 4 : i32
        %mul3A_726 = arith.muli %mul3A_725, %scan3A_652 : i32
        %add3A_727 = arith.constant 0 : i32
        %add3A_728 = arith.addi %mul3A_726, %add3A_727 : i32
        %get3A_729 = arith.constant 1 : i32
        %get3A_730 = arith.constant 1 : i32
        %get3A_731 = arith.index_cast %get3A_729 : i32 to index
        %get3A_732 = arith.index_cast %get3A_730 : i32 to index
        %get3A_733 = arith.index_cast %add3A_728 : i32 to index
        %get3A_734 = arith.constant 80 : index
        %get3A_735 = tpu.vector_load %arg6[%get3A_731, %get3A_732, %get3A_733, %get3A_734] {strides = array<i32>} : memref<3x2x100x128xf32, #tpu.memory_space<vmem>>, vector<1x1x1x16xf32>,
        %get3A_736 = vector.shape_cast %get3A_735 : vector<1x1x1x16xf32> to vector<16xf32>
        %add3A_737 = arith.addf %scan3A_658, %get3A_736 : vector<16xf32>
        %mul3A_738 = arith.constant 4 : i32
        %mul3A_739 = arith.muli %mul3A_738, %scan3A_652 : i32
        %add3A_740 = arith.constant 0 : i32
        %add3A_741 = arith.addi %mul3A_739, %add3A_740 : i32
        %get3A_742 = arith.constant 1 : i32
        %get3A_743 = arith.constant 1 : i32
        %get3A_744 = arith.index_cast %get3A_742 : i32 to index
        %get3A_745 = arith.index_cast %get3A_743 : i32 to index
        %get3A_746 = arith.index_cast %add3A_741 : i32 to index
        %get3A_747 = arith.constant 96 : index
        %get3A_748 = tpu.vector_load %arg6[%get3A_744, %get3A_745, %get3A_746, %get3A_747] {strides = array<i32>} : memref<3x2x100x128xf32, #tpu.memory_space<vmem>>, vector<1x1x1x16xf32>,
        %get3A_749 = vector.shape_cast %get3A_748 : vector<1x1x1x16xf32> to vector<16xf32>
        %add3A_750 = arith.addf %scan3A_659, %get3A_749 : vector<16xf32>
        %mul3A_751 = arith.constant 4 : i32
        %mul3A_752 = arith.muli %mul3A_751, %scan3A_652 : i32
        %add3A_753 = arith.constant 0 : i32
        %add3A_754 = arith.addi %mul3A_752, %add3A_753 : i32
        %get3A_755 = arith.constant 1 : i32
        %get3A_756 = arith.constant 1 : i32
        %get3A_757 = arith.index_cast %get3A_755 : i32 to index
        %get3A_758 = arith.index_cast %get3A_756 : i32 to index
        %get3A_759 = arith.index_cast %add3A_754 : i32 to index
        %get3A_760 = arith.constant 112 : index
        %get3A_761 = tpu.vector_load %arg6[%get3A_757, %get3A_758, %get3A_759, %get3A_760] {strides = array<i32>} : memref<3x2x100x128xf32, #tpu.memory_space<vmem>>, vector<1x1x1x16xf32>,
        %get3A_762 = vector.shape_cast %get3A_761 : vector<1x1x1x16xf32> to vector<16xf32>
        %add3A_763 = arith.addf %scan3A_660, %get3A_762 : vector<16xf32>
        %mul3A_764 = arith.constant 4 : i32
        %mul3A_765 = arith.muli %mul3A_764, %scan3A_652 : i32
        %add3A_766 = arith.constant 1 : i32
        %add3A_767 = arith.addi %mul3A_765, %add3A_766 : i32
        %get3A_768 = arith.constant 1 : i32
        %get3A_769 = arith.constant 1 : i32
        %get3A_770 = arith.index_cast %get3A_768 : i32 to index
        %get3A_771 = arith.index_cast %get3A_769 : i32 to index
        %get3A_772 = arith.index_cast %add3A_767 : i32 to index
        %get3A_773 = arith.constant 0 : index
        %get3A_774 = tpu.vector_load %arg6[%get3A_770, %get3A_771, %get3A_772, %get3A_773] {strides = array<i32>} : memref<3x2x100x128xf32, #tpu.memory_space<vmem>>, vector<1x1x1x16xf32>,
        %get3A_775 = vector.shape_cast %get3A_774 : vector<1x1x1x16xf32> to vector<16xf32>
        %add3A_776 = arith.addf %add3A_672, %get3A_775 : vector<16xf32>
        %mul3A_777 = arith.constant 4 : i32
        %mul3A_778 = arith.muli %mul3A_777, %scan3A_652 : i32
        %add3A_779 = arith.constant 1 : i32
        %add3A_780 = arith.addi %mul3A_778, %add3A_779 : i32
        %get3A_781 = arith.constant 1 : i32
        %get3A_782 = arith.constant 1 : i32
        %get3A_783 = arith.index_cast %get3A_781 : i32 to index
        %get3A_784 = arith.index_cast %get3A_782 : i32 to index
        %get3A_785 = arith.index_cast %add3A_780 : i32 to index
        %get3A_786 = arith.constant 16 : index
        %get3A_787 = tpu.vector_load %arg6[%get3A_783, %get3A_784, %get3A_785, %get3A_786] {strides = array<i32>} : memref<3x2x100x128xf32, #tpu.memory_space<vmem>>, vector<1x1x1x16xf32>,
        %get3A_788 = vector.shape_cast %get3A_787 : vector<1x1x1x16xf32> to vector<16xf32>
        %add3A_789 = arith.addf %add3A_685, %get3A_788 : vector<16xf32>
        %mul3A_790 = arith.constant 4 : i32
        %mul3A_791 = arith.muli %mul3A_790, %scan3A_652 : i32
        %add3A_792 = arith.constant 1 : i32
        %add3A_793 = arith.addi %mul3A_791, %add3A_792 : i32
        %get3A_794 = arith.constant 1 : i32
        %get3A_795 = arith.constant 1 : i32
        %get3A_796 = arith.index_cast %get3A_794 : i32 to index
        %get3A_797 = arith.index_cast %get3A_795 : i32 to index
        %get3A_798 = arith.index_cast %add3A_793 : i32 to index
        %get3A_799 = arith.constant 32 : index
        %get3A_800 = tpu.vector_load %arg6[%get3A_796, %get3A_797, %get3A_798, %get3A_799] {strides = array<i32>} : memref<3x2x100x128xf32, #tpu.memory_space<vmem>>, vector<1x1x1x16xf32>,
        %get3A_801 = vector.shape_cast %get3A_800 : vector<1x1x1x16xf32> to vector<16xf32>
        %add3A_802 = arith.addf %add3A_698, %get3A_801 : vector<16xf32>
        %mul3A_803 = arith.constant 4 : i32
        %mul3A_804 = arith.muli %mul3A_803, %scan3A_652 : i32
        %add3A_805 = arith.constant 1 : i32
        %add3A_806 = arith.addi %mul3A_804, %add3A_805 : i32
        %get3A_807 = arith.constant 1 : i32
        %get3A_808 = arith.constant 1 : i32
        %get3A_809 = arith.index_cast %get3A_807 : i32 to index
        %get3A_810 = arith.index_cast %get3A_808 : i32 to index
        %get3A_811 = arith.index_cast %add3A_806 : i32 to index
        %get3A_812 = arith.constant 48 : index
        %get3A_813 = tpu.vector_load %arg6[%get3A_809, %get3A_810, %get3A_811, %get3A_812] {strides = array<i32>} : memref<3x2x100x128xf32, #tpu.memory_space<vmem>>, vector<1x1x1x16xf32>,
        %get3A_814 = vector.shape_cast %get3A_813 : vector<1x1x1x16xf32> to vector<16xf32>
        %add3A_815 = arith.addf %add3A_711, %get3A_814 : vector<16xf32>
        %mul3A_816 = arith.constant 4 : i32
        %mul3A_817 = arith.muli %mul3A_816, %scan3A_652 : i32
        %add3A_818 = arith.constant 1 : i32
        %add3A_819 = arith.addi %mul3A_817, %add3A_818 : i32
        %get3A_820 = arith.constant 1 : i32
        %get3A_821 = arith.constant 1 : i32
        %get3A_822 = arith.index_cast %get3A_820 : i32 to index
        %get3A_823 = arith.index_cast %get3A_821 : i32 to index
        %get3A_824 = arith.index_cast %add3A_819 : i32 to index
        %get3A_825 = arith.constant 64 : index
        %get3A_826 = tpu.vector_load %arg6[%get3A_822, %get3A_823, %get3A_824, %get3A_825] {strides = array<i32>} : memref<3x2x100x128xf32, #tpu.memory_space<vmem>>, vector<1x1x1x16xf32>,
        %get3A_827 = vector.shape_cast %get3A_826 : vector<1x1x1x16xf32> to vector<16xf32>
        %add3A_828 = arith.addf %add3A_724, %get3A_827 : vector<16xf32>
        %mul3A_829 = arith.constant 4 : i32
        %mul3A_830 = arith.muli %mul3A_829, %scan3A_652 : i32
        %add3A_831 = arith.constant 1 : i32
        %add3A_832 = arith.addi %mul3A_830, %add3A_831 : i32
        %get3A_833 = arith.constant 1 : i32
        %get3A_834 = arith.constant 1 : i32
        %get3A_835 = arith.index_cast %get3A_833 : i32 to index
        %get3A_836 = arith.index_cast %get3A_834 : i32 to index
        %get3A_837 = arith.index_cast %add3A_832 : i32 to index
        %get3A_838 = arith.constant 80 : index
        %get3A_839 = tpu.vector_load %arg6[%get3A_835, %get3A_836, %get3A_837, %get3A_838] {strides = array<i32>} : memref<3x2x100x128xf32, #tpu.memory_space<vmem>>, vector<1x1x1x16xf32>,
        %get3A_840 = vector.shape_cast %get3A_839 : vector<1x1x1x16xf32> to vector<16xf32>
        %add3A_841 = arith.addf %add3A_737, %get3A_840 : vector<16xf32>
        %mul3A_842 = arith.constant 4 : i32
        %mul3A_843 = arith.muli %mul3A_842, %scan3A_652 : i32
        %add3A_844 = arith.constant 1 : i32
        %add3A_845 = arith.addi %mul3A_843, %add3A_844 : i32
        %get3A_846 = arith.constant 1 : i32
        %get3A_847 = arith.constant 1 : i32
        %get3A_848 = arith.index_cast %get3A_846 : i32 to index
        %get3A_849 = arith.index_cast %get3A_847 : i32 to index
        %get3A_850 = arith.index_cast %add3A_845 : i32 to index
        %get3A_851 = arith.constant 96 : index
        %get3A_852 = tpu.vector_load %arg6[%get3A_848, %get3A_849, %get3A_850, %get3A_851] {strides = array<i32>} : memref<3x2x100x128xf32, #tpu.memory_space<vmem>>, vector<1x1x1x16xf32>,
        %get3A_853 = vector.shape_cast %get3A_852 : vector<1x1x1x16xf32> to vector<16xf32>
        %add3A_854 = arith.addf %add3A_750, %get3A_853 : vector<16xf32>
        %mul3A_855 = arith.constant 4 : i32
        %mul3A_856 = arith.muli %mul3A_855, %scan3A_652 : i32
        %add3A_857 = arith.constant 1 : i32
        %add3A_858 = arith.addi %mul3A_856, %add3A_857 : i32
        %get3A_859 = arith.constant 1 : i32
        %get3A_860 = arith.constant 1 : i32
        %get3A_861 = arith.index_cast %get3A_859 : i32 to index
        %get3A_862 = arith.index_cast %get3A_860 : i32 to index
        %get3A_863 = arith.index_cast %add3A_858 : i32 to index
        %get3A_864 = arith.constant 112 : index
        %get3A_865 = tpu.vector_load %arg6[%get3A_861, %get3A_862, %get3A_863, %get3A_864] {strides = array<i32>} : memref<3x2x100x128xf32, #tpu.memory_space<vmem>>, vector<1x1x1x16xf32>,
        %get3A_866 = vector.shape_cast %get3A_865 : vector<1x1x1x16xf32> to vector<16xf32>
        %add3A_867 = arith.addf %add3A_763, %get3A_866 : vector<16xf32>
        %mul3A_868 = arith.constant 4 : i32
        %mul3A_869 = arith.muli %mul3A_868, %scan3A_652 : i32
        %add3A_870 = arith.constant 2 : i32
        %add3A_871 = arith.addi %mul3A_869, %add3A_870 : i32
        %get3A_872 = arith.constant 1 : i32
        %get3A_873 = arith.constant 1 : i32
        %get3A_874 = arith.index_cast %get3A_872 : i32 to index
        %get3A_875 = arith.index_cast %get3A_873 : i32 to index
        %get3A_876 = arith.index_cast %add3A_871 : i32 to index
        %get3A_877 = arith.constant 0 : index
        %get3A_878 = tpu.vector_load %arg6[%get3A_874, %get3A_875, %get3A_876, %get3A_877] {strides = array<i32>} : memref<3x2x100x128xf32, #tpu.memory_space<vmem>>, vector<1x1x1x16xf32>,
        %get3A_879 = vector.shape_cast %get3A_878 : vector<1x1x1x16xf32> to vector<16xf32>
        %add3A_880 = arith.addf %add3A_776, %get3A_879 : vector<16xf32>
        %mul3A_881 = arith.constant 4 : i32
        %mul3A_882 = arith.muli %mul3A_881, %scan3A_652 : i32
        %add3A_883 = arith.constant 2 : i32
        %add3A_884 = arith.addi %mul3A_882, %add3A_883 : i32
        %get3A_885 = arith.constant 1 : i32
        %get3A_886 = arith.constant 1 : i32
        %get3A_887 = arith.index_cast %get3A_885 : i32 to index
        %get3A_888 = arith.index_cast %get3A_886 : i32 to index
        %get3A_889 = arith.index_cast %add3A_884 : i32 to index
        %get3A_890 = arith.constant 16 : index
        %get3A_891 = tpu.vector_load %arg6[%get3A_887, %get3A_888, %get3A_889, %get3A_890] {strides = array<i32>} : memref<3x2x100x128xf32, #tpu.memory_space<vmem>>, vector<1x1x1x16xf32>,
        %get3A_892 = vector.shape_cast %get3A_891 : vector<1x1x1x16xf32> to vector<16xf32>
        %add3A_893 = arith.addf %add3A_789, %get3A_892 : vector<16xf32>
        %mul3A_894 = arith.constant 4 : i32
        %mul3A_895 = arith.muli %mul3A_894, %scan3A_652 : i32
        %add3A_896 = arith.constant 2 : i32
        %add3A_897 = arith.addi %mul3A_895, %add3A_896 : i32
        %get3A_898 = arith.constant 1 : i32
        %get3A_899 = arith.constant 1 : i32
        %get3A_900 = arith.index_cast %get3A_898 : i32 to index
        %get3A_901 = arith.index_cast %get3A_899 : i32 to index
        %get3A_902 = arith.index_cast %add3A_897 : i32 to index
        %get3A_903 = arith.constant 32 : index
        %get3A_904 = tpu.vector_load %arg6[%get3A_900, %get3A_901, %get3A_902, %get3A_903] {strides = array<i32>} : memref<3x2x100x128xf32, #tpu.memory_space<vmem>>, vector<1x1x1x16xf32>,
        %get3A_905 = vector.shape_cast %get3A_904 : vector<1x1x1x16xf32> to vector<16xf32>
        %add3A_906 = arith.addf %add3A_802, %get3A_905 : vector<16xf32>
        %mul3A_907 = arith.constant 4 : i32
        %mul3A_908 = arith.muli %mul3A_907, %scan3A_652 : i32
        %add3A_909 = arith.constant 2 : i32
        %add3A_910 = arith.addi %mul3A_908, %add3A_909 : i32
        %get3A_911 = arith.constant 1 : i32
        %get3A_912 = arith.constant 1 : i32
        %get3A_913 = arith.index_cast %get3A_911 : i32 to index
        %get3A_914 = arith.index_cast %get3A_912 : i32 to index
        %get3A_915 = arith.index_cast %add3A_910 : i32 to index
        %get3A_916 = arith.constant 48 : index
        %get3A_917 = tpu.vector_load %arg6[%get3A_913, %get3A_914, %get3A_915, %get3A_916] {strides = array<i32>} : memref<3x2x100x128xf32, #tpu.memory_space<vmem>>, vector<1x1x1x16xf32>,
        %get3A_918 = vector.shape_cast %get3A_917 : vector<1x1x1x16xf32> to vector<16xf32>
        %add3A_919 = arith.addf %add3A_815, %get3A_918 : vector<16xf32>
        %mul3A_920 = arith.constant 4 : i32
        %mul3A_921 = arith.muli %mul3A_920, %scan3A_652 : i32
        %add3A_922 = arith.constant 2 : i32
        %add3A_923 = arith.addi %mul3A_921, %add3A_922 : i32
        %get3A_924 = arith.constant 1 : i32
        %get3A_925 = arith.constant 1 : i32
        %get3A_926 = arith.index_cast %get3A_924 : i32 to index
        %get3A_927 = arith.index_cast %get3A_925 : i32 to index
        %get3A_928 = arith.index_cast %add3A_923 : i32 to index
        %get3A_929 = arith.constant 64 : index
        %get3A_930 = tpu.vector_load %arg6[%get3A_926, %get3A_927, %get3A_928, %get3A_929] {strides = array<i32>} : memref<3x2x100x128xf32, #tpu.memory_space<vmem>>, vector<1x1x1x16xf32>,
        %get3A_931 = vector.shape_cast %get3A_930 : vector<1x1x1x16xf32> to vector<16xf32>
        %add3A_932 = arith.addf %add3A_828, %get3A_931 : vector<16xf32>
        %mul3A_933 = arith.constant 4 : i32
        %mul3A_934 = arith.muli %mul3A_933, %scan3A_652 : i32
        %add3A_935 = arith.constant 2 : i32
        %add3A_936 = arith.addi %mul3A_934, %add3A_935 : i32
        %get3A_937 = arith.constant 1 : i32
        %get3A_938 = arith.constant 1 : i32
        %get3A_939 = arith.index_cast %get3A_937 : i32 to index
        %get3A_940 = arith.index_cast %get3A_938 : i32 to index
        %get3A_941 = arith.index_cast %add3A_936 : i32 to index
        %get3A_942 = arith.constant 80 : index
        %get3A_943 = tpu.vector_load %arg6[%get3A_939, %get3A_940, %get3A_941, %get3A_942] {strides = array<i32>} : memref<3x2x100x128xf32, #tpu.memory_space<vmem>>, vector<1x1x1x16xf32>,
        %get3A_944 = vector.shape_cast %get3A_943 : vector<1x1x1x16xf32> to vector<16xf32>
        %add3A_945 = arith.addf %add3A_841, %get3A_944 : vector<16xf32>
        %mul3A_946 = arith.constant 4 : i32
        %mul3A_947 = arith.muli %mul3A_946, %scan3A_652 : i32
        %add3A_948 = arith.constant 2 : i32
        %add3A_949 = arith.addi %mul3A_947, %add3A_948 : i32
        %get3A_950 = arith.constant 1 : i32
        %get3A_951 = arith.constant 1 : i32
        %get3A_952 = arith.index_cast %get3A_950 : i32 to index
        %get3A_953 = arith.index_cast %get3A_951 : i32 to index
        %get3A_954 = arith.index_cast %add3A_949 : i32 to index
        %get3A_955 = arith.constant 96 : index
        %get3A_956 = tpu.vector_load %arg6[%get3A_952, %get3A_953, %get3A_954, %get3A_955] {strides = array<i32>} : memref<3x2x100x128xf32, #tpu.memory_space<vmem>>, vector<1x1x1x16xf32>,
        %get3A_957 = vector.shape_cast %get3A_956 : vector<1x1x1x16xf32> to vector<16xf32>
        %add3A_958 = arith.addf %add3A_854, %get3A_957 : vector<16xf32>
        %mul3A_959 = arith.constant 4 : i32
        %mul3A_960 = arith.muli %mul3A_959, %scan3A_652 : i32
        %add3A_961 = arith.constant 2 : i32
        %add3A_962 = arith.addi %mul3A_960, %add3A_961 : i32
        %get3A_963 = arith.constant 1 : i32
        %get3A_964 = arith.constant 1 : i32
        %get3A_965 = arith.index_cast %get3A_963 : i32 to index
        %get3A_966 = arith.index_cast %get3A_964 : i32 to index
        %get3A_967 = arith.index_cast %add3A_962 : i32 to index
        %get3A_968 = arith.constant 112 : index
        %get3A_969 = tpu.vector_load %arg6[%get3A_965, %get3A_966, %get3A_967, %get3A_968] {strides = array<i32>} : memref<3x2x100x128xf32, #tpu.memory_space<vmem>>, vector<1x1x1x16xf32>,
        %get3A_970 = vector.shape_cast %get3A_969 : vector<1x1x1x16xf32> to vector<16xf32>
        %add3A_971 = arith.addf %add3A_867, %get3A_970 : vector<16xf32>
        %mul3A_972 = arith.constant 4 : i32
        %mul3A_973 = arith.muli %mul3A_972, %scan3A_652 : i32
        %add3A_974 = arith.constant 3 : i32
        %add3A_975 = arith.addi %mul3A_973, %add3A_974 : i32
        %get3A_976 = arith.constant 1 : i32
        %get3A_977 = arith.constant 1 : i32
        %get3A_978 = arith.index_cast %get3A_976 : i32 to index
        %get3A_979 = arith.index_cast %get3A_977 : i32 to index
        %get3A_980 = arith.index_cast %add3A_975 : i32 to index
        %get3A_981 = arith.constant 0 : index
        %get3A_982 = tpu.vector_load %arg6[%get3A_978, %get3A_979, %get3A_980, %get3A_981] {strides = array<i32>} : memref<3x2x100x128xf32, #tpu.memory_space<vmem>>, vector<1x1x1x16xf32>,
        %get3A_983 = vector.shape_cast %get3A_982 : vector<1x1x1x16xf32> to vector<16xf32>
        %add3A_984 = arith.addf %add3A_880, %get3A_983 : vector<16xf32>
        %mul3A_985 = arith.constant 4 : i32
        %mul3A_986 = arith.muli %mul3A_985, %scan3A_652 : i32
        %add3A_987 = arith.constant 3 : i32
        %add3A_988 = arith.addi %mul3A_986, %add3A_987 : i32
        %get3A_989 = arith.constant 1 : i32
        %get3A_990 = arith.constant 1 : i32
        %get3A_991 = arith.index_cast %get3A_989 : i32 to index
        %get3A_992 = arith.index_cast %get3A_990 : i32 to index
        %get3A_993 = arith.index_cast %add3A_988 : i32 to index
        %get3A_994 = arith.constant 16 : index
        %get3A_995 = tpu.vector_load %arg6[%get3A_991, %get3A_992, %get3A_993, %get3A_994] {strides = array<i32>} : memref<3x2x100x128xf32, #tpu.memory_space<vmem>>, vector<1x1x1x16xf32>,
        %get3A_996 = vector.shape_cast %get3A_995 : vector<1x1x1x16xf32> to vector<16xf32>
        %add3A_997 = arith.addf %add3A_893, %get3A_996 : vector<16xf32>
        %mul3A_998 = arith.constant 4 : i32
        %mul3A_999 = arith.muli %mul3A_998, %scan3A_652 : i32
        %add3A_1000 = arith.constant 3 : i32
        %add3A_1001 = arith.addi %mul3A_999, %add3A_1000 : i32
        %get3A_1002 = arith.constant 1 : i32
        %get3A_1003 = arith.constant 1 : i32
        %get3A_1004 = arith.index_cast %get3A_1002 : i32 to index
        %get3A_1005 = arith.index_cast %get3A_1003 : i32 to index
        %get3A_1006 = arith.index_cast %add3A_1001 : i32 to index
        %get3A_1007 = arith.constant 32 : index
        %get3A_1008 = tpu.vector_load %arg6[%get3A_1004, %get3A_1005, %get3A_1006, %get3A_1007] {strides = array<i32>} : memref<3x2x100x128xf32, #tpu.memory_space<vmem>>, vector<1x1x1x16xf32>,
        %get3A_1009 = vector.shape_cast %get3A_1008 : vector<1x1x1x16xf32> to vector<16xf32>
        %add3A_1010 = arith.addf %add3A_906, %get3A_1009 : vector<16xf32>
        %mul3A_1011 = arith.constant 4 : i32
        %mul3A_1012 = arith.muli %mul3A_1011, %scan3A_652 : i32
        %add3A_1013 = arith.constant 3 : i32
        %add3A_1014 = arith.addi %mul3A_1012, %add3A_1013 : i32
        %get3A_1015 = arith.constant 1 : i32
        %get3A_1016 = arith.constant 1 : i32
        %get3A_1017 = arith.index_cast %get3A_1015 : i32 to index
        %get3A_1018 = arith.index_cast %get3A_1016 : i32 to index
        %get3A_1019 = arith.index_cast %add3A_1014 : i32 to index
        %get3A_1020 = arith.constant 48 : index
        %get3A_1021 = tpu.vector_load %arg6[%get3A_1017, %get3A_1018, %get3A_1019, %get3A_1020] {strides = array<i32>} : memref<3x2x100x128xf32, #tpu.memory_space<vmem>>, vector<1x1x1x16xf32>,
        %get3A_1022 = vector.shape_cast %get3A_1021 : vector<1x1x1x16xf32> to vector<16xf32>
        %add3A_1023 = arith.addf %add3A_919, %get3A_1022 : vector<16xf32>
        %mul3A_1024 = arith.constant 4 : i32
        %mul3A_1025 = arith.muli %mul3A_1024, %scan3A_652 : i32
        %add3A_1026 = arith.constant 3 : i32
        %add3A_1027 = arith.addi %mul3A_1025, %add3A_1026 : i32
        %get3A_1028 = arith.constant 1 : i32
        %get3A_1029 = arith.constant 1 : i32
        %get3A_1030 = arith.index_cast %get3A_1028 : i32 to index
        %get3A_1031 = arith.index_cast %get3A_1029 : i32 to index
        %get3A_1032 = arith.index_cast %add3A_1027 : i32 to index
        %get3A_1033 = arith.constant 64 : index
        %get3A_1034 = tpu.vector_load %arg6[%get3A_1030, %get3A_1031, %get3A_1032, %get3A_1033] {strides = array<i32>} : memref<3x2x100x128xf32, #tpu.memory_space<vmem>>, vector<1x1x1x16xf32>,
        %get3A_1035 = vector.shape_cast %get3A_1034 : vector<1x1x1x16xf32> to vector<16xf32>
        %add3A_1036 = arith.addf %add3A_932, %get3A_1035 : vector<16xf32>
        %mul3A_1037 = arith.constant 4 : i32
        %mul3A_1038 = arith.muli %mul3A_1037, %scan3A_652 : i32
        %add3A_1039 = arith.constant 3 : i32
        %add3A_1040 = arith.addi %mul3A_1038, %add3A_1039 : i32
        %get3A_1041 = arith.constant 1 : i32
        %get3A_1042 = arith.constant 1 : i32
        %get3A_1043 = arith.index_cast %get3A_1041 : i32 to index
        %get3A_1044 = arith.index_cast %get3A_1042 : i32 to index
        %get3A_1045 = arith.index_cast %add3A_1040 : i32 to index
        %get3A_1046 = arith.constant 80 : index
        %get3A_1047 = tpu.vector_load %arg6[%get3A_1043, %get3A_1044, %get3A_1045, %get3A_1046] {strides = array<i32>} : memref<3x2x100x128xf32, #tpu.memory_space<vmem>>, vector<1x1x1x16xf32>,
        %get3A_1048 = vector.shape_cast %get3A_1047 : vector<1x1x1x16xf32> to vector<16xf32>
        %add3A_1049 = arith.addf %add3A_945, %get3A_1048 : vector<16xf32>
        %mul3A_1050 = arith.constant 4 : i32
        %mul3A_1051 = arith.muli %mul3A_1050, %scan3A_652 : i32
        %add3A_1052 = arith.constant 3 : i32
        %add3A_1053 = arith.addi %mul3A_1051, %add3A_1052 : i32
        %get3A_1054 = arith.constant 1 : i32
        %get3A_1055 = arith.constant 1 : i32
        %get3A_1056 = arith.index_cast %get3A_1054 : i32 to index
        %get3A_1057 = arith.index_cast %get3A_1055 : i32 to index
        %get3A_1058 = arith.index_cast %add3A_1053 : i32 to index
        %get3A_1059 = arith.constant 96 : index
        %get3A_1060 = tpu.vector_load %arg6[%get3A_1056, %get3A_1057, %get3A_1058, %get3A_1059] {strides = array<i32>} : memref<3x2x100x128xf32, #tpu.memory_space<vmem>>, vector<1x1x1x16xf32>,
        %get3A_1061 = vector.shape_cast %get3A_1060 : vector<1x1x1x16xf32> to vector<16xf32>
        %add3A_1062 = arith.addf %add3A_958, %get3A_1061 : vector<16xf32>
        %mul3A_1063 = arith.constant 4 : i32
        %mul3A_1064 = arith.muli %mul3A_1063, %scan3A_652 : i32
        %add3A_1065 = arith.constant 3 : i32
        %add3A_1066 = arith.addi %mul3A_1064, %add3A_1065 : i32
        %get3A_1067 = arith.constant 1 : i32
        %get3A_1068 = arith.constant 1 : i32
        %get3A_1069 = arith.index_cast %get3A_1067 : i32 to index
        %get3A_1070 = arith.index_cast %get3A_1068 : i32 to index
        %get3A_1071 = arith.index_cast %add3A_1066 : i32 to index
        %get3A_1072 = arith.constant 112 : index
        %get3A_1073 = tpu.vector_load %arg6[%get3A_1069, %get3A_1070, %get3A_1071, %get3A_1072] {strides = array<i32>} : memref<3x2x100x128xf32, #tpu.memory_space<vmem>>, vector<1x1x1x16xf32>,
        %get3A_1074 = vector.shape_cast %get3A_1073 : vector<1x1x1x16xf32> to vector<16xf32>
        %add3A_1075 = arith.addf %add3A_971, %get3A_1074 : vector<16xf32>
        scf.yield %add3A_984, %add3A_997, %add3A_1010, %add3A_1023, %add3A_1036, %add3A_1049, %add3A_1062, %add3A_1075 : vector<16xf32>, vector<16xf32>, vector<16xf32>, vector<16xf32>, vector<16xf32>, vector<16xf32>, vector<16xf32>, vector<16xf32>
      }
      %scan3A_482 = arith.constant 25 : i32
      %swap3A_483 = arith.index_cast %add3A_428 : i32 to index
      %swap3A_484 = arith.constant 0 : index
      %swap3A_485 = tpu.vector_load %arg7[%swap3A_483, %swap3A_484] {strides = array<i32>} : memref<128x128xf32, #tpu.memory_space<vmem>>, vector<1x16xf32>,
      %swap3A_486 = vector.shape_cast %swap3A_485 : vector<1x16xf32> to vector<16xf32>
      %swap3A_487 = vector.shape_cast %scan3A_481#0 : vector<16xf32> to vector<1x16xf32>
      tpu.vector_store %arg7[%swap3A_483, %swap3A_484], %swap3A_487 {strides = array<i32>} : memref<128x128xf32, #tpu.memory_space<vmem>>, vector<1x16xf32>,
      %swap3A_488 = arith.index_cast %add3A_428 : i32 to index
      %swap3A_489 = arith.constant 16 : index
      %swap3A_490 = tpu.vector_load %arg7[%swap3A_488, %swap3A_489] {strides = array<i32>} : memref<128x128xf32, #tpu.memory_space<vmem>>, vector<1x16xf32>,
      %swap3A_491 = vector.shape_cast %swap3A_490 : vector<1x16xf32> to vector<16xf32>
      %swap3A_492 = vector.shape_cast %scan3A_481#1 : vector<16xf32> to vector<1x16xf32>
      tpu.vector_store %arg7[%swap3A_488, %swap3A_489], %swap3A_492 {strides = array<i32>} : memref<128x128xf32, #tpu.memory_space<vmem>>, vector<1x16xf32>,
      %swap3A_493 = arith.index_cast %add3A_428 : i32 to index
      %swap3A_494 = arith.constant 32 : index
      %swap3A_495 = tpu.vector_load %arg7[%swap3A_493, %swap3A_494] {strides = array<i32>} : memref<128x128xf32, #tpu.memory_space<vmem>>, vector<1x16xf32>,
      %swap3A_496 = vector.shape_cast %swap3A_495 : vector<1x16xf32> to vector<16xf32>
      %swap3A_497 = vector.shape_cast %scan3A_481#2 : vector<16xf32> to vector<1x16xf32>
      tpu.vector_store %arg7[%swap3A_493, %swap3A_494], %swap3A_497 {strides = array<i32>} : memref<128x128xf32, #tpu.memory_space<vmem>>, vector<1x16xf32>,
      %swap3A_498 = arith.index_cast %add3A_428 : i32 to index
      %swap3A_499 = arith.constant 48 : index
      %swap3A_500 = tpu.vector_load %arg7[%swap3A_498, %swap3A_499] {strides = array<i32>} : memref<128x128xf32, #tpu.memory_space<vmem>>, vector<1x16xf32>,
      %swap3A_501 = vector.shape_cast %swap3A_500 : vector<1x16xf32> to vector<16xf32>
      %swap3A_502 = vector.shape_cast %scan3A_481#3 : vector<16xf32> to vector<1x16xf32>
      tpu.vector_store %arg7[%swap3A_498, %swap3A_499], %swap3A_502 {strides = array<i32>} : memref<128x128xf32, #tpu.memory_space<vmem>>, vector<1x16xf32>,
      %swap3A_503 = arith.index_cast %add3A_428 : i32 to index
      %swap3A_504 = arith.constant 64 : index
      %swap3A_505 = tpu.vector_load %arg7[%swap3A_503, %swap3A_504] {strides = array<i32>} : memref<128x128xf32, #tpu.memory_space<vmem>>, vector<1x16xf32>,
      %swap3A_506 = vector.shape_cast %swap3A_505 : vector<1x16xf32> to vector<16xf32>
      %swap3A_507 = vector.shape_cast %scan3A_481#4 : vector<16xf32> to vector<1x16xf32>
      tpu.vector_store %arg7[%swap3A_503, %swap3A_504], %swap3A_507 {strides = array<i32>} : memref<128x128xf32, #tpu.memory_space<vmem>>, vector<1x16xf32>,
      %swap3A_508 = arith.index_cast %add3A_428 : i32 to index
      %swap3A_509 = arith.constant 80 : index
      %swap3A_510 = tpu.vector_load %arg7[%swap3A_508, %swap3A_509] {strides = array<i32>} : memref<128x128xf32, #tpu.memory_space<vmem>>, vector<1x16xf32>,
      %swap3A_511 = vector.shape_cast %swap3A_510 : vector<1x16xf32> to vector<16xf32>
      %swap3A_512 = vector.shape_cast %scan3A_481#5 : vector<16xf32> to vector<1x16xf32>
      tpu.vector_store %arg7[%swap3A_508, %swap3A_509], %swap3A_512 {strides = array<i32>} : memref<128x128xf32, #tpu.memory_space<vmem>>, vector<1x16xf32>,
      %swap3A_513 = arith.index_cast %add3A_428 : i32 to index
      %swap3A_514 = arith.constant 96 : index
      %swap3A_515 = tpu.vector_load %arg7[%swap3A_513, %swap3A_514] {strides = array<i32>} : memref<128x128xf32, #tpu.memory_space<vmem>>, vector<1x16xf32>,
      %swap3A_516 = vector.shape_cast %swap3A_515 : vector<1x16xf32> to vector<16xf32>
      %swap3A_517 = vector.shape_cast %scan3A_481#6 : vector<16xf32> to vector<1x16xf32>
      tpu.vector_store %arg7[%swap3A_513, %swap3A_514], %swap3A_517 {strides = array<i32>} : memref<128x128xf32, #tpu.memory_space<vmem>>, vector<1x16xf32>,
      %swap3A_518 = arith.index_cast %add3A_428 : i32 to index
      %swap3A_519 = arith.constant 112 : index
      %swap3A_520 = tpu.vector_load %arg7[%swap3A_518, %swap3A_519] {strides = array<i32>} : memref<128x128xf32, #tpu.memory_space<vmem>>, vector<1x16xf32>,
      %swap3A_521 = vector.shape_cast %swap3A_520 : vector<1x16xf32> to vector<16xf32>
      %swap3A_522 = vector.shape_cast %scan3A_481#7 : vector<16xf32> to vector<1x16xf32>
      tpu.vector_store %arg7[%swap3A_518, %swap3A_519], %swap3A_522 {strides = array<i32>} : memref<128x128xf32, #tpu.memory_space<vmem>>, vector<1x16xf32>,
      %add3A_523 = arith.constant 3 : i32
      %add3A_524 = arith.addi %add3A_428, %add3A_523 : i32
      %dma_start3A_525 = arith.constant 0 : i32
      %dma_start3A_526 = arith.constant 1 : i32
      %dma_start3A_527 = arith.constant 0 : i32
      %dma_start3A_528 = arith.constant 0 : i32
      %dma_start3A_529 = arith.constant 0 : i32
      %dma_start3A_530 = tpu.memref_slice %arg6[%dma_start3A_526, %dma_start3A_527, %dma_start3A_528, %dma_start3A_529] : memref<3x2x100x128xf32, #tpu.memory_space<vmem>> -> memref<1x1x100x128xf32, #tpu.memory_space<vmem>>
      %dma_start3A_531 = tpu.memref_squeeze %dma_start3A_530 : memref<1x1x100x128xf32, #tpu.memory_space<vmem>> -> memref<100x128xf32, #tpu.memory_space<vmem>>
      %dma_start3A_532 = arith.constant 0 : i32
      %dma_start3A_533 = tpu.memref_slice %arg5[%add3A_524, %dma_start3A_525, %dma_start3A_532] : memref<128x2x100xi32, #tpu.memory_space<vmem>> -> memref<1x1x100xi32, #tpu.memory_space<vmem>>
      %dma_start3A_534 = tpu.memref_squeeze %dma_start3A_533 : memref<1x1x100xi32, #tpu.memory_space<vmem>> -> memref<100xi32, #tpu.memory_space<vmem>>
      %dma_start3A_535 = arith.constant 0 : i32
      %dma_start3A_536 = arith.constant 0 : i32
      %dma_start3A_537 = tpu.memref_slice %arg3[%dma_start3A_535, %dma_start3A_536] : memref<100000x128xf32, #tpu.memory_space<hbm>> -> memref<100000x128xf32, #tpu.memory_space<hbm>>
      tpu.enqueue_indirect_dma source(%dma_start3A_537 : memref<100000x128xf32, #tpu.memory_space<hbm>>) target(%dma_start3A_531 : memref<100x128xf32, #tpu.memory_space<vmem>>) offsets(%dma_start3A_534 : memref<100xi32, #tpu.memory_space<vmem>>) semaphore(%arg9 : memref<!tpu.dma_semaphore, #tpu.memory_space<semaphore_mem>>)
      %dma_start3A_538 = arith.constant 1 : i32
      %dma_start3A_539 = arith.constant 1 : i32
      %dma_start3A_540 = arith.constant 1 : i32
      %dma_start3A_541 = arith.constant 0 : i32
      %dma_start3A_542 = arith.constant 0 : i32
      %dma_start3A_543 = tpu.memref_slice %arg6[%dma_start3A_539, %dma_start3A_540, %dma_start3A_541, %dma_start3A_542] : memref<3x2x100x128xf32, #tpu.memory_space<vmem>> -> memref<1x1x100x128xf32, #tpu.memory_space<vmem>>
      %dma_start3A_544 = tpu.memref_squeeze %dma_start3A_543 : memref<1x1x100x128xf32, #tpu.memory_space<vmem>> -> memref<100x128xf32, #tpu.memory_space<vmem>>
      %dma_start3A_545 = arith.constant 0 : i32
      %dma_start3A_546 = tpu.memref_slice %arg5[%add3A_524, %dma_start3A_538, %dma_start3A_545] : memref<128x2x100xi32, #tpu.memory_space<vmem>> -> memref<1x1x100xi32, #tpu.memory_space<vmem>>
      %dma_start3A_547 = tpu.memref_squeeze %dma_start3A_546 : memref<1x1x100xi32, #tpu.memory_space<vmem>> -> memref<100xi32, #tpu.memory_space<vmem>>
      %dma_start3A_548 = arith.constant 0 : i32
      %dma_start3A_549 = arith.constant 0 : i32
      %dma_start3A_550 = tpu.memref_slice %arg3[%dma_start3A_548, %dma_start3A_549] : memref<100000x128xf32, #tpu.memory_space<hbm>> -> memref<100000x128xf32, #tpu.memory_space<hbm>>
      tpu.enqueue_indirect_dma source(%dma_start3A_550 : memref<100000x128xf32, #tpu.memory_space<hbm>>) target(%dma_start3A_544 : memref<100x128xf32, #tpu.memory_space<vmem>>) offsets(%dma_start3A_547 : memref<100xi32, #tpu.memory_space<vmem>>) semaphore(%arg9 : memref<!tpu.dma_semaphore, #tpu.memory_space<semaphore_mem>>)
      %mul3A_551 = arith.constant 3 : i32
      %mul3A_552 = arith.muli %mul3A_551, %scan3A_297 : i32
      %add3A_553 = arith.constant 2 : i32
      %add3A_554 = arith.addi %mul3A_552, %add3A_553 : i32
      %dma_wait3A_555 = arith.constant 0 : i32
      %dma_wait3A_556 = arith.constant 2 : i32
      %dma_wait3A_557 = arith.constant 0 : i32
      %dma_wait3A_558 = arith.constant 0 : i32
      %dma_wait3A_559 = arith.constant 0 : i32
      %dma_wait3A_560 = tpu.memref_slice %arg6[%dma_wait3A_556, %dma_wait3A_557, %dma_wait3A_558, %dma_wait3A_559] : memref<3x2x100x128xf32, #tpu.memory_space<vmem>> -> memref<1x1x100x128xf32, #tpu.memory_space<vmem>>
      %dma_wait3A_561 = tpu.memref_squeeze %dma_wait3A_560 : memref<1x1x100x128xf32, #tpu.memory_space<vmem>> -> memref<100x128xf32, #tpu.memory_space<vmem>>
      %dma_wait3A_562 = arith.constant 0 : i32
      %dma_wait3A_563 = tpu.memref_slice %arg5[%add3A_554, %dma_wait3A_555, %dma_wait3A_562] : memref<128x2x100xi32, #tpu.memory_space<vmem>> -> memref<1x1x100xi32, #tpu.memory_space<vmem>>
      %dma_wait3A_564 = tpu.memref_squeeze %dma_wait3A_563 : memref<1x1x100xi32, #tpu.memory_space<vmem>> -> memref<100xi32, #tpu.memory_space<vmem>>
      %dma_wait3A_565 = arith.constant 0 : i32
      %dma_wait3A_566 = arith.constant 0 : i32
      %dma_wait3A_567 = tpu.memref_slice %arg3[%dma_wait3A_565, %dma_wait3A_566] : memref<100000x128xf32, #tpu.memory_space<hbm>> -> memref<100000x128xf32, #tpu.memory_space<hbm>>
      tpu.wait_indirect_dma semaphore(%arg10 : memref<!tpu.dma_semaphore, #tpu.memory_space<semaphore_mem>>) src(%dma_wait3A_567 : memref<100000x128xf32, #tpu.memory_space<hbm>>) dst(%dma_wait3A_561 : memref<100x128xf32, #tpu.memory_space<vmem>>)
      %dma_wait3A_568 = arith.constant 1 : i32
      %dma_wait3A_569 = arith.constant 2 : i32
      %dma_wait3A_570 = arith.constant 1 : i32
      %dma_wait3A_571 = arith.constant 0 : i32
      %dma_wait3A_572 = arith.constant 0 : i32
      %dma_wait3A_573 = tpu.memref_slice %arg6[%dma_wait3A_569, %dma_wait3A_570, %dma_wait3A_571, %dma_wait3A_572] : memref<3x2x100x128xf32, #tpu.memory_space<vmem>> -> memref<1x1x100x128xf32, #tpu.memory_space<vmem>>
      %dma_wait3A_574 = tpu.memref_squeeze %dma_wait3A_573 : memref<1x1x100x128xf32, #tpu.memory_space<vmem>> -> memref<100x128xf32, #tpu.memory_space<vmem>>
      %dma_wait3A_575 = arith.constant 0 : i32
      %dma_wait3A_576 = tpu.memref_slice %arg5[%add3A_554, %dma_wait3A_568, %dma_wait3A_575] : memref<128x2x100xi32, #tpu.memory_space<vmem>> -> memref<1x1x100xi32, #tpu.memory_space<vmem>>
      %dma_wait3A_577 = tpu.memref_squeeze %dma_wait3A_576 : memref<1x1x100xi32, #tpu.memory_space<vmem>> -> memref<100xi32, #tpu.memory_space<vmem>>
      %dma_wait3A_578 = arith.constant 0 : i32
      %dma_wait3A_579 = arith.constant 0 : i32
      %dma_wait3A_580 = tpu.memref_slice %arg3[%dma_wait3A_578, %dma_wait3A_579] : memref<100000x128xf32, #tpu.memory_space<hbm>> -> memref<100000x128xf32, #tpu.memory_space<hbm>>
      tpu.wait_indirect_dma semaphore(%arg10 : memref<!tpu.dma_semaphore, #tpu.memory_space<semaphore_mem>>) src(%dma_wait3A_580 : memref<100000x128xf32, #tpu.memory_space<hbm>>) dst(%dma_wait3A_574 : memref<100x128xf32, #tpu.memory_space<vmem>>)
      %broadcast_in_dim3A_581 = arith.constant 0.000000e+00 : f32
      %broadcast_in_dim3A_582 = vector.broadcast %broadcast_in_dim3A_581 : f32 to vector<16xf32>
      %broadcast_in_dim3A_583 = arith.constant 0.000000e+00 : f32
      %broadcast_in_dim3A_584 = vector.broadcast %broadcast_in_dim3A_583 : f32 to vector<16xf32>
      %broadcast_in_dim3A_585 = arith.constant 0.000000e+00 : f32
      %broadcast_in_dim3A_586 = vector.broadcast %broadcast_in_dim3A_585 : f32 to vector<16xf32>
      %broadcast_in_dim3A_587 = arith.constant 0.000000e+00 : f32
      %broadcast_in_dim3A_588 = vector.broadcast %broadcast_in_dim3A_587 : f32 to vector<16xf32>
      %broadcast_in_dim3A_589 = arith.constant 0.000000e+00 : f32
      %broadcast_in_dim3A_590 = vector.broadcast %broadcast_in_dim3A_589 : f32 to vector<16xf32>
      %broadcast_in_dim3A_591 = arith.constant 0.000000e+00 : f32
      %broadcast_in_dim3A_592 = vector.broadcast %broadcast_in_dim3A_591 : f32 to vector<16xf32>
      %broadcast_in_dim3A_593 = arith.constant 0.000000e+00 : f32
      %broadcast_in_dim3A_594 = vector.broadcast %broadcast_in_dim3A_593 : f32 to vector<16xf32>
      %broadcast_in_dim3A_595 = arith.constant 0.000000e+00 : f32
      %broadcast_in_dim3A_596 = vector.broadcast %broadcast_in_dim3A_595 : f32 to vector<16xf32>
      %scan3A_597 = arith.constant 0 : i32
      %scan3A_598 = arith.constant 25 : i32
      %scan3A_599 = arith.addi %scan3A_597, %scan3A_598 : i32
      %scan3A_600 = arith.constant 1 : i32
      %scan3A_601:8 = scf.for %scan3A_652 = %scan3A_597 to %scan3A_599 step %scan3A_600 iter_args(%scan3A_653 = %broadcast_in_dim3A_582, %scan3A_654 = %broadcast_in_dim3A_584, %scan3A_655 = %broadcast_in_dim3A_586, %scan3A_656 = %broadcast_in_dim3A_588, %scan3A_657 = %broadcast_in_dim3A_590, %scan3A_658 = %broadcast_in_dim3A_592, %scan3A_659 = %broadcast_in_dim3A_594, %scan3A_660 = %broadcast_in_dim3A_596) -> (vector<16xf32>, vector<16xf32>, vector<16xf32>, vector<16xf32>, vector<16xf32>, vector<16xf32>, vector<16xf32>, vector<16xf32>)  : i32 {
        %mul3A_661 = arith.constant 4 : i32
        %mul3A_662 = arith.muli %mul3A_661, %scan3A_652 : i32
        %add3A_663 = arith.constant 0 : i32
        %add3A_664 = arith.addi %mul3A_662, %add3A_663 : i32
        %get3A = arith.constant 2 : i32
        %get3A_665 = arith.constant 0 : i32
        %get3A_666 = arith.index_cast %get3A : i32 to index
        %get3A_667 = arith.index_cast %get3A_665 : i32 to index
        %get3A_668 = arith.index_cast %add3A_664 : i32 to index
        %get3A_669 = arith.constant 0 : index
        %get3A_670 = tpu.vector_load %arg6[%get3A_666, %get3A_667, %get3A_668, %get3A_669] {strides = array<i32>} : memref<3x2x100x128xf32, #tpu.memory_space<vmem>>, vector<1x1x1x16xf32>,
        %get3A_671 = vector.shape_cast %get3A_670 : vector<1x1x1x16xf32> to vector<16xf32>
        %add3A_672 = arith.addf %scan3A_653, %get3A_671 : vector<16xf32>
        %mul3A_673 = arith.constant 4 : i32
        %mul3A_674 = arith.muli %mul3A_673, %scan3A_652 : i32
        %add3A_675 = arith.constant 0 : i32
        %add3A_676 = arith.addi %mul3A_674, %add3A_675 : i32
        %get3A_677 = arith.constant 2 : i32
        %get3A_678 = arith.constant 0 : i32
        %get3A_679 = arith.index_cast %get3A_677 : i32 to index
        %get3A_680 = arith.index_cast %get3A_678 : i32 to index
        %get3A_681 = arith.index_cast %add3A_676 : i32 to index
        %get3A_682 = arith.constant 16 : index
        %get3A_683 = tpu.vector_load %arg6[%get3A_679, %get3A_680, %get3A_681, %get3A_682] {strides = array<i32>} : memref<3x2x100x128xf32, #tpu.memory_space<vmem>>, vector<1x1x1x16xf32>,
        %get3A_684 = vector.shape_cast %get3A_683 : vector<1x1x1x16xf32> to vector<16xf32>
        %add3A_685 = arith.addf %scan3A_654, %get3A_684 : vector<16xf32>
        %mul3A_686 = arith.constant 4 : i32
        %mul3A_687 = arith.muli %mul3A_686, %scan3A_652 : i32
        %add3A_688 = arith.constant 0 : i32
        %add3A_689 = arith.addi %mul3A_687, %add3A_688 : i32
        %get3A_690 = arith.constant 2 : i32
        %get3A_691 = arith.constant 0 : i32
        %get3A_692 = arith.index_cast %get3A_690 : i32 to index
        %get3A_693 = arith.index_cast %get3A_691 : i32 to index
        %get3A_694 = arith.index_cast %add3A_689 : i32 to index
        %get3A_695 = arith.constant 32 : index
        %get3A_696 = tpu.vector_load %arg6[%get3A_692, %get3A_693, %get3A_694, %get3A_695] {strides = array<i32>} : memref<3x2x100x128xf32, #tpu.memory_space<vmem>>, vector<1x1x1x16xf32>,
        %get3A_697 = vector.shape_cast %get3A_696 : vector<1x1x1x16xf32> to vector<16xf32>
        %add3A_698 = arith.addf %scan3A_655, %get3A_697 : vector<16xf32>
        %mul3A_699 = arith.constant 4 : i32
        %mul3A_700 = arith.muli %mul3A_699, %scan3A_652 : i32
        %add3A_701 = arith.constant 0 : i32
        %add3A_702 = arith.addi %mul3A_700, %add3A_701 : i32
        %get3A_703 = arith.constant 2 : i32
        %get3A_704 = arith.constant 0 : i32
        %get3A_705 = arith.index_cast %get3A_703 : i32 to index
        %get3A_706 = arith.index_cast %get3A_704 : i32 to index
        %get3A_707 = arith.index_cast %add3A_702 : i32 to index
        %get3A_708 = arith.constant 48 : index
        %get3A_709 = tpu.vector_load %arg6[%get3A_705, %get3A_706, %get3A_707, %get3A_708] {strides = array<i32>} : memref<3x2x100x128xf32, #tpu.memory_space<vmem>>, vector<1x1x1x16xf32>,
        %get3A_710 = vector.shape_cast %get3A_709 : vector<1x1x1x16xf32> to vector<16xf32>
        %add3A_711 = arith.addf %scan3A_656, %get3A_710 : vector<16xf32>
        %mul3A_712 = arith.constant 4 : i32
        %mul3A_713 = arith.muli %mul3A_712, %scan3A_652 : i32
        %add3A_714 = arith.constant 0 : i32
        %add3A_715 = arith.addi %mul3A_713, %add3A_714 : i32
        %get3A_716 = arith.constant 2 : i32
        %get3A_717 = arith.constant 0 : i32
        %get3A_718 = arith.index_cast %get3A_716 : i32 to index
        %get3A_719 = arith.index_cast %get3A_717 : i32 to index
        %get3A_720 = arith.index_cast %add3A_715 : i32 to index
        %get3A_721 = arith.constant 64 : index
        %get3A_722 = tpu.vector_load %arg6[%get3A_718, %get3A_719, %get3A_720, %get3A_721] {strides = array<i32>} : memref<3x2x100x128xf32, #tpu.memory_space<vmem>>, vector<1x1x1x16xf32>,
        %get3A_723 = vector.shape_cast %get3A_722 : vector<1x1x1x16xf32> to vector<16xf32>
        %add3A_724 = arith.addf %scan3A_657, %get3A_723 : vector<16xf32>
        %mul3A_725 = arith.constant 4 : i32
        %mul3A_726 = arith.muli %mul3A_725, %scan3A_652 : i32
        %add3A_727 = arith.constant 0 : i32
        %add3A_728 = arith.addi %mul3A_726, %add3A_727 : i32
        %get3A_729 = arith.constant 2 : i32
        %get3A_730 = arith.constant 0 : i32
        %get3A_731 = arith.index_cast %get3A_729 : i32 to index
        %get3A_732 = arith.index_cast %get3A_730 : i32 to index
        %get3A_733 = arith.index_cast %add3A_728 : i32 to index
        %get3A_734 = arith.constant 80 : index
        %get3A_735 = tpu.vector_load %arg6[%get3A_731, %get3A_732, %get3A_733, %get3A_734] {strides = array<i32>} : memref<3x2x100x128xf32, #tpu.memory_space<vmem>>, vector<1x1x1x16xf32>,
        %get3A_736 = vector.shape_cast %get3A_735 : vector<1x1x1x16xf32> to vector<16xf32>
        %add3A_737 = arith.addf %scan3A_658, %get3A_736 : vector<16xf32>
        %mul3A_738 = arith.constant 4 : i32
        %mul3A_739 = arith.muli %mul3A_738, %scan3A_652 : i32
        %add3A_740 = arith.constant 0 : i32
        %add3A_741 = arith.addi %mul3A_739, %add3A_740 : i32
        %get3A_742 = arith.constant 2 : i32
        %get3A_743 = arith.constant 0 : i32
        %get3A_744 = arith.index_cast %get3A_742 : i32 to index
        %get3A_745 = arith.index_cast %get3A_743 : i32 to index
        %get3A_746 = arith.index_cast %add3A_741 : i32 to index
        %get3A_747 = arith.constant 96 : index
        %get3A_748 = tpu.vector_load %arg6[%get3A_744, %get3A_745, %get3A_746, %get3A_747] {strides = array<i32>} : memref<3x2x100x128xf32, #tpu.memory_space<vmem>>, vector<1x1x1x16xf32>,
        %get3A_749 = vector.shape_cast %get3A_748 : vector<1x1x1x16xf32> to vector<16xf32>
        %add3A_750 = arith.addf %scan3A_659, %get3A_749 : vector<16xf32>
        %mul3A_751 = arith.constant 4 : i32
        %mul3A_752 = arith.muli %mul3A_751, %scan3A_652 : i32
        %add3A_753 = arith.constant 0 : i32
        %add3A_754 = arith.addi %mul3A_752, %add3A_753 : i32
        %get3A_755 = arith.constant 2 : i32
        %get3A_756 = arith.constant 0 : i32
        %get3A_757 = arith.index_cast %get3A_755 : i32 to index
        %get3A_758 = arith.index_cast %get3A_756 : i32 to index
        %get3A_759 = arith.index_cast %add3A_754 : i32 to index
        %get3A_760 = arith.constant 112 : index
        %get3A_761 = tpu.vector_load %arg6[%get3A_757, %get3A_758, %get3A_759, %get3A_760] {strides = array<i32>} : memref<3x2x100x128xf32, #tpu.memory_space<vmem>>, vector<1x1x1x16xf32>,
        %get3A_762 = vector.shape_cast %get3A_761 : vector<1x1x1x16xf32> to vector<16xf32>
        %add3A_763 = arith.addf %scan3A_660, %get3A_762 : vector<16xf32>
        %mul3A_764 = arith.constant 4 : i32
        %mul3A_765 = arith.muli %mul3A_764, %scan3A_652 : i32
        %add3A_766 = arith.constant 1 : i32
        %add3A_767 = arith.addi %mul3A_765, %add3A_766 : i32
        %get3A_768 = arith.constant 2 : i32
        %get3A_769 = arith.constant 0 : i32
        %get3A_770 = arith.index_cast %get3A_768 : i32 to index
        %get3A_771 = arith.index_cast %get3A_769 : i32 to index
        %get3A_772 = arith.index_cast %add3A_767 : i32 to index
        %get3A_773 = arith.constant 0 : index
        %get3A_774 = tpu.vector_load %arg6[%get3A_770, %get3A_771, %get3A_772, %get3A_773] {strides = array<i32>} : memref<3x2x100x128xf32, #tpu.memory_space<vmem>>, vector<1x1x1x16xf32>,
        %get3A_775 = vector.shape_cast %get3A_774 : vector<1x1x1x16xf32> to vector<16xf32>
        %add3A_776 = arith.addf %add3A_672, %get3A_775 : vector<16xf32>
        %mul3A_777 = arith.constant 4 : i32
        %mul3A_778 = arith.muli %mul3A_777, %scan3A_652 : i32
        %add3A_779 = arith.constant 1 : i32
        %add3A_780 = arith.addi %mul3A_778, %add3A_779 : i32
        %get3A_781 = arith.constant 2 : i32
        %get3A_782 = arith.constant 0 : i32
        %get3A_783 = arith.index_cast %get3A_781 : i32 to index
        %get3A_784 = arith.index_cast %get3A_782 : i32 to index
        %get3A_785 = arith.index_cast %add3A_780 : i32 to index
        %get3A_786 = arith.constant 16 : index
        %get3A_787 = tpu.vector_load %arg6[%get3A_783, %get3A_784, %get3A_785, %get3A_786] {strides = array<i32>} : memref<3x2x100x128xf32, #tpu.memory_space<vmem>>, vector<1x1x1x16xf32>,
        %get3A_788 = vector.shape_cast %get3A_787 : vector<1x1x1x16xf32> to vector<16xf32>
        %add3A_789 = arith.addf %add3A_685, %get3A_788 : vector<16xf32>
        %mul3A_790 = arith.constant 4 : i32
        %mul3A_791 = arith.muli %mul3A_790, %scan3A_652 : i32
        %add3A_792 = arith.constant 1 : i32
        %add3A_793 = arith.addi %mul3A_791, %add3A_792 : i32
        %get3A_794 = arith.constant 2 : i32
        %get3A_795 = arith.constant 0 : i32
        %get3A_796 = arith.index_cast %get3A_794 : i32 to index
        %get3A_797 = arith.index_cast %get3A_795 : i32 to index
        %get3A_798 = arith.index_cast %add3A_793 : i32 to index
        %get3A_799 = arith.constant 32 : index
        %get3A_800 = tpu.vector_load %arg6[%get3A_796, %get3A_797, %get3A_798, %get3A_799] {strides = array<i32>} : memref<3x2x100x128xf32, #tpu.memory_space<vmem>>, vector<1x1x1x16xf32>,
        %get3A_801 = vector.shape_cast %get3A_800 : vector<1x1x1x16xf32> to vector<16xf32>
        %add3A_802 = arith.addf %add3A_698, %get3A_801 : vector<16xf32>
        %mul3A_803 = arith.constant 4 : i32
        %mul3A_804 = arith.muli %mul3A_803, %scan3A_652 : i32
        %add3A_805 = arith.constant 1 : i32
        %add3A_806 = arith.addi %mul3A_804, %add3A_805 : i32
        %get3A_807 = arith.constant 2 : i32
        %get3A_808 = arith.constant 0 : i32
        %get3A_809 = arith.index_cast %get3A_807 : i32 to index
        %get3A_810 = arith.index_cast %get3A_808 : i32 to index
        %get3A_811 = arith.index_cast %add3A_806 : i32 to index
        %get3A_812 = arith.constant 48 : index
        %get3A_813 = tpu.vector_load %arg6[%get3A_809, %get3A_810, %get3A_811, %get3A_812] {strides = array<i32>} : memref<3x2x100x128xf32, #tpu.memory_space<vmem>>, vector<1x1x1x16xf32>,
        %get3A_814 = vector.shape_cast %get3A_813 : vector<1x1x1x16xf32> to vector<16xf32>
        %add3A_815 = arith.addf %add3A_711, %get3A_814 : vector<16xf32>
        %mul3A_816 = arith.constant 4 : i32
        %mul3A_817 = arith.muli %mul3A_816, %scan3A_652 : i32
        %add3A_818 = arith.constant 1 : i32
        %add3A_819 = arith.addi %mul3A_817, %add3A_818 : i32
        %get3A_820 = arith.constant 2 : i32
        %get3A_821 = arith.constant 0 : i32
        %get3A_822 = arith.index_cast %get3A_820 : i32 to index
        %get3A_823 = arith.index_cast %get3A_821 : i32 to index
        %get3A_824 = arith.index_cast %add3A_819 : i32 to index
        %get3A_825 = arith.constant 64 : index
        %get3A_826 = tpu.vector_load %arg6[%get3A_822, %get3A_823, %get3A_824, %get3A_825] {strides = array<i32>} : memref<3x2x100x128xf32, #tpu.memory_space<vmem>>, vector<1x1x1x16xf32>,
        %get3A_827 = vector.shape_cast %get3A_826 : vector<1x1x1x16xf32> to vector<16xf32>
        %add3A_828 = arith.addf %add3A_724, %get3A_827 : vector<16xf32>
        %mul3A_829 = arith.constant 4 : i32
        %mul3A_830 = arith.muli %mul3A_829, %scan3A_652 : i32
        %add3A_831 = arith.constant 1 : i32
        %add3A_832 = arith.addi %mul3A_830, %add3A_831 : i32
        %get3A_833 = arith.constant 2 : i32
        %get3A_834 = arith.constant 0 : i32
        %get3A_835 = arith.index_cast %get3A_833 : i32 to index
        %get3A_836 = arith.index_cast %get3A_834 : i32 to index
        %get3A_837 = arith.index_cast %add3A_832 : i32 to index
        %get3A_838 = arith.constant 80 : index
        %get3A_839 = tpu.vector_load %arg6[%get3A_835, %get3A_836, %get3A_837, %get3A_838] {strides = array<i32>} : memref<3x2x100x128xf32, #tpu.memory_space<vmem>>, vector<1x1x1x16xf32>,
        %get3A_840 = vector.shape_cast %get3A_839 : vector<1x1x1x16xf32> to vector<16xf32>
        %add3A_841 = arith.addf %add3A_737, %get3A_840 : vector<16xf32>
        %mul3A_842 = arith.constant 4 : i32
        %mul3A_843 = arith.muli %mul3A_842, %scan3A_652 : i32
        %add3A_844 = arith.constant 1 : i32
        %add3A_845 = arith.addi %mul3A_843, %add3A_844 : i32
        %get3A_846 = arith.constant 2 : i32
        %get3A_847 = arith.constant 0 : i32
        %get3A_848 = arith.index_cast %get3A_846 : i32 to index
        %get3A_849 = arith.index_cast %get3A_847 : i32 to index
        %get3A_850 = arith.index_cast %add3A_845 : i32 to index
        %get3A_851 = arith.constant 96 : index
        %get3A_852 = tpu.vector_load %arg6[%get3A_848, %get3A_849, %get3A_850, %get3A_851] {strides = array<i32>} : memref<3x2x100x128xf32, #tpu.memory_space<vmem>>, vector<1x1x1x16xf32>,
        %get3A_853 = vector.shape_cast %get3A_852 : vector<1x1x1x16xf32> to vector<16xf32>
        %add3A_854 = arith.addf %add3A_750, %get3A_853 : vector<16xf32>
        %mul3A_855 = arith.constant 4 : i32
        %mul3A_856 = arith.muli %mul3A_855, %scan3A_652 : i32
        %add3A_857 = arith.constant 1 : i32
        %add3A_858 = arith.addi %mul3A_856, %add3A_857 : i32
        %get3A_859 = arith.constant 2 : i32
        %get3A_860 = arith.constant 0 : i32
        %get3A_861 = arith.index_cast %get3A_859 : i32 to index
        %get3A_862 = arith.index_cast %get3A_860 : i32 to index
        %get3A_863 = arith.index_cast %add3A_858 : i32 to index
        %get3A_864 = arith.constant 112 : index
        %get3A_865 = tpu.vector_load %arg6[%get3A_861, %get3A_862, %get3A_863, %get3A_864] {strides = array<i32>} : memref<3x2x100x128xf32, #tpu.memory_space<vmem>>, vector<1x1x1x16xf32>,
        %get3A_866 = vector.shape_cast %get3A_865 : vector<1x1x1x16xf32> to vector<16xf32>
        %add3A_867 = arith.addf %add3A_763, %get3A_866 : vector<16xf32>
        %mul3A_868 = arith.constant 4 : i32
        %mul3A_869 = arith.muli %mul3A_868, %scan3A_652 : i32
        %add3A_870 = arith.constant 2 : i32
        %add3A_871 = arith.addi %mul3A_869, %add3A_870 : i32
        %get3A_872 = arith.constant 2 : i32
        %get3A_873 = arith.constant 0 : i32
        %get3A_874 = arith.index_cast %get3A_872 : i32 to index
        %get3A_875 = arith.index_cast %get3A_873 : i32 to index
        %get3A_876 = arith.index_cast %add3A_871 : i32 to index
        %get3A_877 = arith.constant 0 : index
        %get3A_878 = tpu.vector_load %arg6[%get3A_874, %get3A_875, %get3A_876, %get3A_877] {strides = array<i32>} : memref<3x2x100x128xf32, #tpu.memory_space<vmem>>, vector<1x1x1x16xf32>,
        %get3A_879 = vector.shape_cast %get3A_878 : vector<1x1x1x16xf32> to vector<16xf32>
        %add3A_880 = arith.addf %add3A_776, %get3A_879 : vector<16xf32>
        %mul3A_881 = arith.constant 4 : i32
        %mul3A_882 = arith.muli %mul3A_881, %scan3A_652 : i32
        %add3A_883 = arith.constant 2 : i32
        %add3A_884 = arith.addi %mul3A_882, %add3A_883 : i32
        %get3A_885 = arith.constant 2 : i32
        %get3A_886 = arith.constant 0 : i32
        %get3A_887 = arith.index_cast %get3A_885 : i32 to index
        %get3A_888 = arith.index_cast %get3A_886 : i32 to index
        %get3A_889 = arith.index_cast %add3A_884 : i32 to index
        %get3A_890 = arith.constant 16 : index
        %get3A_891 = tpu.vector_load %arg6[%get3A_887, %get3A_888, %get3A_889, %get3A_890] {strides = array<i32>} : memref<3x2x100x128xf32, #tpu.memory_space<vmem>>, vector<1x1x1x16xf32>,
        %get3A_892 = vector.shape_cast %get3A_891 : vector<1x1x1x16xf32> to vector<16xf32>
        %add3A_893 = arith.addf %add3A_789, %get3A_892 : vector<16xf32>
        %mul3A_894 = arith.constant 4 : i32
        %mul3A_895 = arith.muli %mul3A_894, %scan3A_652 : i32
        %add3A_896 = arith.constant 2 : i32
        %add3A_897 = arith.addi %mul3A_895, %add3A_896 : i32
        %get3A_898 = arith.constant 2 : i32
        %get3A_899 = arith.constant 0 : i32
        %get3A_900 = arith.index_cast %get3A_898 : i32 to index
        %get3A_901 = arith.index_cast %get3A_899 : i32 to index
        %get3A_902 = arith.index_cast %add3A_897 : i32 to index
        %get3A_903 = arith.constant 32 : index
        %get3A_904 = tpu.vector_load %arg6[%get3A_900, %get3A_901, %get3A_902, %get3A_903] {strides = array<i32>} : memref<3x2x100x128xf32, #tpu.memory_space<vmem>>, vector<1x1x1x16xf32>,
        %get3A_905 = vector.shape_cast %get3A_904 : vector<1x1x1x16xf32> to vector<16xf32>
        %add3A_906 = arith.addf %add3A_802, %get3A_905 : vector<16xf32>
        %mul3A_907 = arith.constant 4 : i32
        %mul3A_908 = arith.muli %mul3A_907, %scan3A_652 : i32
        %add3A_909 = arith.constant 2 : i32
        %add3A_910 = arith.addi %mul3A_908, %add3A_909 : i32
        %get3A_911 = arith.constant 2 : i32
        %get3A_912 = arith.constant 0 : i32
        %get3A_913 = arith.index_cast %get3A_911 : i32 to index
        %get3A_914 = arith.index_cast %get3A_912 : i32 to index
        %get3A_915 = arith.index_cast %add3A_910 : i32 to index
        %get3A_916 = arith.constant 48 : index
        %get3A_917 = tpu.vector_load %arg6[%get3A_913, %get3A_914, %get3A_915, %get3A_916] {strides = array<i32>} : memref<3x2x100x128xf32, #tpu.memory_space<vmem>>, vector<1x1x1x16xf32>,
        %get3A_918 = vector.shape_cast %get3A_917 : vector<1x1x1x16xf32> to vector<16xf32>
        %add3A_919 = arith.addf %add3A_815, %get3A_918 : vector<16xf32>
        %mul3A_920 = arith.constant 4 : i32
        %mul3A_921 = arith.muli %mul3A_920, %scan3A_652 : i32
        %add3A_922 = arith.constant 2 : i32
        %add3A_923 = arith.addi %mul3A_921, %add3A_922 : i32
        %get3A_924 = arith.constant 2 : i32
        %get3A_925 = arith.constant 0 : i32
        %get3A_926 = arith.index_cast %get3A_924 : i32 to index
        %get3A_927 = arith.index_cast %get3A_925 : i32 to index
        %get3A_928 = arith.index_cast %add3A_923 : i32 to index
        %get3A_929 = arith.constant 64 : index
        %get3A_930 = tpu.vector_load %arg6[%get3A_926, %get3A_927, %get3A_928, %get3A_929] {strides = array<i32>} : memref<3x2x100x128xf32, #tpu.memory_space<vmem>>, vector<1x1x1x16xf32>,
        %get3A_931 = vector.shape_cast %get3A_930 : vector<1x1x1x16xf32> to vector<16xf32>
        %add3A_932 = arith.addf %add3A_828, %get3A_931 : vector<16xf32>
        %mul3A_933 = arith.constant 4 : i32
        %mul3A_934 = arith.muli %mul3A_933, %scan3A_652 : i32
        %add3A_935 = arith.constant 2 : i32
        %add3A_936 = arith.addi %mul3A_934, %add3A_935 : i32
        %get3A_937 = arith.constant 2 : i32
        %get3A_938 = arith.constant 0 : i32
        %get3A_939 = arith.index_cast %get3A_937 : i32 to index
        %get3A_940 = arith.index_cast %get3A_938 : i32 to index
        %get3A_941 = arith.index_cast %add3A_936 : i32 to index
        %get3A_942 = arith.constant 80 : index
        %get3A_943 = tpu.vector_load %arg6[%get3A_939, %get3A_940, %get3A_941, %get3A_942] {strides = array<i32>} : memref<3x2x100x128xf32, #tpu.memory_space<vmem>>, vector<1x1x1x16xf32>,
        %get3A_944 = vector.shape_cast %get3A_943 : vector<1x1x1x16xf32> to vector<16xf32>
        %add3A_945 = arith.addf %add3A_841, %get3A_944 : vector<16xf32>
        %mul3A_946 = arith.constant 4 : i32
        %mul3A_947 = arith.muli %mul3A_946, %scan3A_652 : i32
        %add3A_948 = arith.constant 2 : i32
        %add3A_949 = arith.addi %mul3A_947, %add3A_948 : i32
        %get3A_950 = arith.constant 2 : i32
        %get3A_951 = arith.constant 0 : i32
        %get3A_952 = arith.index_cast %get3A_950 : i32 to index
        %get3A_953 = arith.index_cast %get3A_951 : i32 to index
        %get3A_954 = arith.index_cast %add3A_949 : i32 to index
        %get3A_955 = arith.constant 96 : index
        %get3A_956 = tpu.vector_load %arg6[%get3A_952, %get3A_953, %get3A_954, %get3A_955] {strides = array<i32>} : memref<3x2x100x128xf32, #tpu.memory_space<vmem>>, vector<1x1x1x16xf32>,
        %get3A_957 = vector.shape_cast %get3A_956 : vector<1x1x1x16xf32> to vector<16xf32>
        %add3A_958 = arith.addf %add3A_854, %get3A_957 : vector<16xf32>
        %mul3A_959 = arith.constant 4 : i32
        %mul3A_960 = arith.muli %mul3A_959, %scan3A_652 : i32
        %add3A_961 = arith.constant 2 : i32
        %add3A_962 = arith.addi %mul3A_960, %add3A_961 : i32
        %get3A_963 = arith.constant 2 : i32
        %get3A_964 = arith.constant 0 : i32
        %get3A_965 = arith.index_cast %get3A_963 : i32 to index
        %get3A_966 = arith.index_cast %get3A_964 : i32 to index
        %get3A_967 = arith.index_cast %add3A_962 : i32 to index
        %get3A_968 = arith.constant 112 : index
        %get3A_969 = tpu.vector_load %arg6[%get3A_965, %get3A_966, %get3A_967, %get3A_968] {strides = array<i32>} : memref<3x2x100x128xf32, #tpu.memory_space<vmem>>, vector<1x1x1x16xf32>,
        %get3A_970 = vector.shape_cast %get3A_969 : vector<1x1x1x16xf32> to vector<16xf32>
        %add3A_971 = arith.addf %add3A_867, %get3A_970 : vector<16xf32>
        %mul3A_972 = arith.constant 4 : i32
        %mul3A_973 = arith.muli %mul3A_972, %scan3A_652 : i32
        %add3A_974 = arith.constant 3 : i32
        %add3A_975 = arith.addi %mul3A_973, %add3A_974 : i32
        %get3A_976 = arith.constant 2 : i32
        %get3A_977 = arith.constant 0 : i32
        %get3A_978 = arith.index_cast %get3A_976 : i32 to index
        %get3A_979 = arith.index_cast %get3A_977 : i32 to index
        %get3A_980 = arith.index_cast %add3A_975 : i32 to index
        %get3A_981 = arith.constant 0 : index
        %get3A_982 = tpu.vector_load %arg6[%get3A_978, %get3A_979, %get3A_980, %get3A_981] {strides = array<i32>} : memref<3x2x100x128xf32, #tpu.memory_space<vmem>>, vector<1x1x1x16xf32>,
        %get3A_983 = vector.shape_cast %get3A_982 : vector<1x1x1x16xf32> to vector<16xf32>
        %add3A_984 = arith.addf %add3A_880, %get3A_983 : vector<16xf32>
        %mul3A_985 = arith.constant 4 : i32
        %mul3A_986 = arith.muli %mul3A_985, %scan3A_652 : i32
        %add3A_987 = arith.constant 3 : i32
        %add3A_988 = arith.addi %mul3A_986, %add3A_987 : i32
        %get3A_989 = arith.constant 2 : i32
        %get3A_990 = arith.constant 0 : i32
        %get3A_991 = arith.index_cast %get3A_989 : i32 to index
        %get3A_992 = arith.index_cast %get3A_990 : i32 to index
        %get3A_993 = arith.index_cast %add3A_988 : i32 to index
        %get3A_994 = arith.constant 16 : index
        %get3A_995 = tpu.vector_load %arg6[%get3A_991, %get3A_992, %get3A_993, %get3A_994] {strides = array<i32>} : memref<3x2x100x128xf32, #tpu.memory_space<vmem>>, vector<1x1x1x16xf32>,
        %get3A_996 = vector.shape_cast %get3A_995 : vector<1x1x1x16xf32> to vector<16xf32>
        %add3A_997 = arith.addf %add3A_893, %get3A_996 : vector<16xf32>
        %mul3A_998 = arith.constant 4 : i32
        %mul3A_999 = arith.muli %mul3A_998, %scan3A_652 : i32
        %add3A_1000 = arith.constant 3 : i32
        %add3A_1001 = arith.addi %mul3A_999, %add3A_1000 : i32
        %get3A_1002 = arith.constant 2 : i32
        %get3A_1003 = arith.constant 0 : i32
        %get3A_1004 = arith.index_cast %get3A_1002 : i32 to index
        %get3A_1005 = arith.index_cast %get3A_1003 : i32 to index
        %get3A_1006 = arith.index_cast %add3A_1001 : i32 to index
        %get3A_1007 = arith.constant 32 : index
        %get3A_1008 = tpu.vector_load %arg6[%get3A_1004, %get3A_1005, %get3A_1006, %get3A_1007] {strides = array<i32>} : memref<3x2x100x128xf32, #tpu.memory_space<vmem>>, vector<1x1x1x16xf32>,
        %get3A_1009 = vector.shape_cast %get3A_1008 : vector<1x1x1x16xf32> to vector<16xf32>
        %add3A_1010 = arith.addf %add3A_906, %get3A_1009 : vector<16xf32>
        %mul3A_1011 = arith.constant 4 : i32
        %mul3A_1012 = arith.muli %mul3A_1011, %scan3A_652 : i32
        %add3A_1013 = arith.constant 3 : i32
        %add3A_1014 = arith.addi %mul3A_1012, %add3A_1013 : i32
        %get3A_1015 = arith.constant 2 : i32
        %get3A_1016 = arith.constant 0 : i32
        %get3A_1017 = arith.index_cast %get3A_1015 : i32 to index
        %get3A_1018 = arith.index_cast %get3A_1016 : i32 to index
        %get3A_1019 = arith.index_cast %add3A_1014 : i32 to index
        %get3A_1020 = arith.constant 48 : index
        %get3A_1021 = tpu.vector_load %arg6[%get3A_1017, %get3A_1018, %get3A_1019, %get3A_1020] {strides = array<i32>} : memref<3x2x100x128xf32, #tpu.memory_space<vmem>>, vector<1x1x1x16xf32>,
        %get3A_1022 = vector.shape_cast %get3A_1021 : vector<1x1x1x16xf32> to vector<16xf32>
        %add3A_1023 = arith.addf %add3A_919, %get3A_1022 : vector<16xf32>
        %mul3A_1024 = arith.constant 4 : i32
        %mul3A_1025 = arith.muli %mul3A_1024, %scan3A_652 : i32
        %add3A_1026 = arith.constant 3 : i32
        %add3A_1027 = arith.addi %mul3A_1025, %add3A_1026 : i32
        %get3A_1028 = arith.constant 2 : i32
        %get3A_1029 = arith.constant 0 : i32
        %get3A_1030 = arith.index_cast %get3A_1028 : i32 to index
        %get3A_1031 = arith.index_cast %get3A_1029 : i32 to index
        %get3A_1032 = arith.index_cast %add3A_1027 : i32 to index
        %get3A_1033 = arith.constant 64 : index
        %get3A_1034 = tpu.vector_load %arg6[%get3A_1030, %get3A_1031, %get3A_1032, %get3A_1033] {strides = array<i32>} : memref<3x2x100x128xf32, #tpu.memory_space<vmem>>, vector<1x1x1x16xf32>,
        %get3A_1035 = vector.shape_cast %get3A_1034 : vector<1x1x1x16xf32> to vector<16xf32>
        %add3A_1036 = arith.addf %add3A_932, %get3A_1035 : vector<16xf32>
        %mul3A_1037 = arith.constant 4 : i32
        %mul3A_1038 = arith.muli %mul3A_1037, %scan3A_652 : i32
        %add3A_1039 = arith.constant 3 : i32
        %add3A_1040 = arith.addi %mul3A_1038, %add3A_1039 : i32
        %get3A_1041 = arith.constant 2 : i32
        %get3A_1042 = arith.constant 0 : i32
        %get3A_1043 = arith.index_cast %get3A_1041 : i32 to index
        %get3A_1044 = arith.index_cast %get3A_1042 : i32 to index
        %get3A_1045 = arith.index_cast %add3A_1040 : i32 to index
        %get3A_1046 = arith.constant 80 : index
        %get3A_1047 = tpu.vector_load %arg6[%get3A_1043, %get3A_1044, %get3A_1045, %get3A_1046] {strides = array<i32>} : memref<3x2x100x128xf32, #tpu.memory_space<vmem>>, vector<1x1x1x16xf32>,
        %get3A_1048 = vector.shape_cast %get3A_1047 : vector<1x1x1x16xf32> to vector<16xf32>
        %add3A_1049 = arith.addf %add3A_945, %get3A_1048 : vector<16xf32>
        %mul3A_1050 = arith.constant 4 : i32
        %mul3A_1051 = arith.muli %mul3A_1050, %scan3A_652 : i32
        %add3A_1052 = arith.constant 3 : i32
        %add3A_1053 = arith.addi %mul3A_1051, %add3A_1052 : i32
        %get3A_1054 = arith.constant 2 : i32
        %get3A_1055 = arith.constant 0 : i32
        %get3A_1056 = arith.index_cast %get3A_1054 : i32 to index
        %get3A_1057 = arith.index_cast %get3A_1055 : i32 to index
        %get3A_1058 = arith.index_cast %add3A_1053 : i32 to index
        %get3A_1059 = arith.constant 96 : index
        %get3A_1060 = tpu.vector_load %arg6[%get3A_1056, %get3A_1057, %get3A_1058, %get3A_1059] {strides = array<i32>} : memref<3x2x100x128xf32, #tpu.memory_space<vmem>>, vector<1x1x1x16xf32>,
        %get3A_1061 = vector.shape_cast %get3A_1060 : vector<1x1x1x16xf32> to vector<16xf32>
        %add3A_1062 = arith.addf %add3A_958, %get3A_1061 : vector<16xf32>
        %mul3A_1063 = arith.constant 4 : i32
        %mul3A_1064 = arith.muli %mul3A_1063, %scan3A_652 : i32
        %add3A_1065 = arith.constant 3 : i32
        %add3A_1066 = arith.addi %mul3A_1064, %add3A_1065 : i32
        %get3A_1067 = arith.constant 2 : i32
        %get3A_1068 = arith.constant 0 : i32
        %get3A_1069 = arith.index_cast %get3A_1067 : i32 to index
        %get3A_1070 = arith.index_cast %get3A_1068 : i32 to index
        %get3A_1071 = arith.index_cast %add3A_1066 : i32 to index
        %get3A_1072 = arith.constant 112 : index
        %get3A_1073 = tpu.vector_load %arg6[%get3A_1069, %get3A_1070, %get3A_1071, %get3A_1072] {strides = array<i32>} : memref<3x2x100x128xf32, #tpu.memory_space<vmem>>, vector<1x1x1x16xf32>,
        %get3A_1074 = vector.shape_cast %get3A_1073 : vector<1x1x1x16xf32> to vector<16xf32>
        %add3A_1075 = arith.addf %add3A_971, %get3A_1074 : vector<16xf32>
        scf.yield %add3A_984, %add3A_997, %add3A_1010, %add3A_1023, %add3A_1036, %add3A_1049, %add3A_1062, %add3A_1075 : vector<16xf32>, vector<16xf32>, vector<16xf32>, vector<16xf32>, vector<16xf32>, vector<16xf32>, vector<16xf32>, vector<16xf32>
      }
      %scan3A_602 = arith.constant 25 : i32
      %scan3A_603 = arith.constant 0 : i32
      %scan3A_604 = arith.constant 25 : i32
      %scan3A_605 = arith.addi %scan3A_603, %scan3A_604 : i32
      %scan3A_606 = arith.constant 1 : i32
      %scan3A_607:8 = scf.for %scan3A_652 = %scan3A_603 to %scan3A_605 step %scan3A_606 iter_args(%scan3A_653 = %scan3A_601#0, %scan3A_654 = %scan3A_601#1, %scan3A_655 = %scan3A_601#2, %scan3A_656 = %scan3A_601#3, %scan3A_657 = %scan3A_601#4, %scan3A_658 = %scan3A_601#5, %scan3A_659 = %scan3A_601#6, %scan3A_660 = %scan3A_601#7) -> (vector<16xf32>, vector<16xf32>, vector<16xf32>, vector<16xf32>, vector<16xf32>, vector<16xf32>, vector<16xf32>, vector<16xf32>)  : i32 {
        %mul3A_661 = arith.constant 4 : i32
        %mul3A_662 = arith.muli %mul3A_661, %scan3A_652 : i32
        %add3A_663 = arith.constant 0 : i32
        %add3A_664 = arith.addi %mul3A_662, %add3A_663 : i32
        %get3A = arith.constant 2 : i32
        %get3A_665 = arith.constant 1 : i32
        %get3A_666 = arith.index_cast %get3A : i32 to index
        %get3A_667 = arith.index_cast %get3A_665 : i32 to index
        %get3A_668 = arith.index_cast %add3A_664 : i32 to index
        %get3A_669 = arith.constant 0 : index
        %get3A_670 = tpu.vector_load %arg6[%get3A_666, %get3A_667, %get3A_668, %get3A_669] {strides = array<i32>} : memref<3x2x100x128xf32, #tpu.memory_space<vmem>>, vector<1x1x1x16xf32>,
        %get3A_671 = vector.shape_cast %get3A_670 : vector<1x1x1x16xf32> to vector<16xf32>
        %add3A_672 = arith.addf %scan3A_653, %get3A_671 : vector<16xf32>
        %mul3A_673 = arith.constant 4 : i32
        %mul3A_674 = arith.muli %mul3A_673, %scan3A_652 : i32
        %add3A_675 = arith.constant 0 : i32
        %add3A_676 = arith.addi %mul3A_674, %add3A_675 : i32
        %get3A_677 = arith.constant 2 : i32
        %get3A_678 = arith.constant 1 : i32
        %get3A_679 = arith.index_cast %get3A_677 : i32 to index
        %get3A_680 = arith.index_cast %get3A_678 : i32 to index
        %get3A_681 = arith.index_cast %add3A_676 : i32 to index
        %get3A_682 = arith.constant 16 : index
        %get3A_683 = tpu.vector_load %arg6[%get3A_679, %get3A_680, %get3A_681, %get3A_682] {strides = array<i32>} : memref<3x2x100x128xf32, #tpu.memory_space<vmem>>, vector<1x1x1x16xf32>,
        %get3A_684 = vector.shape_cast %get3A_683 : vector<1x1x1x16xf32> to vector<16xf32>
        %add3A_685 = arith.addf %scan3A_654, %get3A_684 : vector<16xf32>
        %mul3A_686 = arith.constant 4 : i32
        %mul3A_687 = arith.muli %mul3A_686, %scan3A_652 : i32
        %add3A_688 = arith.constant 0 : i32
        %add3A_689 = arith.addi %mul3A_687, %add3A_688 : i32
        %get3A_690 = arith.constant 2 : i32
        %get3A_691 = arith.constant 1 : i32
        %get3A_692 = arith.index_cast %get3A_690 : i32 to index
        %get3A_693 = arith.index_cast %get3A_691 : i32 to index
        %get3A_694 = arith.index_cast %add3A_689 : i32 to index
        %get3A_695 = arith.constant 32 : index
        %get3A_696 = tpu.vector_load %arg6[%get3A_692, %get3A_693, %get3A_694, %get3A_695] {strides = array<i32>} : memref<3x2x100x128xf32, #tpu.memory_space<vmem>>, vector<1x1x1x16xf32>,
        %get3A_697 = vector.shape_cast %get3A_696 : vector<1x1x1x16xf32> to vector<16xf32>
        %add3A_698 = arith.addf %scan3A_655, %get3A_697 : vector<16xf32>
        %mul3A_699 = arith.constant 4 : i32
        %mul3A_700 = arith.muli %mul3A_699, %scan3A_652 : i32
        %add3A_701 = arith.constant 0 : i32
        %add3A_702 = arith.addi %mul3A_700, %add3A_701 : i32
        %get3A_703 = arith.constant 2 : i32
        %get3A_704 = arith.constant 1 : i32
        %get3A_705 = arith.index_cast %get3A_703 : i32 to index
        %get3A_706 = arith.index_cast %get3A_704 : i32 to index
        %get3A_707 = arith.index_cast %add3A_702 : i32 to index
        %get3A_708 = arith.constant 48 : index
        %get3A_709 = tpu.vector_load %arg6[%get3A_705, %get3A_706, %get3A_707, %get3A_708] {strides = array<i32>} : memref<3x2x100x128xf32, #tpu.memory_space<vmem>>, vector<1x1x1x16xf32>,
        %get3A_710 = vector.shape_cast %get3A_709 : vector<1x1x1x16xf32> to vector<16xf32>
        %add3A_711 = arith.addf %scan3A_656, %get3A_710 : vector<16xf32>
        %mul3A_712 = arith.constant 4 : i32
        %mul3A_713 = arith.muli %mul3A_712, %scan3A_652 : i32
        %add3A_714 = arith.constant 0 : i32
        %add3A_715 = arith.addi %mul3A_713, %add3A_714 : i32
        %get3A_716 = arith.constant 2 : i32
        %get3A_717 = arith.constant 1 : i32
        %get3A_718 = arith.index_cast %get3A_716 : i32 to index
        %get3A_719 = arith.index_cast %get3A_717 : i32 to index
        %get3A_720 = arith.index_cast %add3A_715 : i32 to index
        %get3A_721 = arith.constant 64 : index
        %get3A_722 = tpu.vector_load %arg6[%get3A_718, %get3A_719, %get3A_720, %get3A_721] {strides = array<i32>} : memref<3x2x100x128xf32, #tpu.memory_space<vmem>>, vector<1x1x1x16xf32>,
        %get3A_723 = vector.shape_cast %get3A_722 : vector<1x1x1x16xf32> to vector<16xf32>
        %add3A_724 = arith.addf %scan3A_657, %get3A_723 : vector<16xf32>
        %mul3A_725 = arith.constant 4 : i32
        %mul3A_726 = arith.muli %mul3A_725, %scan3A_652 : i32
        %add3A_727 = arith.constant 0 : i32
        %add3A_728 = arith.addi %mul3A_726, %add3A_727 : i32
        %get3A_729 = arith.constant 2 : i32
        %get3A_730 = arith.constant 1 : i32
        %get3A_731 = arith.index_cast %get3A_729 : i32 to index
        %get3A_732 = arith.index_cast %get3A_730 : i32 to index
        %get3A_733 = arith.index_cast %add3A_728 : i32 to index
        %get3A_734 = arith.constant 80 : index
        %get3A_735 = tpu.vector_load %arg6[%get3A_731, %get3A_732, %get3A_733, %get3A_734] {strides = array<i32>} : memref<3x2x100x128xf32, #tpu.memory_space<vmem>>, vector<1x1x1x16xf32>,
        %get3A_736 = vector.shape_cast %get3A_735 : vector<1x1x1x16xf32> to vector<16xf32>
        %add3A_737 = arith.addf %scan3A_658, %get3A_736 : vector<16xf32>
        %mul3A_738 = arith.constant 4 : i32
        %mul3A_739 = arith.muli %mul3A_738, %scan3A_652 : i32
        %add3A_740 = arith.constant 0 : i32
        %add3A_741 = arith.addi %mul3A_739, %add3A_740 : i32
        %get3A_742 = arith.constant 2 : i32
        %get3A_743 = arith.constant 1 : i32
        %get3A_744 = arith.index_cast %get3A_742 : i32 to index
        %get3A_745 = arith.index_cast %get3A_743 : i32 to index
        %get3A_746 = arith.index_cast %add3A_741 : i32 to index
        %get3A_747 = arith.constant 96 : index
        %get3A_748 = tpu.vector_load %arg6[%get3A_744, %get3A_745, %get3A_746, %get3A_747] {strides = array<i32>} : memref<3x2x100x128xf32, #tpu.memory_space<vmem>>, vector<1x1x1x16xf32>,
        %get3A_749 = vector.shape_cast %get3A_748 : vector<1x1x1x16xf32> to vector<16xf32>
        %add3A_750 = arith.addf %scan3A_659, %get3A_749 : vector<16xf32>
        %mul3A_751 = arith.constant 4 : i32
        %mul3A_752 = arith.muli %mul3A_751, %scan3A_652 : i32
        %add3A_753 = arith.constant 0 : i32
        %add3A_754 = arith.addi %mul3A_752, %add3A_753 : i32
        %get3A_755 = arith.constant 2 : i32
        %get3A_756 = arith.constant 1 : i32
        %get3A_757 = arith.index_cast %get3A_755 : i32 to index
        %get3A_758 = arith.index_cast %get3A_756 : i32 to index
        %get3A_759 = arith.index_cast %add3A_754 : i32 to index
        %get3A_760 = arith.constant 112 : index
        %get3A_761 = tpu.vector_load %arg6[%get3A_757, %get3A_758, %get3A_759, %get3A_760] {strides = array<i32>} : memref<3x2x100x128xf32, #tpu.memory_space<vmem>>, vector<1x1x1x16xf32>,
        %get3A_762 = vector.shape_cast %get3A_761 : vector<1x1x1x16xf32> to vector<16xf32>
        %add3A_763 = arith.addf %scan3A_660, %get3A_762 : vector<16xf32>
        %mul3A_764 = arith.constant 4 : i32
        %mul3A_765 = arith.muli %mul3A_764, %scan3A_652 : i32
        %add3A_766 = arith.constant 1 : i32
        %add3A_767 = arith.addi %mul3A_765, %add3A_766 : i32
        %get3A_768 = arith.constant 2 : i32
        %get3A_769 = arith.constant 1 : i32
        %get3A_770 = arith.index_cast %get3A_768 : i32 to index
        %get3A_771 = arith.index_cast %get3A_769 : i32 to index
        %get3A_772 = arith.index_cast %add3A_767 : i32 to index
        %get3A_773 = arith.constant 0 : index
        %get3A_774 = tpu.vector_load %arg6[%get3A_770, %get3A_771, %get3A_772, %get3A_773] {strides = array<i32>} : memref<3x2x100x128xf32, #tpu.memory_space<vmem>>, vector<1x1x1x16xf32>,
        %get3A_775 = vector.shape_cast %get3A_774 : vector<1x1x1x16xf32> to vector<16xf32>
        %add3A_776 = arith.addf %add3A_672, %get3A_775 : vector<16xf32>
        %mul3A_777 = arith.constant 4 : i32
        %mul3A_778 = arith.muli %mul3A_777, %scan3A_652 : i32
        %add3A_779 = arith.constant 1 : i32
        %add3A_780 = arith.addi %mul3A_778, %add3A_779 : i32
        %get3A_781 = arith.constant 2 : i32
        %get3A_782 = arith.constant 1 : i32
        %get3A_783 = arith.index_cast %get3A_781 : i32 to index
        %get3A_784 = arith.index_cast %get3A_782 : i32 to index
        %get3A_785 = arith.index_cast %add3A_780 : i32 to index
        %get3A_786 = arith.constant 16 : index
        %get3A_787 = tpu.vector_load %arg6[%get3A_783, %get3A_784, %get3A_785, %get3A_786] {strides = array<i32>} : memref<3x2x100x128xf32, #tpu.memory_space<vmem>>, vector<1x1x1x16xf32>,
        %get3A_788 = vector.shape_cast %get3A_787 : vector<1x1x1x16xf32> to vector<16xf32>
        %add3A_789 = arith.addf %add3A_685, %get3A_788 : vector<16xf32>
        %mul3A_790 = arith.constant 4 : i32
        %mul3A_791 = arith.muli %mul3A_790, %scan3A_652 : i32
        %add3A_792 = arith.constant 1 : i32
        %add3A_793 = arith.addi %mul3A_791, %add3A_792 : i32
        %get3A_794 = arith.constant 2 : i32
        %get3A_795 = arith.constant 1 : i32
        %get3A_796 = arith.index_cast %get3A_794 : i32 to index
        %get3A_797 = arith.index_cast %get3A_795 : i32 to index
        %get3A_798 = arith.index_cast %add3A_793 : i32 to index
        %get3A_799 = arith.constant 32 : index
        %get3A_800 = tpu.vector_load %arg6[%get3A_796, %get3A_797, %get3A_798, %get3A_799] {strides = array<i32>} : memref<3x2x100x128xf32, #tpu.memory_space<vmem>>, vector<1x1x1x16xf32>,
        %get3A_801 = vector.shape_cast %get3A_800 : vector<1x1x1x16xf32> to vector<16xf32>
        %add3A_802 = arith.addf %add3A_698, %get3A_801 : vector<16xf32>
        %mul3A_803 = arith.constant 4 : i32
        %mul3A_804 = arith.muli %mul3A_803, %scan3A_652 : i32
        %add3A_805 = arith.constant 1 : i32
        %add3A_806 = arith.addi %mul3A_804, %add3A_805 : i32
        %get3A_807 = arith.constant 2 : i32
        %get3A_808 = arith.constant 1 : i32
        %get3A_809 = arith.index_cast %get3A_807 : i32 to index
        %get3A_810 = arith.index_cast %get3A_808 : i32 to index
        %get3A_811 = arith.index_cast %add3A_806 : i32 to index
        %get3A_812 = arith.constant 48 : index
        %get3A_813 = tpu.vector_load %arg6[%get3A_809, %get3A_810, %get3A_811, %get3A_812] {strides = array<i32>} : memref<3x2x100x128xf32, #tpu.memory_space<vmem>>, vector<1x1x1x16xf32>,
        %get3A_814 = vector.shape_cast %get3A_813 : vector<1x1x1x16xf32> to vector<16xf32>
        %add3A_815 = arith.addf %add3A_711, %get3A_814 : vector<16xf32>
        %mul3A_816 = arith.constant 4 : i32
        %mul3A_817 = arith.muli %mul3A_816, %scan3A_652 : i32
        %add3A_818 = arith.constant 1 : i32
        %add3A_819 = arith.addi %mul3A_817, %add3A_818 : i32
        %get3A_820 = arith.constant 2 : i32
        %get3A_821 = arith.constant 1 : i32
        %get3A_822 = arith.index_cast %get3A_820 : i32 to index
        %get3A_823 = arith.index_cast %get3A_821 : i32 to index
        %get3A_824 = arith.index_cast %add3A_819 : i32 to index
        %get3A_825 = arith.constant 64 : index
        %get3A_826 = tpu.vector_load %arg6[%get3A_822, %get3A_823, %get3A_824, %get3A_825] {strides = array<i32>} : memref<3x2x100x128xf32, #tpu.memory_space<vmem>>, vector<1x1x1x16xf32>,
        %get3A_827 = vector.shape_cast %get3A_826 : vector<1x1x1x16xf32> to vector<16xf32>
        %add3A_828 = arith.addf %add3A_724, %get3A_827 : vector<16xf32>
        %mul3A_829 = arith.constant 4 : i32
        %mul3A_830 = arith.muli %mul3A_829, %scan3A_652 : i32
        %add3A_831 = arith.constant 1 : i32
        %add3A_832 = arith.addi %mul3A_830, %add3A_831 : i32
        %get3A_833 = arith.constant 2 : i32
        %get3A_834 = arith.constant 1 : i32
        %get3A_835 = arith.index_cast %get3A_833 : i32 to index
        %get3A_836 = arith.index_cast %get3A_834 : i32 to index
        %get3A_837 = arith.index_cast %add3A_832 : i32 to index
        %get3A_838 = arith.constant 80 : index
        %get3A_839 = tpu.vector_load %arg6[%get3A_835, %get3A_836, %get3A_837, %get3A_838] {strides = array<i32>} : memref<3x2x100x128xf32, #tpu.memory_space<vmem>>, vector<1x1x1x16xf32>,
        %get3A_840 = vector.shape_cast %get3A_839 : vector<1x1x1x16xf32> to vector<16xf32>
        %add3A_841 = arith.addf %add3A_737, %get3A_840 : vector<16xf32>
        %mul3A_842 = arith.constant 4 : i32
        %mul3A_843 = arith.muli %mul3A_842, %scan3A_652 : i32
        %add3A_844 = arith.constant 1 : i32
        %add3A_845 = arith.addi %mul3A_843, %add3A_844 : i32
        %get3A_846 = arith.constant 2 : i32
        %get3A_847 = arith.constant 1 : i32
        %get3A_848 = arith.index_cast %get3A_846 : i32 to index
        %get3A_849 = arith.index_cast %get3A_847 : i32 to index
        %get3A_850 = arith.index_cast %add3A_845 : i32 to index
        %get3A_851 = arith.constant 96 : index
        %get3A_852 = tpu.vector_load %arg6[%get3A_848, %get3A_849, %get3A_850, %get3A_851] {strides = array<i32>} : memref<3x2x100x128xf32, #tpu.memory_space<vmem>>, vector<1x1x1x16xf32>,
        %get3A_853 = vector.shape_cast %get3A_852 : vector<1x1x1x16xf32> to vector<16xf32>
        %add3A_854 = arith.addf %add3A_750, %get3A_853 : vector<16xf32>
        %mul3A_855 = arith.constant 4 : i32
        %mul3A_856 = arith.muli %mul3A_855, %scan3A_652 : i32
        %add3A_857 = arith.constant 1 : i32
        %add3A_858 = arith.addi %mul3A_856, %add3A_857 : i32
        %get3A_859 = arith.constant 2 : i32
        %get3A_860 = arith.constant 1 : i32
        %get3A_861 = arith.index_cast %get3A_859 : i32 to index
        %get3A_862 = arith.index_cast %get3A_860 : i32 to index
        %get3A_863 = arith.index_cast %add3A_858 : i32 to index
        %get3A_864 = arith.constant 112 : index
        %get3A_865 = tpu.vector_load %arg6[%get3A_861, %get3A_862, %get3A_863, %get3A_864] {strides = array<i32>} : memref<3x2x100x128xf32, #tpu.memory_space<vmem>>, vector<1x1x1x16xf32>,
        %get3A_866 = vector.shape_cast %get3A_865 : vector<1x1x1x16xf32> to vector<16xf32>
        %add3A_867 = arith.addf %add3A_763, %get3A_866 : vector<16xf32>
        %mul3A_868 = arith.constant 4 : i32
        %mul3A_869 = arith.muli %mul3A_868, %scan3A_652 : i32
        %add3A_870 = arith.constant 2 : i32
        %add3A_871 = arith.addi %mul3A_869, %add3A_870 : i32
        %get3A_872 = arith.constant 2 : i32
        %get3A_873 = arith.constant 1 : i32
        %get3A_874 = arith.index_cast %get3A_872 : i32 to index
        %get3A_875 = arith.index_cast %get3A_873 : i32 to index
        %get3A_876 = arith.index_cast %add3A_871 : i32 to index
        %get3A_877 = arith.constant 0 : index
        %get3A_878 = tpu.vector_load %arg6[%get3A_874, %get3A_875, %get3A_876, %get3A_877] {strides = array<i32>} : memref<3x2x100x128xf32, #tpu.memory_space<vmem>>, vector<1x1x1x16xf32>,
        %get3A_879 = vector.shape_cast %get3A_878 : vector<1x1x1x16xf32> to vector<16xf32>
        %add3A_880 = arith.addf %add3A_776, %get3A_879 : vector<16xf32>
        %mul3A_881 = arith.constant 4 : i32
        %mul3A_882 = arith.muli %mul3A_881, %scan3A_652 : i32
        %add3A_883 = arith.constant 2 : i32
        %add3A_884 = arith.addi %mul3A_882, %add3A_883 : i32
        %get3A_885 = arith.constant 2 : i32
        %get3A_886 = arith.constant 1 : i32
        %get3A_887 = arith.index_cast %get3A_885 : i32 to index
        %get3A_888 = arith.index_cast %get3A_886 : i32 to index
        %get3A_889 = arith.index_cast %add3A_884 : i32 to index
        %get3A_890 = arith.constant 16 : index
        %get3A_891 = tpu.vector_load %arg6[%get3A_887, %get3A_888, %get3A_889, %get3A_890] {strides = array<i32>} : memref<3x2x100x128xf32, #tpu.memory_space<vmem>>, vector<1x1x1x16xf32>,
        %get3A_892 = vector.shape_cast %get3A_891 : vector<1x1x1x16xf32> to vector<16xf32>
        %add3A_893 = arith.addf %add3A_789, %get3A_892 : vector<16xf32>
        %mul3A_894 = arith.constant 4 : i32
        %mul3A_895 = arith.muli %mul3A_894, %scan3A_652 : i32
        %add3A_896 = arith.constant 2 : i32
        %add3A_897 = arith.addi %mul3A_895, %add3A_896 : i32
        %get3A_898 = arith.constant 2 : i32
        %get3A_899 = arith.constant 1 : i32
        %get3A_900 = arith.index_cast %get3A_898 : i32 to index
        %get3A_901 = arith.index_cast %get3A_899 : i32 to index
        %get3A_902 = arith.index_cast %add3A_897 : i32 to index
        %get3A_903 = arith.constant 32 : index
        %get3A_904 = tpu.vector_load %arg6[%get3A_900, %get3A_901, %get3A_902, %get3A_903] {strides = array<i32>} : memref<3x2x100x128xf32, #tpu.memory_space<vmem>>, vector<1x1x1x16xf32>,
        %get3A_905 = vector.shape_cast %get3A_904 : vector<1x1x1x16xf32> to vector<16xf32>
        %add3A_906 = arith.addf %add3A_802, %get3A_905 : vector<16xf32>
        %mul3A_907 = arith.constant 4 : i32
        %mul3A_908 = arith.muli %mul3A_907, %scan3A_652 : i32
        %add3A_909 = arith.constant 2 : i32
        %add3A_910 = arith.addi %mul3A_908, %add3A_909 : i32
        %get3A_911 = arith.constant 2 : i32
        %get3A_912 = arith.constant 1 : i32
        %get3A_913 = arith.index_cast %get3A_911 : i32 to index
        %get3A_914 = arith.index_cast %get3A_912 : i32 to index
        %get3A_915 = arith.index_cast %add3A_910 : i32 to index
        %get3A_916 = arith.constant 48 : index
        %get3A_917 = tpu.vector_load %arg6[%get3A_913, %get3A_914, %get3A_915, %get3A_916] {strides = array<i32>} : memref<3x2x100x128xf32, #tpu.memory_space<vmem>>, vector<1x1x1x16xf32>,
        %get3A_918 = vector.shape_cast %get3A_917 : vector<1x1x1x16xf32> to vector<16xf32>
        %add3A_919 = arith.addf %add3A_815, %get3A_918 : vector<16xf32>
        %mul3A_920 = arith.constant 4 : i32
        %mul3A_921 = arith.muli %mul3A_920, %scan3A_652 : i32
        %add3A_922 = arith.constant 2 : i32
        %add3A_923 = arith.addi %mul3A_921, %add3A_922 : i32
        %get3A_924 = arith.constant 2 : i32
        %get3A_925 = arith.constant 1 : i32
        %get3A_926 = arith.index_cast %get3A_924 : i32 to index
        %get3A_927 = arith.index_cast %get3A_925 : i32 to index
        %get3A_928 = arith.index_cast %add3A_923 : i32 to index
        %get3A_929 = arith.constant 64 : index
        %get3A_930 = tpu.vector_load %arg6[%get3A_926, %get3A_927, %get3A_928, %get3A_929] {strides = array<i32>} : memref<3x2x100x128xf32, #tpu.memory_space<vmem>>, vector<1x1x1x16xf32>,
        %get3A_931 = vector.shape_cast %get3A_930 : vector<1x1x1x16xf32> to vector<16xf32>
        %add3A_932 = arith.addf %add3A_828, %get3A_931 : vector<16xf32>
        %mul3A_933 = arith.constant 4 : i32
        %mul3A_934 = arith.muli %mul3A_933, %scan3A_652 : i32
        %add3A_935 = arith.constant 2 : i32
        %add3A_936 = arith.addi %mul3A_934, %add3A_935 : i32
        %get3A_937 = arith.constant 2 : i32
        %get3A_938 = arith.constant 1 : i32
        %get3A_939 = arith.index_cast %get3A_937 : i32 to index
        %get3A_940 = arith.index_cast %get3A_938 : i32 to index
        %get3A_941 = arith.index_cast %add3A_936 : i32 to index
        %get3A_942 = arith.constant 80 : index
        %get3A_943 = tpu.vector_load %arg6[%get3A_939, %get3A_940, %get3A_941, %get3A_942] {strides = array<i32>} : memref<3x2x100x128xf32, #tpu.memory_space<vmem>>, vector<1x1x1x16xf32>,
        %get3A_944 = vector.shape_cast %get3A_943 : vector<1x1x1x16xf32> to vector<16xf32>
        %add3A_945 = arith.addf %add3A_841, %get3A_944 : vector<16xf32>
        %mul3A_946 = arith.constant 4 : i32
        %mul3A_947 = arith.muli %mul3A_946, %scan3A_652 : i32
        %add3A_948 = arith.constant 2 : i32
        %add3A_949 = arith.addi %mul3A_947, %add3A_948 : i32
        %get3A_950 = arith.constant 2 : i32
        %get3A_951 = arith.constant 1 : i32
        %get3A_952 = arith.index_cast %get3A_950 : i32 to index
        %get3A_953 = arith.index_cast %get3A_951 : i32 to index
        %get3A_954 = arith.index_cast %add3A_949 : i32 to index
        %get3A_955 = arith.constant 96 : index
        %get3A_956 = tpu.vector_load %arg6[%get3A_952, %get3A_953, %get3A_954, %get3A_955] {strides = array<i32>} : memref<3x2x100x128xf32, #tpu.memory_space<vmem>>, vector<1x1x1x16xf32>,
        %get3A_957 = vector.shape_cast %get3A_956 : vector<1x1x1x16xf32> to vector<16xf32>
        %add3A_958 = arith.addf %add3A_854, %get3A_957 : vector<16xf32>
        %mul3A_959 = arith.constant 4 : i32
        %mul3A_960 = arith.muli %mul3A_959, %scan3A_652 : i32
        %add3A_961 = arith.constant 2 : i32
        %add3A_962 = arith.addi %mul3A_960, %add3A_961 : i32
        %get3A_963 = arith.constant 2 : i32
        %get3A_964 = arith.constant 1 : i32
        %get3A_965 = arith.index_cast %get3A_963 : i32 to index
        %get3A_966 = arith.index_cast %get3A_964 : i32 to index
        %get3A_967 = arith.index_cast %add3A_962 : i32 to index
        %get3A_968 = arith.constant 112 : index
        %get3A_969 = tpu.vector_load %arg6[%get3A_965, %get3A_966, %get3A_967, %get3A_968] {strides = array<i32>} : memref<3x2x100x128xf32, #tpu.memory_space<vmem>>, vector<1x1x1x16xf32>,
        %get3A_970 = vector.shape_cast %get3A_969 : vector<1x1x1x16xf32> to vector<16xf32>
        %add3A_971 = arith.addf %add3A_867, %get3A_970 : vector<16xf32>
        %mul3A_972 = arith.constant 4 : i32
        %mul3A_973 = arith.muli %mul3A_972, %scan3A_652 : i32
        %add3A_974 = arith.constant 3 : i32
        %add3A_975 = arith.addi %mul3A_973, %add3A_974 : i32
        %get3A_976 = arith.constant 2 : i32
        %get3A_977 = arith.constant 1 : i32
        %get3A_978 = arith.index_cast %get3A_976 : i32 to index
        %get3A_979 = arith.index_cast %get3A_977 : i32 to index
        %get3A_980 = arith.index_cast %add3A_975 : i32 to index
        %get3A_981 = arith.constant 0 : index
        %get3A_982 = tpu.vector_load %arg6[%get3A_978, %get3A_979, %get3A_980, %get3A_981] {strides = array<i32>} : memref<3x2x100x128xf32, #tpu.memory_space<vmem>>, vector<1x1x1x16xf32>,
        %get3A_983 = vector.shape_cast %get3A_982 : vector<1x1x1x16xf32> to vector<16xf32>
        %add3A_984 = arith.addf %add3A_880, %get3A_983 : vector<16xf32>
        %mul3A_985 = arith.constant 4 : i32
        %mul3A_986 = arith.muli %mul3A_985, %scan3A_652 : i32
        %add3A_987 = arith.constant 3 : i32
        %add3A_988 = arith.addi %mul3A_986, %add3A_987 : i32
        %get3A_989 = arith.constant 2 : i32
        %get3A_990 = arith.constant 1 : i32
        %get3A_991 = arith.index_cast %get3A_989 : i32 to index
        %get3A_992 = arith.index_cast %get3A_990 : i32 to index
        %get3A_993 = arith.index_cast %add3A_988 : i32 to index
        %get3A_994 = arith.constant 16 : index
        %get3A_995 = tpu.vector_load %arg6[%get3A_991, %get3A_992, %get3A_993, %get3A_994] {strides = array<i32>} : memref<3x2x100x128xf32, #tpu.memory_space<vmem>>, vector<1x1x1x16xf32>,
        %get3A_996 = vector.shape_cast %get3A_995 : vector<1x1x1x16xf32> to vector<16xf32>
        %add3A_997 = arith.addf %add3A_893, %get3A_996 : vector<16xf32>
        %mul3A_998 = arith.constant 4 : i32
        %mul3A_999 = arith.muli %mul3A_998, %scan3A_652 : i32
        %add3A_1000 = arith.constant 3 : i32
        %add3A_1001 = arith.addi %mul3A_999, %add3A_1000 : i32
        %get3A_1002 = arith.constant 2 : i32
        %get3A_1003 = arith.constant 1 : i32
        %get3A_1004 = arith.index_cast %get3A_1002 : i32 to index
        %get3A_1005 = arith.index_cast %get3A_1003 : i32 to index
        %get3A_1006 = arith.index_cast %add3A_1001 : i32 to index
        %get3A_1007 = arith.constant 32 : index
        %get3A_1008 = tpu.vector_load %arg6[%get3A_1004, %get3A_1005, %get3A_1006, %get3A_1007] {strides = array<i32>} : memref<3x2x100x128xf32, #tpu.memory_space<vmem>>, vector<1x1x1x16xf32>,
        %get3A_1009 = vector.shape_cast %get3A_1008 : vector<1x1x1x16xf32> to vector<16xf32>
        %add3A_1010 = arith.addf %add3A_906, %get3A_1009 : vector<16xf32>
        %mul3A_1011 = arith.constant 4 : i32
        %mul3A_1012 = arith.muli %mul3A_1011, %scan3A_652 : i32
        %add3A_1013 = arith.constant 3 : i32
        %add3A_1014 = arith.addi %mul3A_1012, %add3A_1013 : i32
        %get3A_1015 = arith.constant 2 : i32
        %get3A_1016 = arith.constant 1 : i32
        %get3A_1017 = arith.index_cast %get3A_1015 : i32 to index
        %get3A_1018 = arith.index_cast %get3A_1016 : i32 to index
        %get3A_1019 = arith.index_cast %add3A_1014 : i32 to index
        %get3A_1020 = arith.constant 48 : index
        %get3A_1021 = tpu.vector_load %arg6[%get3A_1017, %get3A_1018, %get3A_1019, %get3A_1020] {strides = array<i32>} : memref<3x2x100x128xf32, #tpu.memory_space<vmem>>, vector<1x1x1x16xf32>,
        %get3A_1022 = vector.shape_cast %get3A_1021 : vector<1x1x1x16xf32> to vector<16xf32>
        %add3A_1023 = arith.addf %add3A_919, %get3A_1022 : vector<16xf32>
        %mul3A_1024 = arith.constant 4 : i32
        %mul3A_1025 = arith.muli %mul3A_1024, %scan3A_652 : i32
        %add3A_1026 = arith.constant 3 : i32
        %add3A_1027 = arith.addi %mul3A_1025, %add3A_1026 : i32
        %get3A_1028 = arith.constant 2 : i32
        %get3A_1029 = arith.constant 1 : i32
        %get3A_1030 = arith.index_cast %get3A_1028 : i32 to index
        %get3A_1031 = arith.index_cast %get3A_1029 : i32 to index
        %get3A_1032 = arith.index_cast %add3A_1027 : i32 to index
        %get3A_1033 = arith.constant 64 : index
        %get3A_1034 = tpu.vector_load %arg6[%get3A_1030, %get3A_1031, %get3A_1032, %get3A_1033] {strides = array<i32>} : memref<3x2x100x128xf32, #tpu.memory_space<vmem>>, vector<1x1x1x16xf32>,
        %get3A_1035 = vector.shape_cast %get3A_1034 : vector<1x1x1x16xf32> to vector<16xf32>
        %add3A_1036 = arith.addf %add3A_932, %get3A_1035 : vector<16xf32>
        %mul3A_1037 = arith.constant 4 : i32
        %mul3A_1038 = arith.muli %mul3A_1037, %scan3A_652 : i32
        %add3A_1039 = arith.constant 3 : i32
        %add3A_1040 = arith.addi %mul3A_1038, %add3A_1039 : i32
        %get3A_1041 = arith.constant 2 : i32
        %get3A_1042 = arith.constant 1 : i32
        %get3A_1043 = arith.index_cast %get3A_1041 : i32 to index
        %get3A_1044 = arith.index_cast %get3A_1042 : i32 to index
        %get3A_1045 = arith.index_cast %add3A_1040 : i32 to index
        %get3A_1046 = arith.constant 80 : index
        %get3A_1047 = tpu.vector_load %arg6[%get3A_1043, %get3A_1044, %get3A_1045, %get3A_1046] {strides = array<i32>} : memref<3x2x100x128xf32, #tpu.memory_space<vmem>>, vector<1x1x1x16xf32>,
        %get3A_1048 = vector.shape_cast %get3A_1047 : vector<1x1x1x16xf32> to vector<16xf32>
        %add3A_1049 = arith.addf %add3A_945, %get3A_1048 : vector<16xf32>
        %mul3A_1050 = arith.constant 4 : i32
        %mul3A_1051 = arith.muli %mul3A_1050, %scan3A_652 : i32
        %add3A_1052 = arith.constant 3 : i32
        %add3A_1053 = arith.addi %mul3A_1051, %add3A_1052 : i32
        %get3A_1054 = arith.constant 2 : i32
        %get3A_1055 = arith.constant 1 : i32
        %get3A_1056 = arith.index_cast %get3A_1054 : i32 to index
        %get3A_1057 = arith.index_cast %get3A_1055 : i32 to index
        %get3A_1058 = arith.index_cast %add3A_1053 : i32 to index
        %get3A_1059 = arith.constant 96 : index
        %get3A_1060 = tpu.vector_load %arg6[%get3A_1056, %get3A_1057, %get3A_1058, %get3A_1059] {strides = array<i32>} : memref<3x2x100x128xf32, #tpu.memory_space<vmem>>, vector<1x1x1x16xf32>,
        %get3A_1061 = vector.shape_cast %get3A_1060 : vector<1x1x1x16xf32> to vector<16xf32>
        %add3A_1062 = arith.addf %add3A_958, %get3A_1061 : vector<16xf32>
        %mul3A_1063 = arith.constant 4 : i32
        %mul3A_1064 = arith.muli %mul3A_1063, %scan3A_652 : i32
        %add3A_1065 = arith.constant 3 : i32
        %add3A_1066 = arith.addi %mul3A_1064, %add3A_1065 : i32
        %get3A_1067 = arith.constant 2 : i32
        %get3A_1068 = arith.constant 1 : i32
        %get3A_1069 = arith.index_cast %get3A_1067 : i32 to index
        %get3A_1070 = arith.index_cast %get3A_1068 : i32 to index
        %get3A_1071 = arith.index_cast %add3A_1066 : i32 to index
        %get3A_1072 = arith.constant 112 : index
        %get3A_1073 = tpu.vector_load %arg6[%get3A_1069, %get3A_1070, %get3A_1071, %get3A_1072] {strides = array<i32>} : memref<3x2x100x128xf32, #tpu.memory_space<vmem>>, vector<1x1x1x16xf32>,
        %get3A_1074 = vector.shape_cast %get3A_1073 : vector<1x1x1x16xf32> to vector<16xf32>
        %add3A_1075 = arith.addf %add3A_971, %get3A_1074 : vector<16xf32>
        scf.yield %add3A_984, %add3A_997, %add3A_1010, %add3A_1023, %add3A_1036, %add3A_1049, %add3A_1062, %add3A_1075 : vector<16xf32>, vector<16xf32>, vector<16xf32>, vector<16xf32>, vector<16xf32>, vector<16xf32>, vector<16xf32>, vector<16xf32>
      }
      %scan3A_608 = arith.constant 25 : i32
      %swap3A_609 = arith.index_cast %add3A_554 : i32 to index
      %swap3A_610 = arith.constant 0 : index
      %swap3A_611 = tpu.vector_load %arg7[%swap3A_609, %swap3A_610] {strides = array<i32>} : memref<128x128xf32, #tpu.memory_space<vmem>>, vector<1x16xf32>,
      %swap3A_612 = vector.shape_cast %swap3A_611 : vector<1x16xf32> to vector<16xf32>
      %swap3A_613 = vector.shape_cast %scan3A_607#0 : vector<16xf32> to vector<1x16xf32>
      tpu.vector_store %arg7[%swap3A_609, %swap3A_610], %swap3A_613 {strides = array<i32>} : memref<128x128xf32, #tpu.memory_space<vmem>>, vector<1x16xf32>,
      %swap3A_614 = arith.index_cast %add3A_554 : i32 to index
      %swap3A_615 = arith.constant 16 : index
      %swap3A_616 = tpu.vector_load %arg7[%swap3A_614, %swap3A_615] {strides = array<i32>} : memref<128x128xf32, #tpu.memory_space<vmem>>, vector<1x16xf32>,
      %swap3A_617 = vector.shape_cast %swap3A_616 : vector<1x16xf32> to vector<16xf32>
      %swap3A_618 = vector.shape_cast %scan3A_607#1 : vector<16xf32> to vector<1x16xf32>
      tpu.vector_store %arg7[%swap3A_614, %swap3A_615], %swap3A_618 {strides = array<i32>} : memref<128x128xf32, #tpu.memory_space<vmem>>, vector<1x16xf32>,
      %swap3A_619 = arith.index_cast %add3A_554 : i32 to index
      %swap3A_620 = arith.constant 32 : index
      %swap3A_621 = tpu.vector_load %arg7[%swap3A_619, %swap3A_620] {strides = array<i32>} : memref<128x128xf32, #tpu.memory_space<vmem>>, vector<1x16xf32>,
      %swap3A_622 = vector.shape_cast %swap3A_621 : vector<1x16xf32> to vector<16xf32>
      %swap3A_623 = vector.shape_cast %scan3A_607#2 : vector<16xf32> to vector<1x16xf32>
      tpu.vector_store %arg7[%swap3A_619, %swap3A_620], %swap3A_623 {strides = array<i32>} : memref<128x128xf32, #tpu.memory_space<vmem>>, vector<1x16xf32>,
      %swap3A_624 = arith.index_cast %add3A_554 : i32 to index
      %swap3A_625 = arith.constant 48 : index
      %swap3A_626 = tpu.vector_load %arg7[%swap3A_624, %swap3A_625] {strides = array<i32>} : memref<128x128xf32, #tpu.memory_space<vmem>>, vector<1x16xf32>,
      %swap3A_627 = vector.shape_cast %swap3A_626 : vector<1x16xf32> to vector<16xf32>
      %swap3A_628 = vector.shape_cast %scan3A_607#3 : vector<16xf32> to vector<1x16xf32>
      tpu.vector_store %arg7[%swap3A_624, %swap3A_625], %swap3A_628 {strides = array<i32>} : memref<128x128xf32, #tpu.memory_space<vmem>>, vector<1x16xf32>,
      %swap3A_629 = arith.index_cast %add3A_554 : i32 to index
      %swap3A_630 = arith.constant 64 : index
      %swap3A_631 = tpu.vector_load %arg7[%swap3A_629, %swap3A_630] {strides = array<i32>} : memref<128x128xf32, #tpu.memory_space<vmem>>, vector<1x16xf32>,
      %swap3A_632 = vector.shape_cast %swap3A_631 : vector<1x16xf32> to vector<16xf32>
      %swap3A_633 = vector.shape_cast %scan3A_607#4 : vector<16xf32> to vector<1x16xf32>
      tpu.vector_store %arg7[%swap3A_629, %swap3A_630], %swap3A_633 {strides = array<i32>} : memref<128x128xf32, #tpu.memory_space<vmem>>, vector<1x16xf32>,
      %swap3A_634 = arith.index_cast %add3A_554 : i32 to index
      %swap3A_635 = arith.constant 80 : index
      %swap3A_636 = tpu.vector_load %arg7[%swap3A_634, %swap3A_635] {strides = array<i32>} : memref<128x128xf32, #tpu.memory_space<vmem>>, vector<1x16xf32>,
      %swap3A_637 = vector.shape_cast %swap3A_636 : vector<1x16xf32> to vector<16xf32>
      %swap3A_638 = vector.shape_cast %scan3A_607#5 : vector<16xf32> to vector<1x16xf32>
      tpu.vector_store %arg7[%swap3A_634, %swap3A_635], %swap3A_638 {strides = array<i32>} : memref<128x128xf32, #tpu.memory_space<vmem>>, vector<1x16xf32>,
      %swap3A_639 = arith.index_cast %add3A_554 : i32 to index
      %swap3A_640 = arith.constant 96 : index
      %swap3A_641 = tpu.vector_load %arg7[%swap3A_639, %swap3A_640] {strides = array<i32>} : memref<128x128xf32, #tpu.memory_space<vmem>>, vector<1x16xf32>,
      %swap3A_642 = vector.shape_cast %swap3A_641 : vector<1x16xf32> to vector<16xf32>
      %swap3A_643 = vector.shape_cast %scan3A_607#6 : vector<16xf32> to vector<1x16xf32>
      tpu.vector_store %arg7[%swap3A_639, %swap3A_640], %swap3A_643 {strides = array<i32>} : memref<128x128xf32, #tpu.memory_space<vmem>>, vector<1x16xf32>,
      %swap3A_644 = arith.index_cast %add3A_554 : i32 to index
      %swap3A_645 = arith.constant 112 : index
      %swap3A_646 = tpu.vector_load %arg7[%swap3A_644, %swap3A_645] {strides = array<i32>} : memref<128x128xf32, #tpu.memory_space<vmem>>, vector<1x16xf32>,
      %swap3A_647 = vector.shape_cast %swap3A_646 : vector<1x16xf32> to vector<16xf32>
      %swap3A_648 = vector.shape_cast %scan3A_607#7 : vector<16xf32> to vector<1x16xf32>
      tpu.vector_store %arg7[%swap3A_644, %swap3A_645], %swap3A_648 {strides = array<i32>} : memref<128x128xf32, #tpu.memory_space<vmem>>, vector<1x16xf32>,
      %le3A = arith.constant 40 : i32
      %le3A_649 = arith.cmpi sle, %scan3A_297, %le3A : i32
      %convert_element_type3A = arith.extui %le3A_649 : i1 to i32
      %cond3A = arith.constant 0 : i32
      %cond3A_650 = arith.cmpi ne, %convert_element_type3A, %cond3A : i32
      scf.if %cond3A_650 {
        %add3A_652 = arith.constant 3 : i32
        %add3A_653 = arith.addi %add3A_554, %add3A_652 : i32
        %dma_start3A_654 = arith.constant 0 : i32
        %dma_start3A_655 = arith.constant 2 : i32
        %dma_start3A_656 = arith.constant 0 : i32
        %dma_start3A_657 = arith.constant 0 : i32
        %dma_start3A_658 = arith.constant 0 : i32
        %dma_start3A_659 = tpu.memref_slice %arg6[%dma_start3A_655, %dma_start3A_656, %dma_start3A_657, %dma_start3A_658] : memref<3x2x100x128xf32, #tpu.memory_space<vmem>> -> memref<1x1x100x128xf32, #tpu.memory_space<vmem>>
        %dma_start3A_660 = tpu.memref_squeeze %dma_start3A_659 : memref<1x1x100x128xf32, #tpu.memory_space<vmem>> -> memref<100x128xf32, #tpu.memory_space<vmem>>
        %dma_start3A_661 = arith.constant 0 : i32
        %dma_start3A_662 = tpu.memref_slice %arg5[%add3A_653, %dma_start3A_654, %dma_start3A_661] : memref<128x2x100xi32, #tpu.memory_space<vmem>> -> memref<1x1x100xi32, #tpu.memory_space<vmem>>
        %dma_start3A_663 = tpu.memref_squeeze %dma_start3A_662 : memref<1x1x100xi32, #tpu.memory_space<vmem>> -> memref<100xi32, #tpu.memory_space<vmem>>
        %dma_start3A_664 = arith.constant 0 : i32
        %dma_start3A_665 = arith.constant 0 : i32
        %dma_start3A_666 = tpu.memref_slice %arg3[%dma_start3A_664, %dma_start3A_665] : memref<100000x128xf32, #tpu.memory_space<hbm>> -> memref<100000x128xf32, #tpu.memory_space<hbm>>
        tpu.enqueue_indirect_dma source(%dma_start3A_666 : memref<100000x128xf32, #tpu.memory_space<hbm>>) target(%dma_start3A_660 : memref<100x128xf32, #tpu.memory_space<vmem>>) offsets(%dma_start3A_663 : memref<100xi32, #tpu.memory_space<vmem>>) semaphore(%arg10 : memref<!tpu.dma_semaphore, #tpu.memory_space<semaphore_mem>>)
        %dma_start3A_667 = arith.constant 1 : i32
        %dma_start3A_668 = arith.constant 2 : i32
        %dma_start3A_669 = arith.constant 1 : i32
        %dma_start3A_670 = arith.constant 0 : i32
        %dma_start3A_671 = arith.constant 0 : i32
        %dma_start3A_672 = tpu.memref_slice %arg6[%dma_start3A_668, %dma_start3A_669, %dma_start3A_670, %dma_start3A_671] : memref<3x2x100x128xf32, #tpu.memory_space<vmem>> -> memref<1x1x100x128xf32, #tpu.memory_space<vmem>>
        %dma_start3A_673 = tpu.memref_squeeze %dma_start3A_672 : memref<1x1x100x128xf32, #tpu.memory_space<vmem>> -> memref<100x128xf32, #tpu.memory_space<vmem>>
        %dma_start3A_674 = arith.constant 0 : i32
        %dma_start3A_675 = tpu.memref_slice %arg5[%add3A_653, %dma_start3A_667, %dma_start3A_674] : memref<128x2x100xi32, #tpu.memory_space<vmem>> -> memref<1x1x100xi32, #tpu.memory_space<vmem>>
        %dma_start3A_676 = tpu.memref_squeeze %dma_start3A_675 : memref<1x1x100xi32, #tpu.memory_space<vmem>> -> memref<100xi32, #tpu.memory_space<vmem>>
        %dma_start3A_677 = arith.constant 0 : i32
        %dma_start3A_678 = arith.constant 0 : i32
        %dma_start3A_679 = tpu.memref_slice %arg3[%dma_start3A_677, %dma_start3A_678] : memref<100000x128xf32, #tpu.memory_space<hbm>> -> memref<100000x128xf32, #tpu.memory_space<hbm>>
        tpu.enqueue_indirect_dma source(%dma_start3A_679 : memref<100000x128xf32, #tpu.memory_space<hbm>>) target(%dma_start3A_673 : memref<100x128xf32, #tpu.memory_space<vmem>>) offsets(%dma_start3A_676 : memref<100xi32, #tpu.memory_space<vmem>>) semaphore(%arg10 : memref<!tpu.dma_semaphore, #tpu.memory_space<semaphore_mem>>)
      } else {
      }
      %scan3A_651 = arith.constant 0 : i32
      scf.yield %scan3A_651 : i32
    }
    %scan3A_91 = arith.constant 42 : i32
    %dma_wait3A = arith.constant 126 : i32
    %dma_wait3A_92 = arith.constant 0 : i32
    %dma_wait3A_93 = arith.constant 0 : i32
    %dma_wait3A_94 = arith.constant 0 : i32
    %dma_wait3A_95 = arith.constant 0 : i32
    %dma_wait3A_96 = arith.constant 0 : i32
    %dma_wait3A_97 = tpu.memref_slice %arg6[%dma_wait3A_93, %dma_wait3A_94, %dma_wait3A_95, %dma_wait3A_96] : memref<3x2x100x128xf32, #tpu.memory_space<vmem>> -> memref<1x1x100x128xf32, #tpu.memory_space<vmem>>
    %dma_wait3A_98 = tpu.memref_squeeze %dma_wait3A_97 : memref<1x1x100x128xf32, #tpu.memory_space<vmem>> -> memref<100x128xf32, #tpu.memory_space<vmem>>
    %dma_wait3A_99 = arith.constant 0 : i32
    %dma_wait3A_100 = tpu.memref_slice %arg5[%dma_wait3A, %dma_wait3A_92, %dma_wait3A_99] : memref<128x2x100xi32, #tpu.memory_space<vmem>> -> memref<1x1x100xi32, #tpu.memory_space<vmem>>
    %dma_wait3A_101 = tpu.memref_squeeze %dma_wait3A_100 : memref<1x1x100xi32, #tpu.memory_space<vmem>> -> memref<100xi32, #tpu.memory_space<vmem>>
    %dma_wait3A_102 = arith.constant 0 : i32
    %dma_wait3A_103 = arith.constant 0 : i32
    %dma_wait3A_104 = tpu.memref_slice %arg3[%dma_wait3A_102, %dma_wait3A_103] : memref<100000x128xf32, #tpu.memory_space<hbm>> -> memref<100000x128xf32, #tpu.memory_space<hbm>>
    tpu.wait_indirect_dma semaphore(%arg8 : memref<!tpu.dma_semaphore, #tpu.memory_space<semaphore_mem>>) src(%dma_wait3A_104 : memref<100000x128xf32, #tpu.memory_space<hbm>>) dst(%dma_wait3A_98 : memref<100x128xf32, #tpu.memory_space<vmem>>)
    %dma_wait3A_105 = arith.constant 126 : i32
    %dma_wait3A_106 = arith.constant 1 : i32
    %dma_wait3A_107 = arith.constant 0 : i32
    %dma_wait3A_108 = arith.constant 1 : i32
    %dma_wait3A_109 = arith.constant 0 : i32
    %dma_wait3A_110 = arith.constant 0 : i32
    %dma_wait3A_111 = tpu.memref_slice %arg6[%dma_wait3A_107, %dma_wait3A_108, %dma_wait3A_109, %dma_wait3A_110] : memref<3x2x100x128xf32, #tpu.memory_space<vmem>> -> memref<1x1x100x128xf32, #tpu.memory_space<vmem>>
    %dma_wait3A_112 = tpu.memref_squeeze %dma_wait3A_111 : memref<1x1x100x128xf32, #tpu.memory_space<vmem>> -> memref<100x128xf32, #tpu.memory_space<vmem>>
    %dma_wait3A_113 = arith.constant 0 : i32
    %dma_wait3A_114 = tpu.memref_slice %arg5[%dma_wait3A_105, %dma_wait3A_106, %dma_wait3A_113] : memref<128x2x100xi32, #tpu.memory_space<vmem>> -> memref<1x1x100xi32, #tpu.memory_space<vmem>>
    %dma_wait3A_115 = tpu.memref_squeeze %dma_wait3A_114 : memref<1x1x100xi32, #tpu.memory_space<vmem>> -> memref<100xi32, #tpu.memory_space<vmem>>
    %dma_wait3A_116 = arith.constant 0 : i32
    %dma_wait3A_117 = arith.constant 0 : i32
    %dma_wait3A_118 = tpu.memref_slice %arg3[%dma_wait3A_116, %dma_wait3A_117] : memref<100000x128xf32, #tpu.memory_space<hbm>> -> memref<100000x128xf32, #tpu.memory_space<hbm>>
    tpu.wait_indirect_dma semaphore(%arg8 : memref<!tpu.dma_semaphore, #tpu.memory_space<semaphore_mem>>) src(%dma_wait3A_118 : memref<100000x128xf32, #tpu.memory_space<hbm>>) dst(%dma_wait3A_112 : memref<100x128xf32, #tpu.memory_space<vmem>>)
    %broadcast_in_dim3A = arith.constant 0.000000e+00 : f32
    %broadcast_in_dim3A_119 = vector.broadcast %broadcast_in_dim3A : f32 to vector<16xf32>
    %broadcast_in_dim3A_120 = arith.constant 0.000000e+00 : f32
    %broadcast_in_dim3A_121 = vector.broadcast %broadcast_in_dim3A_120 : f32 to vector<16xf32>
    %broadcast_in_dim3A_122 = arith.constant 0.000000e+00 : f32
    %broadcast_in_dim3A_123 = vector.broadcast %broadcast_in_dim3A_122 : f32 to vector<16xf32>
    %broadcast_in_dim3A_124 = arith.constant 0.000000e+00 : f32
    %broadcast_in_dim3A_125 = vector.broadcast %broadcast_in_dim3A_124 : f32 to vector<16xf32>
    %broadcast_in_dim3A_126 = arith.constant 0.000000e+00 : f32
    %broadcast_in_dim3A_127 = vector.broadcast %broadcast_in_dim3A_126 : f32 to vector<16xf32>
    %broadcast_in_dim3A_128 = arith.constant 0.000000e+00 : f32
    %broadcast_in_dim3A_129 = vector.broadcast %broadcast_in_dim3A_128 : f32 to vector<16xf32>
    %broadcast_in_dim3A_130 = arith.constant 0.000000e+00 : f32
    %broadcast_in_dim3A_131 = vector.broadcast %broadcast_in_dim3A_130 : f32 to vector<16xf32>
    %broadcast_in_dim3A_132 = arith.constant 0.000000e+00 : f32
    %broadcast_in_dim3A_133 = vector.broadcast %broadcast_in_dim3A_132 : f32 to vector<16xf32>
    %scan3A_134 = arith.constant 0 : i32
    %scan3A_135 = arith.constant 25 : i32
    %scan3A_136 = arith.addi %scan3A_134, %scan3A_135 : i32
    %scan3A_137 = arith.constant 1 : i32
    %scan3A_138:8 = scf.for %scan3A_297 = %scan3A_134 to %scan3A_136 step %scan3A_137 iter_args(%scan3A_298 = %broadcast_in_dim3A_119, %scan3A_299 = %broadcast_in_dim3A_121, %scan3A_300 = %broadcast_in_dim3A_123, %scan3A_301 = %broadcast_in_dim3A_125, %scan3A_302 = %broadcast_in_dim3A_127, %scan3A_303 = %broadcast_in_dim3A_129, %scan3A_304 = %broadcast_in_dim3A_131, %scan3A_305 = %broadcast_in_dim3A_133) -> (vector<16xf32>, vector<16xf32>, vector<16xf32>, vector<16xf32>, vector<16xf32>, vector<16xf32>, vector<16xf32>, vector<16xf32>)  : i32 {
      %mul3A_306 = arith.constant 4 : i32
      %mul3A_307 = arith.muli %mul3A_306, %scan3A_297 : i32
      %add3A_308 = arith.constant 0 : i32
      %add3A_309 = arith.addi %mul3A_307, %add3A_308 : i32
      %get3A = arith.constant 0 : i32
      %get3A_310 = arith.constant 0 : i32
      %get3A_311 = arith.index_cast %get3A : i32 to index
      %get3A_312 = arith.index_cast %get3A_310 : i32 to index
      %get3A_313 = arith.index_cast %add3A_309 : i32 to index
      %get3A_314 = arith.constant 0 : index
      %get3A_315 = tpu.vector_load %arg6[%get3A_311, %get3A_312, %get3A_313, %get3A_314] {strides = array<i32>} : memref<3x2x100x128xf32, #tpu.memory_space<vmem>>, vector<1x1x1x16xf32>,
      %get3A_316 = vector.shape_cast %get3A_315 : vector<1x1x1x16xf32> to vector<16xf32>
      %add3A_317 = arith.addf %scan3A_298, %get3A_316 : vector<16xf32>
      %mul3A_318 = arith.constant 4 : i32
      %mul3A_319 = arith.muli %mul3A_318, %scan3A_297 : i32
      %add3A_320 = arith.constant 0 : i32
      %add3A_321 = arith.addi %mul3A_319, %add3A_320 : i32
      %get3A_322 = arith.constant 0 : i32
      %get3A_323 = arith.constant 0 : i32
      %get3A_324 = arith.index_cast %get3A_322 : i32 to index
      %get3A_325 = arith.index_cast %get3A_323 : i32 to index
      %get3A_326 = arith.index_cast %add3A_321 : i32 to index
      %get3A_327 = arith.constant 16 : index
      %get3A_328 = tpu.vector_load %arg6[%get3A_324, %get3A_325, %get3A_326, %get3A_327] {strides = array<i32>} : memref<3x2x100x128xf32, #tpu.memory_space<vmem>>, vector<1x1x1x16xf32>,
      %get3A_329 = vector.shape_cast %get3A_328 : vector<1x1x1x16xf32> to vector<16xf32>
      %add3A_330 = arith.addf %scan3A_299, %get3A_329 : vector<16xf32>
      %mul3A_331 = arith.constant 4 : i32
      %mul3A_332 = arith.muli %mul3A_331, %scan3A_297 : i32
      %add3A_333 = arith.constant 0 : i32
      %add3A_334 = arith.addi %mul3A_332, %add3A_333 : i32
      %get3A_335 = arith.constant 0 : i32
      %get3A_336 = arith.constant 0 : i32
      %get3A_337 = arith.index_cast %get3A_335 : i32 to index
      %get3A_338 = arith.index_cast %get3A_336 : i32 to index
      %get3A_339 = arith.index_cast %add3A_334 : i32 to index
      %get3A_340 = arith.constant 32 : index
      %get3A_341 = tpu.vector_load %arg6[%get3A_337, %get3A_338, %get3A_339, %get3A_340] {strides = array<i32>} : memref<3x2x100x128xf32, #tpu.memory_space<vmem>>, vector<1x1x1x16xf32>,
      %get3A_342 = vector.shape_cast %get3A_341 : vector<1x1x1x16xf32> to vector<16xf32>
      %add3A_343 = arith.addf %scan3A_300, %get3A_342 : vector<16xf32>
      %mul3A_344 = arith.constant 4 : i32
      %mul3A_345 = arith.muli %mul3A_344, %scan3A_297 : i32
      %add3A_346 = arith.constant 0 : i32
      %add3A_347 = arith.addi %mul3A_345, %add3A_346 : i32
      %get3A_348 = arith.constant 0 : i32
      %get3A_349 = arith.constant 0 : i32
      %get3A_350 = arith.index_cast %get3A_348 : i32 to index
      %get3A_351 = arith.index_cast %get3A_349 : i32 to index
      %get3A_352 = arith.index_cast %add3A_347 : i32 to index
      %get3A_353 = arith.constant 48 : index
      %get3A_354 = tpu.vector_load %arg6[%get3A_350, %get3A_351, %get3A_352, %get3A_353] {strides = array<i32>} : memref<3x2x100x128xf32, #tpu.memory_space<vmem>>, vector<1x1x1x16xf32>,
      %get3A_355 = vector.shape_cast %get3A_354 : vector<1x1x1x16xf32> to vector<16xf32>
      %add3A_356 = arith.addf %scan3A_301, %get3A_355 : vector<16xf32>
      %mul3A_357 = arith.constant 4 : i32
      %mul3A_358 = arith.muli %mul3A_357, %scan3A_297 : i32
      %add3A_359 = arith.constant 0 : i32
      %add3A_360 = arith.addi %mul3A_358, %add3A_359 : i32
      %get3A_361 = arith.constant 0 : i32
      %get3A_362 = arith.constant 0 : i32
      %get3A_363 = arith.index_cast %get3A_361 : i32 to index
      %get3A_364 = arith.index_cast %get3A_362 : i32 to index
      %get3A_365 = arith.index_cast %add3A_360 : i32 to index
      %get3A_366 = arith.constant 64 : index
      %get3A_367 = tpu.vector_load %arg6[%get3A_363, %get3A_364, %get3A_365, %get3A_366] {strides = array<i32>} : memref<3x2x100x128xf32, #tpu.memory_space<vmem>>, vector<1x1x1x16xf32>,
      %get3A_368 = vector.shape_cast %get3A_367 : vector<1x1x1x16xf32> to vector<16xf32>
      %add3A_369 = arith.addf %scan3A_302, %get3A_368 : vector<16xf32>
      %mul3A_370 = arith.constant 4 : i32
      %mul3A_371 = arith.muli %mul3A_370, %scan3A_297 : i32
      %add3A_372 = arith.constant 0 : i32
      %add3A_373 = arith.addi %mul3A_371, %add3A_372 : i32
      %get3A_374 = arith.constant 0 : i32
      %get3A_375 = arith.constant 0 : i32
      %get3A_376 = arith.index_cast %get3A_374 : i32 to index
      %get3A_377 = arith.index_cast %get3A_375 : i32 to index
      %get3A_378 = arith.index_cast %add3A_373 : i32 to index
      %get3A_379 = arith.constant 80 : index
      %get3A_380 = tpu.vector_load %arg6[%get3A_376, %get3A_377, %get3A_378, %get3A_379] {strides = array<i32>} : memref<3x2x100x128xf32, #tpu.memory_space<vmem>>, vector<1x1x1x16xf32>,
      %get3A_381 = vector.shape_cast %get3A_380 : vector<1x1x1x16xf32> to vector<16xf32>
      %add3A_382 = arith.addf %scan3A_303, %get3A_381 : vector<16xf32>
      %mul3A_383 = arith.constant 4 : i32
      %mul3A_384 = arith.muli %mul3A_383, %scan3A_297 : i32
      %add3A_385 = arith.constant 0 : i32
      %add3A_386 = arith.addi %mul3A_384, %add3A_385 : i32
      %get3A_387 = arith.constant 0 : i32
      %get3A_388 = arith.constant 0 : i32
      %get3A_389 = arith.index_cast %get3A_387 : i32 to index
      %get3A_390 = arith.index_cast %get3A_388 : i32 to index
      %get3A_391 = arith.index_cast %add3A_386 : i32 to index
      %get3A_392 = arith.constant 96 : index
      %get3A_393 = tpu.vector_load %arg6[%get3A_389, %get3A_390, %get3A_391, %get3A_392] {strides = array<i32>} : memref<3x2x100x128xf32, #tpu.memory_space<vmem>>, vector<1x1x1x16xf32>,
      %get3A_394 = vector.shape_cast %get3A_393 : vector<1x1x1x16xf32> to vector<16xf32>
      %add3A_395 = arith.addf %scan3A_304, %get3A_394 : vector<16xf32>
      %mul3A_396 = arith.constant 4 : i32
      %mul3A_397 = arith.muli %mul3A_396, %scan3A_297 : i32
      %add3A_398 = arith.constant 0 : i32
      %add3A_399 = arith.addi %mul3A_397, %add3A_398 : i32
      %get3A_400 = arith.constant 0 : i32
      %get3A_401 = arith.constant 0 : i32
      %get3A_402 = arith.index_cast %get3A_400 : i32 to index
      %get3A_403 = arith.index_cast %get3A_401 : i32 to index
      %get3A_404 = arith.index_cast %add3A_399 : i32 to index
      %get3A_405 = arith.constant 112 : index
      %get3A_406 = tpu.vector_load %arg6[%get3A_402, %get3A_403, %get3A_404, %get3A_405] {strides = array<i32>} : memref<3x2x100x128xf32, #tpu.memory_space<vmem>>, vector<1x1x1x16xf32>,
      %get3A_407 = vector.shape_cast %get3A_406 : vector<1x1x1x16xf32> to vector<16xf32>
      %add3A_408 = arith.addf %scan3A_305, %get3A_407 : vector<16xf32>
      %mul3A_409 = arith.constant 4 : i32
      %mul3A_410 = arith.muli %mul3A_409, %scan3A_297 : i32
      %add3A_411 = arith.constant 1 : i32
      %add3A_412 = arith.addi %mul3A_410, %add3A_411 : i32
      %get3A_413 = arith.constant 0 : i32
      %get3A_414 = arith.constant 0 : i32
      %get3A_415 = arith.index_cast %get3A_413 : i32 to index
      %get3A_416 = arith.index_cast %get3A_414 : i32 to index
      %get3A_417 = arith.index_cast %add3A_412 : i32 to index
      %get3A_418 = arith.constant 0 : index
      %get3A_419 = tpu.vector_load %arg6[%get3A_415, %get3A_416, %get3A_417, %get3A_418] {strides = array<i32>} : memref<3x2x100x128xf32, #tpu.memory_space<vmem>>, vector<1x1x1x16xf32>,
      %get3A_420 = vector.shape_cast %get3A_419 : vector<1x1x1x16xf32> to vector<16xf32>
      %add3A_421 = arith.addf %add3A_317, %get3A_420 : vector<16xf32>
      %mul3A_422 = arith.constant 4 : i32
      %mul3A_423 = arith.muli %mul3A_422, %scan3A_297 : i32
      %add3A_424 = arith.constant 1 : i32
      %add3A_425 = arith.addi %mul3A_423, %add3A_424 : i32
      %get3A_426 = arith.constant 0 : i32
      %get3A_427 = arith.constant 0 : i32
      %get3A_428 = arith.index_cast %get3A_426 : i32 to index
      %get3A_429 = arith.index_cast %get3A_427 : i32 to index
      %get3A_430 = arith.index_cast %add3A_425 : i32 to index
      %get3A_431 = arith.constant 16 : index
      %get3A_432 = tpu.vector_load %arg6[%get3A_428, %get3A_429, %get3A_430, %get3A_431] {strides = array<i32>} : memref<3x2x100x128xf32, #tpu.memory_space<vmem>>, vector<1x1x1x16xf32>,
      %get3A_433 = vector.shape_cast %get3A_432 : vector<1x1x1x16xf32> to vector<16xf32>
      %add3A_434 = arith.addf %add3A_330, %get3A_433 : vector<16xf32>
      %mul3A_435 = arith.constant 4 : i32
      %mul3A_436 = arith.muli %mul3A_435, %scan3A_297 : i32
      %add3A_437 = arith.constant 1 : i32
      %add3A_438 = arith.addi %mul3A_436, %add3A_437 : i32
      %get3A_439 = arith.constant 0 : i32
      %get3A_440 = arith.constant 0 : i32
      %get3A_441 = arith.index_cast %get3A_439 : i32 to index
      %get3A_442 = arith.index_cast %get3A_440 : i32 to index
      %get3A_443 = arith.index_cast %add3A_438 : i32 to index
      %get3A_444 = arith.constant 32 : index
      %get3A_445 = tpu.vector_load %arg6[%get3A_441, %get3A_442, %get3A_443, %get3A_444] {strides = array<i32>} : memref<3x2x100x128xf32, #tpu.memory_space<vmem>>, vector<1x1x1x16xf32>,
      %get3A_446 = vector.shape_cast %get3A_445 : vector<1x1x1x16xf32> to vector<16xf32>
      %add3A_447 = arith.addf %add3A_343, %get3A_446 : vector<16xf32>
      %mul3A_448 = arith.constant 4 : i32
      %mul3A_449 = arith.muli %mul3A_448, %scan3A_297 : i32
      %add3A_450 = arith.constant 1 : i32
      %add3A_451 = arith.addi %mul3A_449, %add3A_450 : i32
      %get3A_452 = arith.constant 0 : i32
      %get3A_453 = arith.constant 0 : i32
      %get3A_454 = arith.index_cast %get3A_452 : i32 to index
      %get3A_455 = arith.index_cast %get3A_453 : i32 to index
      %get3A_456 = arith.index_cast %add3A_451 : i32 to index
      %get3A_457 = arith.constant 48 : index
      %get3A_458 = tpu.vector_load %arg6[%get3A_454, %get3A_455, %get3A_456, %get3A_457] {strides = array<i32>} : memref<3x2x100x128xf32, #tpu.memory_space<vmem>>, vector<1x1x1x16xf32>,
      %get3A_459 = vector.shape_cast %get3A_458 : vector<1x1x1x16xf32> to vector<16xf32>
      %add3A_460 = arith.addf %add3A_356, %get3A_459 : vector<16xf32>
      %mul3A_461 = arith.constant 4 : i32
      %mul3A_462 = arith.muli %mul3A_461, %scan3A_297 : i32
      %add3A_463 = arith.constant 1 : i32
      %add3A_464 = arith.addi %mul3A_462, %add3A_463 : i32
      %get3A_465 = arith.constant 0 : i32
      %get3A_466 = arith.constant 0 : i32
      %get3A_467 = arith.index_cast %get3A_465 : i32 to index
      %get3A_468 = arith.index_cast %get3A_466 : i32 to index
      %get3A_469 = arith.index_cast %add3A_464 : i32 to index
      %get3A_470 = arith.constant 64 : index
      %get3A_471 = tpu.vector_load %arg6[%get3A_467, %get3A_468, %get3A_469, %get3A_470] {strides = array<i32>} : memref<3x2x100x128xf32, #tpu.memory_space<vmem>>, vector<1x1x1x16xf32>,
      %get3A_472 = vector.shape_cast %get3A_471 : vector<1x1x1x16xf32> to vector<16xf32>
      %add3A_473 = arith.addf %add3A_369, %get3A_472 : vector<16xf32>
      %mul3A_474 = arith.constant 4 : i32
      %mul3A_475 = arith.muli %mul3A_474, %scan3A_297 : i32
      %add3A_476 = arith.constant 1 : i32
      %add3A_477 = arith.addi %mul3A_475, %add3A_476 : i32
      %get3A_478 = arith.constant 0 : i32
      %get3A_479 = arith.constant 0 : i32
      %get3A_480 = arith.index_cast %get3A_478 : i32 to index
      %get3A_481 = arith.index_cast %get3A_479 : i32 to index
      %get3A_482 = arith.index_cast %add3A_477 : i32 to index
      %get3A_483 = arith.constant 80 : index
      %get3A_484 = tpu.vector_load %arg6[%get3A_480, %get3A_481, %get3A_482, %get3A_483] {strides = array<i32>} : memref<3x2x100x128xf32, #tpu.memory_space<vmem>>, vector<1x1x1x16xf32>,
      %get3A_485 = vector.shape_cast %get3A_484 : vector<1x1x1x16xf32> to vector<16xf32>
      %add3A_486 = arith.addf %add3A_382, %get3A_485 : vector<16xf32>
      %mul3A_487 = arith.constant 4 : i32
      %mul3A_488 = arith.muli %mul3A_487, %scan3A_297 : i32
      %add3A_489 = arith.constant 1 : i32
      %add3A_490 = arith.addi %mul3A_488, %add3A_489 : i32
      %get3A_491 = arith.constant 0 : i32
      %get3A_492 = arith.constant 0 : i32
      %get3A_493 = arith.index_cast %get3A_491 : i32 to index
      %get3A_494 = arith.index_cast %get3A_492 : i32 to index
      %get3A_495 = arith.index_cast %add3A_490 : i32 to index
      %get3A_496 = arith.constant 96 : index
      %get3A_497 = tpu.vector_load %arg6[%get3A_493, %get3A_494, %get3A_495, %get3A_496] {strides = array<i32>} : memref<3x2x100x128xf32, #tpu.memory_space<vmem>>, vector<1x1x1x16xf32>,
      %get3A_498 = vector.shape_cast %get3A_497 : vector<1x1x1x16xf32> to vector<16xf32>
      %add3A_499 = arith.addf %add3A_395, %get3A_498 : vector<16xf32>
      %mul3A_500 = arith.constant 4 : i32
      %mul3A_501 = arith.muli %mul3A_500, %scan3A_297 : i32
      %add3A_502 = arith.constant 1 : i32
      %add3A_503 = arith.addi %mul3A_501, %add3A_502 : i32
      %get3A_504 = arith.constant 0 : i32
      %get3A_505 = arith.constant 0 : i32
      %get3A_506 = arith.index_cast %get3A_504 : i32 to index
      %get3A_507 = arith.index_cast %get3A_505 : i32 to index
      %get3A_508 = arith.index_cast %add3A_503 : i32 to index
      %get3A_509 = arith.constant 112 : index
      %get3A_510 = tpu.vector_load %arg6[%get3A_506, %get3A_507, %get3A_508, %get3A_509] {strides = array<i32>} : memref<3x2x100x128xf32, #tpu.memory_space<vmem>>, vector<1x1x1x16xf32>,
      %get3A_511 = vector.shape_cast %get3A_510 : vector<1x1x1x16xf32> to vector<16xf32>
      %add3A_512 = arith.addf %add3A_408, %get3A_511 : vector<16xf32>
      %mul3A_513 = arith.constant 4 : i32
      %mul3A_514 = arith.muli %mul3A_513, %scan3A_297 : i32
      %add3A_515 = arith.constant 2 : i32
      %add3A_516 = arith.addi %mul3A_514, %add3A_515 : i32
      %get3A_517 = arith.constant 0 : i32
      %get3A_518 = arith.constant 0 : i32
      %get3A_519 = arith.index_cast %get3A_517 : i32 to index
      %get3A_520 = arith.index_cast %get3A_518 : i32 to index
      %get3A_521 = arith.index_cast %add3A_516 : i32 to index
      %get3A_522 = arith.constant 0 : index
      %get3A_523 = tpu.vector_load %arg6[%get3A_519, %get3A_520, %get3A_521, %get3A_522] {strides = array<i32>} : memref<3x2x100x128xf32, #tpu.memory_space<vmem>>, vector<1x1x1x16xf32>,
      %get3A_524 = vector.shape_cast %get3A_523 : vector<1x1x1x16xf32> to vector<16xf32>
      %add3A_525 = arith.addf %add3A_421, %get3A_524 : vector<16xf32>
      %mul3A_526 = arith.constant 4 : i32
      %mul3A_527 = arith.muli %mul3A_526, %scan3A_297 : i32
      %add3A_528 = arith.constant 2 : i32
      %add3A_529 = arith.addi %mul3A_527, %add3A_528 : i32
      %get3A_530 = arith.constant 0 : i32
      %get3A_531 = arith.constant 0 : i32
      %get3A_532 = arith.index_cast %get3A_530 : i32 to index
      %get3A_533 = arith.index_cast %get3A_531 : i32 to index
      %get3A_534 = arith.index_cast %add3A_529 : i32 to index
      %get3A_535 = arith.constant 16 : index
      %get3A_536 = tpu.vector_load %arg6[%get3A_532, %get3A_533, %get3A_534, %get3A_535] {strides = array<i32>} : memref<3x2x100x128xf32, #tpu.memory_space<vmem>>, vector<1x1x1x16xf32>,
      %get3A_537 = vector.shape_cast %get3A_536 : vector<1x1x1x16xf32> to vector<16xf32>
      %add3A_538 = arith.addf %add3A_434, %get3A_537 : vector<16xf32>
      %mul3A_539 = arith.constant 4 : i32
      %mul3A_540 = arith.muli %mul3A_539, %scan3A_297 : i32
      %add3A_541 = arith.constant 2 : i32
      %add3A_542 = arith.addi %mul3A_540, %add3A_541 : i32
      %get3A_543 = arith.constant 0 : i32
      %get3A_544 = arith.constant 0 : i32
      %get3A_545 = arith.index_cast %get3A_543 : i32 to index
      %get3A_546 = arith.index_cast %get3A_544 : i32 to index
      %get3A_547 = arith.index_cast %add3A_542 : i32 to index
      %get3A_548 = arith.constant 32 : index
      %get3A_549 = tpu.vector_load %arg6[%get3A_545, %get3A_546, %get3A_547, %get3A_548] {strides = array<i32>} : memref<3x2x100x128xf32, #tpu.memory_space<vmem>>, vector<1x1x1x16xf32>,
      %get3A_550 = vector.shape_cast %get3A_549 : vector<1x1x1x16xf32> to vector<16xf32>
      %add3A_551 = arith.addf %add3A_447, %get3A_550 : vector<16xf32>
      %mul3A_552 = arith.constant 4 : i32
      %mul3A_553 = arith.muli %mul3A_552, %scan3A_297 : i32
      %add3A_554 = arith.constant 2 : i32
      %add3A_555 = arith.addi %mul3A_553, %add3A_554 : i32
      %get3A_556 = arith.constant 0 : i32
      %get3A_557 = arith.constant 0 : i32
      %get3A_558 = arith.index_cast %get3A_556 : i32 to index
      %get3A_559 = arith.index_cast %get3A_557 : i32 to index
      %get3A_560 = arith.index_cast %add3A_555 : i32 to index
      %get3A_561 = arith.constant 48 : index
      %get3A_562 = tpu.vector_load %arg6[%get3A_558, %get3A_559, %get3A_560, %get3A_561] {strides = array<i32>} : memref<3x2x100x128xf32, #tpu.memory_space<vmem>>, vector<1x1x1x16xf32>,
      %get3A_563 = vector.shape_cast %get3A_562 : vector<1x1x1x16xf32> to vector<16xf32>
      %add3A_564 = arith.addf %add3A_460, %get3A_563 : vector<16xf32>
      %mul3A_565 = arith.constant 4 : i32
      %mul3A_566 = arith.muli %mul3A_565, %scan3A_297 : i32
      %add3A_567 = arith.constant 2 : i32
      %add3A_568 = arith.addi %mul3A_566, %add3A_567 : i32
      %get3A_569 = arith.constant 0 : i32
      %get3A_570 = arith.constant 0 : i32
      %get3A_571 = arith.index_cast %get3A_569 : i32 to index
      %get3A_572 = arith.index_cast %get3A_570 : i32 to index
      %get3A_573 = arith.index_cast %add3A_568 : i32 to index
      %get3A_574 = arith.constant 64 : index
      %get3A_575 = tpu.vector_load %arg6[%get3A_571, %get3A_572, %get3A_573, %get3A_574] {strides = array<i32>} : memref<3x2x100x128xf32, #tpu.memory_space<vmem>>, vector<1x1x1x16xf32>,
      %get3A_576 = vector.shape_cast %get3A_575 : vector<1x1x1x16xf32> to vector<16xf32>
      %add3A_577 = arith.addf %add3A_473, %get3A_576 : vector<16xf32>
      %mul3A_578 = arith.constant 4 : i32
      %mul3A_579 = arith.muli %mul3A_578, %scan3A_297 : i32
      %add3A_580 = arith.constant 2 : i32
      %add3A_581 = arith.addi %mul3A_579, %add3A_580 : i32
      %get3A_582 = arith.constant 0 : i32
      %get3A_583 = arith.constant 0 : i32
      %get3A_584 = arith.index_cast %get3A_582 : i32 to index
      %get3A_585 = arith.index_cast %get3A_583 : i32 to index
      %get3A_586 = arith.index_cast %add3A_581 : i32 to index
      %get3A_587 = arith.constant 80 : index
      %get3A_588 = tpu.vector_load %arg6[%get3A_584, %get3A_585, %get3A_586, %get3A_587] {strides = array<i32>} : memref<3x2x100x128xf32, #tpu.memory_space<vmem>>, vector<1x1x1x16xf32>,
      %get3A_589 = vector.shape_cast %get3A_588 : vector<1x1x1x16xf32> to vector<16xf32>
      %add3A_590 = arith.addf %add3A_486, %get3A_589 : vector<16xf32>
      %mul3A_591 = arith.constant 4 : i32
      %mul3A_592 = arith.muli %mul3A_591, %scan3A_297 : i32
      %add3A_593 = arith.constant 2 : i32
      %add3A_594 = arith.addi %mul3A_592, %add3A_593 : i32
      %get3A_595 = arith.constant 0 : i32
      %get3A_596 = arith.constant 0 : i32
      %get3A_597 = arith.index_cast %get3A_595 : i32 to index
      %get3A_598 = arith.index_cast %get3A_596 : i32 to index
      %get3A_599 = arith.index_cast %add3A_594 : i32 to index
      %get3A_600 = arith.constant 96 : index
      %get3A_601 = tpu.vector_load %arg6[%get3A_597, %get3A_598, %get3A_599, %get3A_600] {strides = array<i32>} : memref<3x2x100x128xf32, #tpu.memory_space<vmem>>, vector<1x1x1x16xf32>,
      %get3A_602 = vector.shape_cast %get3A_601 : vector<1x1x1x16xf32> to vector<16xf32>
      %add3A_603 = arith.addf %add3A_499, %get3A_602 : vector<16xf32>
      %mul3A_604 = arith.constant 4 : i32
      %mul3A_605 = arith.muli %mul3A_604, %scan3A_297 : i32
      %add3A_606 = arith.constant 2 : i32
      %add3A_607 = arith.addi %mul3A_605, %add3A_606 : i32
      %get3A_608 = arith.constant 0 : i32
      %get3A_609 = arith.constant 0 : i32
      %get3A_610 = arith.index_cast %get3A_608 : i32 to index
      %get3A_611 = arith.index_cast %get3A_609 : i32 to index
      %get3A_612 = arith.index_cast %add3A_607 : i32 to index
      %get3A_613 = arith.constant 112 : index
      %get3A_614 = tpu.vector_load %arg6[%get3A_610, %get3A_611, %get3A_612, %get3A_613] {strides = array<i32>} : memref<3x2x100x128xf32, #tpu.memory_space<vmem>>, vector<1x1x1x16xf32>,
      %get3A_615 = vector.shape_cast %get3A_614 : vector<1x1x1x16xf32> to vector<16xf32>
      %add3A_616 = arith.addf %add3A_512, %get3A_615 : vector<16xf32>
      %mul3A_617 = arith.constant 4 : i32
      %mul3A_618 = arith.muli %mul3A_617, %scan3A_297 : i32
      %add3A_619 = arith.constant 3 : i32
      %add3A_620 = arith.addi %mul3A_618, %add3A_619 : i32
      %get3A_621 = arith.constant 0 : i32
      %get3A_622 = arith.constant 0 : i32
      %get3A_623 = arith.index_cast %get3A_621 : i32 to index
      %get3A_624 = arith.index_cast %get3A_622 : i32 to index
      %get3A_625 = arith.index_cast %add3A_620 : i32 to index
      %get3A_626 = arith.constant 0 : index
      %get3A_627 = tpu.vector_load %arg6[%get3A_623, %get3A_624, %get3A_625, %get3A_626] {strides = array<i32>} : memref<3x2x100x128xf32, #tpu.memory_space<vmem>>, vector<1x1x1x16xf32>,
      %get3A_628 = vector.shape_cast %get3A_627 : vector<1x1x1x16xf32> to vector<16xf32>
      %add3A_629 = arith.addf %add3A_525, %get3A_628 : vector<16xf32>
      %mul3A_630 = arith.constant 4 : i32
      %mul3A_631 = arith.muli %mul3A_630, %scan3A_297 : i32
      %add3A_632 = arith.constant 3 : i32
      %add3A_633 = arith.addi %mul3A_631, %add3A_632 : i32
      %get3A_634 = arith.constant 0 : i32
      %get3A_635 = arith.constant 0 : i32
      %get3A_636 = arith.index_cast %get3A_634 : i32 to index
      %get3A_637 = arith.index_cast %get3A_635 : i32 to index
      %get3A_638 = arith.index_cast %add3A_633 : i32 to index
      %get3A_639 = arith.constant 16 : index
      %get3A_640 = tpu.vector_load %arg6[%get3A_636, %get3A_637, %get3A_638, %get3A_639] {strides = array<i32>} : memref<3x2x100x128xf32, #tpu.memory_space<vmem>>, vector<1x1x1x16xf32>,
      %get3A_641 = vector.shape_cast %get3A_640 : vector<1x1x1x16xf32> to vector<16xf32>
      %add3A_642 = arith.addf %add3A_538, %get3A_641 : vector<16xf32>
      %mul3A_643 = arith.constant 4 : i32
      %mul3A_644 = arith.muli %mul3A_643, %scan3A_297 : i32
      %add3A_645 = arith.constant 3 : i32
      %add3A_646 = arith.addi %mul3A_644, %add3A_645 : i32
      %get3A_647 = arith.constant 0 : i32
      %get3A_648 = arith.constant 0 : i32
      %get3A_649 = arith.index_cast %get3A_647 : i32 to index
      %get3A_650 = arith.index_cast %get3A_648 : i32 to index
      %get3A_651 = arith.index_cast %add3A_646 : i32 to index
      %get3A_652 = arith.constant 32 : index
      %get3A_653 = tpu.vector_load %arg6[%get3A_649, %get3A_650, %get3A_651, %get3A_652] {strides = array<i32>} : memref<3x2x100x128xf32, #tpu.memory_space<vmem>>, vector<1x1x1x16xf32>,
      %get3A_654 = vector.shape_cast %get3A_653 : vector<1x1x1x16xf32> to vector<16xf32>
      %add3A_655 = arith.addf %add3A_551, %get3A_654 : vector<16xf32>
      %mul3A_656 = arith.constant 4 : i32
      %mul3A_657 = arith.muli %mul3A_656, %scan3A_297 : i32
      %add3A_658 = arith.constant 3 : i32
      %add3A_659 = arith.addi %mul3A_657, %add3A_658 : i32
      %get3A_660 = arith.constant 0 : i32
      %get3A_661 = arith.constant 0 : i32
      %get3A_662 = arith.index_cast %get3A_660 : i32 to index
      %get3A_663 = arith.index_cast %get3A_661 : i32 to index
      %get3A_664 = arith.index_cast %add3A_659 : i32 to index
      %get3A_665 = arith.constant 48 : index
      %get3A_666 = tpu.vector_load %arg6[%get3A_662, %get3A_663, %get3A_664, %get3A_665] {strides = array<i32>} : memref<3x2x100x128xf32, #tpu.memory_space<vmem>>, vector<1x1x1x16xf32>,
      %get3A_667 = vector.shape_cast %get3A_666 : vector<1x1x1x16xf32> to vector<16xf32>
      %add3A_668 = arith.addf %add3A_564, %get3A_667 : vector<16xf32>
      %mul3A_669 = arith.constant 4 : i32
      %mul3A_670 = arith.muli %mul3A_669, %scan3A_297 : i32
      %add3A_671 = arith.constant 3 : i32
      %add3A_672 = arith.addi %mul3A_670, %add3A_671 : i32
      %get3A_673 = arith.constant 0 : i32
      %get3A_674 = arith.constant 0 : i32
      %get3A_675 = arith.index_cast %get3A_673 : i32 to index
      %get3A_676 = arith.index_cast %get3A_674 : i32 to index
      %get3A_677 = arith.index_cast %add3A_672 : i32 to index
      %get3A_678 = arith.constant 64 : index
      %get3A_679 = tpu.vector_load %arg6[%get3A_675, %get3A_676, %get3A_677, %get3A_678] {strides = array<i32>} : memref<3x2x100x128xf32, #tpu.memory_space<vmem>>, vector<1x1x1x16xf32>,
      %get3A_680 = vector.shape_cast %get3A_679 : vector<1x1x1x16xf32> to vector<16xf32>
      %add3A_681 = arith.addf %add3A_577, %get3A_680 : vector<16xf32>
      %mul3A_682 = arith.constant 4 : i32
      %mul3A_683 = arith.muli %mul3A_682, %scan3A_297 : i32
      %add3A_684 = arith.constant 3 : i32
      %add3A_685 = arith.addi %mul3A_683, %add3A_684 : i32
      %get3A_686 = arith.constant 0 : i32
      %get3A_687 = arith.constant 0 : i32
      %get3A_688 = arith.index_cast %get3A_686 : i32 to index
      %get3A_689 = arith.index_cast %get3A_687 : i32 to index
      %get3A_690 = arith.index_cast %add3A_685 : i32 to index
      %get3A_691 = arith.constant 80 : index
      %get3A_692 = tpu.vector_load %arg6[%get3A_688, %get3A_689, %get3A_690, %get3A_691] {strides = array<i32>} : memref<3x2x100x128xf32, #tpu.memory_space<vmem>>, vector<1x1x1x16xf32>,
      %get3A_693 = vector.shape_cast %get3A_692 : vector<1x1x1x16xf32> to vector<16xf32>
      %add3A_694 = arith.addf %add3A_590, %get3A_693 : vector<16xf32>
      %mul3A_695 = arith.constant 4 : i32
      %mul3A_696 = arith.muli %mul3A_695, %scan3A_297 : i32
      %add3A_697 = arith.constant 3 : i32
      %add3A_698 = arith.addi %mul3A_696, %add3A_697 : i32
      %get3A_699 = arith.constant 0 : i32
      %get3A_700 = arith.constant 0 : i32
      %get3A_701 = arith.index_cast %get3A_699 : i32 to index
      %get3A_702 = arith.index_cast %get3A_700 : i32 to index
      %get3A_703 = arith.index_cast %add3A_698 : i32 to index
      %get3A_704 = arith.constant 96 : index
      %get3A_705 = tpu.vector_load %arg6[%get3A_701, %get3A_702, %get3A_703, %get3A_704] {strides = array<i32>} : memref<3x2x100x128xf32, #tpu.memory_space<vmem>>, vector<1x1x1x16xf32>,
      %get3A_706 = vector.shape_cast %get3A_705 : vector<1x1x1x16xf32> to vector<16xf32>
      %add3A_707 = arith.addf %add3A_603, %get3A_706 : vector<16xf32>
      %mul3A_708 = arith.constant 4 : i32
      %mul3A_709 = arith.muli %mul3A_708, %scan3A_297 : i32
      %add3A_710 = arith.constant 3 : i32
      %add3A_711 = arith.addi %mul3A_709, %add3A_710 : i32
      %get3A_712 = arith.constant 0 : i32
      %get3A_713 = arith.constant 0 : i32
      %get3A_714 = arith.index_cast %get3A_712 : i32 to index
      %get3A_715 = arith.index_cast %get3A_713 : i32 to index
      %get3A_716 = arith.index_cast %add3A_711 : i32 to index
      %get3A_717 = arith.constant 112 : index
      %get3A_718 = tpu.vector_load %arg6[%get3A_714, %get3A_715, %get3A_716, %get3A_717] {strides = array<i32>} : memref<3x2x100x128xf32, #tpu.memory_space<vmem>>, vector<1x1x1x16xf32>,
      %get3A_719 = vector.shape_cast %get3A_718 : vector<1x1x1x16xf32> to vector<16xf32>
      %add3A_720 = arith.addf %add3A_616, %get3A_719 : vector<16xf32>
      scf.yield %add3A_629, %add3A_642, %add3A_655, %add3A_668, %add3A_681, %add3A_694, %add3A_707, %add3A_720 : vector<16xf32>, vector<16xf32>, vector<16xf32>, vector<16xf32>, vector<16xf32>, vector<16xf32>, vector<16xf32>, vector<16xf32>
    }
    %scan3A_139 = arith.constant 25 : i32
    %scan3A_140 = arith.constant 0 : i32
    %scan3A_141 = arith.constant 25 : i32
    %scan3A_142 = arith.addi %scan3A_140, %scan3A_141 : i32
    %scan3A_143 = arith.constant 1 : i32
    %scan3A_144:8 = scf.for %scan3A_297 = %scan3A_140 to %scan3A_142 step %scan3A_143 iter_args(%scan3A_298 = %scan3A_138#0, %scan3A_299 = %scan3A_138#1, %scan3A_300 = %scan3A_138#2, %scan3A_301 = %scan3A_138#3, %scan3A_302 = %scan3A_138#4, %scan3A_303 = %scan3A_138#5, %scan3A_304 = %scan3A_138#6, %scan3A_305 = %scan3A_138#7) -> (vector<16xf32>, vector<16xf32>, vector<16xf32>, vector<16xf32>, vector<16xf32>, vector<16xf32>, vector<16xf32>, vector<16xf32>)  : i32 {
      %mul3A_306 = arith.constant 4 : i32
      %mul3A_307 = arith.muli %mul3A_306, %scan3A_297 : i32
      %add3A_308 = arith.constant 0 : i32
      %add3A_309 = arith.addi %mul3A_307, %add3A_308 : i32
      %get3A = arith.constant 0 : i32
      %get3A_310 = arith.constant 1 : i32
      %get3A_311 = arith.index_cast %get3A : i32 to index
      %get3A_312 = arith.index_cast %get3A_310 : i32 to index
      %get3A_313 = arith.index_cast %add3A_309 : i32 to index
      %get3A_314 = arith.constant 0 : index
      %get3A_315 = tpu.vector_load %arg6[%get3A_311, %get3A_312, %get3A_313, %get3A_314] {strides = array<i32>} : memref<3x2x100x128xf32, #tpu.memory_space<vmem>>, vector<1x1x1x16xf32>,
      %get3A_316 = vector.shape_cast %get3A_315 : vector<1x1x1x16xf32> to vector<16xf32>
      %add3A_317 = arith.addf %scan3A_298, %get3A_316 : vector<16xf32>
      %mul3A_318 = arith.constant 4 : i32
      %mul3A_319 = arith.muli %mul3A_318, %scan3A_297 : i32
      %add3A_320 = arith.constant 0 : i32
      %add3A_321 = arith.addi %mul3A_319, %add3A_320 : i32
      %get3A_322 = arith.constant 0 : i32
      %get3A_323 = arith.constant 1 : i32
      %get3A_324 = arith.index_cast %get3A_322 : i32 to index
      %get3A_325 = arith.index_cast %get3A_323 : i32 to index
      %get3A_326 = arith.index_cast %add3A_321 : i32 to index
      %get3A_327 = arith.constant 16 : index
      %get3A_328 = tpu.vector_load %arg6[%get3A_324, %get3A_325, %get3A_326, %get3A_327] {strides = array<i32>} : memref<3x2x100x128xf32, #tpu.memory_space<vmem>>, vector<1x1x1x16xf32>,
      %get3A_329 = vector.shape_cast %get3A_328 : vector<1x1x1x16xf32> to vector<16xf32>
      %add3A_330 = arith.addf %scan3A_299, %get3A_329 : vector<16xf32>
      %mul3A_331 = arith.constant 4 : i32
      %mul3A_332 = arith.muli %mul3A_331, %scan3A_297 : i32
      %add3A_333 = arith.constant 0 : i32
      %add3A_334 = arith.addi %mul3A_332, %add3A_333 : i32
      %get3A_335 = arith.constant 0 : i32
      %get3A_336 = arith.constant 1 : i32
      %get3A_337 = arith.index_cast %get3A_335 : i32 to index
      %get3A_338 = arith.index_cast %get3A_336 : i32 to index
      %get3A_339 = arith.index_cast %add3A_334 : i32 to index
      %get3A_340 = arith.constant 32 : index
      %get3A_341 = tpu.vector_load %arg6[%get3A_337, %get3A_338, %get3A_339, %get3A_340] {strides = array<i32>} : memref<3x2x100x128xf32, #tpu.memory_space<vmem>>, vector<1x1x1x16xf32>,
      %get3A_342 = vector.shape_cast %get3A_341 : vector<1x1x1x16xf32> to vector<16xf32>
      %add3A_343 = arith.addf %scan3A_300, %get3A_342 : vector<16xf32>
      %mul3A_344 = arith.constant 4 : i32
      %mul3A_345 = arith.muli %mul3A_344, %scan3A_297 : i32
      %add3A_346 = arith.constant 0 : i32
      %add3A_347 = arith.addi %mul3A_345, %add3A_346 : i32
      %get3A_348 = arith.constant 0 : i32
      %get3A_349 = arith.constant 1 : i32
      %get3A_350 = arith.index_cast %get3A_348 : i32 to index
      %get3A_351 = arith.index_cast %get3A_349 : i32 to index
      %get3A_352 = arith.index_cast %add3A_347 : i32 to index
      %get3A_353 = arith.constant 48 : index
      %get3A_354 = tpu.vector_load %arg6[%get3A_350, %get3A_351, %get3A_352, %get3A_353] {strides = array<i32>} : memref<3x2x100x128xf32, #tpu.memory_space<vmem>>, vector<1x1x1x16xf32>,
      %get3A_355 = vector.shape_cast %get3A_354 : vector<1x1x1x16xf32> to vector<16xf32>
      %add3A_356 = arith.addf %scan3A_301, %get3A_355 : vector<16xf32>
      %mul3A_357 = arith.constant 4 : i32
      %mul3A_358 = arith.muli %mul3A_357, %scan3A_297 : i32
      %add3A_359 = arith.constant 0 : i32
      %add3A_360 = arith.addi %mul3A_358, %add3A_359 : i32
      %get3A_361 = arith.constant 0 : i32
      %get3A_362 = arith.constant 1 : i32
      %get3A_363 = arith.index_cast %get3A_361 : i32 to index
      %get3A_364 = arith.index_cast %get3A_362 : i32 to index
      %get3A_365 = arith.index_cast %add3A_360 : i32 to index
      %get3A_366 = arith.constant 64 : index
      %get3A_367 = tpu.vector_load %arg6[%get3A_363, %get3A_364, %get3A_365, %get3A_366] {strides = array<i32>} : memref<3x2x100x128xf32, #tpu.memory_space<vmem>>, vector<1x1x1x16xf32>,
      %get3A_368 = vector.shape_cast %get3A_367 : vector<1x1x1x16xf32> to vector<16xf32>
      %add3A_369 = arith.addf %scan3A_302, %get3A_368 : vector<16xf32>
      %mul3A_370 = arith.constant 4 : i32
      %mul3A_371 = arith.muli %mul3A_370, %scan3A_297 : i32
      %add3A_372 = arith.constant 0 : i32
      %add3A_373 = arith.addi %mul3A_371, %add3A_372 : i32
      %get3A_374 = arith.constant 0 : i32
      %get3A_375 = arith.constant 1 : i32
      %get3A_376 = arith.index_cast %get3A_374 : i32 to index
      %get3A_377 = arith.index_cast %get3A_375 : i32 to index
      %get3A_378 = arith.index_cast %add3A_373 : i32 to index
      %get3A_379 = arith.constant 80 : index
      %get3A_380 = tpu.vector_load %arg6[%get3A_376, %get3A_377, %get3A_378, %get3A_379] {strides = array<i32>} : memref<3x2x100x128xf32, #tpu.memory_space<vmem>>, vector<1x1x1x16xf32>,
      %get3A_381 = vector.shape_cast %get3A_380 : vector<1x1x1x16xf32> to vector<16xf32>
      %add3A_382 = arith.addf %scan3A_303, %get3A_381 : vector<16xf32>
      %mul3A_383 = arith.constant 4 : i32
      %mul3A_384 = arith.muli %mul3A_383, %scan3A_297 : i32
      %add3A_385 = arith.constant 0 : i32
      %add3A_386 = arith.addi %mul3A_384, %add3A_385 : i32
      %get3A_387 = arith.constant 0 : i32
      %get3A_388 = arith.constant 1 : i32
      %get3A_389 = arith.index_cast %get3A_387 : i32 to index
      %get3A_390 = arith.index_cast %get3A_388 : i32 to index
      %get3A_391 = arith.index_cast %add3A_386 : i32 to index
      %get3A_392 = arith.constant 96 : index
      %get3A_393 = tpu.vector_load %arg6[%get3A_389, %get3A_390, %get3A_391, %get3A_392] {strides = array<i32>} : memref<3x2x100x128xf32, #tpu.memory_space<vmem>>, vector<1x1x1x16xf32>,
      %get3A_394 = vector.shape_cast %get3A_393 : vector<1x1x1x16xf32> to vector<16xf32>
      %add3A_395 = arith.addf %scan3A_304, %get3A_394 : vector<16xf32>
      %mul3A_396 = arith.constant 4 : i32
      %mul3A_397 = arith.muli %mul3A_396, %scan3A_297 : i32
      %add3A_398 = arith.constant 0 : i32
      %add3A_399 = arith.addi %mul3A_397, %add3A_398 : i32
      %get3A_400 = arith.constant 0 : i32
      %get3A_401 = arith.constant 1 : i32
      %get3A_402 = arith.index_cast %get3A_400 : i32 to index
      %get3A_403 = arith.index_cast %get3A_401 : i32 to index
      %get3A_404 = arith.index_cast %add3A_399 : i32 to index
      %get3A_405 = arith.constant 112 : index
      %get3A_406 = tpu.vector_load %arg6[%get3A_402, %get3A_403, %get3A_404, %get3A_405] {strides = array<i32>} : memref<3x2x100x128xf32, #tpu.memory_space<vmem>>, vector<1x1x1x16xf32>,
      %get3A_407 = vector.shape_cast %get3A_406 : vector<1x1x1x16xf32> to vector<16xf32>
      %add3A_408 = arith.addf %scan3A_305, %get3A_407 : vector<16xf32>
      %mul3A_409 = arith.constant 4 : i32
      %mul3A_410 = arith.muli %mul3A_409, %scan3A_297 : i32
      %add3A_411 = arith.constant 1 : i32
      %add3A_412 = arith.addi %mul3A_410, %add3A_411 : i32
      %get3A_413 = arith.constant 0 : i32
      %get3A_414 = arith.constant 1 : i32
      %get3A_415 = arith.index_cast %get3A_413 : i32 to index
      %get3A_416 = arith.index_cast %get3A_414 : i32 to index
      %get3A_417 = arith.index_cast %add3A_412 : i32 to index
      %get3A_418 = arith.constant 0 : index
      %get3A_419 = tpu.vector_load %arg6[%get3A_415, %get3A_416, %get3A_417, %get3A_418] {strides = array<i32>} : memref<3x2x100x128xf32, #tpu.memory_space<vmem>>, vector<1x1x1x16xf32>,
      %get3A_420 = vector.shape_cast %get3A_419 : vector<1x1x1x16xf32> to vector<16xf32>
      %add3A_421 = arith.addf %add3A_317, %get3A_420 : vector<16xf32>
      %mul3A_422 = arith.constant 4 : i32
      %mul3A_423 = arith.muli %mul3A_422, %scan3A_297 : i32
      %add3A_424 = arith.constant 1 : i32
      %add3A_425 = arith.addi %mul3A_423, %add3A_424 : i32
      %get3A_426 = arith.constant 0 : i32
      %get3A_427 = arith.constant 1 : i32
      %get3A_428 = arith.index_cast %get3A_426 : i32 to index
      %get3A_429 = arith.index_cast %get3A_427 : i32 to index
      %get3A_430 = arith.index_cast %add3A_425 : i32 to index
      %get3A_431 = arith.constant 16 : index
      %get3A_432 = tpu.vector_load %arg6[%get3A_428, %get3A_429, %get3A_430, %get3A_431] {strides = array<i32>} : memref<3x2x100x128xf32, #tpu.memory_space<vmem>>, vector<1x1x1x16xf32>,
      %get3A_433 = vector.shape_cast %get3A_432 : vector<1x1x1x16xf32> to vector<16xf32>
      %add3A_434 = arith.addf %add3A_330, %get3A_433 : vector<16xf32>
      %mul3A_435 = arith.constant 4 : i32
      %mul3A_436 = arith.muli %mul3A_435, %scan3A_297 : i32
      %add3A_437 = arith.constant 1 : i32
      %add3A_438 = arith.addi %mul3A_436, %add3A_437 : i32
      %get3A_439 = arith.constant 0 : i32
      %get3A_440 = arith.constant 1 : i32
      %get3A_441 = arith.index_cast %get3A_439 : i32 to index
      %get3A_442 = arith.index_cast %get3A_440 : i32 to index
      %get3A_443 = arith.index_cast %add3A_438 : i32 to index
      %get3A_444 = arith.constant 32 : index
      %get3A_445 = tpu.vector_load %arg6[%get3A_441, %get3A_442, %get3A_443, %get3A_444] {strides = array<i32>} : memref<3x2x100x128xf32, #tpu.memory_space<vmem>>, vector<1x1x1x16xf32>,
      %get3A_446 = vector.shape_cast %get3A_445 : vector<1x1x1x16xf32> to vector<16xf32>
      %add3A_447 = arith.addf %add3A_343, %get3A_446 : vector<16xf32>
      %mul3A_448 = arith.constant 4 : i32
      %mul3A_449 = arith.muli %mul3A_448, %scan3A_297 : i32
      %add3A_450 = arith.constant 1 : i32
      %add3A_451 = arith.addi %mul3A_449, %add3A_450 : i32
      %get3A_452 = arith.constant 0 : i32
      %get3A_453 = arith.constant 1 : i32
      %get3A_454 = arith.index_cast %get3A_452 : i32 to index
      %get3A_455 = arith.index_cast %get3A_453 : i32 to index
      %get3A_456 = arith.index_cast %add3A_451 : i32 to index
      %get3A_457 = arith.constant 48 : index
      %get3A_458 = tpu.vector_load %arg6[%get3A_454, %get3A_455, %get3A_456, %get3A_457] {strides = array<i32>} : memref<3x2x100x128xf32, #tpu.memory_space<vmem>>, vector<1x1x1x16xf32>,
      %get3A_459 = vector.shape_cast %get3A_458 : vector<1x1x1x16xf32> to vector<16xf32>
      %add3A_460 = arith.addf %add3A_356, %get3A_459 : vector<16xf32>
      %mul3A_461 = arith.constant 4 : i32
      %mul3A_462 = arith.muli %mul3A_461, %scan3A_297 : i32
      %add3A_463 = arith.constant 1 : i32
      %add3A_464 = arith.addi %mul3A_462, %add3A_463 : i32
      %get3A_465 = arith.constant 0 : i32
      %get3A_466 = arith.constant 1 : i32
      %get3A_467 = arith.index_cast %get3A_465 : i32 to index
      %get3A_468 = arith.index_cast %get3A_466 : i32 to index
      %get3A_469 = arith.index_cast %add3A_464 : i32 to index
      %get3A_470 = arith.constant 64 : index
      %get3A_471 = tpu.vector_load %arg6[%get3A_467, %get3A_468, %get3A_469, %get3A_470] {strides = array<i32>} : memref<3x2x100x128xf32, #tpu.memory_space<vmem>>, vector<1x1x1x16xf32>,
      %get3A_472 = vector.shape_cast %get3A_471 : vector<1x1x1x16xf32> to vector<16xf32>
      %add3A_473 = arith.addf %add3A_369, %get3A_472 : vector<16xf32>
      %mul3A_474 = arith.constant 4 : i32
      %mul3A_475 = arith.muli %mul3A_474, %scan3A_297 : i32
      %add3A_476 = arith.constant 1 : i32
      %add3A_477 = arith.addi %mul3A_475, %add3A_476 : i32
      %get3A_478 = arith.constant 0 : i32
      %get3A_479 = arith.constant 1 : i32
      %get3A_480 = arith.index_cast %get3A_478 : i32 to index
      %get3A_481 = arith.index_cast %get3A_479 : i32 to index
      %get3A_482 = arith.index_cast %add3A_477 : i32 to index
      %get3A_483 = arith.constant 80 : index
      %get3A_484 = tpu.vector_load %arg6[%get3A_480, %get3A_481, %get3A_482, %get3A_483] {strides = array<i32>} : memref<3x2x100x128xf32, #tpu.memory_space<vmem>>, vector<1x1x1x16xf32>,
      %get3A_485 = vector.shape_cast %get3A_484 : vector<1x1x1x16xf32> to vector<16xf32>
      %add3A_486 = arith.addf %add3A_382, %get3A_485 : vector<16xf32>
      %mul3A_487 = arith.constant 4 : i32
      %mul3A_488 = arith.muli %mul3A_487, %scan3A_297 : i32
      %add3A_489 = arith.constant 1 : i32
      %add3A_490 = arith.addi %mul3A_488, %add3A_489 : i32
      %get3A_491 = arith.constant 0 : i32
      %get3A_492 = arith.constant 1 : i32
      %get3A_493 = arith.index_cast %get3A_491 : i32 to index
      %get3A_494 = arith.index_cast %get3A_492 : i32 to index
      %get3A_495 = arith.index_cast %add3A_490 : i32 to index
      %get3A_496 = arith.constant 96 : index
      %get3A_497 = tpu.vector_load %arg6[%get3A_493, %get3A_494, %get3A_495, %get3A_496] {strides = array<i32>} : memref<3x2x100x128xf32, #tpu.memory_space<vmem>>, vector<1x1x1x16xf32>,
      %get3A_498 = vector.shape_cast %get3A_497 : vector<1x1x1x16xf32> to vector<16xf32>
      %add3A_499 = arith.addf %add3A_395, %get3A_498 : vector<16xf32>
      %mul3A_500 = arith.constant 4 : i32
      %mul3A_501 = arith.muli %mul3A_500, %scan3A_297 : i32
      %add3A_502 = arith.constant 1 : i32
      %add3A_503 = arith.addi %mul3A_501, %add3A_502 : i32
      %get3A_504 = arith.constant 0 : i32
      %get3A_505 = arith.constant 1 : i32
      %get3A_506 = arith.index_cast %get3A_504 : i32 to index
      %get3A_507 = arith.index_cast %get3A_505 : i32 to index
      %get3A_508 = arith.index_cast %add3A_503 : i32 to index
      %get3A_509 = arith.constant 112 : index
      %get3A_510 = tpu.vector_load %arg6[%get3A_506, %get3A_507, %get3A_508, %get3A_509] {strides = array<i32>} : memref<3x2x100x128xf32, #tpu.memory_space<vmem>>, vector<1x1x1x16xf32>,
      %get3A_511 = vector.shape_cast %get3A_510 : vector<1x1x1x16xf32> to vector<16xf32>
      %add3A_512 = arith.addf %add3A_408, %get3A_511 : vector<16xf32>
      %mul3A_513 = arith.constant 4 : i32
      %mul3A_514 = arith.muli %mul3A_513, %scan3A_297 : i32
      %add3A_515 = arith.constant 2 : i32
      %add3A_516 = arith.addi %mul3A_514, %add3A_515 : i32
      %get3A_517 = arith.constant 0 : i32
      %get3A_518 = arith.constant 1 : i32
      %get3A_519 = arith.index_cast %get3A_517 : i32 to index
      %get3A_520 = arith.index_cast %get3A_518 : i32 to index
      %get3A_521 = arith.index_cast %add3A_516 : i32 to index
      %get3A_522 = arith.constant 0 : index
      %get3A_523 = tpu.vector_load %arg6[%get3A_519, %get3A_520, %get3A_521, %get3A_522] {strides = array<i32>} : memref<3x2x100x128xf32, #tpu.memory_space<vmem>>, vector<1x1x1x16xf32>,
      %get3A_524 = vector.shape_cast %get3A_523 : vector<1x1x1x16xf32> to vector<16xf32>
      %add3A_525 = arith.addf %add3A_421, %get3A_524 : vector<16xf32>
      %mul3A_526 = arith.constant 4 : i32
      %mul3A_527 = arith.muli %mul3A_526, %scan3A_297 : i32
      %add3A_528 = arith.constant 2 : i32
      %add3A_529 = arith.addi %mul3A_527, %add3A_528 : i32
      %get3A_530 = arith.constant 0 : i32
      %get3A_531 = arith.constant 1 : i32
      %get3A_532 = arith.index_cast %get3A_530 : i32 to index
      %get3A_533 = arith.index_cast %get3A_531 : i32 to index
      %get3A_534 = arith.index_cast %add3A_529 : i32 to index
      %get3A_535 = arith.constant 16 : index
      %get3A_536 = tpu.vector_load %arg6[%get3A_532, %get3A_533, %get3A_534, %get3A_535] {strides = array<i32>} : memref<3x2x100x128xf32, #tpu.memory_space<vmem>>, vector<1x1x1x16xf32>,
      %get3A_537 = vector.shape_cast %get3A_536 : vector<1x1x1x16xf32> to vector<16xf32>
      %add3A_538 = arith.addf %add3A_434, %get3A_537 : vector<16xf32>
      %mul3A_539 = arith.constant 4 : i32
      %mul3A_540 = arith.muli %mul3A_539, %scan3A_297 : i32
      %add3A_541 = arith.constant 2 : i32
      %add3A_542 = arith.addi %mul3A_540, %add3A_541 : i32
      %get3A_543 = arith.constant 0 : i32
      %get3A_544 = arith.constant 1 : i32
      %get3A_545 = arith.index_cast %get3A_543 : i32 to index
      %get3A_546 = arith.index_cast %get3A_544 : i32 to index
      %get3A_547 = arith.index_cast %add3A_542 : i32 to index
      %get3A_548 = arith.constant 32 : index
      %get3A_549 = tpu.vector_load %arg6[%get3A_545, %get3A_546, %get3A_547, %get3A_548] {strides = array<i32>} : memref<3x2x100x128xf32, #tpu.memory_space<vmem>>, vector<1x1x1x16xf32>,
      %get3A_550 = vector.shape_cast %get3A_549 : vector<1x1x1x16xf32> to vector<16xf32>
      %add3A_551 = arith.addf %add3A_447, %get3A_550 : vector<16xf32>
      %mul3A_552 = arith.constant 4 : i32
      %mul3A_553 = arith.muli %mul3A_552, %scan3A_297 : i32
      %add3A_554 = arith.constant 2 : i32
      %add3A_555 = arith.addi %mul3A_553, %add3A_554 : i32
      %get3A_556 = arith.constant 0 : i32
      %get3A_557 = arith.constant 1 : i32
      %get3A_558 = arith.index_cast %get3A_556 : i32 to index
      %get3A_559 = arith.index_cast %get3A_557 : i32 to index
      %get3A_560 = arith.index_cast %add3A_555 : i32 to index
      %get3A_561 = arith.constant 48 : index
      %get3A_562 = tpu.vector_load %arg6[%get3A_558, %get3A_559, %get3A_560, %get3A_561] {strides = array<i32>} : memref<3x2x100x128xf32, #tpu.memory_space<vmem>>, vector<1x1x1x16xf32>,
      %get3A_563 = vector.shape_cast %get3A_562 : vector<1x1x1x16xf32> to vector<16xf32>
      %add3A_564 = arith.addf %add3A_460, %get3A_563 : vector<16xf32>
      %mul3A_565 = arith.constant 4 : i32
      %mul3A_566 = arith.muli %mul3A_565, %scan3A_297 : i32
      %add3A_567 = arith.constant 2 : i32
      %add3A_568 = arith.addi %mul3A_566, %add3A_567 : i32
      %get3A_569 = arith.constant 0 : i32
      %get3A_570 = arith.constant 1 : i32
      %get3A_571 = arith.index_cast %get3A_569 : i32 to index
      %get3A_572 = arith.index_cast %get3A_570 : i32 to index
      %get3A_573 = arith.index_cast %add3A_568 : i32 to index
      %get3A_574 = arith.constant 64 : index
      %get3A_575 = tpu.vector_load %arg6[%get3A_571, %get3A_572, %get3A_573, %get3A_574] {strides = array<i32>} : memref<3x2x100x128xf32, #tpu.memory_space<vmem>>, vector<1x1x1x16xf32>,
      %get3A_576 = vector.shape_cast %get3A_575 : vector<1x1x1x16xf32> to vector<16xf32>
      %add3A_577 = arith.addf %add3A_473, %get3A_576 : vector<16xf32>
      %mul3A_578 = arith.constant 4 : i32
      %mul3A_579 = arith.muli %mul3A_578, %scan3A_297 : i32
      %add3A_580 = arith.constant 2 : i32
      %add3A_581 = arith.addi %mul3A_579, %add3A_580 : i32
      %get3A_582 = arith.constant 0 : i32
      %get3A_583 = arith.constant 1 : i32
      %get3A_584 = arith.index_cast %get3A_582 : i32 to index
      %get3A_585 = arith.index_cast %get3A_583 : i32 to index
      %get3A_586 = arith.index_cast %add3A_581 : i32 to index
      %get3A_587 = arith.constant 80 : index
      %get3A_588 = tpu.vector_load %arg6[%get3A_584, %get3A_585, %get3A_586, %get3A_587] {strides = array<i32>} : memref<3x2x100x128xf32, #tpu.memory_space<vmem>>, vector<1x1x1x16xf32>,
      %get3A_589 = vector.shape_cast %get3A_588 : vector<1x1x1x16xf32> to vector<16xf32>
      %add3A_590 = arith.addf %add3A_486, %get3A_589 : vector<16xf32>
      %mul3A_591 = arith.constant 4 : i32
      %mul3A_592 = arith.muli %mul3A_591, %scan3A_297 : i32
      %add3A_593 = arith.constant 2 : i32
      %add3A_594 = arith.addi %mul3A_592, %add3A_593 : i32
      %get3A_595 = arith.constant 0 : i32
      %get3A_596 = arith.constant 1 : i32
      %get3A_597 = arith.index_cast %get3A_595 : i32 to index
      %get3A_598 = arith.index_cast %get3A_596 : i32 to index
      %get3A_599 = arith.index_cast %add3A_594 : i32 to index
      %get3A_600 = arith.constant 96 : index
      %get3A_601 = tpu.vector_load %arg6[%get3A_597, %get3A_598, %get3A_599, %get3A_600] {strides = array<i32>} : memref<3x2x100x128xf32, #tpu.memory_space<vmem>>, vector<1x1x1x16xf32>,
      %get3A_602 = vector.shape_cast %get3A_601 : vector<1x1x1x16xf32> to vector<16xf32>
      %add3A_603 = arith.addf %add3A_499, %get3A_602 : vector<16xf32>
      %mul3A_604 = arith.constant 4 : i32
      %mul3A_605 = arith.muli %mul3A_604, %scan3A_297 : i32
      %add3A_606 = arith.constant 2 : i32
      %add3A_607 = arith.addi %mul3A_605, %add3A_606 : i32
      %get3A_608 = arith.constant 0 : i32
      %get3A_609 = arith.constant 1 : i32
      %get3A_610 = arith.index_cast %get3A_608 : i32 to index
      %get3A_611 = arith.index_cast %get3A_609 : i32 to index
      %get3A_612 = arith.index_cast %add3A_607 : i32 to index
      %get3A_613 = arith.constant 112 : index
      %get3A_614 = tpu.vector_load %arg6[%get3A_610, %get3A_611, %get3A_612, %get3A_613] {strides = array<i32>} : memref<3x2x100x128xf32, #tpu.memory_space<vmem>>, vector<1x1x1x16xf32>,
      %get3A_615 = vector.shape_cast %get3A_614 : vector<1x1x1x16xf32> to vector<16xf32>
      %add3A_616 = arith.addf %add3A_512, %get3A_615 : vector<16xf32>
      %mul3A_617 = arith.constant 4 : i32
      %mul3A_618 = arith.muli %mul3A_617, %scan3A_297 : i32
      %add3A_619 = arith.constant 3 : i32
      %add3A_620 = arith.addi %mul3A_618, %add3A_619 : i32
      %get3A_621 = arith.constant 0 : i32
      %get3A_622 = arith.constant 1 : i32
      %get3A_623 = arith.index_cast %get3A_621 : i32 to index
      %get3A_624 = arith.index_cast %get3A_622 : i32 to index
      %get3A_625 = arith.index_cast %add3A_620 : i32 to index
      %get3A_626 = arith.constant 0 : index
      %get3A_627 = tpu.vector_load %arg6[%get3A_623, %get3A_624, %get3A_625, %get3A_626] {strides = array<i32>} : memref<3x2x100x128xf32, #tpu.memory_space<vmem>>, vector<1x1x1x16xf32>,
      %get3A_628 = vector.shape_cast %get3A_627 : vector<1x1x1x16xf32> to vector<16xf32>
      %add3A_629 = arith.addf %add3A_525, %get3A_628 : vector<16xf32>
      %mul3A_630 = arith.constant 4 : i32
      %mul3A_631 = arith.muli %mul3A_630, %scan3A_297 : i32
      %add3A_632 = arith.constant 3 : i32
      %add3A_633 = arith.addi %mul3A_631, %add3A_632 : i32
      %get3A_634 = arith.constant 0 : i32
      %get3A_635 = arith.constant 1 : i32
      %get3A_636 = arith.index_cast %get3A_634 : i32 to index
      %get3A_637 = arith.index_cast %get3A_635 : i32 to index
      %get3A_638 = arith.index_cast %add3A_633 : i32 to index
      %get3A_639 = arith.constant 16 : index
      %get3A_640 = tpu.vector_load %arg6[%get3A_636, %get3A_637, %get3A_638, %get3A_639] {strides = array<i32>} : memref<3x2x100x128xf32, #tpu.memory_space<vmem>>, vector<1x1x1x16xf32>,
      %get3A_641 = vector.shape_cast %get3A_640 : vector<1x1x1x16xf32> to vector<16xf32>
      %add3A_642 = arith.addf %add3A_538, %get3A_641 : vector<16xf32>
      %mul3A_643 = arith.constant 4 : i32
      %mul3A_644 = arith.muli %mul3A_643, %scan3A_297 : i32
      %add3A_645 = arith.constant 3 : i32
      %add3A_646 = arith.addi %mul3A_644, %add3A_645 : i32
      %get3A_647 = arith.constant 0 : i32
      %get3A_648 = arith.constant 1 : i32
      %get3A_649 = arith.index_cast %get3A_647 : i32 to index
      %get3A_650 = arith.index_cast %get3A_648 : i32 to index
      %get3A_651 = arith.index_cast %add3A_646 : i32 to index
      %get3A_652 = arith.constant 32 : index
      %get3A_653 = tpu.vector_load %arg6[%get3A_649, %get3A_650, %get3A_651, %get3A_652] {strides = array<i32>} : memref<3x2x100x128xf32, #tpu.memory_space<vmem>>, vector<1x1x1x16xf32>,
      %get3A_654 = vector.shape_cast %get3A_653 : vector<1x1x1x16xf32> to vector<16xf32>
      %add3A_655 = arith.addf %add3A_551, %get3A_654 : vector<16xf32>
      %mul3A_656 = arith.constant 4 : i32
      %mul3A_657 = arith.muli %mul3A_656, %scan3A_297 : i32
      %add3A_658 = arith.constant 3 : i32
      %add3A_659 = arith.addi %mul3A_657, %add3A_658 : i32
      %get3A_660 = arith.constant 0 : i32
      %get3A_661 = arith.constant 1 : i32
      %get3A_662 = arith.index_cast %get3A_660 : i32 to index
      %get3A_663 = arith.index_cast %get3A_661 : i32 to index
      %get3A_664 = arith.index_cast %add3A_659 : i32 to index
      %get3A_665 = arith.constant 48 : index
      %get3A_666 = tpu.vector_load %arg6[%get3A_662, %get3A_663, %get3A_664, %get3A_665] {strides = array<i32>} : memref<3x2x100x128xf32, #tpu.memory_space<vmem>>, vector<1x1x1x16xf32>,
      %get3A_667 = vector.shape_cast %get3A_666 : vector<1x1x1x16xf32> to vector<16xf32>
      %add3A_668 = arith.addf %add3A_564, %get3A_667 : vector<16xf32>
      %mul3A_669 = arith.constant 4 : i32
      %mul3A_670 = arith.muli %mul3A_669, %scan3A_297 : i32
      %add3A_671 = arith.constant 3 : i32
      %add3A_672 = arith.addi %mul3A_670, %add3A_671 : i32
      %get3A_673 = arith.constant 0 : i32
      %get3A_674 = arith.constant 1 : i32
      %get3A_675 = arith.index_cast %get3A_673 : i32 to index
      %get3A_676 = arith.index_cast %get3A_674 : i32 to index
      %get3A_677 = arith.index_cast %add3A_672 : i32 to index
      %get3A_678 = arith.constant 64 : index
      %get3A_679 = tpu.vector_load %arg6[%get3A_675, %get3A_676, %get3A_677, %get3A_678] {strides = array<i32>} : memref<3x2x100x128xf32, #tpu.memory_space<vmem>>, vector<1x1x1x16xf32>,
      %get3A_680 = vector.shape_cast %get3A_679 : vector<1x1x1x16xf32> to vector<16xf32>
      %add3A_681 = arith.addf %add3A_577, %get3A_680 : vector<16xf32>
      %mul3A_682 = arith.constant 4 : i32
      %mul3A_683 = arith.muli %mul3A_682, %scan3A_297 : i32
      %add3A_684 = arith.constant 3 : i32
      %add3A_685 = arith.addi %mul3A_683, %add3A_684 : i32
      %get3A_686 = arith.constant 0 : i32
      %get3A_687 = arith.constant 1 : i32
      %get3A_688 = arith.index_cast %get3A_686 : i32 to index
      %get3A_689 = arith.index_cast %get3A_687 : i32 to index
      %get3A_690 = arith.index_cast %add3A_685 : i32 to index
      %get3A_691 = arith.constant 80 : index
      %get3A_692 = tpu.vector_load %arg6[%get3A_688, %get3A_689, %get3A_690, %get3A_691] {strides = array<i32>} : memref<3x2x100x128xf32, #tpu.memory_space<vmem>>, vector<1x1x1x16xf32>,
      %get3A_693 = vector.shape_cast %get3A_692 : vector<1x1x1x16xf32> to vector<16xf32>
      %add3A_694 = arith.addf %add3A_590, %get3A_693 : vector<16xf32>
      %mul3A_695 = arith.constant 4 : i32
      %mul3A_696 = arith.muli %mul3A_695, %scan3A_297 : i32
      %add3A_697 = arith.constant 3 : i32
      %add3A_698 = arith.addi %mul3A_696, %add3A_697 : i32
      %get3A_699 = arith.constant 0 : i32
      %get3A_700 = arith.constant 1 : i32
      %get3A_701 = arith.index_cast %get3A_699 : i32 to index
      %get3A_702 = arith.index_cast %get3A_700 : i32 to index
      %get3A_703 = arith.index_cast %add3A_698 : i32 to index
      %get3A_704 = arith.constant 96 : index
      %get3A_705 = tpu.vector_load %arg6[%get3A_701, %get3A_702, %get3A_703, %get3A_704] {strides = array<i32>} : memref<3x2x100x128xf32, #tpu.memory_space<vmem>>, vector<1x1x1x16xf32>,
      %get3A_706 = vector.shape_cast %get3A_705 : vector<1x1x1x16xf32> to vector<16xf32>
      %add3A_707 = arith.addf %add3A_603, %get3A_706 : vector<16xf32>
      %mul3A_708 = arith.constant 4 : i32
      %mul3A_709 = arith.muli %mul3A_708, %scan3A_297 : i32
      %add3A_710 = arith.constant 3 : i32
      %add3A_711 = arith.addi %mul3A_709, %add3A_710 : i32
      %get3A_712 = arith.constant 0 : i32
      %get3A_713 = arith.constant 1 : i32
      %get3A_714 = arith.index_cast %get3A_712 : i32 to index
      %get3A_715 = arith.index_cast %get3A_713 : i32 to index
      %get3A_716 = arith.index_cast %add3A_711 : i32 to index
      %get3A_717 = arith.constant 112 : index
      %get3A_718 = tpu.vector_load %arg6[%get3A_714, %get3A_715, %get3A_716, %get3A_717] {strides = array<i32>} : memref<3x2x100x128xf32, #tpu.memory_space<vmem>>, vector<1x1x1x16xf32>,
      %get3A_719 = vector.shape_cast %get3A_718 : vector<1x1x1x16xf32> to vector<16xf32>
      %add3A_720 = arith.addf %add3A_616, %get3A_719 : vector<16xf32>
      scf.yield %add3A_629, %add3A_642, %add3A_655, %add3A_668, %add3A_681, %add3A_694, %add3A_707, %add3A_720 : vector<16xf32>, vector<16xf32>, vector<16xf32>, vector<16xf32>, vector<16xf32>, vector<16xf32>, vector<16xf32>, vector<16xf32>
    }
    %scan3A_145 = arith.constant 25 : i32
    %swap3A = arith.constant 126 : i32
    %swap3A_146 = arith.index_cast %swap3A : i32 to index
    %swap3A_147 = arith.constant 0 : index
    %swap3A_148 = tpu.vector_load %arg7[%swap3A_146, %swap3A_147] {strides = array<i32>} : memref<128x128xf32, #tpu.memory_space<vmem>>, vector<1x16xf32>,
    %swap3A_149 = vector.shape_cast %swap3A_148 : vector<1x16xf32> to vector<16xf32>
    %swap3A_150 = vector.shape_cast %scan3A_144#0 : vector<16xf32> to vector<1x16xf32>
    tpu.vector_store %arg7[%swap3A_146, %swap3A_147], %swap3A_150 {strides = array<i32>} : memref<128x128xf32, #tpu.memory_space<vmem>>, vector<1x16xf32>,
    %swap3A_151 = arith.constant 126 : i32
    %swap3A_152 = arith.index_cast %swap3A_151 : i32 to index
    %swap3A_153 = arith.constant 16 : index
    %swap3A_154 = tpu.vector_load %arg7[%swap3A_152, %swap3A_153] {strides = array<i32>} : memref<128x128xf32, #tpu.memory_space<vmem>>, vector<1x16xf32>,
    %swap3A_155 = vector.shape_cast %swap3A_154 : vector<1x16xf32> to vector<16xf32>
    %swap3A_156 = vector.shape_cast %scan3A_144#1 : vector<16xf32> to vector<1x16xf32>
    tpu.vector_store %arg7[%swap3A_152, %swap3A_153], %swap3A_156 {strides = array<i32>} : memref<128x128xf32, #tpu.memory_space<vmem>>, vector<1x16xf32>,
    %swap3A_157 = arith.constant 126 : i32
    %swap3A_158 = arith.index_cast %swap3A_157 : i32 to index
    %swap3A_159 = arith.constant 32 : index
    %swap3A_160 = tpu.vector_load %arg7[%swap3A_158, %swap3A_159] {strides = array<i32>} : memref<128x128xf32, #tpu.memory_space<vmem>>, vector<1x16xf32>,
    %swap3A_161 = vector.shape_cast %swap3A_160 : vector<1x16xf32> to vector<16xf32>
    %swap3A_162 = vector.shape_cast %scan3A_144#2 : vector<16xf32> to vector<1x16xf32>
    tpu.vector_store %arg7[%swap3A_158, %swap3A_159], %swap3A_162 {strides = array<i32>} : memref<128x128xf32, #tpu.memory_space<vmem>>, vector<1x16xf32>,
    %swap3A_163 = arith.constant 126 : i32
    %swap3A_164 = arith.index_cast %swap3A_163 : i32 to index
    %swap3A_165 = arith.constant 48 : index
    %swap3A_166 = tpu.vector_load %arg7[%swap3A_164, %swap3A_165] {strides = array<i32>} : memref<128x128xf32, #tpu.memory_space<vmem>>, vector<1x16xf32>,
    %swap3A_167 = vector.shape_cast %swap3A_166 : vector<1x16xf32> to vector<16xf32>
    %swap3A_168 = vector.shape_cast %scan3A_144#3 : vector<16xf32> to vector<1x16xf32>
    tpu.vector_store %arg7[%swap3A_164, %swap3A_165], %swap3A_168 {strides = array<i32>} : memref<128x128xf32, #tpu.memory_space<vmem>>, vector<1x16xf32>,
    %swap3A_169 = arith.constant 126 : i32
    %swap3A_170 = arith.index_cast %swap3A_169 : i32 to index
    %swap3A_171 = arith.constant 64 : index
    %swap3A_172 = tpu.vector_load %arg7[%swap3A_170, %swap3A_171] {strides = array<i32>} : memref<128x128xf32, #tpu.memory_space<vmem>>, vector<1x16xf32>,
    %swap3A_173 = vector.shape_cast %swap3A_172 : vector<1x16xf32> to vector<16xf32>
    %swap3A_174 = vector.shape_cast %scan3A_144#4 : vector<16xf32> to vector<1x16xf32>
    tpu.vector_store %arg7[%swap3A_170, %swap3A_171], %swap3A_174 {strides = array<i32>} : memref<128x128xf32, #tpu.memory_space<vmem>>, vector<1x16xf32>,
    %swap3A_175 = arith.constant 126 : i32
    %swap3A_176 = arith.index_cast %swap3A_175 : i32 to index
    %swap3A_177 = arith.constant 80 : index
    %swap3A_178 = tpu.vector_load %arg7[%swap3A_176, %swap3A_177] {strides = array<i32>} : memref<128x128xf32, #tpu.memory_space<vmem>>, vector<1x16xf32>,
    %swap3A_179 = vector.shape_cast %swap3A_178 : vector<1x16xf32> to vector<16xf32>
    %swap3A_180 = vector.shape_cast %scan3A_144#5 : vector<16xf32> to vector<1x16xf32>
    tpu.vector_store %arg7[%swap3A_176, %swap3A_177], %swap3A_180 {strides = array<i32>} : memref<128x128xf32, #tpu.memory_space<vmem>>, vector<1x16xf32>,
    %swap3A_181 = arith.constant 126 : i32
    %swap3A_182 = arith.index_cast %swap3A_181 : i32 to index
    %swap3A_183 = arith.constant 96 : index
    %swap3A_184 = tpu.vector_load %arg7[%swap3A_182, %swap3A_183] {strides = array<i32>} : memref<128x128xf32, #tpu.memory_space<vmem>>, vector<1x16xf32>,
    %swap3A_185 = vector.shape_cast %swap3A_184 : vector<1x16xf32> to vector<16xf32>
    %swap3A_186 = vector.shape_cast %scan3A_144#6 : vector<16xf32> to vector<1x16xf32>
    tpu.vector_store %arg7[%swap3A_182, %swap3A_183], %swap3A_186 {strides = array<i32>} : memref<128x128xf32, #tpu.memory_space<vmem>>, vector<1x16xf32>,
    %swap3A_187 = arith.constant 126 : i32
    %swap3A_188 = arith.index_cast %swap3A_187 : i32 to index
    %swap3A_189 = arith.constant 112 : index
    %swap3A_190 = tpu.vector_load %arg7[%swap3A_188, %swap3A_189] {strides = array<i32>} : memref<128x128xf32, #tpu.memory_space<vmem>>, vector<1x16xf32>,
    %swap3A_191 = vector.shape_cast %swap3A_190 : vector<1x16xf32> to vector<16xf32>
    %swap3A_192 = vector.shape_cast %scan3A_144#7 : vector<16xf32> to vector<1x16xf32>
    tpu.vector_store %arg7[%swap3A_188, %swap3A_189], %swap3A_192 {strides = array<i32>} : memref<128x128xf32, #tpu.memory_space<vmem>>, vector<1x16xf32>,
    %dma_wait3A_193 = arith.constant 127 : i32
    %dma_wait3A_194 = arith.constant 0 : i32
    %dma_wait3A_195 = arith.constant 1 : i32
    %dma_wait3A_196 = arith.constant 0 : i32
    %dma_wait3A_197 = arith.constant 0 : i32
    %dma_wait3A_198 = arith.constant 0 : i32
    %dma_wait3A_199 = tpu.memref_slice %arg6[%dma_wait3A_195, %dma_wait3A_196, %dma_wait3A_197, %dma_wait3A_198] : memref<3x2x100x128xf32, #tpu.memory_space<vmem>> -> memref<1x1x100x128xf32, #tpu.memory_space<vmem>>
    %dma_wait3A_200 = tpu.memref_squeeze %dma_wait3A_199 : memref<1x1x100x128xf32, #tpu.memory_space<vmem>> -> memref<100x128xf32, #tpu.memory_space<vmem>>
    %dma_wait3A_201 = arith.constant 0 : i32
    %dma_wait3A_202 = tpu.memref_slice %arg5[%dma_wait3A_193, %dma_wait3A_194, %dma_wait3A_201] : memref<128x2x100xi32, #tpu.memory_space<vmem>> -> memref<1x1x100xi32, #tpu.memory_space<vmem>>
    %dma_wait3A_203 = tpu.memref_squeeze %dma_wait3A_202 : memref<1x1x100xi32, #tpu.memory_space<vmem>> -> memref<100xi32, #tpu.memory_space<vmem>>
    %dma_wait3A_204 = arith.constant 0 : i32
    %dma_wait3A_205 = arith.constant 0 : i32
    %dma_wait3A_206 = tpu.memref_slice %arg3[%dma_wait3A_204, %dma_wait3A_205] : memref<100000x128xf32, #tpu.memory_space<hbm>> -> memref<100000x128xf32, #tpu.memory_space<hbm>>
    tpu.wait_indirect_dma semaphore(%arg9 : memref<!tpu.dma_semaphore, #tpu.memory_space<semaphore_mem>>) src(%dma_wait3A_206 : memref<100000x128xf32, #tpu.memory_space<hbm>>) dst(%dma_wait3A_200 : memref<100x128xf32, #tpu.memory_space<vmem>>)
    %dma_wait3A_207 = arith.constant 127 : i32
    %dma_wait3A_208 = arith.constant 1 : i32
    %dma_wait3A_209 = arith.constant 1 : i32
    %dma_wait3A_210 = arith.constant 1 : i32
    %dma_wait3A_211 = arith.constant 0 : i32
    %dma_wait3A_212 = arith.constant 0 : i32
    %dma_wait3A_213 = tpu.memref_slice %arg6[%dma_wait3A_209, %dma_wait3A_210, %dma_wait3A_211, %dma_wait3A_212] : memref<3x2x100x128xf32, #tpu.memory_space<vmem>> -> memref<1x1x100x128xf32, #tpu.memory_space<vmem>>
    %dma_wait3A_214 = tpu.memref_squeeze %dma_wait3A_213 : memref<1x1x100x128xf32, #tpu.memory_space<vmem>> -> memref<100x128xf32, #tpu.memory_space<vmem>>
    %dma_wait3A_215 = arith.constant 0 : i32
    %dma_wait3A_216 = tpu.memref_slice %arg5[%dma_wait3A_207, %dma_wait3A_208, %dma_wait3A_215] : memref<128x2x100xi32, #tpu.memory_space<vmem>> -> memref<1x1x100xi32, #tpu.memory_space<vmem>>
    %dma_wait3A_217 = tpu.memref_squeeze %dma_wait3A_216 : memref<1x1x100xi32, #tpu.memory_space<vmem>> -> memref<100xi32, #tpu.memory_space<vmem>>
    %dma_wait3A_218 = arith.constant 0 : i32
    %dma_wait3A_219 = arith.constant 0 : i32
    %dma_wait3A_220 = tpu.memref_slice %arg3[%dma_wait3A_218, %dma_wait3A_219] : memref<100000x128xf32, #tpu.memory_space<hbm>> -> memref<100000x128xf32, #tpu.memory_space<hbm>>
    tpu.wait_indirect_dma semaphore(%arg9 : memref<!tpu.dma_semaphore, #tpu.memory_space<semaphore_mem>>) src(%dma_wait3A_220 : memref<100000x128xf32, #tpu.memory_space<hbm>>) dst(%dma_wait3A_214 : memref<100x128xf32, #tpu.memory_space<vmem>>)
    %broadcast_in_dim3A_221 = arith.constant 0.000000e+00 : f32
    %broadcast_in_dim3A_222 = vector.broadcast %broadcast_in_dim3A_221 : f32 to vector<16xf32>
    %broadcast_in_dim3A_223 = arith.constant 0.000000e+00 : f32
    %broadcast_in_dim3A_224 = vector.broadcast %broadcast_in_dim3A_223 : f32 to vector<16xf32>
    %broadcast_in_dim3A_225 = arith.constant 0.000000e+00 : f32
    %broadcast_in_dim3A_226 = vector.broadcast %broadcast_in_dim3A_225 : f32 to vector<16xf32>
    %broadcast_in_dim3A_227 = arith.constant 0.000000e+00 : f32
    %broadcast_in_dim3A_228 = vector.broadcast %broadcast_in_dim3A_227 : f32 to vector<16xf32>
    %broadcast_in_dim3A_229 = arith.constant 0.000000e+00 : f32
    %broadcast_in_dim3A_230 = vector.broadcast %broadcast_in_dim3A_229 : f32 to vector<16xf32>
    %broadcast_in_dim3A_231 = arith.constant 0.000000e+00 : f32
    %broadcast_in_dim3A_232 = vector.broadcast %broadcast_in_dim3A_231 : f32 to vector<16xf32>
    %broadcast_in_dim3A_233 = arith.constant 0.000000e+00 : f32
    %broadcast_in_dim3A_234 = vector.broadcast %broadcast_in_dim3A_233 : f32 to vector<16xf32>
    %broadcast_in_dim3A_235 = arith.constant 0.000000e+00 : f32
    %broadcast_in_dim3A_236 = vector.broadcast %broadcast_in_dim3A_235 : f32 to vector<16xf32>
    %scan3A_237 = arith.constant 0 : i32
    %scan3A_238 = arith.constant 25 : i32
    %scan3A_239 = arith.addi %scan3A_237, %scan3A_238 : i32
    %scan3A_240 = arith.constant 1 : i32
    %scan3A_241:8 = scf.for %scan3A_297 = %scan3A_237 to %scan3A_239 step %scan3A_240 iter_args(%scan3A_298 = %broadcast_in_dim3A_222, %scan3A_299 = %broadcast_in_dim3A_224, %scan3A_300 = %broadcast_in_dim3A_226, %scan3A_301 = %broadcast_in_dim3A_228, %scan3A_302 = %broadcast_in_dim3A_230, %scan3A_303 = %broadcast_in_dim3A_232, %scan3A_304 = %broadcast_in_dim3A_234, %scan3A_305 = %broadcast_in_dim3A_236) -> (vector<16xf32>, vector<16xf32>, vector<16xf32>, vector<16xf32>, vector<16xf32>, vector<16xf32>, vector<16xf32>, vector<16xf32>)  : i32 {
      %mul3A_306 = arith.constant 4 : i32
      %mul3A_307 = arith.muli %mul3A_306, %scan3A_297 : i32
      %add3A_308 = arith.constant 0 : i32
      %add3A_309 = arith.addi %mul3A_307, %add3A_308 : i32
      %get3A = arith.constant 1 : i32
      %get3A_310 = arith.constant 0 : i32
      %get3A_311 = arith.index_cast %get3A : i32 to index
      %get3A_312 = arith.index_cast %get3A_310 : i32 to index
      %get3A_313 = arith.index_cast %add3A_309 : i32 to index
      %get3A_314 = arith.constant 0 : index
      %get3A_315 = tpu.vector_load %arg6[%get3A_311, %get3A_312, %get3A_313, %get3A_314] {strides = array<i32>} : memref<3x2x100x128xf32, #tpu.memory_space<vmem>>, vector<1x1x1x16xf32>,
      %get3A_316 = vector.shape_cast %get3A_315 : vector<1x1x1x16xf32> to vector<16xf32>
      %add3A_317 = arith.addf %scan3A_298, %get3A_316 : vector<16xf32>
      %mul3A_318 = arith.constant 4 : i32
      %mul3A_319 = arith.muli %mul3A_318, %scan3A_297 : i32
      %add3A_320 = arith.constant 0 : i32
      %add3A_321 = arith.addi %mul3A_319, %add3A_320 : i32
      %get3A_322 = arith.constant 1 : i32
      %get3A_323 = arith.constant 0 : i32
      %get3A_324 = arith.index_cast %get3A_322 : i32 to index
      %get3A_325 = arith.index_cast %get3A_323 : i32 to index
      %get3A_326 = arith.index_cast %add3A_321 : i32 to index
      %get3A_327 = arith.constant 16 : index
      %get3A_328 = tpu.vector_load %arg6[%get3A_324, %get3A_325, %get3A_326, %get3A_327] {strides = array<i32>} : memref<3x2x100x128xf32, #tpu.memory_space<vmem>>, vector<1x1x1x16xf32>,
      %get3A_329 = vector.shape_cast %get3A_328 : vector<1x1x1x16xf32> to vector<16xf32>
      %add3A_330 = arith.addf %scan3A_299, %get3A_329 : vector<16xf32>
      %mul3A_331 = arith.constant 4 : i32
      %mul3A_332 = arith.muli %mul3A_331, %scan3A_297 : i32
      %add3A_333 = arith.constant 0 : i32
      %add3A_334 = arith.addi %mul3A_332, %add3A_333 : i32
      %get3A_335 = arith.constant 1 : i32
      %get3A_336 = arith.constant 0 : i32
      %get3A_337 = arith.index_cast %get3A_335 : i32 to index
      %get3A_338 = arith.index_cast %get3A_336 : i32 to index
      %get3A_339 = arith.index_cast %add3A_334 : i32 to index
      %get3A_340 = arith.constant 32 : index
      %get3A_341 = tpu.vector_load %arg6[%get3A_337, %get3A_338, %get3A_339, %get3A_340] {strides = array<i32>} : memref<3x2x100x128xf32, #tpu.memory_space<vmem>>, vector<1x1x1x16xf32>,
      %get3A_342 = vector.shape_cast %get3A_341 : vector<1x1x1x16xf32> to vector<16xf32>
      %add3A_343 = arith.addf %scan3A_300, %get3A_342 : vector<16xf32>
      %mul3A_344 = arith.constant 4 : i32
      %mul3A_345 = arith.muli %mul3A_344, %scan3A_297 : i32
      %add3A_346 = arith.constant 0 : i32
      %add3A_347 = arith.addi %mul3A_345, %add3A_346 : i32
      %get3A_348 = arith.constant 1 : i32
      %get3A_349 = arith.constant 0 : i32
      %get3A_350 = arith.index_cast %get3A_348 : i32 to index
      %get3A_351 = arith.index_cast %get3A_349 : i32 to index
      %get3A_352 = arith.index_cast %add3A_347 : i32 to index
      %get3A_353 = arith.constant 48 : index
      %get3A_354 = tpu.vector_load %arg6[%get3A_350, %get3A_351, %get3A_352, %get3A_353] {strides = array<i32>} : memref<3x2x100x128xf32, #tpu.memory_space<vmem>>, vector<1x1x1x16xf32>,
      %get3A_355 = vector.shape_cast %get3A_354 : vector<1x1x1x16xf32> to vector<16xf32>
      %add3A_356 = arith.addf %scan3A_301, %get3A_355 : vector<16xf32>
      %mul3A_357 = arith.constant 4 : i32
      %mul3A_358 = arith.muli %mul3A_357, %scan3A_297 : i32
      %add3A_359 = arith.constant 0 : i32
      %add3A_360 = arith.addi %mul3A_358, %add3A_359 : i32
      %get3A_361 = arith.constant 1 : i32
      %get3A_362 = arith.constant 0 : i32
      %get3A_363 = arith.index_cast %get3A_361 : i32 to index
      %get3A_364 = arith.index_cast %get3A_362 : i32 to index
      %get3A_365 = arith.index_cast %add3A_360 : i32 to index
      %get3A_366 = arith.constant 64 : index
      %get3A_367 = tpu.vector_load %arg6[%get3A_363, %get3A_364, %get3A_365, %get3A_366] {strides = array<i32>} : memref<3x2x100x128xf32, #tpu.memory_space<vmem>>, vector<1x1x1x16xf32>,
      %get3A_368 = vector.shape_cast %get3A_367 : vector<1x1x1x16xf32> to vector<16xf32>
      %add3A_369 = arith.addf %scan3A_302, %get3A_368 : vector<16xf32>
      %mul3A_370 = arith.constant 4 : i32
      %mul3A_371 = arith.muli %mul3A_370, %scan3A_297 : i32
      %add3A_372 = arith.constant 0 : i32
      %add3A_373 = arith.addi %mul3A_371, %add3A_372 : i32
      %get3A_374 = arith.constant 1 : i32
      %get3A_375 = arith.constant 0 : i32
      %get3A_376 = arith.index_cast %get3A_374 : i32 to index
      %get3A_377 = arith.index_cast %get3A_375 : i32 to index
      %get3A_378 = arith.index_cast %add3A_373 : i32 to index
      %get3A_379 = arith.constant 80 : index
      %get3A_380 = tpu.vector_load %arg6[%get3A_376, %get3A_377, %get3A_378, %get3A_379] {strides = array<i32>} : memref<3x2x100x128xf32, #tpu.memory_space<vmem>>, vector<1x1x1x16xf32>,
      %get3A_381 = vector.shape_cast %get3A_380 : vector<1x1x1x16xf32> to vector<16xf32>
      %add3A_382 = arith.addf %scan3A_303, %get3A_381 : vector<16xf32>
      %mul3A_383 = arith.constant 4 : i32
      %mul3A_384 = arith.muli %mul3A_383, %scan3A_297 : i32
      %add3A_385 = arith.constant 0 : i32
      %add3A_386 = arith.addi %mul3A_384, %add3A_385 : i32
      %get3A_387 = arith.constant 1 : i32
      %get3A_388 = arith.constant 0 : i32
      %get3A_389 = arith.index_cast %get3A_387 : i32 to index
      %get3A_390 = arith.index_cast %get3A_388 : i32 to index
      %get3A_391 = arith.index_cast %add3A_386 : i32 to index
      %get3A_392 = arith.constant 96 : index
      %get3A_393 = tpu.vector_load %arg6[%get3A_389, %get3A_390, %get3A_391, %get3A_392] {strides = array<i32>} : memref<3x2x100x128xf32, #tpu.memory_space<vmem>>, vector<1x1x1x16xf32>,
      %get3A_394 = vector.shape_cast %get3A_393 : vector<1x1x1x16xf32> to vector<16xf32>
      %add3A_395 = arith.addf %scan3A_304, %get3A_394 : vector<16xf32>
      %mul3A_396 = arith.constant 4 : i32
      %mul3A_397 = arith.muli %mul3A_396, %scan3A_297 : i32
      %add3A_398 = arith.constant 0 : i32
      %add3A_399 = arith.addi %mul3A_397, %add3A_398 : i32
      %get3A_400 = arith.constant 1 : i32
      %get3A_401 = arith.constant 0 : i32
      %get3A_402 = arith.index_cast %get3A_400 : i32 to index
      %get3A_403 = arith.index_cast %get3A_401 : i32 to index
      %get3A_404 = arith.index_cast %add3A_399 : i32 to index
      %get3A_405 = arith.constant 112 : index
      %get3A_406 = tpu.vector_load %arg6[%get3A_402, %get3A_403, %get3A_404, %get3A_405] {strides = array<i32>} : memref<3x2x100x128xf32, #tpu.memory_space<vmem>>, vector<1x1x1x16xf32>,
      %get3A_407 = vector.shape_cast %get3A_406 : vector<1x1x1x16xf32> to vector<16xf32>
      %add3A_408 = arith.addf %scan3A_305, %get3A_407 : vector<16xf32>
      %mul3A_409 = arith.constant 4 : i32
      %mul3A_410 = arith.muli %mul3A_409, %scan3A_297 : i32
      %add3A_411 = arith.constant 1 : i32
      %add3A_412 = arith.addi %mul3A_410, %add3A_411 : i32
      %get3A_413 = arith.constant 1 : i32
      %get3A_414 = arith.constant 0 : i32
      %get3A_415 = arith.index_cast %get3A_413 : i32 to index
      %get3A_416 = arith.index_cast %get3A_414 : i32 to index
      %get3A_417 = arith.index_cast %add3A_412 : i32 to index
      %get3A_418 = arith.constant 0 : index
      %get3A_419 = tpu.vector_load %arg6[%get3A_415, %get3A_416, %get3A_417, %get3A_418] {strides = array<i32>} : memref<3x2x100x128xf32, #tpu.memory_space<vmem>>, vector<1x1x1x16xf32>,
      %get3A_420 = vector.shape_cast %get3A_419 : vector<1x1x1x16xf32> to vector<16xf32>
      %add3A_421 = arith.addf %add3A_317, %get3A_420 : vector<16xf32>
      %mul3A_422 = arith.constant 4 : i32
      %mul3A_423 = arith.muli %mul3A_422, %scan3A_297 : i32
      %add3A_424 = arith.constant 1 : i32
      %add3A_425 = arith.addi %mul3A_423, %add3A_424 : i32
      %get3A_426 = arith.constant 1 : i32
      %get3A_427 = arith.constant 0 : i32
      %get3A_428 = arith.index_cast %get3A_426 : i32 to index
      %get3A_429 = arith.index_cast %get3A_427 : i32 to index
      %get3A_430 = arith.index_cast %add3A_425 : i32 to index
      %get3A_431 = arith.constant 16 : index
      %get3A_432 = tpu.vector_load %arg6[%get3A_428, %get3A_429, %get3A_430, %get3A_431] {strides = array<i32>} : memref<3x2x100x128xf32, #tpu.memory_space<vmem>>, vector<1x1x1x16xf32>,
      %get3A_433 = vector.shape_cast %get3A_432 : vector<1x1x1x16xf32> to vector<16xf32>
      %add3A_434 = arith.addf %add3A_330, %get3A_433 : vector<16xf32>
      %mul3A_435 = arith.constant 4 : i32
      %mul3A_436 = arith.muli %mul3A_435, %scan3A_297 : i32
      %add3A_437 = arith.constant 1 : i32
      %add3A_438 = arith.addi %mul3A_436, %add3A_437 : i32
      %get3A_439 = arith.constant 1 : i32
      %get3A_440 = arith.constant 0 : i32
      %get3A_441 = arith.index_cast %get3A_439 : i32 to index
      %get3A_442 = arith.index_cast %get3A_440 : i32 to index
      %get3A_443 = arith.index_cast %add3A_438 : i32 to index
      %get3A_444 = arith.constant 32 : index
      %get3A_445 = tpu.vector_load %arg6[%get3A_441, %get3A_442, %get3A_443, %get3A_444] {strides = array<i32>} : memref<3x2x100x128xf32, #tpu.memory_space<vmem>>, vector<1x1x1x16xf32>,
      %get3A_446 = vector.shape_cast %get3A_445 : vector<1x1x1x16xf32> to vector<16xf32>
      %add3A_447 = arith.addf %add3A_343, %get3A_446 : vector<16xf32>
      %mul3A_448 = arith.constant 4 : i32
      %mul3A_449 = arith.muli %mul3A_448, %scan3A_297 : i32
      %add3A_450 = arith.constant 1 : i32
      %add3A_451 = arith.addi %mul3A_449, %add3A_450 : i32
      %get3A_452 = arith.constant 1 : i32
      %get3A_453 = arith.constant 0 : i32
      %get3A_454 = arith.index_cast %get3A_452 : i32 to index
      %get3A_455 = arith.index_cast %get3A_453 : i32 to index
      %get3A_456 = arith.index_cast %add3A_451 : i32 to index
      %get3A_457 = arith.constant 48 : index
      %get3A_458 = tpu.vector_load %arg6[%get3A_454, %get3A_455, %get3A_456, %get3A_457] {strides = array<i32>} : memref<3x2x100x128xf32, #tpu.memory_space<vmem>>, vector<1x1x1x16xf32>,
      %get3A_459 = vector.shape_cast %get3A_458 : vector<1x1x1x16xf32> to vector<16xf32>
      %add3A_460 = arith.addf %add3A_356, %get3A_459 : vector<16xf32>
      %mul3A_461 = arith.constant 4 : i32
      %mul3A_462 = arith.muli %mul3A_461, %scan3A_297 : i32
      %add3A_463 = arith.constant 1 : i32
      %add3A_464 = arith.addi %mul3A_462, %add3A_463 : i32
      %get3A_465 = arith.constant 1 : i32
      %get3A_466 = arith.constant 0 : i32
      %get3A_467 = arith.index_cast %get3A_465 : i32 to index
      %get3A_468 = arith.index_cast %get3A_466 : i32 to index
      %get3A_469 = arith.index_cast %add3A_464 : i32 to index
      %get3A_470 = arith.constant 64 : index
      %get3A_471 = tpu.vector_load %arg6[%get3A_467, %get3A_468, %get3A_469, %get3A_470] {strides = array<i32>} : memref<3x2x100x128xf32, #tpu.memory_space<vmem>>, vector<1x1x1x16xf32>,
      %get3A_472 = vector.shape_cast %get3A_471 : vector<1x1x1x16xf32> to vector<16xf32>
      %add3A_473 = arith.addf %add3A_369, %get3A_472 : vector<16xf32>
      %mul3A_474 = arith.constant 4 : i32
      %mul3A_475 = arith.muli %mul3A_474, %scan3A_297 : i32
      %add3A_476 = arith.constant 1 : i32
      %add3A_477 = arith.addi %mul3A_475, %add3A_476 : i32
      %get3A_478 = arith.constant 1 : i32
      %get3A_479 = arith.constant 0 : i32
      %get3A_480 = arith.index_cast %get3A_478 : i32 to index
      %get3A_481 = arith.index_cast %get3A_479 : i32 to index
      %get3A_482 = arith.index_cast %add3A_477 : i32 to index
      %get3A_483 = arith.constant 80 : index
      %get3A_484 = tpu.vector_load %arg6[%get3A_480, %get3A_481, %get3A_482, %get3A_483] {strides = array<i32>} : memref<3x2x100x128xf32, #tpu.memory_space<vmem>>, vector<1x1x1x16xf32>,
      %get3A_485 = vector.shape_cast %get3A_484 : vector<1x1x1x16xf32> to vector<16xf32>
      %add3A_486 = arith.addf %add3A_382, %get3A_485 : vector<16xf32>
      %mul3A_487 = arith.constant 4 : i32
      %mul3A_488 = arith.muli %mul3A_487, %scan3A_297 : i32
      %add3A_489 = arith.constant 1 : i32
      %add3A_490 = arith.addi %mul3A_488, %add3A_489 : i32
      %get3A_491 = arith.constant 1 : i32
      %get3A_492 = arith.constant 0 : i32
      %get3A_493 = arith.index_cast %get3A_491 : i32 to index
      %get3A_494 = arith.index_cast %get3A_492 : i32 to index
      %get3A_495 = arith.index_cast %add3A_490 : i32 to index
      %get3A_496 = arith.constant 96 : index
      %get3A_497 = tpu.vector_load %arg6[%get3A_493, %get3A_494, %get3A_495, %get3A_496] {strides = array<i32>} : memref<3x2x100x128xf32, #tpu.memory_space<vmem>>, vector<1x1x1x16xf32>,
      %get3A_498 = vector.shape_cast %get3A_497 : vector<1x1x1x16xf32> to vector<16xf32>
      %add3A_499 = arith.addf %add3A_395, %get3A_498 : vector<16xf32>
      %mul3A_500 = arith.constant 4 : i32
      %mul3A_501 = arith.muli %mul3A_500, %scan3A_297 : i32
      %add3A_502 = arith.constant 1 : i32
      %add3A_503 = arith.addi %mul3A_501, %add3A_502 : i32
      %get3A_504 = arith.constant 1 : i32
      %get3A_505 = arith.constant 0 : i32
      %get3A_506 = arith.index_cast %get3A_504 : i32 to index
      %get3A_507 = arith.index_cast %get3A_505 : i32 to index
      %get3A_508 = arith.index_cast %add3A_503 : i32 to index
      %get3A_509 = arith.constant 112 : index
      %get3A_510 = tpu.vector_load %arg6[%get3A_506, %get3A_507, %get3A_508, %get3A_509] {strides = array<i32>} : memref<3x2x100x128xf32, #tpu.memory_space<vmem>>, vector<1x1x1x16xf32>,
      %get3A_511 = vector.shape_cast %get3A_510 : vector<1x1x1x16xf32> to vector<16xf32>
      %add3A_512 = arith.addf %add3A_408, %get3A_511 : vector<16xf32>
      %mul3A_513 = arith.constant 4 : i32
      %mul3A_514 = arith.muli %mul3A_513, %scan3A_297 : i32
      %add3A_515 = arith.constant 2 : i32
      %add3A_516 = arith.addi %mul3A_514, %add3A_515 : i32
      %get3A_517 = arith.constant 1 : i32
      %get3A_518 = arith.constant 0 : i32
      %get3A_519 = arith.index_cast %get3A_517 : i32 to index
      %get3A_520 = arith.index_cast %get3A_518 : i32 to index
      %get3A_521 = arith.index_cast %add3A_516 : i32 to index
      %get3A_522 = arith.constant 0 : index
      %get3A_523 = tpu.vector_load %arg6[%get3A_519, %get3A_520, %get3A_521, %get3A_522] {strides = array<i32>} : memref<3x2x100x128xf32, #tpu.memory_space<vmem>>, vector<1x1x1x16xf32>,
      %get3A_524 = vector.shape_cast %get3A_523 : vector<1x1x1x16xf32> to vector<16xf32>
      %add3A_525 = arith.addf %add3A_421, %get3A_524 : vector<16xf32>
      %mul3A_526 = arith.constant 4 : i32
      %mul3A_527 = arith.muli %mul3A_526, %scan3A_297 : i32
      %add3A_528 = arith.constant 2 : i32
      %add3A_529 = arith.addi %mul3A_527, %add3A_528 : i32
      %get3A_530 = arith.constant 1 : i32
      %get3A_531 = arith.constant 0 : i32
      %get3A_532 = arith.index_cast %get3A_530 : i32 to index
      %get3A_533 = arith.index_cast %get3A_531 : i32 to index
      %get3A_534 = arith.index_cast %add3A_529 : i32 to index
      %get3A_535 = arith.constant 16 : index
      %get3A_536 = tpu.vector_load %arg6[%get3A_532, %get3A_533, %get3A_534, %get3A_535] {strides = array<i32>} : memref<3x2x100x128xf32, #tpu.memory_space<vmem>>, vector<1x1x1x16xf32>,
      %get3A_537 = vector.shape_cast %get3A_536 : vector<1x1x1x16xf32> to vector<16xf32>
      %add3A_538 = arith.addf %add3A_434, %get3A_537 : vector<16xf32>
      %mul3A_539 = arith.constant 4 : i32
      %mul3A_540 = arith.muli %mul3A_539, %scan3A_297 : i32
      %add3A_541 = arith.constant 2 : i32
      %add3A_542 = arith.addi %mul3A_540, %add3A_541 : i32
      %get3A_543 = arith.constant 1 : i32
      %get3A_544 = arith.constant 0 : i32
      %get3A_545 = arith.index_cast %get3A_543 : i32 to index
      %get3A_546 = arith.index_cast %get3A_544 : i32 to index
      %get3A_547 = arith.index_cast %add3A_542 : i32 to index
      %get3A_548 = arith.constant 32 : index
      %get3A_549 = tpu.vector_load %arg6[%get3A_545, %get3A_546, %get3A_547, %get3A_548] {strides = array<i32>} : memref<3x2x100x128xf32, #tpu.memory_space<vmem>>, vector<1x1x1x16xf32>,
      %get3A_550 = vector.shape_cast %get3A_549 : vector<1x1x1x16xf32> to vector<16xf32>
      %add3A_551 = arith.addf %add3A_447, %get3A_550 : vector<16xf32>
      %mul3A_552 = arith.constant 4 : i32
      %mul3A_553 = arith.muli %mul3A_552, %scan3A_297 : i32
      %add3A_554 = arith.constant 2 : i32
      %add3A_555 = arith.addi %mul3A_553, %add3A_554 : i32
      %get3A_556 = arith.constant 1 : i32
      %get3A_557 = arith.constant 0 : i32
      %get3A_558 = arith.index_cast %get3A_556 : i32 to index
      %get3A_559 = arith.index_cast %get3A_557 : i32 to index
      %get3A_560 = arith.index_cast %add3A_555 : i32 to index
      %get3A_561 = arith.constant 48 : index
      %get3A_562 = tpu.vector_load %arg6[%get3A_558, %get3A_559, %get3A_560, %get3A_561] {strides = array<i32>} : memref<3x2x100x128xf32, #tpu.memory_space<vmem>>, vector<1x1x1x16xf32>,
      %get3A_563 = vector.shape_cast %get3A_562 : vector<1x1x1x16xf32> to vector<16xf32>
      %add3A_564 = arith.addf %add3A_460, %get3A_563 : vector<16xf32>
      %mul3A_565 = arith.constant 4 : i32
      %mul3A_566 = arith.muli %mul3A_565, %scan3A_297 : i32
      %add3A_567 = arith.constant 2 : i32
      %add3A_568 = arith.addi %mul3A_566, %add3A_567 : i32
      %get3A_569 = arith.constant 1 : i32
      %get3A_570 = arith.constant 0 : i32
      %get3A_571 = arith.index_cast %get3A_569 : i32 to index
      %get3A_572 = arith.index_cast %get3A_570 : i32 to index
      %get3A_573 = arith.index_cast %add3A_568 : i32 to index
      %get3A_574 = arith.constant 64 : index
      %get3A_575 = tpu.vector_load %arg6[%get3A_571, %get3A_572, %get3A_573, %get3A_574] {strides = array<i32>} : memref<3x2x100x128xf32, #tpu.memory_space<vmem>>, vector<1x1x1x16xf32>,
      %get3A_576 = vector.shape_cast %get3A_575 : vector<1x1x1x16xf32> to vector<16xf32>
      %add3A_577 = arith.addf %add3A_473, %get3A_576 : vector<16xf32>
      %mul3A_578 = arith.constant 4 : i32
      %mul3A_579 = arith.muli %mul3A_578, %scan3A_297 : i32
      %add3A_580 = arith.constant 2 : i32
      %add3A_581 = arith.addi %mul3A_579, %add3A_580 : i32
      %get3A_582 = arith.constant 1 : i32
      %get3A_583 = arith.constant 0 : i32
      %get3A_584 = arith.index_cast %get3A_582 : i32 to index
      %get3A_585 = arith.index_cast %get3A_583 : i32 to index
      %get3A_586 = arith.index_cast %add3A_581 : i32 to index
      %get3A_587 = arith.constant 80 : index
      %get3A_588 = tpu.vector_load %arg6[%get3A_584, %get3A_585, %get3A_586, %get3A_587] {strides = array<i32>} : memref<3x2x100x128xf32, #tpu.memory_space<vmem>>, vector<1x1x1x16xf32>,
      %get3A_589 = vector.shape_cast %get3A_588 : vector<1x1x1x16xf32> to vector<16xf32>
      %add3A_590 = arith.addf %add3A_486, %get3A_589 : vector<16xf32>
      %mul3A_591 = arith.constant 4 : i32
      %mul3A_592 = arith.muli %mul3A_591, %scan3A_297 : i32
      %add3A_593 = arith.constant 2 : i32
      %add3A_594 = arith.addi %mul3A_592, %add3A_593 : i32
      %get3A_595 = arith.constant 1 : i32
      %get3A_596 = arith.constant 0 : i32
      %get3A_597 = arith.index_cast %get3A_595 : i32 to index
      %get3A_598 = arith.index_cast %get3A_596 : i32 to index
      %get3A_599 = arith.index_cast %add3A_594 : i32 to index
      %get3A_600 = arith.constant 96 : index
      %get3A_601 = tpu.vector_load %arg6[%get3A_597, %get3A_598, %get3A_599, %get3A_600] {strides = array<i32>} : memref<3x2x100x128xf32, #tpu.memory_space<vmem>>, vector<1x1x1x16xf32>,
      %get3A_602 = vector.shape_cast %get3A_601 : vector<1x1x1x16xf32> to vector<16xf32>
      %add3A_603 = arith.addf %add3A_499, %get3A_602 : vector<16xf32>
      %mul3A_604 = arith.constant 4 : i32
      %mul3A_605 = arith.muli %mul3A_604, %scan3A_297 : i32
      %add3A_606 = arith.constant 2 : i32
      %add3A_607 = arith.addi %mul3A_605, %add3A_606 : i32
      %get3A_608 = arith.constant 1 : i32
      %get3A_609 = arith.constant 0 : i32
      %get3A_610 = arith.index_cast %get3A_608 : i32 to index
      %get3A_611 = arith.index_cast %get3A_609 : i32 to index
      %get3A_612 = arith.index_cast %add3A_607 : i32 to index
      %get3A_613 = arith.constant 112 : index
      %get3A_614 = tpu.vector_load %arg6[%get3A_610, %get3A_611, %get3A_612, %get3A_613] {strides = array<i32>} : memref<3x2x100x128xf32, #tpu.memory_space<vmem>>, vector<1x1x1x16xf32>,
      %get3A_615 = vector.shape_cast %get3A_614 : vector<1x1x1x16xf32> to vector<16xf32>
      %add3A_616 = arith.addf %add3A_512, %get3A_615 : vector<16xf32>
      %mul3A_617 = arith.constant 4 : i32
      %mul3A_618 = arith.muli %mul3A_617, %scan3A_297 : i32
      %add3A_619 = arith.constant 3 : i32
      %add3A_620 = arith.addi %mul3A_618, %add3A_619 : i32
      %get3A_621 = arith.constant 1 : i32
      %get3A_622 = arith.constant 0 : i32
      %get3A_623 = arith.index_cast %get3A_621 : i32 to index
      %get3A_624 = arith.index_cast %get3A_622 : i32 to index
      %get3A_625 = arith.index_cast %add3A_620 : i32 to index
      %get3A_626 = arith.constant 0 : index
      %get3A_627 = tpu.vector_load %arg6[%get3A_623, %get3A_624, %get3A_625, %get3A_626] {strides = array<i32>} : memref<3x2x100x128xf32, #tpu.memory_space<vmem>>, vector<1x1x1x16xf32>,
      %get3A_628 = vector.shape_cast %get3A_627 : vector<1x1x1x16xf32> to vector<16xf32>
      %add3A_629 = arith.addf %add3A_525, %get3A_628 : vector<16xf32>
      %mul3A_630 = arith.constant 4 : i32
      %mul3A_631 = arith.muli %mul3A_630, %scan3A_297 : i32
      %add3A_632 = arith.constant 3 : i32
      %add3A_633 = arith.addi %mul3A_631, %add3A_632 : i32
      %get3A_634 = arith.constant 1 : i32
      %get3A_635 = arith.constant 0 : i32
      %get3A_636 = arith.index_cast %get3A_634 : i32 to index
      %get3A_637 = arith.index_cast %get3A_635 : i32 to index
      %get3A_638 = arith.index_cast %add3A_633 : i32 to index
      %get3A_639 = arith.constant 16 : index
      %get3A_640 = tpu.vector_load %arg6[%get3A_636, %get3A_637, %get3A_638, %get3A_639] {strides = array<i32>} : memref<3x2x100x128xf32, #tpu.memory_space<vmem>>, vector<1x1x1x16xf32>,
      %get3A_641 = vector.shape_cast %get3A_640 : vector<1x1x1x16xf32> to vector<16xf32>
      %add3A_642 = arith.addf %add3A_538, %get3A_641 : vector<16xf32>
      %mul3A_643 = arith.constant 4 : i32
      %mul3A_644 = arith.muli %mul3A_643, %scan3A_297 : i32
      %add3A_645 = arith.constant 3 : i32
      %add3A_646 = arith.addi %mul3A_644, %add3A_645 : i32
      %get3A_647 = arith.constant 1 : i32
      %get3A_648 = arith.constant 0 : i32
      %get3A_649 = arith.index_cast %get3A_647 : i32 to index
      %get3A_650 = arith.index_cast %get3A_648 : i32 to index
      %get3A_651 = arith.index_cast %add3A_646 : i32 to index
      %get3A_652 = arith.constant 32 : index
      %get3A_653 = tpu.vector_load %arg6[%get3A_649, %get3A_650, %get3A_651, %get3A_652] {strides = array<i32>} : memref<3x2x100x128xf32, #tpu.memory_space<vmem>>, vector<1x1x1x16xf32>,
      %get3A_654 = vector.shape_cast %get3A_653 : vector<1x1x1x16xf32> to vector<16xf32>
      %add3A_655 = arith.addf %add3A_551, %get3A_654 : vector<16xf32>
      %mul3A_656 = arith.constant 4 : i32
      %mul3A_657 = arith.muli %mul3A_656, %scan3A_297 : i32
      %add3A_658 = arith.constant 3 : i32
      %add3A_659 = arith.addi %mul3A_657, %add3A_658 : i32
      %get3A_660 = arith.constant 1 : i32
      %get3A_661 = arith.constant 0 : i32
      %get3A_662 = arith.index_cast %get3A_660 : i32 to index
      %get3A_663 = arith.index_cast %get3A_661 : i32 to index
      %get3A_664 = arith.index_cast %add3A_659 : i32 to index
      %get3A_665 = arith.constant 48 : index
      %get3A_666 = tpu.vector_load %arg6[%get3A_662, %get3A_663, %get3A_664, %get3A_665] {strides = array<i32>} : memref<3x2x100x128xf32, #tpu.memory_space<vmem>>, vector<1x1x1x16xf32>,
      %get3A_667 = vector.shape_cast %get3A_666 : vector<1x1x1x16xf32> to vector<16xf32>
      %add3A_668 = arith.addf %add3A_564, %get3A_667 : vector<16xf32>
      %mul3A_669 = arith.constant 4 : i32
      %mul3A_670 = arith.muli %mul3A_669, %scan3A_297 : i32
      %add3A_671 = arith.constant 3 : i32
      %add3A_672 = arith.addi %mul3A_670, %add3A_671 : i32
      %get3A_673 = arith.constant 1 : i32
      %get3A_674 = arith.constant 0 : i32
      %get3A_675 = arith.index_cast %get3A_673 : i32 to index
      %get3A_676 = arith.index_cast %get3A_674 : i32 to index
      %get3A_677 = arith.index_cast %add3A_672 : i32 to index
      %get3A_678 = arith.constant 64 : index
      %get3A_679 = tpu.vector_load %arg6[%get3A_675, %get3A_676, %get3A_677, %get3A_678] {strides = array<i32>} : memref<3x2x100x128xf32, #tpu.memory_space<vmem>>, vector<1x1x1x16xf32>,
      %get3A_680 = vector.shape_cast %get3A_679 : vector<1x1x1x16xf32> to vector<16xf32>
      %add3A_681 = arith.addf %add3A_577, %get3A_680 : vector<16xf32>
      %mul3A_682 = arith.constant 4 : i32
      %mul3A_683 = arith.muli %mul3A_682, %scan3A_297 : i32
      %add3A_684 = arith.constant 3 : i32
      %add3A_685 = arith.addi %mul3A_683, %add3A_684 : i32
      %get3A_686 = arith.constant 1 : i32
      %get3A_687 = arith.constant 0 : i32
      %get3A_688 = arith.index_cast %get3A_686 : i32 to index
      %get3A_689 = arith.index_cast %get3A_687 : i32 to index
      %get3A_690 = arith.index_cast %add3A_685 : i32 to index
      %get3A_691 = arith.constant 80 : index
      %get3A_692 = tpu.vector_load %arg6[%get3A_688, %get3A_689, %get3A_690, %get3A_691] {strides = array<i32>} : memref<3x2x100x128xf32, #tpu.memory_space<vmem>>, vector<1x1x1x16xf32>,
      %get3A_693 = vector.shape_cast %get3A_692 : vector<1x1x1x16xf32> to vector<16xf32>
      %add3A_694 = arith.addf %add3A_590, %get3A_693 : vector<16xf32>
      %mul3A_695 = arith.constant 4 : i32
      %mul3A_696 = arith.muli %mul3A_695, %scan3A_297 : i32
      %add3A_697 = arith.constant 3 : i32
      %add3A_698 = arith.addi %mul3A_696, %add3A_697 : i32
      %get3A_699 = arith.constant 1 : i32
      %get3A_700 = arith.constant 0 : i32
      %get3A_701 = arith.index_cast %get3A_699 : i32 to index
      %get3A_702 = arith.index_cast %get3A_700 : i32 to index
      %get3A_703 = arith.index_cast %add3A_698 : i32 to index
      %get3A_704 = arith.constant 96 : index
      %get3A_705 = tpu.vector_load %arg6[%get3A_701, %get3A_702, %get3A_703, %get3A_704] {strides = array<i32>} : memref<3x2x100x128xf32, #tpu.memory_space<vmem>>, vector<1x1x1x16xf32>,
      %get3A_706 = vector.shape_cast %get3A_705 : vector<1x1x1x16xf32> to vector<16xf32>
      %add3A_707 = arith.addf %add3A_603, %get3A_706 : vector<16xf32>
      %mul3A_708 = arith.constant 4 : i32
      %mul3A_709 = arith.muli %mul3A_708, %scan3A_297 : i32
      %add3A_710 = arith.constant 3 : i32
      %add3A_711 = arith.addi %mul3A_709, %add3A_710 : i32
      %get3A_712 = arith.constant 1 : i32
      %get3A_713 = arith.constant 0 : i32
      %get3A_714 = arith.index_cast %get3A_712 : i32 to index
      %get3A_715 = arith.index_cast %get3A_713 : i32 to index
      %get3A_716 = arith.index_cast %add3A_711 : i32 to index
      %get3A_717 = arith.constant 112 : index
      %get3A_718 = tpu.vector_load %arg6[%get3A_714, %get3A_715, %get3A_716, %get3A_717] {strides = array<i32>} : memref<3x2x100x128xf32, #tpu.memory_space<vmem>>, vector<1x1x1x16xf32>,
      %get3A_719 = vector.shape_cast %get3A_718 : vector<1x1x1x16xf32> to vector<16xf32>
      %add3A_720 = arith.addf %add3A_616, %get3A_719 : vector<16xf32>
      scf.yield %add3A_629, %add3A_642, %add3A_655, %add3A_668, %add3A_681, %add3A_694, %add3A_707, %add3A_720 : vector<16xf32>, vector<16xf32>, vector<16xf32>, vector<16xf32>, vector<16xf32>, vector<16xf32>, vector<16xf32>, vector<16xf32>
    }
    %scan3A_242 = arith.constant 25 : i32
    %scan3A_243 = arith.constant 0 : i32
    %scan3A_244 = arith.constant 25 : i32
    %scan3A_245 = arith.addi %scan3A_243, %scan3A_244 : i32
    %scan3A_246 = arith.constant 1 : i32
    %scan3A_247:8 = scf.for %scan3A_297 = %scan3A_243 to %scan3A_245 step %scan3A_246 iter_args(%scan3A_298 = %scan3A_241#0, %scan3A_299 = %scan3A_241#1, %scan3A_300 = %scan3A_241#2, %scan3A_301 = %scan3A_241#3, %scan3A_302 = %scan3A_241#4, %scan3A_303 = %scan3A_241#5, %scan3A_304 = %scan3A_241#6, %scan3A_305 = %scan3A_241#7) -> (vector<16xf32>, vector<16xf32>, vector<16xf32>, vector<16xf32>, vector<16xf32>, vector<16xf32>, vector<16xf32>, vector<16xf32>)  : i32 {
      %mul3A_306 = arith.constant 4 : i32
      %mul3A_307 = arith.muli %mul3A_306, %scan3A_297 : i32
      %add3A_308 = arith.constant 0 : i32
      %add3A_309 = arith.addi %mul3A_307, %add3A_308 : i32
      %get3A = arith.constant 1 : i32
      %get3A_310 = arith.constant 1 : i32
      %get3A_311 = arith.index_cast %get3A : i32 to index
      %get3A_312 = arith.index_cast %get3A_310 : i32 to index
      %get3A_313 = arith.index_cast %add3A_309 : i32 to index
      %get3A_314 = arith.constant 0 : index
      %get3A_315 = tpu.vector_load %arg6[%get3A_311, %get3A_312, %get3A_313, %get3A_314] {strides = array<i32>} : memref<3x2x100x128xf32, #tpu.memory_space<vmem>>, vector<1x1x1x16xf32>,
      %get3A_316 = vector.shape_cast %get3A_315 : vector<1x1x1x16xf32> to vector<16xf32>
      %add3A_317 = arith.addf %scan3A_298, %get3A_316 : vector<16xf32>
      %mul3A_318 = arith.constant 4 : i32
      %mul3A_319 = arith.muli %mul3A_318, %scan3A_297 : i32
      %add3A_320 = arith.constant 0 : i32
      %add3A_321 = arith.addi %mul3A_319, %add3A_320 : i32
      %get3A_322 = arith.constant 1 : i32
      %get3A_323 = arith.constant 1 : i32
      %get3A_324 = arith.index_cast %get3A_322 : i32 to index
      %get3A_325 = arith.index_cast %get3A_323 : i32 to index
      %get3A_326 = arith.index_cast %add3A_321 : i32 to index
      %get3A_327 = arith.constant 16 : index
      %get3A_328 = tpu.vector_load %arg6[%get3A_324, %get3A_325, %get3A_326, %get3A_327] {strides = array<i32>} : memref<3x2x100x128xf32, #tpu.memory_space<vmem>>, vector<1x1x1x16xf32>,
      %get3A_329 = vector.shape_cast %get3A_328 : vector<1x1x1x16xf32> to vector<16xf32>
      %add3A_330 = arith.addf %scan3A_299, %get3A_329 : vector<16xf32>
      %mul3A_331 = arith.constant 4 : i32
      %mul3A_332 = arith.muli %mul3A_331, %scan3A_297 : i32
      %add3A_333 = arith.constant 0 : i32
      %add3A_334 = arith.addi %mul3A_332, %add3A_333 : i32
      %get3A_335 = arith.constant 1 : i32
      %get3A_336 = arith.constant 1 : i32
      %get3A_337 = arith.index_cast %get3A_335 : i32 to index
      %get3A_338 = arith.index_cast %get3A_336 : i32 to index
      %get3A_339 = arith.index_cast %add3A_334 : i32 to index
      %get3A_340 = arith.constant 32 : index
      %get3A_341 = tpu.vector_load %arg6[%get3A_337, %get3A_338, %get3A_339, %get3A_340] {strides = array<i32>} : memref<3x2x100x128xf32, #tpu.memory_space<vmem>>, vector<1x1x1x16xf32>,
      %get3A_342 = vector.shape_cast %get3A_341 : vector<1x1x1x16xf32> to vector<16xf32>
      %add3A_343 = arith.addf %scan3A_300, %get3A_342 : vector<16xf32>
      %mul3A_344 = arith.constant 4 : i32
      %mul3A_345 = arith.muli %mul3A_344, %scan3A_297 : i32
      %add3A_346 = arith.constant 0 : i32
      %add3A_347 = arith.addi %mul3A_345, %add3A_346 : i32
      %get3A_348 = arith.constant 1 : i32
      %get3A_349 = arith.constant 1 : i32
      %get3A_350 = arith.index_cast %get3A_348 : i32 to index
      %get3A_351 = arith.index_cast %get3A_349 : i32 to index
      %get3A_352 = arith.index_cast %add3A_347 : i32 to index
      %get3A_353 = arith.constant 48 : index
      %get3A_354 = tpu.vector_load %arg6[%get3A_350, %get3A_351, %get3A_352, %get3A_353] {strides = array<i32>} : memref<3x2x100x128xf32, #tpu.memory_space<vmem>>, vector<1x1x1x16xf32>,
      %get3A_355 = vector.shape_cast %get3A_354 : vector<1x1x1x16xf32> to vector<16xf32>
      %add3A_356 = arith.addf %scan3A_301, %get3A_355 : vector<16xf32>
      %mul3A_357 = arith.constant 4 : i32
      %mul3A_358 = arith.muli %mul3A_357, %scan3A_297 : i32
      %add3A_359 = arith.constant 0 : i32
      %add3A_360 = arith.addi %mul3A_358, %add3A_359 : i32
      %get3A_361 = arith.constant 1 : i32
      %get3A_362 = arith.constant 1 : i32
      %get3A_363 = arith.index_cast %get3A_361 : i32 to index
      %get3A_364 = arith.index_cast %get3A_362 : i32 to index
      %get3A_365 = arith.index_cast %add3A_360 : i32 to index
      %get3A_366 = arith.constant 64 : index
      %get3A_367 = tpu.vector_load %arg6[%get3A_363, %get3A_364, %get3A_365, %get3A_366] {strides = array<i32>} : memref<3x2x100x128xf32, #tpu.memory_space<vmem>>, vector<1x1x1x16xf32>,
      %get3A_368 = vector.shape_cast %get3A_367 : vector<1x1x1x16xf32> to vector<16xf32>
      %add3A_369 = arith.addf %scan3A_302, %get3A_368 : vector<16xf32>
      %mul3A_370 = arith.constant 4 : i32
      %mul3A_371 = arith.muli %mul3A_370, %scan3A_297 : i32
      %add3A_372 = arith.constant 0 : i32
      %add3A_373 = arith.addi %mul3A_371, %add3A_372 : i32
      %get3A_374 = arith.constant 1 : i32
      %get3A_375 = arith.constant 1 : i32
      %get3A_376 = arith.index_cast %get3A_374 : i32 to index
      %get3A_377 = arith.index_cast %get3A_375 : i32 to index
      %get3A_378 = arith.index_cast %add3A_373 : i32 to index
      %get3A_379 = arith.constant 80 : index
      %get3A_380 = tpu.vector_load %arg6[%get3A_376, %get3A_377, %get3A_378, %get3A_379] {strides = array<i32>} : memref<3x2x100x128xf32, #tpu.memory_space<vmem>>, vector<1x1x1x16xf32>,
      %get3A_381 = vector.shape_cast %get3A_380 : vector<1x1x1x16xf32> to vector<16xf32>
      %add3A_382 = arith.addf %scan3A_303, %get3A_381 : vector<16xf32>
      %mul3A_383 = arith.constant 4 : i32
      %mul3A_384 = arith.muli %mul3A_383, %scan3A_297 : i32
      %add3A_385 = arith.constant 0 : i32
      %add3A_386 = arith.addi %mul3A_384, %add3A_385 : i32
      %get3A_387 = arith.constant 1 : i32
      %get3A_388 = arith.constant 1 : i32
      %get3A_389 = arith.index_cast %get3A_387 : i32 to index
      %get3A_390 = arith.index_cast %get3A_388 : i32 to index
      %get3A_391 = arith.index_cast %add3A_386 : i32 to index
      %get3A_392 = arith.constant 96 : index
      %get3A_393 = tpu.vector_load %arg6[%get3A_389, %get3A_390, %get3A_391, %get3A_392] {strides = array<i32>} : memref<3x2x100x128xf32, #tpu.memory_space<vmem>>, vector<1x1x1x16xf32>,
      %get3A_394 = vector.shape_cast %get3A_393 : vector<1x1x1x16xf32> to vector<16xf32>
      %add3A_395 = arith.addf %scan3A_304, %get3A_394 : vector<16xf32>
      %mul3A_396 = arith.constant 4 : i32
      %mul3A_397 = arith.muli %mul3A_396, %scan3A_297 : i32
      %add3A_398 = arith.constant 0 : i32
      %add3A_399 = arith.addi %mul3A_397, %add3A_398 : i32
      %get3A_400 = arith.constant 1 : i32
      %get3A_401 = arith.constant 1 : i32
      %get3A_402 = arith.index_cast %get3A_400 : i32 to index
      %get3A_403 = arith.index_cast %get3A_401 : i32 to index
      %get3A_404 = arith.index_cast %add3A_399 : i32 to index
      %get3A_405 = arith.constant 112 : index
      %get3A_406 = tpu.vector_load %arg6[%get3A_402, %get3A_403, %get3A_404, %get3A_405] {strides = array<i32>} : memref<3x2x100x128xf32, #tpu.memory_space<vmem>>, vector<1x1x1x16xf32>,
      %get3A_407 = vector.shape_cast %get3A_406 : vector<1x1x1x16xf32> to vector<16xf32>
      %add3A_408 = arith.addf %scan3A_305, %get3A_407 : vector<16xf32>
      %mul3A_409 = arith.constant 4 : i32
      %mul3A_410 = arith.muli %mul3A_409, %scan3A_297 : i32
      %add3A_411 = arith.constant 1 : i32
      %add3A_412 = arith.addi %mul3A_410, %add3A_411 : i32
      %get3A_413 = arith.constant 1 : i32
      %get3A_414 = arith.constant 1 : i32
      %get3A_415 = arith.index_cast %get3A_413 : i32 to index
      %get3A_416 = arith.index_cast %get3A_414 : i32 to index
      %get3A_417 = arith.index_cast %add3A_412 : i32 to index
      %get3A_418 = arith.constant 0 : index
      %get3A_419 = tpu.vector_load %arg6[%get3A_415, %get3A_416, %get3A_417, %get3A_418] {strides = array<i32>} : memref<3x2x100x128xf32, #tpu.memory_space<vmem>>, vector<1x1x1x16xf32>,
      %get3A_420 = vector.shape_cast %get3A_419 : vector<1x1x1x16xf32> to vector<16xf32>
      %add3A_421 = arith.addf %add3A_317, %get3A_420 : vector<16xf32>
      %mul3A_422 = arith.constant 4 : i32
      %mul3A_423 = arith.muli %mul3A_422, %scan3A_297 : i32
      %add3A_424 = arith.constant 1 : i32
      %add3A_425 = arith.addi %mul3A_423, %add3A_424 : i32
      %get3A_426 = arith.constant 1 : i32
      %get3A_427 = arith.constant 1 : i32
      %get3A_428 = arith.index_cast %get3A_426 : i32 to index
      %get3A_429 = arith.index_cast %get3A_427 : i32 to index
      %get3A_430 = arith.index_cast %add3A_425 : i32 to index
      %get3A_431 = arith.constant 16 : index
      %get3A_432 = tpu.vector_load %arg6[%get3A_428, %get3A_429, %get3A_430, %get3A_431] {strides = array<i32>} : memref<3x2x100x128xf32, #tpu.memory_space<vmem>>, vector<1x1x1x16xf32>,
      %get3A_433 = vector.shape_cast %get3A_432 : vector<1x1x1x16xf32> to vector<16xf32>
      %add3A_434 = arith.addf %add3A_330, %get3A_433 : vector<16xf32>
      %mul3A_435 = arith.constant 4 : i32
      %mul3A_436 = arith.muli %mul3A_435, %scan3A_297 : i32
      %add3A_437 = arith.constant 1 : i32
      %add3A_438 = arith.addi %mul3A_436, %add3A_437 : i32
      %get3A_439 = arith.constant 1 : i32
      %get3A_440 = arith.constant 1 : i32
      %get3A_441 = arith.index_cast %get3A_439 : i32 to index
      %get3A_442 = arith.index_cast %get3A_440 : i32 to index
      %get3A_443 = arith.index_cast %add3A_438 : i32 to index
      %get3A_444 = arith.constant 32 : index
      %get3A_445 = tpu.vector_load %arg6[%get3A_441, %get3A_442, %get3A_443, %get3A_444] {strides = array<i32>} : memref<3x2x100x128xf32, #tpu.memory_space<vmem>>, vector<1x1x1x16xf32>,
      %get3A_446 = vector.shape_cast %get3A_445 : vector<1x1x1x16xf32> to vector<16xf32>
      %add3A_447 = arith.addf %add3A_343, %get3A_446 : vector<16xf32>
      %mul3A_448 = arith.constant 4 : i32
      %mul3A_449 = arith.muli %mul3A_448, %scan3A_297 : i32
      %add3A_450 = arith.constant 1 : i32
      %add3A_451 = arith.addi %mul3A_449, %add3A_450 : i32
      %get3A_452 = arith.constant 1 : i32
      %get3A_453 = arith.constant 1 : i32
      %get3A_454 = arith.index_cast %get3A_452 : i32 to index
      %get3A_455 = arith.index_cast %get3A_453 : i32 to index
      %get3A_456 = arith.index_cast %add3A_451 : i32 to index
      %get3A_457 = arith.constant 48 : index
      %get3A_458 = tpu.vector_load %arg6[%get3A_454, %get3A_455, %get3A_456, %get3A_457] {strides = array<i32>} : memref<3x2x100x128xf32, #tpu.memory_space<vmem>>, vector<1x1x1x16xf32>,
      %get3A_459 = vector.shape_cast %get3A_458 : vector<1x1x1x16xf32> to vector<16xf32>
      %add3A_460 = arith.addf %add3A_356, %get3A_459 : vector<16xf32>
      %mul3A_461 = arith.constant 4 : i32
      %mul3A_462 = arith.muli %mul3A_461, %scan3A_297 : i32
      %add3A_463 = arith.constant 1 : i32
      %add3A_464 = arith.addi %mul3A_462, %add3A_463 : i32
      %get3A_465 = arith.constant 1 : i32
      %get3A_466 = arith.constant 1 : i32
      %get3A_467 = arith.index_cast %get3A_465 : i32 to index
      %get3A_468 = arith.index_cast %get3A_466 : i32 to index
      %get3A_469 = arith.index_cast %add3A_464 : i32 to index
      %get3A_470 = arith.constant 64 : index
      %get3A_471 = tpu.vector_load %arg6[%get3A_467, %get3A_468, %get3A_469, %get3A_470] {strides = array<i32>} : memref<3x2x100x128xf32, #tpu.memory_space<vmem>>, vector<1x1x1x16xf32>,
      %get3A_472 = vector.shape_cast %get3A_471 : vector<1x1x1x16xf32> to vector<16xf32>
      %add3A_473 = arith.addf %add3A_369, %get3A_472 : vector<16xf32>
      %mul3A_474 = arith.constant 4 : i32
      %mul3A_475 = arith.muli %mul3A_474, %scan3A_297 : i32
      %add3A_476 = arith.constant 1 : i32
      %add3A_477 = arith.addi %mul3A_475, %add3A_476 : i32
      %get3A_478 = arith.constant 1 : i32
      %get3A_479 = arith.constant 1 : i32
      %get3A_480 = arith.index_cast %get3A_478 : i32 to index
      %get3A_481 = arith.index_cast %get3A_479 : i32 to index
      %get3A_482 = arith.index_cast %add3A_477 : i32 to index
      %get3A_483 = arith.constant 80 : index
      %get3A_484 = tpu.vector_load %arg6[%get3A_480, %get3A_481, %get3A_482, %get3A_483] {strides = array<i32>} : memref<3x2x100x128xf32, #tpu.memory_space<vmem>>, vector<1x1x1x16xf32>,
      %get3A_485 = vector.shape_cast %get3A_484 : vector<1x1x1x16xf32> to vector<16xf32>
      %add3A_486 = arith.addf %add3A_382, %get3A_485 : vector<16xf32>
      %mul3A_487 = arith.constant 4 : i32
      %mul3A_488 = arith.muli %mul3A_487, %scan3A_297 : i32
      %add3A_489 = arith.constant 1 : i32
      %add3A_490 = arith.addi %mul3A_488, %add3A_489 : i32
      %get3A_491 = arith.constant 1 : i32
      %get3A_492 = arith.constant 1 : i32
      %get3A_493 = arith.index_cast %get3A_491 : i32 to index
      %get3A_494 = arith.index_cast %get3A_492 : i32 to index
      %get3A_495 = arith.index_cast %add3A_490 : i32 to index
      %get3A_496 = arith.constant 96 : index
      %get3A_497 = tpu.vector_load %arg6[%get3A_493, %get3A_494, %get3A_495, %get3A_496] {strides = array<i32>} : memref<3x2x100x128xf32, #tpu.memory_space<vmem>>, vector<1x1x1x16xf32>,
      %get3A_498 = vector.shape_cast %get3A_497 : vector<1x1x1x16xf32> to vector<16xf32>
      %add3A_499 = arith.addf %add3A_395, %get3A_498 : vector<16xf32>
      %mul3A_500 = arith.constant 4 : i32
      %mul3A_501 = arith.muli %mul3A_500, %scan3A_297 : i32
      %add3A_502 = arith.constant 1 : i32
      %add3A_503 = arith.addi %mul3A_501, %add3A_502 : i32
      %get3A_504 = arith.constant 1 : i32
      %get3A_505 = arith.constant 1 : i32
      %get3A_506 = arith.index_cast %get3A_504 : i32 to index
      %get3A_507 = arith.index_cast %get3A_505 : i32 to index
      %get3A_508 = arith.index_cast %add3A_503 : i32 to index
      %get3A_509 = arith.constant 112 : index
      %get3A_510 = tpu.vector_load %arg6[%get3A_506, %get3A_507, %get3A_508, %get3A_509] {strides = array<i32>} : memref<3x2x100x128xf32, #tpu.memory_space<vmem>>, vector<1x1x1x16xf32>,
      %get3A_511 = vector.shape_cast %get3A_510 : vector<1x1x1x16xf32> to vector<16xf32>
      %add3A_512 = arith.addf %add3A_408, %get3A_511 : vector<16xf32>
      %mul3A_513 = arith.constant 4 : i32
      %mul3A_514 = arith.muli %mul3A_513, %scan3A_297 : i32
      %add3A_515 = arith.constant 2 : i32
      %add3A_516 = arith.addi %mul3A_514, %add3A_515 : i32
      %get3A_517 = arith.constant 1 : i32
      %get3A_518 = arith.constant 1 : i32
      %get3A_519 = arith.index_cast %get3A_517 : i32 to index
      %get3A_520 = arith.index_cast %get3A_518 : i32 to index
      %get3A_521 = arith.index_cast %add3A_516 : i32 to index
      %get3A_522 = arith.constant 0 : index
      %get3A_523 = tpu.vector_load %arg6[%get3A_519, %get3A_520, %get3A_521, %get3A_522] {strides = array<i32>} : memref<3x2x100x128xf32, #tpu.memory_space<vmem>>, vector<1x1x1x16xf32>,
      %get3A_524 = vector.shape_cast %get3A_523 : vector<1x1x1x16xf32> to vector<16xf32>
      %add3A_525 = arith.addf %add3A_421, %get3A_524 : vector<16xf32>
      %mul3A_526 = arith.constant 4 : i32
      %mul3A_527 = arith.muli %mul3A_526, %scan3A_297 : i32
      %add3A_528 = arith.constant 2 : i32
      %add3A_529 = arith.addi %mul3A_527, %add3A_528 : i32
      %get3A_530 = arith.constant 1 : i32
      %get3A_531 = arith.constant 1 : i32
      %get3A_532 = arith.index_cast %get3A_530 : i32 to index
      %get3A_533 = arith.index_cast %get3A_531 : i32 to index
      %get3A_534 = arith.index_cast %add3A_529 : i32 to index
      %get3A_535 = arith.constant 16 : index
      %get3A_536 = tpu.vector_load %arg6[%get3A_532, %get3A_533, %get3A_534, %get3A_535] {strides = array<i32>} : memref<3x2x100x128xf32, #tpu.memory_space<vmem>>, vector<1x1x1x16xf32>,
      %get3A_537 = vector.shape_cast %get3A_536 : vector<1x1x1x16xf32> to vector<16xf32>
      %add3A_538 = arith.addf %add3A_434, %get3A_537 : vector<16xf32>
      %mul3A_539 = arith.constant 4 : i32
      %mul3A_540 = arith.muli %mul3A_539, %scan3A_297 : i32
      %add3A_541 = arith.constant 2 : i32
      %add3A_542 = arith.addi %mul3A_540, %add3A_541 : i32
      %get3A_543 = arith.constant 1 : i32
      %get3A_544 = arith.constant 1 : i32
      %get3A_545 = arith.index_cast %get3A_543 : i32 to index
      %get3A_546 = arith.index_cast %get3A_544 : i32 to index
      %get3A_547 = arith.index_cast %add3A_542 : i32 to index
      %get3A_548 = arith.constant 32 : index
      %get3A_549 = tpu.vector_load %arg6[%get3A_545, %get3A_546, %get3A_547, %get3A_548] {strides = array<i32>} : memref<3x2x100x128xf32, #tpu.memory_space<vmem>>, vector<1x1x1x16xf32>,
      %get3A_550 = vector.shape_cast %get3A_549 : vector<1x1x1x16xf32> to vector<16xf32>
      %add3A_551 = arith.addf %add3A_447, %get3A_550 : vector<16xf32>
      %mul3A_552 = arith.constant 4 : i32
      %mul3A_553 = arith.muli %mul3A_552, %scan3A_297 : i32
      %add3A_554 = arith.constant 2 : i32
      %add3A_555 = arith.addi %mul3A_553, %add3A_554 : i32
      %get3A_556 = arith.constant 1 : i32
      %get3A_557 = arith.constant 1 : i32
      %get3A_558 = arith.index_cast %get3A_556 : i32 to index
      %get3A_559 = arith.index_cast %get3A_557 : i32 to index
      %get3A_560 = arith.index_cast %add3A_555 : i32 to index
      %get3A_561 = arith.constant 48 : index
      %get3A_562 = tpu.vector_load %arg6[%get3A_558, %get3A_559, %get3A_560, %get3A_561] {strides = array<i32>} : memref<3x2x100x128xf32, #tpu.memory_space<vmem>>, vector<1x1x1x16xf32>,
      %get3A_563 = vector.shape_cast %get3A_562 : vector<1x1x1x16xf32> to vector<16xf32>
      %add3A_564 = arith.addf %add3A_460, %get3A_563 : vector<16xf32>
      %mul3A_565 = arith.constant 4 : i32
      %mul3A_566 = arith.muli %mul3A_565, %scan3A_297 : i32
      %add3A_567 = arith.constant 2 : i32
      %add3A_568 = arith.addi %mul3A_566, %add3A_567 : i32
      %get3A_569 = arith.constant 1 : i32
      %get3A_570 = arith.constant 1 : i32
      %get3A_571 = arith.index_cast %get3A_569 : i32 to index
      %get3A_572 = arith.index_cast %get3A_570 : i32 to index
      %get3A_573 = arith.index_cast %add3A_568 : i32 to index
      %get3A_574 = arith.constant 64 : index
      %get3A_575 = tpu.vector_load %arg6[%get3A_571, %get3A_572, %get3A_573, %get3A_574] {strides = array<i32>} : memref<3x2x100x128xf32, #tpu.memory_space<vmem>>, vector<1x1x1x16xf32>,
      %get3A_576 = vector.shape_cast %get3A_575 : vector<1x1x1x16xf32> to vector<16xf32>
      %add3A_577 = arith.addf %add3A_473, %get3A_576 : vector<16xf32>
      %mul3A_578 = arith.constant 4 : i32
      %mul3A_579 = arith.muli %mul3A_578, %scan3A_297 : i32
      %add3A_580 = arith.constant 2 : i32
      %add3A_581 = arith.addi %mul3A_579, %add3A_580 : i32
      %get3A_582 = arith.constant 1 : i32
      %get3A_583 = arith.constant 1 : i32
      %get3A_584 = arith.index_cast %get3A_582 : i32 to index
      %get3A_585 = arith.index_cast %get3A_583 : i32 to index
      %get3A_586 = arith.index_cast %add3A_581 : i32 to index
      %get3A_587 = arith.constant 80 : index
      %get3A_588 = tpu.vector_load %arg6[%get3A_584, %get3A_585, %get3A_586, %get3A_587] {strides = array<i32>} : memref<3x2x100x128xf32, #tpu.memory_space<vmem>>, vector<1x1x1x16xf32>,
      %get3A_589 = vector.shape_cast %get3A_588 : vector<1x1x1x16xf32> to vector<16xf32>
      %add3A_590 = arith.addf %add3A_486, %get3A_589 : vector<16xf32>
      %mul3A_591 = arith.constant 4 : i32
      %mul3A_592 = arith.muli %mul3A_591, %scan3A_297 : i32
      %add3A_593 = arith.constant 2 : i32
      %add3A_594 = arith.addi %mul3A_592, %add3A_593 : i32
      %get3A_595 = arith.constant 1 : i32
      %get3A_596 = arith.constant 1 : i32
      %get3A_597 = arith.index_cast %get3A_595 : i32 to index
      %get3A_598 = arith.index_cast %get3A_596 : i32 to index
      %get3A_599 = arith.index_cast %add3A_594 : i32 to index
      %get3A_600 = arith.constant 96 : index
      %get3A_601 = tpu.vector_load %arg6[%get3A_597, %get3A_598, %get3A_599, %get3A_600] {strides = array<i32>} : memref<3x2x100x128xf32, #tpu.memory_space<vmem>>, vector<1x1x1x16xf32>,
      %get3A_602 = vector.shape_cast %get3A_601 : vector<1x1x1x16xf32> to vector<16xf32>
      %add3A_603 = arith.addf %add3A_499, %get3A_602 : vector<16xf32>
      %mul3A_604 = arith.constant 4 : i32
      %mul3A_605 = arith.muli %mul3A_604, %scan3A_297 : i32
      %add3A_606 = arith.constant 2 : i32
      %add3A_607 = arith.addi %mul3A_605, %add3A_606 : i32
      %get3A_608 = arith.constant 1 : i32
      %get3A_609 = arith.constant 1 : i32
      %get3A_610 = arith.index_cast %get3A_608 : i32 to index
      %get3A_611 = arith.index_cast %get3A_609 : i32 to index
      %get3A_612 = arith.index_cast %add3A_607 : i32 to index
      %get3A_613 = arith.constant 112 : index
      %get3A_614 = tpu.vector_load %arg6[%get3A_610, %get3A_611, %get3A_612, %get3A_613] {strides = array<i32>} : memref<3x2x100x128xf32, #tpu.memory_space<vmem>>, vector<1x1x1x16xf32>,
      %get3A_615 = vector.shape_cast %get3A_614 : vector<1x1x1x16xf32> to vector<16xf32>
      %add3A_616 = arith.addf %add3A_512, %get3A_615 : vector<16xf32>
      %mul3A_617 = arith.constant 4 : i32
      %mul3A_618 = arith.muli %mul3A_617, %scan3A_297 : i32
      %add3A_619 = arith.constant 3 : i32
      %add3A_620 = arith.addi %mul3A_618, %add3A_619 : i32
      %get3A_621 = arith.constant 1 : i32
      %get3A_622 = arith.constant 1 : i32
      %get3A_623 = arith.index_cast %get3A_621 : i32 to index
      %get3A_624 = arith.index_cast %get3A_622 : i32 to index
      %get3A_625 = arith.index_cast %add3A_620 : i32 to index
      %get3A_626 = arith.constant 0 : index
      %get3A_627 = tpu.vector_load %arg6[%get3A_623, %get3A_624, %get3A_625, %get3A_626] {strides = array<i32>} : memref<3x2x100x128xf32, #tpu.memory_space<vmem>>, vector<1x1x1x16xf32>,
      %get3A_628 = vector.shape_cast %get3A_627 : vector<1x1x1x16xf32> to vector<16xf32>
      %add3A_629 = arith.addf %add3A_525, %get3A_628 : vector<16xf32>
      %mul3A_630 = arith.constant 4 : i32
      %mul3A_631 = arith.muli %mul3A_630, %scan3A_297 : i32
      %add3A_632 = arith.constant 3 : i32
      %add3A_633 = arith.addi %mul3A_631, %add3A_632 : i32
      %get3A_634 = arith.constant 1 : i32
      %get3A_635 = arith.constant 1 : i32
      %get3A_636 = arith.index_cast %get3A_634 : i32 to index
      %get3A_637 = arith.index_cast %get3A_635 : i32 to index
      %get3A_638 = arith.index_cast %add3A_633 : i32 to index
      %get3A_639 = arith.constant 16 : index
      %get3A_640 = tpu.vector_load %arg6[%get3A_636, %get3A_637, %get3A_638, %get3A_639] {strides = array<i32>} : memref<3x2x100x128xf32, #tpu.memory_space<vmem>>, vector<1x1x1x16xf32>,
      %get3A_641 = vector.shape_cast %get3A_640 : vector<1x1x1x16xf32> to vector<16xf32>
      %add3A_642 = arith.addf %add3A_538, %get3A_641 : vector<16xf32>
      %mul3A_643 = arith.constant 4 : i32
      %mul3A_644 = arith.muli %mul3A_643, %scan3A_297 : i32
      %add3A_645 = arith.constant 3 : i32
      %add3A_646 = arith.addi %mul3A_644, %add3A_645 : i32
      %get3A_647 = arith.constant 1 : i32
      %get3A_648 = arith.constant 1 : i32
      %get3A_649 = arith.index_cast %get3A_647 : i32 to index
      %get3A_650 = arith.index_cast %get3A_648 : i32 to index
      %get3A_651 = arith.index_cast %add3A_646 : i32 to index
      %get3A_652 = arith.constant 32 : index
      %get3A_653 = tpu.vector_load %arg6[%get3A_649, %get3A_650, %get3A_651, %get3A_652] {strides = array<i32>} : memref<3x2x100x128xf32, #tpu.memory_space<vmem>>, vector<1x1x1x16xf32>,
      %get3A_654 = vector.shape_cast %get3A_653 : vector<1x1x1x16xf32> to vector<16xf32>
      %add3A_655 = arith.addf %add3A_551, %get3A_654 : vector<16xf32>
      %mul3A_656 = arith.constant 4 : i32
      %mul3A_657 = arith.muli %mul3A_656, %scan3A_297 : i32
      %add3A_658 = arith.constant 3 : i32
      %add3A_659 = arith.addi %mul3A_657, %add3A_658 : i32
      %get3A_660 = arith.constant 1 : i32
      %get3A_661 = arith.constant 1 : i32
      %get3A_662 = arith.index_cast %get3A_660 : i32 to index
      %get3A_663 = arith.index_cast %get3A_661 : i32 to index
      %get3A_664 = arith.index_cast %add3A_659 : i32 to index
      %get3A_665 = arith.constant 48 : index
      %get3A_666 = tpu.vector_load %arg6[%get3A_662, %get3A_663, %get3A_664, %get3A_665] {strides = array<i32>} : memref<3x2x100x128xf32, #tpu.memory_space<vmem>>, vector<1x1x1x16xf32>,
      %get3A_667 = vector.shape_cast %get3A_666 : vector<1x1x1x16xf32> to vector<16xf32>
      %add3A_668 = arith.addf %add3A_564, %get3A_667 : vector<16xf32>
      %mul3A_669 = arith.constant 4 : i32
      %mul3A_670 = arith.muli %mul3A_669, %scan3A_297 : i32
      %add3A_671 = arith.constant 3 : i32
      %add3A_672 = arith.addi %mul3A_670, %add3A_671 : i32
      %get3A_673 = arith.constant 1 : i32
      %get3A_674 = arith.constant 1 : i32
      %get3A_675 = arith.index_cast %get3A_673 : i32 to index
      %get3A_676 = arith.index_cast %get3A_674 : i32 to index
      %get3A_677 = arith.index_cast %add3A_672 : i32 to index
      %get3A_678 = arith.constant 64 : index
      %get3A_679 = tpu.vector_load %arg6[%get3A_675, %get3A_676, %get3A_677, %get3A_678] {strides = array<i32>} : memref<3x2x100x128xf32, #tpu.memory_space<vmem>>, vector<1x1x1x16xf32>,
      %get3A_680 = vector.shape_cast %get3A_679 : vector<1x1x1x16xf32> to vector<16xf32>
      %add3A_681 = arith.addf %add3A_577, %get3A_680 : vector<16xf32>
      %mul3A_682 = arith.constant 4 : i32
      %mul3A_683 = arith.muli %mul3A_682, %scan3A_297 : i32
      %add3A_684 = arith.constant 3 : i32
      %add3A_685 = arith.addi %mul3A_683, %add3A_684 : i32
      %get3A_686 = arith.constant 1 : i32
      %get3A_687 = arith.constant 1 : i32
      %get3A_688 = arith.index_cast %get3A_686 : i32 to index
      %get3A_689 = arith.index_cast %get3A_687 : i32 to index
      %get3A_690 = arith.index_cast %add3A_685 : i32 to index
      %get3A_691 = arith.constant 80 : index
      %get3A_692 = tpu.vector_load %arg6[%get3A_688, %get3A_689, %get3A_690, %get3A_691] {strides = array<i32>} : memref<3x2x100x128xf32, #tpu.memory_space<vmem>>, vector<1x1x1x16xf32>,
      %get3A_693 = vector.shape_cast %get3A_692 : vector<1x1x1x16xf32> to vector<16xf32>
      %add3A_694 = arith.addf %add3A_590, %get3A_693 : vector<16xf32>
      %mul3A_695 = arith.constant 4 : i32
      %mul3A_696 = arith.muli %mul3A_695, %scan3A_297 : i32
      %add3A_697 = arith.constant 3 : i32
      %add3A_698 = arith.addi %mul3A_696, %add3A_697 : i32
      %get3A_699 = arith.constant 1 : i32
      %get3A_700 = arith.constant 1 : i32
      %get3A_701 = arith.index_cast %get3A_699 : i32 to index
      %get3A_702 = arith.index_cast %get3A_700 : i32 to index
      %get3A_703 = arith.index_cast %add3A_698 : i32 to index
      %get3A_704 = arith.constant 96 : index
      %get3A_705 = tpu.vector_load %arg6[%get3A_701, %get3A_702, %get3A_703, %get3A_704] {strides = array<i32>} : memref<3x2x100x128xf32, #tpu.memory_space<vmem>>, vector<1x1x1x16xf32>,
      %get3A_706 = vector.shape_cast %get3A_705 : vector<1x1x1x16xf32> to vector<16xf32>
      %add3A_707 = arith.addf %add3A_603, %get3A_706 : vector<16xf32>
      %mul3A_708 = arith.constant 4 : i32
      %mul3A_709 = arith.muli %mul3A_708, %scan3A_297 : i32
      %add3A_710 = arith.constant 3 : i32
      %add3A_711 = arith.addi %mul3A_709, %add3A_710 : i32
      %get3A_712 = arith.constant 1 : i32
      %get3A_713 = arith.constant 1 : i32
      %get3A_714 = arith.index_cast %get3A_712 : i32 to index
      %get3A_715 = arith.index_cast %get3A_713 : i32 to index
      %get3A_716 = arith.index_cast %add3A_711 : i32 to index
      %get3A_717 = arith.constant 112 : index
      %get3A_718 = tpu.vector_load %arg6[%get3A_714, %get3A_715, %get3A_716, %get3A_717] {strides = array<i32>} : memref<3x2x100x128xf32, #tpu.memory_space<vmem>>, vector<1x1x1x16xf32>,
      %get3A_719 = vector.shape_cast %get3A_718 : vector<1x1x1x16xf32> to vector<16xf32>
      %add3A_720 = arith.addf %add3A_616, %get3A_719 : vector<16xf32>
      scf.yield %add3A_629, %add3A_642, %add3A_655, %add3A_668, %add3A_681, %add3A_694, %add3A_707, %add3A_720 : vector<16xf32>, vector<16xf32>, vector<16xf32>, vector<16xf32>, vector<16xf32>, vector<16xf32>, vector<16xf32>, vector<16xf32>
    }
    %scan3A_248 = arith.constant 25 : i32
    %swap3A_249 = arith.constant 127 : i32
    %swap3A_250 = arith.index_cast %swap3A_249 : i32 to index
    %swap3A_251 = arith.constant 0 : index
    %swap3A_252 = tpu.vector_load %arg7[%swap3A_250, %swap3A_251] {strides = array<i32>} : memref<128x128xf32, #tpu.memory_space<vmem>>, vector<1x16xf32>,
    %swap3A_253 = vector.shape_cast %swap3A_252 : vector<1x16xf32> to vector<16xf32>
    %swap3A_254 = vector.shape_cast %scan3A_247#0 : vector<16xf32> to vector<1x16xf32>
    tpu.vector_store %arg7[%swap3A_250, %swap3A_251], %swap3A_254 {strides = array<i32>} : memref<128x128xf32, #tpu.memory_space<vmem>>, vector<1x16xf32>,
    %swap3A_255 = arith.constant 127 : i32
    %swap3A_256 = arith.index_cast %swap3A_255 : i32 to index
    %swap3A_257 = arith.constant 16 : index
    %swap3A_258 = tpu.vector_load %arg7[%swap3A_256, %swap3A_257] {strides = array<i32>} : memref<128x128xf32, #tpu.memory_space<vmem>>, vector<1x16xf32>,
    %swap3A_259 = vector.shape_cast %swap3A_258 : vector<1x16xf32> to vector<16xf32>
    %swap3A_260 = vector.shape_cast %scan3A_247#1 : vector<16xf32> to vector<1x16xf32>
    tpu.vector_store %arg7[%swap3A_256, %swap3A_257], %swap3A_260 {strides = array<i32>} : memref<128x128xf32, #tpu.memory_space<vmem>>, vector<1x16xf32>,
    %swap3A_261 = arith.constant 127 : i32
    %swap3A_262 = arith.index_cast %swap3A_261 : i32 to index
    %swap3A_263 = arith.constant 32 : index
    %swap3A_264 = tpu.vector_load %arg7[%swap3A_262, %swap3A_263] {strides = array<i32>} : memref<128x128xf32, #tpu.memory_space<vmem>>, vector<1x16xf32>,
    %swap3A_265 = vector.shape_cast %swap3A_264 : vector<1x16xf32> to vector<16xf32>
    %swap3A_266 = vector.shape_cast %scan3A_247#2 : vector<16xf32> to vector<1x16xf32>
    tpu.vector_store %arg7[%swap3A_262, %swap3A_263], %swap3A_266 {strides = array<i32>} : memref<128x128xf32, #tpu.memory_space<vmem>>, vector<1x16xf32>,
    %swap3A_267 = arith.constant 127 : i32
    %swap3A_268 = arith.index_cast %swap3A_267 : i32 to index
    %swap3A_269 = arith.constant 48 : index
    %swap3A_270 = tpu.vector_load %arg7[%swap3A_268, %swap3A_269] {strides = array<i32>} : memref<128x128xf32, #tpu.memory_space<vmem>>, vector<1x16xf32>,
    %swap3A_271 = vector.shape_cast %swap3A_270 : vector<1x16xf32> to vector<16xf32>
    %swap3A_272 = vector.shape_cast %scan3A_247#3 : vector<16xf32> to vector<1x16xf32>
    tpu.vector_store %arg7[%swap3A_268, %swap3A_269], %swap3A_272 {strides = array<i32>} : memref<128x128xf32, #tpu.memory_space<vmem>>, vector<1x16xf32>,
    %swap3A_273 = arith.constant 127 : i32
    %swap3A_274 = arith.index_cast %swap3A_273 : i32 to index
    %swap3A_275 = arith.constant 64 : index
    %swap3A_276 = tpu.vector_load %arg7[%swap3A_274, %swap3A_275] {strides = array<i32>} : memref<128x128xf32, #tpu.memory_space<vmem>>, vector<1x16xf32>,
    %swap3A_277 = vector.shape_cast %swap3A_276 : vector<1x16xf32> to vector<16xf32>
    %swap3A_278 = vector.shape_cast %scan3A_247#4 : vector<16xf32> to vector<1x16xf32>
    tpu.vector_store %arg7[%swap3A_274, %swap3A_275], %swap3A_278 {strides = array<i32>} : memref<128x128xf32, #tpu.memory_space<vmem>>, vector<1x16xf32>,
    %swap3A_279 = arith.constant 127 : i32
    %swap3A_280 = arith.index_cast %swap3A_279 : i32 to index
    %swap3A_281 = arith.constant 80 : index
    %swap3A_282 = tpu.vector_load %arg7[%swap3A_280, %swap3A_281] {strides = array<i32>} : memref<128x128xf32, #tpu.memory_space<vmem>>, vector<1x16xf32>,
    %swap3A_283 = vector.shape_cast %swap3A_282 : vector<1x16xf32> to vector<16xf32>
    %swap3A_284 = vector.shape_cast %scan3A_247#5 : vector<16xf32> to vector<1x16xf32>
    tpu.vector_store %arg7[%swap3A_280, %swap3A_281], %swap3A_284 {strides = array<i32>} : memref<128x128xf32, #tpu.memory_space<vmem>>, vector<1x16xf32>,
    %swap3A_285 = arith.constant 127 : i32
    %swap3A_286 = arith.index_cast %swap3A_285 : i32 to index
    %swap3A_287 = arith.constant 96 : index
    %swap3A_288 = tpu.vector_load %arg7[%swap3A_286, %swap3A_287] {strides = array<i32>} : memref<128x128xf32, #tpu.memory_space<vmem>>, vector<1x16xf32>,
    %swap3A_289 = vector.shape_cast %swap3A_288 : vector<1x16xf32> to vector<16xf32>
    %swap3A_290 = vector.shape_cast %scan3A_247#6 : vector<16xf32> to vector<1x16xf32>
    tpu.vector_store %arg7[%swap3A_286, %swap3A_287], %swap3A_290 {strides = array<i32>} : memref<128x128xf32, #tpu.memory_space<vmem>>, vector<1x16xf32>,
    %swap3A_291 = arith.constant 127 : i32
    %swap3A_292 = arith.index_cast %swap3A_291 : i32 to index
    %swap3A_293 = arith.constant 112 : index
    %swap3A_294 = tpu.vector_load %arg7[%swap3A_292, %swap3A_293] {strides = array<i32>} : memref<128x128xf32, #tpu.memory_space<vmem>>, vector<1x16xf32>,
    %swap3A_295 = vector.shape_cast %swap3A_294 : vector<1x16xf32> to vector<16xf32>
    %swap3A_296 = vector.shape_cast %scan3A_247#7 : vector<16xf32> to vector<1x16xf32>
    tpu.vector_store %arg7[%swap3A_292, %swap3A_293], %swap3A_296 {strides = array<i32>} : memref<128x128xf32, #tpu.memory_space<vmem>>, vector<1x16xf32>,
    "tpu.region"() ({
      %run_scoped3A = tpu.sem_alloc : memref<!tpu.dma_semaphore, #tpu.memory_space<semaphore_mem>>
      %dma_start3A_297 = arith.constant 0 : i32
      %dma_start3A_298 = tpu.memref_slice %arg4[%mul3A_2, %dma_start3A_297] : memref<4096x128xf32, #tpu.memory_space<hbm>> -> memref<128x128xf32, #tpu.memory_space<hbm>>
      %dma_start3A_299 = arith.constant 0 : i32
      %dma_start3A_300 = tpu.memref_slice %arg4[%mul3A_2, %dma_start3A_299] : memref<4096x128xf32, #tpu.memory_space<hbm>> -> memref<128x128xf32, #tpu.memory_space<hbm>>
      tpu.enqueue_dma source(%arg7 : memref<128x128xf32, #tpu.memory_space<vmem>>) target(%dma_start3A_300 : memref<128x128xf32, #tpu.memory_space<hbm>>) target_semaphore(%run_scoped3A : memref<!tpu.dma_semaphore, #tpu.memory_space<semaphore_mem>>)
      %dma_wait3A_301 = arith.constant 0 : i32
      %dma_wait3A_302 = tpu.memref_slice %arg4[%mul3A_2, %dma_wait3A_301] : memref<4096x128xf32, #tpu.memory_space<hbm>> -> memref<128x128xf32, #tpu.memory_space<hbm>>
      %dma_wait3A_303 = arith.constant 0 : i32
      %dma_wait3A_304 = tpu.memref_slice %arg4[%mul3A_2, %dma_wait3A_303] : memref<4096x128xf32, #tpu.memory_space<hbm>> -> memref<128x128xf32, #tpu.memory_space<hbm>>
      tpu.wait_dma2 semaphore(%run_scoped3A : memref<!tpu.dma_semaphore, #tpu.memory_space<semaphore_mem>>) src(%arg7 : memref<128x128xf32, #tpu.memory_space<vmem>>) dst(%dma_wait3A_304 : memref<128x128xf32, #tpu.memory_space<hbm>>)
      tpu.yield
    }) : () -> ()
    return
  }
}

module attributes {stable_mosaic.version = 14 : i64} {
  func.func @_mlp_body(%arg0: i32, %arg1: memref<512x128xf32, #tpu.memory_space<vmem>>, %arg2: memref<128x128xf32, #tpu.memory_space<vmem>>, %arg3: memref<1x128xf32, #tpu.memory_space<vmem>>, %arg4: memref<96x128xf32, #tpu.memory_space<vmem>>, %arg5: memref<1x96xf32, #tpu.memory_space<vmem>>, %arg6: memref<2x96xf32, #tpu.memory_space<vmem>>, %arg7: memref<1x2xf32, #tpu.memory_space<vmem>>, %arg8: memref<512x2xf32, #tpu.memory_space<vmem>>) attributes {dimension_semantics = [#tpu.dimension_semantics<arbitrary>], iteration_bounds = array<i64: 8>, scalar_prefetch = 0 : i64, scratch_operands = 0 : i64, tpu.core_type = #tpu.core_type<tc>, window_params = [{transform_indices = @transform_0, window_bounds = array<i64: 512, 128>}, {pipeline_mode = #tpu.pipeline_mode<synchronous>, transform_indices = @transform_1, window_bounds = array<i64: 128, 128>}, {pipeline_mode = #tpu.pipeline_mode<synchronous>, transform_indices = @transform_2, window_bounds = array<i64: 1, 128>}, {pipeline_mode = #tpu.pipeline_mode<synchronous>, transform_indices = @transform_3, window_bounds = array<i64: 96, 128>}, {pipeline_mode = #tpu.pipeline_mode<synchronous>, transform_indices = @transform_4, window_bounds = array<i64: 1, 96>}, {pipeline_mode = #tpu.pipeline_mode<synchronous>, transform_indices = @transform_5, window_bounds = array<i64: 2, 96>}, {pipeline_mode = #tpu.pipeline_mode<synchronous>, transform_indices = @transform_6, window_bounds = array<i64: 1, 2>}, {transform_indices = @transform_7, window_bounds = array<i64: 512, 2>}]} {
    %get3A = arith.constant 0 : index
    %get3A_0 = arith.constant 0 : index
    %get3A_1 = vector.load %arg1[%get3A, %get3A_0] : memref<512x128xf32, #tpu.memory_space<vmem>>, vector<512x128xf32>
    %tanh3A = math.tanh %get3A_1 : vector<512x128xf32>
    %get3A_2 = arith.constant 0 : index
    %get3A_3 = arith.constant 0 : index
    %get3A_4 = vector.load %arg2[%get3A_2, %get3A_3] : memref<128x128xf32, #tpu.memory_space<vmem>>, vector<128x128xf32>
    %transpose3A = tpu.transpose %get3A_4, [1, 0] : vector<128x128xf32> -> vector<128x128xf32>
    %dot_general3A = arith.constant dense<0.000000e+00> : vector<512x128xf32>
    %dot_general3A_5 = tpu.matmul %tanh3A, %transpose3A, %dot_general3A {dimension_numbers = #tpu.dot_dimension_numbers<[1], [0], [0], [1], [0, 0, 1, 1], [], []>, transpose_lhs_hint = false} : vector<512x128xf32>, vector<128x128xf32>, vector<512x128xf32> -> vector<512x128xf32>
    %get3A_6 = arith.constant 0 : index
    %get3A_7 = arith.constant 0 : index
    %get3A_8 = vector.load %arg3[%get3A_6, %get3A_7] : memref<1x128xf32, #tpu.memory_space<vmem>>, vector<1x128xf32>
    %add3A = vector.broadcast %get3A_8 : vector<1x128xf32> to vector<512x128xf32>
    %add3A_9 = arith.addf %dot_general3A_5, %add3A : vector<512x128xf32>
    %tanh3A_10 = math.tanh %add3A_9 : vector<512x128xf32>
    %get3A_11 = arith.constant 0 : index
    %get3A_12 = arith.constant 0 : index
    %get3A_13 = vector.load %arg4[%get3A_11, %get3A_12] : memref<96x128xf32, #tpu.memory_space<vmem>>, vector<96x128xf32>
    %transpose3A_14 = tpu.transpose %get3A_13, [1, 0] : vector<96x128xf32> -> vector<128x96xf32>
    %dot_general3A_15 = arith.constant dense<0.000000e+00> : vector<512x96xf32>
    %dot_general3A_16 = tpu.matmul %tanh3A_10, %transpose3A_14, %dot_general3A_15 {dimension_numbers = #tpu.dot_dimension_numbers<[1], [0], [0], [1], [0, 0, 1, 1], [], []>, transpose_lhs_hint = false} : vector<512x128xf32>, vector<128x96xf32>, vector<512x96xf32> -> vector<512x96xf32>
    %get3A_17 = arith.constant 0 : index
    %get3A_18 = arith.constant 0 : index
    %get3A_19 = vector.load %arg5[%get3A_17, %get3A_18] : memref<1x96xf32, #tpu.memory_space<vmem>>, vector<1x96xf32>
    %add3A_20 = vector.broadcast %get3A_19 : vector<1x96xf32> to vector<512x96xf32>
    %add3A_21 = arith.addf %dot_general3A_16, %add3A_20 : vector<512x96xf32>
    %tanh3A_22 = math.tanh %add3A_21 : vector<512x96xf32>
    %get3A_23 = arith.constant 0 : index
    %get3A_24 = arith.constant 0 : index
    %get3A_25 = vector.load %arg6[%get3A_23, %get3A_24] : memref<2x96xf32, #tpu.memory_space<vmem>>, vector<2x96xf32>
    %transpose3A_26 = tpu.transpose %get3A_25, [1, 0] : vector<2x96xf32> -> vector<96x2xf32>
    %dot_general3A_27 = arith.constant dense<0.000000e+00> : vector<512x2xf32>
    %dot_general3A_28 = tpu.matmul %tanh3A_22, %transpose3A_26, %dot_general3A_27 {dimension_numbers = #tpu.dot_dimension_numbers<[1], [0], [0], [1], [0, 0, 1, 1], [], []>, transpose_lhs_hint = false} : vector<512x96xf32>, vector<96x2xf32>, vector<512x2xf32> -> vector<512x2xf32>
    %get3A_29 = arith.constant 0 : index
    %get3A_30 = arith.constant 0 : index
    %get3A_31 = vector.load %arg7[%get3A_29, %get3A_30] : memref<1x2xf32, #tpu.memory_space<vmem>>, vector<1x2xf32>
    %add3A_32 = vector.broadcast %get3A_31 : vector<1x2xf32> to vector<512x2xf32>
    %add3A_33 = arith.addf %dot_general3A_28, %add3A_32 : vector<512x2xf32>
    %reduce_max3A = arith.constant dense<0xFF800000> : vector<512xf32>
    %reduce_max3A_34 = vector.multi_reduction <maximumf>, %add3A_33, %reduce_max3A [1] : vector<512x2xf32> to vector<512xf32>
    %broadcast_in_dim3A = vector.shape_cast %reduce_max3A_34 : vector<512xf32> to vector<512x1xf32>
    %sub3A = vector.broadcast %broadcast_in_dim3A : vector<512x1xf32> to vector<512x2xf32>
    %sub3A_35 = arith.subf %add3A_33, %sub3A : vector<512x2xf32>
    %exp3A = math.exp %sub3A_35 : vector<512x2xf32>
    %reduce_sum3A = arith.constant dense<0.000000e+00> : vector<512xf32>
    %reduce_sum3A_36 = vector.multi_reduction <add>, %exp3A, %reduce_sum3A [1] : vector<512x2xf32> to vector<512xf32>
    %broadcast_in_dim3A_37 = vector.shape_cast %reduce_sum3A_36 : vector<512xf32> to vector<512x1xf32>
    %div3A = vector.broadcast %broadcast_in_dim3A_37 : vector<512x1xf32> to vector<512x2xf32>
    %div3A_38 = arith.divf %exp3A, %div3A : vector<512x2xf32>
    %swap3A = arith.constant 0 : index
    %swap3A_39 = arith.constant 0 : index
    %swap3A_40 = vector.load %arg8[%swap3A, %swap3A_39] : memref<512x2xf32, #tpu.memory_space<vmem>>, vector<512x2xf32>
    tpu.vector_store %arg8[%swap3A, %swap3A_39], %div3A_38 {strides = array<i32>} : memref<512x2xf32, #tpu.memory_space<vmem>>, vector<512x2xf32>,
    return
  }
  func.func @transform_0(%arg0: i32) -> (i32, i32) {
    %c0_i32 = arith.constant 0 : i32
    %c0_i32_0 = arith.constant 0 : i32
    return %arg0, %c0_i32 : i32, i32
  }
  func.func @transform_1(%arg0: i32) -> (i32, i32) {
    %c0_i32 = arith.constant 0 : i32
    %c0_i32_0 = arith.constant 0 : i32
    %c0_i32_1 = arith.constant 0 : i32
    return %c0_i32, %c0_i32_0 : i32, i32
  }
  func.func @transform_2(%arg0: i32) -> (i32, i32) {
    %c0_i32 = arith.constant 0 : i32
    %c0_i32_0 = arith.constant 0 : i32
    %c0_i32_1 = arith.constant 0 : i32
    return %c0_i32, %c0_i32_0 : i32, i32
  }
  func.func @transform_3(%arg0: i32) -> (i32, i32) {
    %c0_i32 = arith.constant 0 : i32
    %c0_i32_0 = arith.constant 0 : i32
    %c0_i32_1 = arith.constant 0 : i32
    return %c0_i32, %c0_i32_0 : i32, i32
  }
  func.func @transform_4(%arg0: i32) -> (i32, i32) {
    %c0_i32 = arith.constant 0 : i32
    %c0_i32_0 = arith.constant 0 : i32
    %c0_i32_1 = arith.constant 0 : i32
    return %c0_i32, %c0_i32_0 : i32, i32
  }
  func.func @transform_5(%arg0: i32) -> (i32, i32) {
    %c0_i32 = arith.constant 0 : i32
    %c0_i32_0 = arith.constant 0 : i32
    %c0_i32_1 = arith.constant 0 : i32
    return %c0_i32, %c0_i32_0 : i32, i32
  }
  func.func @transform_6(%arg0: i32) -> (i32, i32) {
    %c0_i32 = arith.constant 0 : i32
    %c0_i32_0 = arith.constant 0 : i32
    %c0_i32_1 = arith.constant 0 : i32
    return %c0_i32, %c0_i32_0 : i32, i32
  }
  func.func @transform_7(%arg0: i32) -> (i32, i32) {
    %c0_i32 = arith.constant 0 : i32
    %c0_i32_0 = arith.constant 0 : i32
    return %arg0, %c0_i32 : i32, i32
  }
}

</mosaic_0001>

<sc_bundles>
// kernel: kernel.4.cloned.1.call-start
scs
__scs_entry_jumppad:
0x0: {  	(pc) =	sbr.rel $0x88, $3  }
0x1: {  	(tag) =	ssettag $0x0;
	lr =	simm.s32 $0x1  }
0x2: {  	[smem:$0x3F99] =	sst lr;
	_ =	strace $0xD0000000  }
0x3: {  	_ = 	snop  }
0x4: {  	_ = 	snop  }
0x5: {  	_ = 	snop  }
0x6: {  	_ = 	snop  }
0x7: {  	_ = 	snop  }
__scs_overlays_trampoline_lowered:
0x8: {  	[smem:$0x3FA8] =	sst s0  }
0x9: {  	[smem:$0x3FA9] =	sst s1  }
0xa: {  	[smem:$0x3FAA] =	sst s2  }
0xb: {  	[smem:$0x3FAB] =	sst s3  }
0xc: {  	[smem:$0x3FAC] =	sst s4  }
0xd: {  	[smem:$0x3FAD] =	sst s5  }
0xe: {  	[smem:$0x3FAE] =	sst s6  }
0xf: {  	[smem:$0x3FAF] =	sst s7  }
0x10: {  	[smem:$0x3FB0] =	sst s8  }
0x11: {  	[smem:$0x3FB1] =	sst s9;
	s0 =	simm.s32 @!p0 $0x0  }
0x12: {  	s1 =	sld [smem:$0x3F97];
	s0 =	simm.s32 @p0 $0x1  }
0x13: {  	[smem:$0x3FB2] =	sst s0;
	s0 =	simm.s32 @!p1 $0x0  }
0x14: {  	s2 =	sld [smem:$0x3F96];
	s0 =	simm.s32 @p1 $0x1  }
0x15: {  	[smem:$0x3FB3] =	sst s0;
	s0 =	simm.s32 @!p2 $0x0  }
0x16: {  	s3 =	sld [smem:$0x3FDB];
	s0 =	simm.s32 @p2 $0x1  }
0x17: {  	s4 =	simm.s32 $0x1BF5;
	[smem:$0x3FB5] =	sst s0  }
0x18: {  	s0 =	sld [smem:$0x3F98];
	_ =	swait.ge [sflag:s4], $0x0  }
0x19: {  	s7 =	sld [smem:$0x3F99]  }
0x1a: {  	s8 =	sadd.s32 $0xFFFFE003, lr  }
0x1b: {  	s9 =	sadd.s32 $0xFFFFFEF7, lr;
	s5 =	simm.s32 $0xFFFFFFFF;
	p2 =	slt.u32 s8, $0xFFFFF086  }
0x1c: {  	p1 =	slt.u32 s9, $0xF7A;
	s5 =	simm.s32 @!p2 $0x0  }
0x1d: {  	s5 =	simm.s32 @p1 $0x1;
	p0 =	seq.s32 s7, s2  }
0x1e: {  	s7 =	smul.u32 @!p0 $0xF7A, s2;
	p2 =	seq.s32 @!p0 s5, $0x0  }
0x1f: {  	s9 =	smul.u32 $0xF7A, s1;
	s8 =	simm.s32 @!p0 $0x1BF5;
	p2 =	por !p2, p0  }
0x20: {  	[sflag:s8] =	ssyncset.s32 @!p0 $0xFFFFF086;
	s6 =	sadd.s32 @!p0 s3, s7;
	s7 =	simm.s32 @!p0 $0x108  }
0x21: {  	s3 =	sadd.s32 s3, s9;
	s6 =	sadd.s32 @!p0 $0x88, s6;
	s7 =	simm.s32 @p2 $0x1082  }
0x22: {  	[simem:s7], [sflag:s8] =	dma.local @!p0 [hbm:s6], $0xF7A  }
0x23: {  	s9 =	sor.u32 $0xD0000000, s2;
	s6 =	simm.s32 $0x108;
	_ =	swait.ge @!p0 [sflag:s8], $0x0  }
0x24: {  	s3 =	sadd.s32 $0x88, s3;
	s6 =	simm.s32 @!p1 $0x1082;
	[sflag:s4] =	ssyncset.s32 $0xFFFFF086  }
0x25: {  	[simem:s6], [sflag:s4] =	dma.local [hbm:s3], $0xF7A  }
0x26: {  	[smem:$0x3F99] =	sst s1;
	(tag) =	ssettag s2;
	_ =	strace s9  }
0x27: {  	s1 =	sld [smem:$0x3FA9]  }
0x28: {  	s2 =	sld [smem:$0x3FAA]  }
0x29: {  	s4 =	sld [smem:$0x3FAC]  }
0x2a: {  	p0 =	seq.s32 s5, $0x0;
	s5 =	sld [smem:$0x3FAD]  }
0x2b: {  	s6 =	sld [smem:$0x3FAE]  }
0x2c: {  	s7 =	sld [smem:$0x3FAF]  }
0x2d: {  	s3 =	simm.s32 $0x108;
	s8 =	sld [smem:$0x3FB0]  }
0x2e: {  	s3 =	simm.s32 @!p0 $0x1082;
	s9 =	sld [smem:$0x3FB1]  }
0x2f: {  	lr =	sadd.s32 s0, s3;
	s0 =	sld [smem:$0x3FA8]  }
0x30: {  	s3 =	sld [smem:$0x3FAB]  }
0x31: {  	[smem:$0x3FB4] =	sst s10  }
0x32: {  	s10 =	sld [smem:$0x3FB2];
	_ =	sdelay $0x3  }
0x33: {  	p0 =	seq.s32 s10, $0x1;
	s10 =	sld [smem:$0x3FB4];
	_ =	sdelay $0x3  }
0x34: {  	[smem:$0x3FB4] =	sst s10  }
0x35: {  	s10 =	sld [smem:$0x3FB3];
	_ =	sdelay $0x3  }
0x36: {  	p1 =	seq.s32 s10, $0x1;
	s10 =	sld [smem:$0x3FB4];
	_ =	sdelay $0x3  }
0x37: {  	[smem:$0x3FB4] =	sst s10  }
0x38: {  	s10 =	sld [smem:$0x3FB5]  }
0x39: {  	_ = 	snop;
	(pc) =	sbr.ind lr, $3  }
0x3a: {  	_ = 	snop  }
0x3b: {  	_ = 	snop  }
0x3c: {  	p2 =	seq.s32 s10, $0x1;
	s10 =	sld [smem:$0x3FB4]  }
0x3d: {  	_ =	shalt  }
0x3e: {  	_ =	shalt  }
0x3f: {  	_ =	shalt  }
0x40: {  	_ =	shalt  }
0x41: {  	_ =	shalt  }
0x42: {  	_ =	shalt  }
0x43: {  	_ =	shalt  }
0x44: {  	_ =	shalt  }
0x45: {  	_ =	shalt  }
0x46: {  	_ =	shalt  }
0x47: {  	_ =	shalt  }
0x48: {  	_ =	shalt  }
0x49: {  	_ =	shalt  }
0x4a: {  	_ =	shalt  }
0x4b: {  	_ =	shalt  }
0x4c: {  	_ =	shalt  }
0x4d: {  	_ =	shalt  }
0x4e: {  	_ =	shalt  }
0x4f: {  	_ =	shalt  }
0x50: {  	_ =	shalt  }
0x51: {  	_ =	shalt  }
0x52: {  	_ =	shalt  }
0x53: {  	_ =	shalt  }
0x54: {  	_ =	shalt  }
0x55: {  	_ =	shalt  }
0x56: {  	_ =	shalt  }
0x57: {  	_ =	shalt  }
0x58: {  	_ =	shalt  }
0x59: {  	_ =	shalt  }
0x5a: {  	_ =	shalt  }
0x5b: {  	_ =	shalt  }
0x5c: {  	_ =	shalt  }
0x5d: {  	_ =	shalt  }
0x5e: {  	_ =	shalt  }
0x5f: {  	_ =	shalt  }
0x60: {  	_ =	shalt  }
0x61: {  	_ =	shalt  }
0x62: {  	_ =	shalt  }
0x63: {  	_ =	shalt  }
0x64: {  	_ =	shalt  }
0x65: {  	_ =	shalt  }
0x66: {  	_ =	shalt  }
0x67: {  	_ =	shalt  }
0x68: {  	_ =	shalt  }
0x69: {  	_ =	shalt  }
0x6a: {  	_ =	shalt  }
0x6b: {  	_ =	shalt  }
0x6c: {  	_ =	shalt  }
0x6d: {  	_ =	shalt  }
0x6e: {  	_ =	shalt  }
0x6f: {  	_ =	shalt  }
0x70: {  	_ =	shalt  }
0x71: {  	_ =	shalt  }
0x72: {  	_ =	shalt  }
0x73: {  	_ =	shalt  }
0x74: {  	_ =	shalt  }
0x75: {  	_ =	shalt  }
0x76: {  	_ =	shalt  }
0x77: {  	_ =	shalt  }
0x78: {  	_ =	shalt  }
0x79: {  	_ =	shalt  }
0x7a: {  	_ =	shalt  }
0x7b: {  	_ =	shalt  }
0x7c: {  	_ =	shalt  }
0x7d: {  	_ =	shalt  }
0x7e: {  	_ =	shalt  }
0x7f: {  	_ =	shalt  }
0x80: {  	_ =	shalt  }
0x81: {  	_ =	shalt  }
0x82: {  	_ =	shalt  }
0x83: {  	_ =	shalt  }
0x84: {  	_ =	shalt  }
0x85: {  	_ =	shalt  }
0x86: {  	_ =	shalt  }
0x87: {  	_ =	shalt  }
.Lfunc_end0:
.L_simem_size_0:
called_computation_lowered:
.L_overlay_start_0:
0x88: {  	s2 =	sld [smem:$0x3FD9]  }
0x89: {  	s3 =	sld [smem:$0x3FFE];
	_ =	sdelay $0x1  }
0x8a: {  	s1 =	srdreg.scid  }
0x8b: {  	s0 =	sand.u32 $0x1, s1  }
0x8c: {  	s17 =	sshll.u32 s0, $0xA;
	s2 =	sadd.s32 s3, s2  }
0x8d: {  	s2 =	sadd.s32 s2, s17  }
0x8e: {  	[smem:$0x3FC0] =	sst s2  }
0x8f: {  	_ = 	snop  }
0x90: {  	s2 =	sld [smem:$0x3FC8];
	(tm) =	ssettm $0x1  }
0x91: {  	s18 =	sld [smem:$0x3FFB];
	_ =	sdelay $0x3  }
0x92: {  	_ =	strace s18  }
0x93: {  	s3 =	sld [smem:$0x3FFC];
	_ =	sdelay $0x3  }
0x94: {  	_ =	strace s3  }
0x95: {  	s3 =	sld [smem:$0x3FFD];
	_ =	sdelay $0x3  }
0x96: {  	_ =	strace s3  }
0x97: {  	_ =	strace $0x8FFFFFFF  }
0x98: {  	s19 =	sld [smem:$0x3FDB];
	_ =	sdelay $0x1  }
0x99: {  	s4 =	simm.s32 $_scs_section_size  }
0x9a: {  	s5 =	simm.s32 $_size__tile_overlayer_lowered;
	s6 =	simm.s32 $_tile_overlayer_lowered  }
0x9b: {  	s22 =	simm.s32 $0x1BFF;
	s21 =	sshll.u32 s6, $0x1;
	s3 =	sadd.s32 s4, s19  }
0x9c: {  	s7 =	simm.s32 $0x0;
	s20 =	sshll.u32 s5, $0x1;
	s5 =	sadd.s32 s21, s3  }
0x9d: {  	[timem:s7], [sflag:s22] =	dma.local [hbm:s5], s20  }
0x9e: {  	_ =	swait.ge [sflag:s22], s20  }
0x9f: {  	s4 =	ssub.s32 $0x0, s20;
	[sflag:s22] =	ssyncset.done $0x0  }
0xa0: {  	[sflag:s22] =	ssyncadd.s32 s4;
	_ =	sdelay $0x1  }
0xa1: {  	s23 =	simm.s32 $0x1B8B  }
0xa2: {  	_ =	swait.ge [sflag:s23], $0x1  }
0xa3: {  	[sflag:s23] =	ssyncset.done $0x0  }
0xa4: {  	s25 =	simm.s32 $0x1B8E;
	s24 =	sld [smem:$0x3FFE];
	[sflag:s23] =	ssyncadd.s32 $0xFFFFFFFF  }
0xa5: {  	s26 =	simm.s32 $execute0_lowered;
	[smem:$0x3FD2] =	sst s25  }
0xa6: {  	s5 =	sshll.u32 s26, $0x1;
	_ =	strace $0x80000046;
	[dreg:$0x1] =	wrdreg $0xFFFFFFFF  }
0xa7: {  	s28 =	simm.s32 $_size_execute0_lowered;
	s3 =	sadd.s32 s3, s5;
	[dreg:$0x0] =	wrdreg $0x0  }
0xa8: {  	s5 =	sshll.u32 s28, $0x1;
	[dreg:$0x2] =	wrdreg s3  }
0xa9: {  	[dreg:$0x3] =	wrdreg s5  }
0xaa: {  	[dreg:$0x4] =	wrdreg $0xC0  }
0xab: {  	_ =	task [dreg:s7], $0x5FFFF  }
0xac: {  	[dreg:$0x1] =	wrdreg $0xFFFFFFFF  }
0xad: {  	[dreg:$0x0] =	wrdreg $0x60  }
0xae: {  	[dreg:$0x2] =	wrdreg s24  }
0xaf: {  	[dreg:$0x3] =	wrdreg s2  }
0xb0: {  	[dreg:$0x4] =	wrdreg $0x9  }
0xb1: {  	_ =	task.clear_ibuf [dreg:s7], $0x5FFFF;
	_ =	strace $0x90000046  }
0xb2: {  	s29 =	simm.s32 $0x9;
	_ =	strace $0x80000048  }
0xb3: {  	_ =	swait.ge [sflag:s29], $0x1  }
0xb4: {  	[sflag:s29] =	ssyncadd.s32 $0xFFFFFFFF  }
0xb5: {  	_ =	strace $0x90000048  }
0xb6: {  	_ =	sfence  }
0xb7: {  	s30 =	sld [smem:$0x0];
	_ =	sdelay $0x2  }
0xb8: {  	s31 =	sshll.u32 s1, $0xD;
	s1 =	sshrl.u32 s1, $0x2  }
0xb9: {  	s3 =	sand.u32 $0x4000, s31;
	s1 =	sadd.s32 s1, s30  }
0xba: {  	s0 =	sor.u32 s3, s0;
	s1 =	sshll.u32 s1, $0x11  }
0xbb: {  	s0 =	sor.u32 s1, s0  }
0xbc: {  	s0 =	sadd.s32 $0x8F2B, s0  }
0xbd: {  	[sflag:s0] =	ssyncadd.remote.s32 $0x1  }
0xbe: {  	_ =	sfence.sel $0xFFFF  }
0xbf: {  	[dreg:$0x0] =	wrdreg $0xFFFFFFFF;
	(pc) =	sbr.abs _section_cstart, $3  }
0xc0: {  	[dreg:$0x1] =	wrdreg $0xFFFFFFFF  }
0xc1: {  	_ =	task.clear_ibuf [dreg:s7], $0x2FFFF;
	_ =	strace $0x9FFFFFFF  }
0xc2: {  	(tm) =	ssettm $0x7FFFFFFF  }
0xc3: {  	_ =	shalt  }
tec
execute0_lowered:
.L_overlay_start_1:
0x0: {  	(tag) =	ssettag $0x1  }
0x1: {  	s4 =	rddreg [dreg:$0x0]  }
0x2: {  	s2 =	rddreg [dreg:$0x1]  }
0x3: {  	s0 =	rddreg [dreg:$0x2];
	s5 =	srdreg.scid  }
0x4: {  	s3 =	simm.s32 $0x0;
	s1 =	stileid.u32;
	s9 =	simm.s32 $0x8000  }
0x5: {  	s10 =	simm.s32 $0x80;
	s11 =	simm.s32 $0xB400;
	s12 =	simm.s32 $0x100  }
0x6: {  	s13 =	simm.s32 $0xE800;
	s14 =	simm.s32 $0x180;
	s15 =	simm.s32 $0x11C00  }
0x7: {  	s16 =	simm.s32 $0x200;
	s17 =	simm.s32 $0x15000;
	s18 =	simm.s32 $0x280  }
0x8: {  	s19 =	simm.s32 $0x18400;
	s20 =	simm.s32 $0x1;
	s21 =	simm.s32 $0x2  }
0x9: {  	s22 =	simm.s32 $0x3;
	s23 =	simm.s32 $0x1B800;
	s5 =	sand.u32 $0x1, s5  }
0xa: {  	[smem:$0x7FF] =	sst s3;
	s6 =	sshll.u32 s1, $0x8;
	s7 =	sshll.u32 s5, $0x7  }
0xb: {  	s24 =	simm.s32 $0x0;
	_ =	strace $0x80000047;
	s6 =	sor.u32 s7, s6  }
0xc: {  	s5 =	ssub.s32 $0x2, s5;
	s7 =	sshll.u32 s6, $0x5;
	s6 =	sshll.u32 s6, $0x4  }
0xd: {  	s8 =	sshrl.u32 s5, $0x1;
	s7 =	sadd.s32 s7, s4;
	s6 =	sadd.s32 s6, s4  }
0xe: {  	s8 =	ssub.s32 s5, s8;
	s4 =	sadd.s32 $0x1200, s7;
	s5 =	sadd.s32 $0x21200, s6  }
0xf: {  	s6 =	smax.u32 s8, $0x1;
	s7 =	simm.s32 $0x4;
	s8 =	simm.s32 $0x64  }
.LBB2_1:
0x10: {  	[tilespmem:s3], [sflag:$0x4] =	stream.linear.gather [hbm4b:s4+s3], $0x8000, $0x38;
	[tilespmem:$0x1F800] =	vst v63  }
0x11: {  	_ =	swait.ge [sflag:s7], $0x8000  }
0x12: {  	[sflag:s7] =	ssyncset.done $0x0  }
0x13: {  	[sflag:s7] =	ssyncadd.s32 $0xFFFF8000  }
0x14: {  	[tilespmem:s9], [sflag:$0x1] =	stream.indirect.gather [hbm4b:s2+s8], $0x80, s3, s8, $0xb8;
	[tilespmem:$0x1F800] =	vst v63  }
0x15: {  	_ = 	snop  }
0x16: {  	[tilespmem:s11], [sflag:$0x1] =	stream.indirect.gather [hbm4b:s2+s8], $0x80, s10, s8, $0xb8;
	[tilespmem:$0x1F800] =	vst v63  }
0x17: {  	_ = 	snop  }
0x18: {  	[tilespmem:s13], [sflag:$0x2] =	stream.indirect.gather [hbm4b:s2+s8], $0x80, s12, s8, $0xb8;
	[tilespmem:$0x1F800] =	vst v63  }
0x19: {  	_ = 	snop  }
0x1a: {  	[tilespmem:s15], [sflag:$0x2] =	stream.indirect.gather [hbm4b:s2+s8], $0x80, s14, s8, $0xb8;
	[tilespmem:$0x1F800] =	vst v63  }
0x1b: {  	_ = 	snop  }
0x1c: {  	[tilespmem:s17], [sflag:$0x3] =	stream.indirect.gather [hbm4b:s2+s8], $0x80, s16, s8, $0xb8;
	[tilespmem:$0x1F800] =	vst v63  }
0x1d: {  	s25 =	simm.s32 $0x0  }
0x1e: {  	[tilespmem:s19], [sflag:$0x3] =	stream.indirect.gather [hbm4b:s2+s8], $0x80, s18, s8, $0xb8;
	[tilespmem:$0x1F800] =	vst v63  }
.LBB2_2:
0x1f: {  	_ =	swait.ge [sflag:s20], $0x3200  }
0x20: {  	[sflag:s20] =	ssyncset.done $0x0  }
0x21: {  	[sflag:s20] =	ssyncadd.s32 $0xFFFFCE00  }
0x22: {  	_ =	swait.ge [sflag:s20], $0x3200  }
0x23: {  	[sflag:s20] =	ssyncset.done $0x0  }
0x24: {  	s26 =	simm.s32 $0x0;
	[sflag:s20] =	ssyncadd.s32 $0xFFFFCE00  }
0x25: {  	v9 =	vld [tilespmem:s26+$0x8180]  }
0x26: {  	v11 =	vld [tilespmem:s26+$0x8190]  }
0x27: {  	v12 =	vld [tilespmem:s26+$0x81A0]  }
0x28: {  	v13 =	vld [tilespmem:s26+$0x81B0]  }
0x29: {  	v2 =	vld [tilespmem:s26+$0x81C0]  }
0x2a: {  	v3 =	vld [tilespmem:s26+$0x81D0]  }
0x2b: {  	v22 =	vld [tilespmem:s26+$0x8100]  }
0x2c: {  	v24 =	vld [tilespmem:s26+$0x8110]  }
0x2d: {  	v6 =	vld [tilespmem:s26+$0x8120]  }
0x2e: {  	v23 =	vld [tilespmem:s26+$0x8130]  }
0x2f: {  	v5 =	vld [tilespmem:s26+$0x8140]  }
0x30: {  	v0 =	vld [tilespmem:s26+$0x8080]  }
0x31: {  	v1 =	vld [tilespmem:s26+$0x8090]  }
0x32: {  	v4 =	vld [tilespmem:s26+$0x8000]  }
0x33: {  	v7 =	vld [tilespmem:s26+$0x8010]  }
0x34: {  	v8 =	vld [tilespmem:s26+$0x8020]  }
0x35: {  	v10 =	vld [tilespmem:s26+$0x8030]  }
0x36: {  	v16 =	vld [tilespmem:s26+$0x80A0]  }
0x37: {  	v17 =	vld [tilespmem:s26+$0x80B0]  }
0x38: {  	v15 =	vimm.f32 $0.0e+00;
	v14 =	vld [tilespmem:s26+$0x8150]  }
0x39: {  	v25 =	vld [tilespmem:s26+$0x80C0];
	v4 =	vadd.f32 v4, v15  }
0x3a: {  	v26 =	vld [tilespmem:s26+$0x80D0];
	v7 =	vadd.f32 v7, v15;
	v8 =	vadd.f32 v8, v15  }
0x3b: {  	v27 =	vld [tilespmem:s26+$0x8040];
	v10 =	vadd.f32 v10, v15;
	v30 =	vadd.f32 v0, v4  }
0x3c: {  	v18 =	vimm.f32 $0.0e+00;
	v28 =	vld [tilespmem:s26+$0x8050];
	v31 =	vadd.f32 v1, v7;
	v32 =	vadd.f32 v16, v8  }
0x3d: {  	s28 =	simm.s32 $0x800;
	v29 =	vld [tilespmem:s26+$0x8060];
	v33 =	vadd.f32 v17, v10;
	v16 =	vimm.f32 $0.0e+00;
	v17 =	vimm.f32 $0.0e+00  }
.LBB2_3:
0x3e: {  	p0 =	sne.s32 s28, $0xC000;
	v0 =	vld [tilespmem:s26+$0x8070];
	v1 =	vadd.f32 v22, v30;
	v4 =	vadd.f32 v24, v31  }
0x3f: {  	v7 =	vld [tilespmem:s26+$0x80E0];
	v6 =	vadd.f32 v6, v32;
	v8 =	vadd.f32 v23, v33  }
0x40: {  	v10 =	vld [tilespmem:s26+$0x80F0];
	v1 =	vadd.f32 v9, v1;
	v4 =	vadd.f32 v11, v4  }
0x41: {  	v19 =	vld [tilespmem:s26+$0x8160];
	v20 =	vadd.f32 v12, v6;
	v8 =	vadd.f32 v13, v8  }
0x42: {  	v6 =	vadd.f32 v27, v15;
	v9 =	vadd.f32 v28, v18;
	v13 =	vld [tilespmem:s26+$0x8170]  }
0x43: {  	v11 =	vadd.f32 v29, v16;
	v0 =	vadd.f32 v0, v17;
	v16 =	vld [tilespmem:s26+$0x81E0]  }
0x44: {  	v6 =	vadd.f32 v25, v6;
	v12 =	vadd.f32 v26, v9;
	v17 =	vld [tilespmem:s26+$0x81F0];
	s26 =	sshra.s32 s28, $0x2  }
0x45: {  	v7 =	vadd.f32 v7, v11;
	v9 =	vld [tilespmem:s26+$0x8180];
	v0 =	vadd.f32 v10, v0  }
0x46: {  	v5 =	vadd.f32 v5, v6;
	v6 =	vadd.f32 v14, v12;
	v11 =	vld [tilespmem:s26+$0x8190]  }
0x47: {  	v7 =	vadd.f32 v19, v7;
	v12 =	vld [tilespmem:s26+$0x81A0];
	v0 =	vadd.f32 v13, v0  }
0x48: {  	v15 =	vadd.f32 v2, v5;
	v18 =	vadd.f32 v3, v6;
	v13 =	vld [tilespmem:s26+$0x81B0]  }
0x49: {  	v16 =	vadd.f32 v16, v7;
	v2 =	vld [tilespmem:s26+$0x81C0];
	v17 =	vadd.f32 v17, v0  }
0x4a: {  	v3 =	vld [tilespmem:s26+$0x81D0]  }
0x4b: {  	v22 =	vld [tilespmem:s26+$0x8100]  }
0x4c: {  	v24 =	vld [tilespmem:s26+$0x8110]  }
0x4d: {  	v6 =	vld [tilespmem:s26+$0x8120]  }
0x4e: {  	v23 =	vld [tilespmem:s26+$0x8130]  }
0x4f: {  	v5 =	vld [tilespmem:s26+$0x8140]  }
0x50: {  	v14 =	vld [tilespmem:s26+$0x8150]  }
0x51: {  	v0 =	vld [tilespmem:s26+$0x8080]  }
0x52: {  	v7 =	vld [tilespmem:s26+$0x8090]  }
0x53: {  	v10 =	vld [tilespmem:s26+$0x8000]  }
0x54: {  	v19 =	vld [tilespmem:s26+$0x8010]  }
0x55: {  	v21 =	vld [tilespmem:s26+$0x8020]  }
0x56: {  	v27 =	vld [tilespmem:s26+$0x8030]  }
0x57: {  	v32 =	vld [tilespmem:s26+$0x80A0]  }
0x58: {  	v33 =	vld [tilespmem:s26+$0x80B0]  }
.Ltmp0:
0x59: {  	v25 =	vld [tilespmem:s26+$0x80C0];
	(pc) =	sbr.rel @p0 .LBB2_3-.Ltmp0, $4  }
0x5a: {  	v1 =	vadd.f32 v10, v1;
	v4 =	vadd.f32 v19, v4;
	v26 =	vld [tilespmem:s26+$0x80D0]  }
0x5b: {  	v10 =	vadd.f32 v21, v20;
	v8 =	vadd.f32 v27, v8;
	v27 =	vld [tilespmem:s26+$0x8040]  }
0x5c: {  	v30 =	vadd.f32 v0, v1;
	v31 =	vadd.f32 v7, v4;
	v28 =	vld [tilespmem:s26+$0x8050]  }
0x5d: {  	s28 =	sadd.s32 $0x800, s28;
	v32 =	vadd.f32 v32, v10;
	v29 =	vld [tilespmem:s26+$0x8060];
	v33 =	vadd.f32 v33, v8  }
0x5e: {  	v34 =	vld [tilespmem:s26+$0x8070]  }
0x5f: {  	v35 =	vld [tilespmem:s26+$0x80E0]  }
0x60: {  	v36 =	vld [tilespmem:s26+$0x80F0]  }
0x61: {  	v37 =	vld [tilespmem:s26+$0x8160]  }
0x62: {  	v38 =	vld [tilespmem:s26+$0x8170]  }
0x63: {  	v39 =	vld [tilespmem:s26+$0x81E0]  }
0x64: {  	v40 =	vld [tilespmem:s26+$0x81F0];
	s26 =	simm.s32 $0x0  }
0x65: {  	v4 =	vld [tilespmem:s26+$0xB580]  }
0x66: {  	v7 =	vld [tilespmem:s26+$0xB590]  }
0x67: {  	v8 =	vld [tilespmem:s26+$0xB5A0]  }
0x68: {  	v10 =	vld [tilespmem:s26+$0xB5B0]  }
0x69: {  	v0 =	vld [tilespmem:s26+$0xB5C0]  }
0x6a: {  	v1 =	vld [tilespmem:s26+$0xB5D0]  }
0x6b: {  	v20 =	vld [tilespmem:s26+$0xB500]  }
0x6c: {  	v21 =	vld [tilespmem:s26+$0xB510]  }
0x6d: {  	v19 =	vld [tilespmem:s26+$0xB520]  }
0x6e: {  	v30 =	vadd.f32 v22, v30;
	v24 =	vadd.f32 v24, v31;
	v22 =	vld [tilespmem:s26+$0xB530]  }
0x6f: {  	v61 =	vadd.f32 v6, v32;
	v23 =	vadd.f32 v23, v33;
	v6 =	vld [tilespmem:s26+$0xB540]  }
0x70: {  	v62 =	vld [tilespmem:s26+$0xB480];
	v30 =	vadd.f32 v9, v30;
	v24 =	vadd.f32 v11, v24  }
0x71: {  	v9 =	vld [tilespmem:s26+$0xB550];
	v11 =	vadd.f32 v27, v15;
	v31 =	vadd.f32 v12, v61  }
0x72: {  	v27 =	vld [tilespmem:s26+$0xB4B0];
	v23 =	vadd.f32 v13, v23;
	v12 =	vadd.f32 v28, v18  }
0x73: {  	v13 =	vadd.f32 v29, v16;
	v16 =	vld [tilespmem:s26+$0xB400];
	v11 =	vadd.f32 v25, v11  }
0x74: {  	v25 =	vld [tilespmem:s26+$0xB420];
	v15 =	vadd.f32 v34, v17;
	v12 =	vadd.f32 v26, v12  }
0x75: {  	v17 =	vld [tilespmem:s26+$0xB410];
	v13 =	vadd.f32 v35, v13;
	v5 =	vadd.f32 v5, v11  }
0x76: {  	v15 =	vadd.f32 v36, v15;
	v12 =	vadd.f32 v14, v12;
	v14 =	vld [tilespmem:s26+$0xB430]  }
0x77: {  	v18 =	vld [tilespmem:s26+$0xB490];
	v13 =	vadd.f32 v37, v13;
	v11 =	vadd.f32 v2, v5  }
0x78: {  	v26 =	vld [tilespmem:s26+$0xB4A0];
	v15 =	vadd.f32 v38, v15;
	v5 =	vadd.f32 v3, v12  }
0x79: {  	v12 =	vld [tilespmem:s26+$0xB4C0];
	v16 =	vadd.f32 v16, v30;
	v25 =	vadd.f32 v25, v31  }
0x7a: {  	v3 =	vadd.f32 v39, v13;
	v24 =	vadd.f32 v17, v24;
	v13 =	vld [tilespmem:s26+$0xB4D0]  }
0x7b: {  	v2 =	vadd.f32 v40, v15;
	v15 =	vld [tilespmem:s26+$0xB450];
	v63 =	vadd.f32 v14, v23  }
0x7c: {  	v17 =	vadd.f32 v62, v16;
	v16 =	vld [tilespmem:s26+$0xB460];
	v18 =	vadd.f32 v18, v24  }
0x7d: {  	s28 =	simm.s32 $0x800;
	v14 =	vld [tilespmem:s26+$0xB440];
	v23 =	vadd.f32 v26, v25;
	v24 =	vadd.f32 v27, v63  }
.LBB2_5:
0x7e: {  	p0 =	sne.s32 s28, $0xC000;
	v25 =	vld [tilespmem:s26+$0xB470];
	v17 =	vadd.f32 v20, v17;
	v18 =	vadd.f32 v21, v18  }
0x7f: {  	v20 =	vld [tilespmem:s26+$0xB4E0];
	v19 =	vadd.f32 v19, v23;
	v21 =	vadd.f32 v22, v24  }
0x80: {  	v22 =	vld [tilespmem:s26+$0xB4F0];
	v17 =	vadd.f32 v4, v17;
	v18 =	vadd.f32 v7, v18  }
0x81: {  	v23 =	vld [tilespmem:s26+$0xB560];
	v24 =	vadd.f32 v8, v19;
	v26 =	vadd.f32 v10, v21  }
0x82: {  	v4 =	vadd.f32 v14, v11;
	v5 =	vadd.f32 v15, v5;
	v10 =	vld [tilespmem:s26+$0xB570]  }
0x83: {  	v3 =	vadd.f32 v16, v3;
	v2 =	vadd.f32 v25, v2;
	v14 =	vld [tilespmem:s26+$0xB5E0]  }
0x84: {  	v8 =	vadd.f32 v12, v4;
	v5 =	vadd.f32 v13, v5;
	v12 =	vld [tilespmem:s26+$0xB5F0];
	s26 =	sshra.s32 s28, $0x2  }
0x85: {  	v3 =	vadd.f32 v20, v3;
	v4 =	vld [tilespmem:s26+$0xB580];
	v2 =	vadd.f32 v22, v2  }
0x86: {  	v6 =	vadd.f32 v6, v8;
	v5 =	vadd.f32 v9, v5;
	v7 =	vld [tilespmem:s26+$0xB590]  }
0x87: {  	v3 =	vadd.f32 v23, v3;
	v8 =	vld [tilespmem:s26+$0xB5A0];
	v2 =	vadd.f32 v10, v2  }
0x88: {  	v11 =	vadd.f32 v0, v6;
	v5 =	vadd.f32 v1, v5;
	v10 =	vld [tilespmem:s26+$0xB5B0]  }
0x89: {  	v3 =	vadd.f32 v14, v3;
	v0 =	vld [tilespmem:s26+$0xB5C0];
	v2 =	vadd.f32 v12, v2  }
0x8a: {  	v1 =	vld [tilespmem:s26+$0xB5D0]  }
0x8b: {  	v20 =	vld [tilespmem:s26+$0xB500]  }
0x8c: {  	v21 =	vld [tilespmem:s26+$0xB510]  }
0x8d: {  	v19 =	vld [tilespmem:s26+$0xB520]  }
0x8e: {  	v22 =	vld [tilespmem:s26+$0xB530]  }
0x8f: {  	v6 =	vld [tilespmem:s26+$0xB540]  }
0x90: {  	v9 =	vld [tilespmem:s26+$0xB550]  }
0x91: {  	v16 =	vld [tilespmem:s26+$0xB480]  }
0x92: {  	v23 =	vld [tilespmem:s26+$0xB490]  }
0x93: {  	v13 =	vld [tilespmem:s26+$0xB400]  }
0x94: {  	v14 =	vld [tilespmem:s26+$0xB410]  }
0x95: {  	v15 =	vld [tilespmem:s26+$0xB420]  }
0x96: {  	v25 =	vld [tilespmem:s26+$0xB430]  }
0x97: {  	v27 =	vld [tilespmem:s26+$0xB4A0]  }
0x98: {  	v28 =	vld [tilespmem:s26+$0xB4B0]  }
.Ltmp1:
0x99: {  	v12 =	vld [tilespmem:s26+$0xB4C0];
	(pc) =	sbr.rel @p0 .LBB2_5-.Ltmp1, $4  }
0x9a: {  	v17 =	vadd.f32 v13, v17;
	v18 =	vadd.f32 v14, v18;
	v13 =	vld [tilespmem:s26+$0xB4D0]  }
0x9b: {  	v24 =	vadd.f32 v15, v24;
	v25 =	vadd.f32 v25, v26;
	v14 =	vld [tilespmem:s26+$0xB440]  }
0x9c: {  	v17 =	vadd.f32 v16, v17;
	v18 =	vadd.f32 v23, v18;
	v15 =	vld [tilespmem:s26+$0xB450]  }
0x9d: {  	s28 =	sadd.s32 $0x800, s28;
	v23 =	vadd.f32 v27, v24;
	v16 =	vld [tilespmem:s26+$0xB460];
	v24 =	vadd.f32 v28, v25  }
0x9e: {  	v25 =	vld [tilespmem:s26+$0xB470];
	v17 =	vadd.f32 v20, v17;
	v18 =	vadd.f32 v21, v18  }
0x9f: {  	v20 =	vld [tilespmem:s26+$0xB4E0];
	v19 =	vadd.f32 v19, v23;
	v21 =	vadd.f32 v22, v24  }
0xa0: {  	v22 =	vld [tilespmem:s26+$0xB4F0];
	v4 =	vadd.f32 v4, v17;
	v7 =	vadd.f32 v7, v18  }
0xa1: {  	v17 =	vld [tilespmem:s26+$0xB560];
	v11 =	vadd.f32 v14, v11;
	v8 =	vadd.f32 v8, v19  }
0xa2: {  	s28 =	smul.u32 $0x600, s25;
	v14 =	vld [tilespmem:s26+$0xB570];
	v10 =	vadd.f32 v10, v21;
	v5 =	vadd.f32 v15, v5  }
0xa3: {  	v15 =	vld [tilespmem:s26+$0xB5E0];
	v3 =	vadd.f32 v16, v3;
	v11 =	vadd.f32 v12, v11  }
0xa4: {  	v12 =	vld [tilespmem:s26+$0xB5F0];
	s26 =	sshra.s32 s28, $0x2;
	v2 =	vadd.f32 v25, v2;
	v5 =	vadd.f32 v13, v5  }
0xa5: {  	[tilespmem:s26+$0x1B800] =	vst v4;
	v3 =	vadd.f32 v20, v3;
	v6 =	vadd.f32 v6, v11  }
0xa6: {  	[tilespmem:s26+$0x1B810] =	vst v7;
	v2 =	vadd.f32 v22, v2;
	v4 =	vadd.f32 v9, v5  }
0xa7: {  	[tilespmem:s26+$0x1B820] =	vst v8;
	v3 =	vadd.f32 v17, v3;
	v0 =	vadd.f32 v0, v6  }
0xa8: {  	[tilespmem:s26+$0x1B830] =	vst v10;
	v2 =	vadd.f32 v14, v2;
	v1 =	vadd.f32 v1, v4  }
0xa9: {  	s28 =	smul.u32 $0xC00, s25;
	v3 =	vadd.f32 v15, v3;
	[tilespmem:s26+$0x1B840] =	vst v0  }
0xaa: {  	v0 =	vadd.f32 v12, v2;
	[tilespmem:s26+$0x1B850] =	vst v1  }
0xab: {  	s28 =	sshra.s32 s28, $0x2;
	[tilespmem:s26+$0x1B860] =	vst v3  }
0xac: {  	s29 =	sadd.s32 $0x300, s28;
	[tilespmem:s26+$0x1B870] =	vst v0  }
0xad: {  	[tilespmem:s9], [sflag:$0x1] =	stream.indirect.gather [hbm4b:s2+s8], $0x80, s29, s8, $0xb8;
	[tilespmem:$0x1F800] =	vst v63  }
0xae: {  	s29 =	sadd.s32 $0x380, s28  }
0xaf: {  	[tilespmem:s11], [sflag:$0x1] =	stream.indirect.gather [hbm4b:s2+s8], $0x80, s29, s8, $0xb8;
	[tilespmem:$0x1F800] =	vst v63  }
0xb0: {  	_ =	swait.ge [sflag:s21], $0x3200  }
0xb1: {  	[sflag:s21] =	ssyncset.done $0x0  }
0xb2: {  	[sflag:s21] =	ssyncadd.s32 $0xFFFFCE00  }
0xb3: {  	_ =	swait.ge [sflag:s21], $0x3200  }
0xb4: {  	[sflag:s21] =	ssyncset.done $0x0  }
0xb5: {  	s29 =	simm.s32 $0x0;
	[sflag:s21] =	ssyncadd.s32 $0xFFFFCE00  }
0xb6: {  	v8 =	vld [tilespmem:s29+$0xE980]  }
0xb7: {  	v11 =	vld [tilespmem:s29+$0xE990]  }
0xb8: {  	v12 =	vld [tilespmem:s29+$0xE9A0]  }
0xb9: {  	v13 =	vld [tilespmem:s29+$0xE9B0]  }
0xba: {  	v1 =	vld [tilespmem:s29+$0xE9C0]  }
0xbb: {  	v3 =	vld [tilespmem:s29+$0xE9D0]  }
0xbc: {  	v22 =	vld [tilespmem:s29+$0xE900]  }
0xbd: {  	v24 =	vld [tilespmem:s29+$0xE910]  }
0xbe: {  	v9 =	vld [tilespmem:s29+$0xE920]  }
0xbf: {  	v23 =	vld [tilespmem:s29+$0xE930]  }
0xc0: {  	v5 =	vld [tilespmem:s29+$0xE940]  }
0xc1: {  	v0 =	vld [tilespmem:s29+$0xE880]  }
0xc2: {  	v2 =	vld [tilespmem:s29+$0xE890]  }
0xc3: {  	v4 =	vld [tilespmem:s29+$0xE800]  }
0xc4: {  	v6 =	vld [tilespmem:s29+$0xE810]  }
0xc5: {  	v7 =	vld [tilespmem:s29+$0xE820]  }
0xc6: {  	v10 =	vld [tilespmem:s29+$0xE830]  }
0xc7: {  	v16 =	vld [tilespmem:s29+$0xE8A0]  }
0xc8: {  	v17 =	vld [tilespmem:s29+$0xE8B0]  }
0xc9: {  	v15 =	vimm.f32 $0.0e+00;
	v14 =	vld [tilespmem:s29+$0xE950]  }
0xca: {  	v25 =	vld [tilespmem:s29+$0xE8C0];
	v4 =	vadd.f32 v4, v15  }
0xcb: {  	v26 =	vld [tilespmem:s29+$0xE8D0];
	v6 =	vadd.f32 v6, v15;
	v7 =	vadd.f32 v7, v15  }
0xcc: {  	v27 =	vld [tilespmem:s29+$0xE840];
	v10 =	vadd.f32 v10, v15;
	v30 =	vadd.f32 v0, v4  }
0xcd: {  	v18 =	vimm.f32 $0.0e+00;
	v28 =	vld [tilespmem:s29+$0xE850];
	v31 =	vadd.f32 v2, v6;
	v32 =	vadd.f32 v16, v7  }
0xce: {  	s30 =	simm.s32 $0x800;
	v29 =	vld [tilespmem:s29+$0xE860];
	v33 =	vadd.f32 v17, v10;
	v16 =	vimm.f32 $0.0e+00;
	v17 =	vimm.f32 $0.0e+00  }
.LBB2_7:
0xcf: {  	p0 =	sne.s32 s30, $0xC000;
	v0 =	vld [tilespmem:s29+$0xE870];
	v2 =	vadd.f32 v22, v30;
	v4 =	vadd.f32 v24, v31  }
0xd0: {  	v6 =	vld [tilespmem:s29+$0xE8E0];
	v7 =	vadd.f32 v9, v32;
	v9 =	vadd.f32 v23, v33  }
0xd1: {  	v10 =	vld [tilespmem:s29+$0xE8F0];
	v2 =	vadd.f32 v8, v2;
	v4 =	vadd.f32 v11, v4  }
0xd2: {  	v19 =	vld [tilespmem:s29+$0xE960];
	v7 =	vadd.f32 v12, v7;
	v20 =	vadd.f32 v13, v9  }
0xd3: {  	v8 =	vadd.f32 v27, v15;
	v9 =	vadd.f32 v28, v18;
	v13 =	vld [tilespmem:s29+$0xE970]  }
0xd4: {  	v11 =	vadd.f32 v29, v16;
	v0 =	vadd.f32 v0, v17;
	v16 =	vld [tilespmem:s29+$0xE9E0]  }
0xd5: {  	v12 =	vadd.f32 v25, v8;
	v9 =	vadd.f32 v26, v9;
	v17 =	vld [tilespmem:s29+$0xE9F0];
	s29 =	sshra.s32 s30, $0x2  }
0xd6: {  	v6 =	vadd.f32 v6, v11;
	v8 =	vld [tilespmem:s29+$0xE980];
	v0 =	vadd.f32 v10, v0  }
0xd7: {  	v5 =	vadd.f32 v5, v12;
	v9 =	vadd.f32 v14, v9;
	v11 =	vld [tilespmem:s29+$0xE990]  }
0xd8: {  	v6 =	vadd.f32 v19, v6;
	v12 =	vld [tilespmem:s29+$0xE9A0];
	v0 =	vadd.f32 v13, v0  }
0xd9: {  	v15 =	vadd.f32 v1, v5;
	v18 =	vadd.f32 v3, v9;
	v13 =	vld [tilespmem:s29+$0xE9B0]  }
0xda: {  	v16 =	vadd.f32 v16, v6;
	v1 =	vld [tilespmem:s29+$0xE9C0];
	v17 =	vadd.f32 v17, v0  }
0xdb: {  	v3 =	vld [tilespmem:s29+$0xE9D0]  }
0xdc: {  	v22 =	vld [tilespmem:s29+$0xE900]  }
0xdd: {  	v24 =	vld [tilespmem:s29+$0xE910]  }
0xde: {  	v9 =	vld [tilespmem:s29+$0xE920]  }
0xdf: {  	v23 =	vld [tilespmem:s29+$0xE930]  }
0xe0: {  	v5 =	vld [tilespmem:s29+$0xE940]  }
0xe1: {  	v14 =	vld [tilespmem:s29+$0xE950]  }
0xe2: {  	v0 =	vld [tilespmem:s29+$0xE880]  }
0xe3: {  	v6 =	vld [tilespmem:s29+$0xE890]  }
0xe4: {  	v10 =	vld [tilespmem:s29+$0xE800]  }
0xe5: {  	v19 =	vld [tilespmem:s29+$0xE810]  }
0xe6: {  	v21 =	vld [tilespmem:s29+$0xE820]  }
0xe7: {  	v27 =	vld [tilespmem:s29+$0xE830]  }
0xe8: {  	v32 =	vld [tilespmem:s29+$0xE8A0]  }
0xe9: {  	v33 =	vld [tilespmem:s29+$0xE8B0]  }
.Ltmp2:
0xea: {  	v25 =	vld [tilespmem:s29+$0xE8C0];
	(pc) =	sbr.rel @p0 .LBB2_7-.Ltmp2, $4  }
0xeb: {  	v2 =	vadd.f32 v10, v2;
	v4 =	vadd.f32 v19, v4;
	v26 =	vld [tilespmem:s29+$0xE8D0]  }
0xec: {  	v7 =	vadd.f32 v21, v7;
	v10 =	vadd.f32 v27, v20;
	v27 =	vld [tilespmem:s29+$0xE840]  }
0xed: {  	v30 =	vadd.f32 v0, v2;
	v31 =	vadd.f32 v6, v4;
	v28 =	vld [tilespmem:s29+$0xE850]  }
0xee: {  	s30 =	sadd.s32 $0x800, s30;
	v32 =	vadd.f32 v32, v7;
	v29 =	vld [tilespmem:s29+$0xE860];
	v33 =	vadd.f32 v33, v10  }
0xef: {  	v34 =	vld [tilespmem:s29+$0xE870]  }
0xf0: {  	v35 =	vld [tilespmem:s29+$0xE8E0]  }
0xf1: {  	v36 =	vld [tilespmem:s29+$0xE8F0]  }
0xf2: {  	v37 =	vld [tilespmem:s29+$0xE960]  }
0xf3: {  	v38 =	vld [tilespmem:s29+$0xE970]  }
0xf4: {  	v39 =	vld [tilespmem:s29+$0xE9E0]  }
0xf5: {  	v40 =	vld [tilespmem:s29+$0xE9F0];
	s29 =	simm.s32 $0x0  }
0xf6: {  	v4 =	vld [tilespmem:s29+$0x11D80]  }
0xf7: {  	v6 =	vld [tilespmem:s29+$0x11D90]  }
0xf8: {  	v7 =	vld [tilespmem:s29+$0x11DA0]  }
0xf9: {  	v10 =	vld [tilespmem:s29+$0x11DB0]  }
0xfa: {  	v0 =	vld [tilespmem:s29+$0x11DC0]  }
0xfb: {  	v2 =	vld [tilespmem:s29+$0x11DD0]  }
0xfc: {  	v20 =	vld [tilespmem:s29+$0x11D00]  }
0xfd: {  	v21 =	vld [tilespmem:s29+$0x11D10]  }
0xfe: {  	v19 =	vld [tilespmem:s29+$0x11D20]  }
0xff: {  	v30 =	vadd.f32 v22, v30;
	v24 =	vadd.f32 v24, v31;
	v22 =	vld [tilespmem:s29+$0x11D30]  }
0x100: {  	v61 =	vadd.f32 v9, v32;
	v23 =	vadd.f32 v23, v33;
	v9 =	vld [tilespmem:s29+$0x11D40]  }
0x101: {  	v62 =	vld [tilespmem:s29+$0x11C80];
	v30 =	vadd.f32 v8, v30;
	v24 =	vadd.f32 v11, v24  }
0x102: {  	v8 =	vld [tilespmem:s29+$0x11D50];
	v11 =	vadd.f32 v27, v15;
	v31 =	vadd.f32 v12, v61  }
0x103: {  	v27 =	vld [tilespmem:s29+$0x11CB0];
	v23 =	vadd.f32 v13, v23;
	v12 =	vadd.f32 v28, v18  }
0x104: {  	v13 =	vadd.f32 v29, v16;
	v16 =	vld [tilespmem:s29+$0x11C00];
	v11 =	vadd.f32 v25, v11  }
0x105: {  	v25 =	vld [tilespmem:s29+$0x11C20];
	v15 =	vadd.f32 v34, v17;
	v12 =	vadd.f32 v26, v12  }
0x106: {  	v17 =	vld [tilespmem:s29+$0x11C10];
	v13 =	vadd.f32 v35, v13;
	v5 =	vadd.f32 v5, v11  }
0x107: {  	v15 =	vadd.f32 v36, v15;
	v12 =	vadd.f32 v14, v12;
	v14 =	vld [tilespmem:s29+$0x11C30]  }
0x108: {  	v18 =	vld [tilespmem:s29+$0x11C90];
	v13 =	vadd.f32 v37, v13;
	v11 =	vadd.f32 v1, v5  }
0x109: {  	v26 =	vld [tilespmem:s29+$0x11CA0];
	v15 =	vadd.f32 v38, v15;
	v3 =	vadd.f32 v3, v12  }
0x10a: {  	v12 =	vld [tilespmem:s29+$0x11CC0];
	v16 =	vadd.f32 v16, v30;
	v25 =	vadd.f32 v25, v31  }
0x10b: {  	v5 =	vadd.f32 v39, v13;
	v24 =	vadd.f32 v17, v24;
	v13 =	vld [tilespmem:s29+$0x11CD0]  }
0x10c: {  	v1 =	vadd.f32 v40, v15;
	v15 =	vld [tilespmem:s29+$0x11C50];
	v63 =	vadd.f32 v14, v23  }
0x10d: {  	v17 =	vadd.f32 v62, v16;
	v16 =	vld [tilespmem:s29+$0x11C60];
	v18 =	vadd.f32 v18, v24  }
0x10e: {  	s30 =	simm.s32 $0x800;
	v14 =	vld [tilespmem:s29+$0x11C40];
	v23 =	vadd.f32 v26, v25;
	v24 =	vadd.f32 v27, v63  }
.LBB2_9:
0x10f: {  	p0 =	sne.s32 s30, $0xC000;
	v25 =	vld [tilespmem:s29+$0x11C70];
	v17 =	vadd.f32 v20, v17;
	v18 =	vadd.f32 v21, v18  }
0x110: {  	v20 =	vld [tilespmem:s29+$0x11CE0];
	v19 =	vadd.f32 v19, v23;
	v21 =	vadd.f32 v22, v24  }
0x111: {  	v22 =	vld [tilespmem:s29+$0x11CF0];
	v17 =	vadd.f32 v4, v17;
	v18 =	vadd.f32 v6, v18  }
0x112: {  	v23 =	vld [tilespmem:s29+$0x11D60];
	v24 =	vadd.f32 v7, v19;
	v26 =	vadd.f32 v10, v21  }
0x113: {  	v4 =	vadd.f32 v14, v11;
	v3 =	vadd.f32 v15, v3;
	v10 =	vld [tilespmem:s29+$0x11D70]  }
0x114: {  	v5 =	vadd.f32 v16, v5;
	v1 =	vadd.f32 v25, v1;
	v14 =	vld [tilespmem:s29+$0x11DE0]  }
0x115: {  	v7 =	vadd.f32 v12, v4;
	v3 =	vadd.f32 v13, v3;
	v12 =	vld [tilespmem:s29+$0x11DF0];
	s29 =	sshra.s32 s30, $0x2  }
0x116: {  	v5 =	vadd.f32 v20, v5;
	v4 =	vld [tilespmem:s29+$0x11D80];
	v1 =	vadd.f32 v22, v1  }
0x117: {  	v9 =	vadd.f32 v9, v7;
	v3 =	vadd.f32 v8, v3;
	v6 =	vld [tilespmem:s29+$0x11D90]  }
0x118: {  	v5 =	vadd.f32 v23, v5;
	v7 =	vld [tilespmem:s29+$0x11DA0];
	v1 =	vadd.f32 v10, v1  }
0x119: {  	v11 =	vadd.f32 v0, v9;
	v3 =	vadd.f32 v2, v3;
	v10 =	vld [tilespmem:s29+$0x11DB0]  }
0x11a: {  	v5 =	vadd.f32 v14, v5;
	v0 =	vld [tilespmem:s29+$0x11DC0];
	v1 =	vadd.f32 v12, v1  }
0x11b: {  	v2 =	vld [tilespmem:s29+$0x11DD0]  }
0x11c: {  	v20 =	vld [tilespmem:s29+$0x11D00]  }
0x11d: {  	v21 =	vld [tilespmem:s29+$0x11D10]  }
0x11e: {  	v19 =	vld [tilespmem:s29+$0x11D20]  }
0x11f: {  	v22 =	vld [tilespmem:s29+$0x11D30]  }
0x120: {  	v9 =	vld [tilespmem:s29+$0x11D40]  }
0x121: {  	v8 =	vld [tilespmem:s29+$0x11D50]  }
0x122: {  	v16 =	vld [tilespmem:s29+$0x11C80]  }
0x123: {  	v23 =	vld [tilespmem:s29+$0x11C90]  }
0x124: {  	v13 =	vld [tilespmem:s29+$0x11C00]  }
0x125: {  	v14 =	vld [tilespmem:s29+$0x11C10]  }
0x126: {  	v15 =	vld [tilespmem:s29+$0x11C20]  }
0x127: {  	v25 =	vld [tilespmem:s29+$0x11C30]  }
0x128: {  	v27 =	vld [tilespmem:s29+$0x11CA0]  }
0x129: {  	v28 =	vld [tilespmem:s29+$0x11CB0]  }
.Ltmp3:
0x12a: {  	v12 =	vld [tilespmem:s29+$0x11CC0];
	(pc) =	sbr.rel @p0 .LBB2_9-.Ltmp3, $4  }
0x12b: {  	v17 =	vadd.f32 v13, v17;
	v18 =	vadd.f32 v14, v18;
	v13 =	vld [tilespmem:s29+$0x11CD0]  }
0x12c: {  	v24 =	vadd.f32 v15, v24;
	v25 =	vadd.f32 v25, v26;
	v14 =	vld [tilespmem:s29+$0x11C40]  }
0x12d: {  	v17 =	vadd.f32 v16, v17;
	v18 =	vadd.f32 v23, v18;
	v15 =	vld [tilespmem:s29+$0x11C50]  }
0x12e: {  	s30 =	sadd.s32 $0x800, s30;
	v23 =	vadd.f32 v27, v24;
	v16 =	vld [tilespmem:s29+$0x11C60];
	v24 =	vadd.f32 v28, v25  }
0x12f: {  	v17 =	vadd.f32 v20, v17;
	v18 =	vadd.f32 v21, v18  }
0x130: {  	v25 =	vld [tilespmem:s29+$0x11C70];
	v19 =	vadd.f32 v19, v23;
	v21 =	vadd.f32 v22, v24  }
0x131: {  	v20 =	vld [tilespmem:s29+$0x11CE0];
	v4 =	vadd.f32 v4, v17;
	v6 =	vadd.f32 v6, v18  }
0x132: {  	v22 =	vld [tilespmem:s29+$0x11CF0];
	v11 =	vadd.f32 v14, v11;
	v7 =	vadd.f32 v7, v19  }
0x133: {  	v17 =	vld [tilespmem:s29+$0x11D60];
	v10 =	vadd.f32 v10, v21;
	v3 =	vadd.f32 v15, v3  }
0x134: {  	v14 =	vld [tilespmem:s29+$0x11D70];
	v5 =	vadd.f32 v16, v5;
	v11 =	vadd.f32 v12, v11  }
0x135: {  	v15 =	vld [tilespmem:s29+$0x11DE0];
	v1 =	vadd.f32 v25, v1;
	v3 =	vadd.f32 v13, v3  }
0x136: {  	v12 =	vld [tilespmem:s29+$0x11DF0];
	[tilespmem:s26+$0x1B880] =	vst v4;
	v5 =	vadd.f32 v20, v5;
	v9 =	vadd.f32 v9, v11  }
0x137: {  	[tilespmem:s26+$0x1B890] =	vst v6;
	v1 =	vadd.f32 v22, v1;
	v3 =	vadd.f32 v8, v3  }
0x138: {  	[tilespmem:s26+$0x1B8A0] =	vst v7;
	v4 =	vadd.f32 v17, v5;
	v0 =	vadd.f32 v0, v9  }
0x139: {  	[tilespmem:s26+$0x1B8B0] =	vst v10;
	v1 =	vadd.f32 v14, v1;
	v2 =	vadd.f32 v2, v3  }
0x13a: {  	v3 =	vadd.f32 v15, v4;
	[tilespmem:s26+$0x1B8C0] =	vst v0  }
0x13b: {  	v0 =	vadd.f32 v12, v1;
	[tilespmem:s26+$0x1B8D0] =	vst v2  }
0x13c: {  	[tilespmem:s26+$0x1B8E0] =	vst v3  }
0x13d: {  	s29 =	sadd.s32 $0x400, s28;
	[tilespmem:s26+$0x1B8F0] =	vst v0  }
0x13e: {  	[tilespmem:s13], [sflag:$0x2] =	stream.indirect.gather [hbm4b:s2+s8], $0x80, s29, s8, $0xb8;
	[tilespmem:$0x1F800] =	vst v63  }
0x13f: {  	s29 =	sadd.s32 $0x480, s28  }
0x140: {  	[tilespmem:s15], [sflag:$0x2] =	stream.indirect.gather [hbm4b:s2+s8], $0x80, s29, s8, $0xb8;
	[tilespmem:$0x1F800] =	vst v63  }
0x141: {  	_ =	swait.ge [sflag:s22], $0x3200  }
0x142: {  	[sflag:s22] =	ssyncset.done $0x0  }
0x143: {  	[sflag:s22] =	ssyncadd.s32 $0xFFFFCE00  }
0x144: {  	_ =	swait.ge [sflag:s22], $0x3200  }
0x145: {  	[sflag:s22] =	ssyncset.done $0x0  }
0x146: {  	s29 =	simm.s32 $0x0;
	[sflag:s22] =	ssyncadd.s32 $0xFFFFCE00  }
0x147: {  	v8 =	vld [tilespmem:s29+$0x15180]  }
0x148: {  	v11 =	vld [tilespmem:s29+$0x15190]  }
0x149: {  	v12 =	vld [tilespmem:s29+$0x151A0]  }
0x14a: {  	v13 =	vld [tilespmem:s29+$0x151B0]  }
0x14b: {  	v1 =	vld [tilespmem:s29+$0x151C0]  }
0x14c: {  	v3 =	vld [tilespmem:s29+$0x151D0]  }
0x14d: {  	v22 =	vld [tilespmem:s29+$0x15100]  }
0x14e: {  	v24 =	vld [tilespmem:s29+$0x15110]  }
0x14f: {  	v9 =	vld [tilespmem:s29+$0x15120]  }
0x150: {  	v23 =	vld [tilespmem:s29+$0x15130]  }
0x151: {  	v5 =	vld [tilespmem:s29+$0x15140]  }
0x152: {  	v0 =	vld [tilespmem:s29+$0x15080]  }
0x153: {  	v2 =	vld [tilespmem:s29+$0x15090]  }
0x154: {  	v4 =	vld [tilespmem:s29+$0x15000]  }
0x155: {  	v6 =	vld [tilespmem:s29+$0x15010]  }
0x156: {  	v7 =	vld [tilespmem:s29+$0x15020]  }
0x157: {  	v10 =	vld [tilespmem:s29+$0x15030]  }
0x158: {  	v16 =	vld [tilespmem:s29+$0x150A0]  }
0x159: {  	v17 =	vld [tilespmem:s29+$0x150B0]  }
0x15a: {  	v15 =	vimm.f32 $0.0e+00;
	v14 =	vld [tilespmem:s29+$0x15150]  }
0x15b: {  	v25 =	vld [tilespmem:s29+$0x150C0];
	v4 =	vadd.f32 v4, v15  }
0x15c: {  	v26 =	vld [tilespmem:s29+$0x150D0];
	v6 =	vadd.f32 v6, v15;
	v7 =	vadd.f32 v7, v15  }
0x15d: {  	v27 =	vld [tilespmem:s29+$0x15040];
	v10 =	vadd.f32 v10, v15;
	v30 =	vadd.f32 v0, v4  }
0x15e: {  	v18 =	vimm.f32 $0.0e+00;
	v28 =	vld [tilespmem:s29+$0x15050];
	v31 =	vadd.f32 v2, v6;
	v32 =	vadd.f32 v16, v7  }
0x15f: {  	s30 =	simm.s32 $0x800;
	v29 =	vld [tilespmem:s29+$0x15060];
	v33 =	vadd.f32 v17, v10;
	v16 =	vimm.f32 $0.0e+00;
	v17 =	vimm.f32 $0.0e+00  }
.LBB2_11:
0x160: {  	p0 =	sne.s32 s30, $0xC000;
	v0 =	vld [tilespmem:s29+$0x15070];
	v2 =	vadd.f32 v22, v30;
	v4 =	vadd.f32 v24, v31  }
0x161: {  	v6 =	vld [tilespmem:s29+$0x150E0];
	v7 =	vadd.f32 v9, v32;
	v9 =	vadd.f32 v23, v33  }
0x162: {  	v10 =	vld [tilespmem:s29+$0x150F0];
	v2 =	vadd.f32 v8, v2;
	v4 =	vadd.f32 v11, v4  }
0x163: {  	v19 =	vld [tilespmem:s29+$0x15160];
	v7 =	vadd.f32 v12, v7;
	v20 =	vadd.f32 v13, v9  }
0x164: {  	v8 =	vadd.f32 v27, v15;
	v9 =	vadd.f32 v28, v18;
	v13 =	vld [tilespmem:s29+$0x15170]  }
0x165: {  	v11 =	vadd.f32 v29, v16;
	v0 =	vadd.f32 v0, v17;
	v16 =	vld [tilespmem:s29+$0x151E0]  }
0x166: {  	v12 =	vadd.f32 v25, v8;
	v9 =	vadd.f32 v26, v9;
	v17 =	vld [tilespmem:s29+$0x151F0];
	s29 =	sshra.s32 s30, $0x2  }
0x167: {  	v6 =	vadd.f32 v6, v11;
	v8 =	vld [tilespmem:s29+$0x15180];
	v0 =	vadd.f32 v10, v0  }
0x168: {  	v5 =	vadd.f32 v5, v12;
	v9 =	vadd.f32 v14, v9;
	v11 =	vld [tilespmem:s29+$0x15190]  }
0x169: {  	v6 =	vadd.f32 v19, v6;
	v12 =	vld [tilespmem:s29+$0x151A0];
	v0 =	vadd.f32 v13, v0  }
0x16a: {  	v15 =	vadd.f32 v1, v5;
	v18 =	vadd.f32 v3, v9;
	v13 =	vld [tilespmem:s29+$0x151B0]  }
0x16b: {  	v16 =	vadd.f32 v16, v6;
	v1 =	vld [tilespmem:s29+$0x151C0];
	v17 =	vadd.f32 v17, v0  }
0x16c: {  	v3 =	vld [tilespmem:s29+$0x151D0]  }
0x16d: {  	v22 =	vld [tilespmem:s29+$0x15100]  }
0x16e: {  	v24 =	vld [tilespmem:s29+$0x15110]  }
0x16f: {  	v9 =	vld [tilespmem:s29+$0x15120]  }
0x170: {  	v23 =	vld [tilespmem:s29+$0x15130]  }
0x171: {  	v5 =	vld [tilespmem:s29+$0x15140]  }
0x172: {  	v14 =	vld [tilespmem:s29+$0x15150]  }
0x173: {  	v0 =	vld [tilespmem:s29+$0x15080]  }
0x174: {  	v6 =	vld [tilespmem:s29+$0x15090]  }
0x175: {  	v10 =	vld [tilespmem:s29+$0x15000]  }
0x176: {  	v19 =	vld [tilespmem:s29+$0x15010]  }
0x177: {  	v21 =	vld [tilespmem:s29+$0x15020]  }
0x178: {  	v27 =	vld [tilespmem:s29+$0x15030]  }
0x179: {  	v32 =	vld [tilespmem:s29+$0x150A0]  }
0x17a: {  	v33 =	vld [tilespmem:s29+$0x150B0]  }
.Ltmp4:
0x17b: {  	v25 =	vld [tilespmem:s29+$0x150C0];
	(pc) =	sbr.rel @p0 .LBB2_11-.Ltmp4, $4  }
0x17c: {  	v2 =	vadd.f32 v10, v2;
	v4 =	vadd.f32 v19, v4;
	v26 =	vld [tilespmem:s29+$0x150D0]  }
0x17d: {  	v7 =	vadd.f32 v21, v7;
	v10 =	vadd.f32 v27, v20;
	v27 =	vld [tilespmem:s29+$0x15040]  }
0x17e: {  	v30 =	vadd.f32 v0, v2;
	v31 =	vadd.f32 v6, v4;
	v28 =	vld [tilespmem:s29+$0x15050]  }
0x17f: {  	s30 =	sadd.s32 $0x800, s30;
	v32 =	vadd.f32 v32, v7;
	v29 =	vld [tilespmem:s29+$0x15060];
	v33 =	vadd.f32 v33, v10  }
0x180: {  	v34 =	vld [tilespmem:s29+$0x15070]  }
0x181: {  	v35 =	vld [tilespmem:s29+$0x150E0]  }
0x182: {  	v36 =	vld [tilespmem:s29+$0x150F0]  }
0x183: {  	v37 =	vld [tilespmem:s29+$0x15160]  }
0x184: {  	v38 =	vld [tilespmem:s29+$0x15170]  }
0x185: {  	v39 =	vld [tilespmem:s29+$0x151E0]  }
0x186: {  	v40 =	vld [tilespmem:s29+$0x151F0];
	s29 =	simm.s32 $0x0  }
0x187: {  	v4 =	vld [tilespmem:s29+$0x18580]  }
0x188: {  	v6 =	vld [tilespmem:s29+$0x18590]  }
0x189: {  	v7 =	vld [tilespmem:s29+$0x185A0]  }
0x18a: {  	v10 =	vld [tilespmem:s29+$0x185B0]  }
0x18b: {  	v0 =	vld [tilespmem:s29+$0x185C0]  }
0x18c: {  	v2 =	vld [tilespmem:s29+$0x185D0]  }
0x18d: {  	v20 =	vld [tilespmem:s29+$0x18500]  }
0x18e: {  	v21 =	vld [tilespmem:s29+$0x18510]  }
0x18f: {  	v19 =	vld [tilespmem:s29+$0x18520]  }
0x190: {  	v30 =	vadd.f32 v22, v30;
	v24 =	vadd.f32 v24, v31;
	v22 =	vld [tilespmem:s29+$0x18530]  }
0x191: {  	v61 =	vadd.f32 v9, v32;
	v23 =	vadd.f32 v23, v33;
	v9 =	vld [tilespmem:s29+$0x18540]  }
0x192: {  	v62 =	vld [tilespmem:s29+$0x18480];
	v30 =	vadd.f32 v8, v30;
	v24 =	vadd.f32 v11, v24  }
0x193: {  	v8 =	vld [tilespmem:s29+$0x18550];
	v11 =	vadd.f32 v27, v15;
	v31 =	vadd.f32 v12, v61  }
0x194: {  	v27 =	vld [tilespmem:s29+$0x184B0];
	v23 =	vadd.f32 v13, v23;
	v12 =	vadd.f32 v28, v18  }
0x195: {  	v13 =	vadd.f32 v29, v16;
	v16 =	vld [tilespmem:s29+$0x18400];
	v11 =	vadd.f32 v25, v11  }
0x196: {  	v25 =	vld [tilespmem:s29+$0x18420];
	v15 =	vadd.f32 v34, v17;
	v12 =	vadd.f32 v26, v12  }
0x197: {  	v17 =	vld [tilespmem:s29+$0x18410];
	v13 =	vadd.f32 v35, v13;
	v5 =	vadd.f32 v5, v11  }
0x198: {  	v15 =	vadd.f32 v36, v15;
	v12 =	vadd.f32 v14, v12;
	v14 =	vld [tilespmem:s29+$0x18430]  }
0x199: {  	v18 =	vld [tilespmem:s29+$0x18490];
	v13 =	vadd.f32 v37, v13;
	v11 =	vadd.f32 v1, v5  }
0x19a: {  	v26 =	vld [tilespmem:s29+$0x184A0];
	v15 =	vadd.f32 v38, v15;
	v3 =	vadd.f32 v3, v12  }
0x19b: {  	v12 =	vld [tilespmem:s29+$0x184C0];
	v16 =	vadd.f32 v16, v30;
	v25 =	vadd.f32 v25, v31  }
0x19c: {  	v5 =	vadd.f32 v39, v13;
	v24 =	vadd.f32 v17, v24;
	v13 =	vld [tilespmem:s29+$0x184D0]  }
0x19d: {  	v1 =	vadd.f32 v40, v15;
	v15 =	vld [tilespmem:s29+$0x18450];
	v63 =	vadd.f32 v14, v23  }
0x19e: {  	v17 =	vadd.f32 v62, v16;
	v16 =	vld [tilespmem:s29+$0x18460];
	v18 =	vadd.f32 v18, v24  }
0x19f: {  	s30 =	simm.s32 $0x800;
	v14 =	vld [tilespmem:s29+$0x18440];
	v23 =	vadd.f32 v26, v25;
	v24 =	vadd.f32 v27, v63  }
.LBB2_13:
0x1a0: {  	p0 =	sne.s32 s30, $0xC000;
	v25 =	vld [tilespmem:s29+$0x18470];
	v17 =	vadd.f32 v20, v17;
	v18 =	vadd.f32 v21, v18  }
0x1a1: {  	v20 =	vld [tilespmem:s29+$0x184E0];
	v19 =	vadd.f32 v19, v23;
	v21 =	vadd.f32 v22, v24  }
0x1a2: {  	v22 =	vld [tilespmem:s29+$0x184F0];
	v17 =	vadd.f32 v4, v17;
	v18 =	vadd.f32 v6, v18  }
0x1a3: {  	v23 =	vld [tilespmem:s29+$0x18560];
	v24 =	vadd.f32 v7, v19;
	v26 =	vadd.f32 v10, v21  }
0x1a4: {  	v4 =	vadd.f32 v14, v11;
	v3 =	vadd.f32 v15, v3;
	v10 =	vld [tilespmem:s29+$0x18570]  }
0x1a5: {  	v5 =	vadd.f32 v16, v5;
	v1 =	vadd.f32 v25, v1;
	v14 =	vld [tilespmem:s29+$0x185E0]  }
0x1a6: {  	v7 =	vadd.f32 v12, v4;
	v3 =	vadd.f32 v13, v3;
	v12 =	vld [tilespmem:s29+$0x185F0];
	s29 =	sshra.s32 s30, $0x2  }
0x1a7: {  	v5 =	vadd.f32 v20, v5;
	v4 =	vld [tilespmem:s29+$0x18580];
	v1 =	vadd.f32 v22, v1  }
0x1a8: {  	v9 =	vadd.f32 v9, v7;
	v3 =	vadd.f32 v8, v3;
	v6 =	vld [tilespmem:s29+$0x18590]  }
0x1a9: {  	v5 =	vadd.f32 v23, v5;
	v7 =	vld [tilespmem:s29+$0x185A0];
	v1 =	vadd.f32 v10, v1  }
0x1aa: {  	v11 =	vadd.f32 v0, v9;
	v3 =	vadd.f32 v2, v3;
	v10 =	vld [tilespmem:s29+$0x185B0]  }
0x1ab: {  	v5 =	vadd.f32 v14, v5;
	v0 =	vld [tilespmem:s29+$0x185C0];
	v1 =	vadd.f32 v12, v1  }
0x1ac: {  	v2 =	vld [tilespmem:s29+$0x185D0]  }
0x1ad: {  	v20 =	vld [tilespmem:s29+$0x18500]  }
0x1ae: {  	v21 =	vld [tilespmem:s29+$0x18510]  }
0x1af: {  	v19 =	vld [tilespmem:s29+$0x18520]  }
0x1b0: {  	v22 =	vld [tilespmem:s29+$0x18530]  }
0x1b1: {  	v9 =	vld [tilespmem:s29+$0x18540]  }
0x1b2: {  	v8 =	vld [tilespmem:s29+$0x18550]  }
0x1b3: {  	v16 =	vld [tilespmem:s29+$0x18480]  }
0x1b4: {  	v23 =	vld [tilespmem:s29+$0x18490]  }
0x1b5: {  	v13 =	vld [tilespmem:s29+$0x18400]  }
0x1b6: {  	v14 =	vld [tilespmem:s29+$0x18410]  }
0x1b7: {  	v15 =	vld [tilespmem:s29+$0x18420]  }
0x1b8: {  	v25 =	vld [tilespmem:s29+$0x18430]  }
0x1b9: {  	v27 =	vld [tilespmem:s29+$0x184A0]  }
0x1ba: {  	v28 =	vld [tilespmem:s29+$0x184B0]  }
.Ltmp5:
0x1bb: {  	v12 =	vld [tilespmem:s29+$0x184C0];
	(pc) =	sbr.rel @p0 .LBB2_13-.Ltmp5, $4  }
0x1bc: {  	v17 =	vadd.f32 v13, v17;
	v18 =	vadd.f32 v14, v18;
	v13 =	vld [tilespmem:s29+$0x184D0]  }
0x1bd: {  	v24 =	vadd.f32 v15, v24;
	v25 =	vadd.f32 v25, v26;
	v14 =	vld [tilespmem:s29+$0x18440]  }
0x1be: {  	v17 =	vadd.f32 v16, v17;
	v18 =	vadd.f32 v23, v18;
	v15 =	vld [tilespmem:s29+$0x18450]  }
0x1bf: {  	s30 =	sadd.s32 $0x800, s30;
	v23 =	vadd.f32 v27, v24;
	v16 =	vld [tilespmem:s29+$0x18460];
	v24 =	vadd.f32 v28, v25  }
0x1c0: {  	v17 =	vadd.f32 v20, v17;
	v18 =	vadd.f32 v21, v18  }
0x1c1: {  	v25 =	vld [tilespmem:s29+$0x18470];
	v19 =	vadd.f32 v19, v23;
	v55 =	vadd.f32 v22, v24  }
0x1c2: {  	v54 =	vld [tilespmem:s29+$0x184E0];
	v4 =	vadd.f32 v4, v17;
	v6 =	vadd.f32 v6, v18  }
0x1c3: {  	v56 =	vld [tilespmem:s29+$0x184F0];
	v11 =	vadd.f32 v14, v11;
	v7 =	vadd.f32 v7, v19  }
0x1c4: {  	v57 =	vld [tilespmem:s29+$0x18560];
	v10 =	vadd.f32 v10, v55;
	v3 =	vadd.f32 v15, v3  }
0x1c5: {  	v58 =	vld [tilespmem:s29+$0x18570];
	v5 =	vadd.f32 v16, v5;
	v11 =	vadd.f32 v12, v11  }
0x1c6: {  	v59 =	vld [tilespmem:s29+$0x185E0];
	v1 =	vadd.f32 v25, v1;
	v3 =	vadd.f32 v13, v3  }
0x1c7: {  	v60 =	vld [tilespmem:s29+$0x185F0];
	[tilespmem:s26+$0x1B900] =	vst v4;
	v5 =	vadd.f32 v54, v5;
	v9 =	vadd.f32 v9, v11  }
0x1c8: {  	[tilespmem:s26+$0x1B910] =	vst v6;
	v1 =	vadd.f32 v56, v1;
	v3 =	vadd.f32 v8, v3  }
0x1c9: {  	p0 =	seq.s32 s25, $0x29;
	[tilespmem:s26+$0x1B920] =	vst v7;
	v61 =	vadd.f32 v57, v5;
	v0 =	vadd.f32 v0, v9  }
.Ltmp6:
0x1ca: {  	[tilespmem:s26+$0x1B930] =	vst v10;
	v1 =	vadd.f32 v58, v1;
	v2 =	vadd.f32 v2, v3;
	(pc) =	sbr.rel @p0 .LBB2_16-.Ltmp6, $4  }
0x1cb: {  	v62 =	vadd.f32 v59, v61;
	[tilespmem:s26+$0x1B940] =	vst v0  }
0x1cc: {  	v63 =	vadd.f32 v60, v1;
	[tilespmem:s26+$0x1B950] =	vst v2  }
0x1cd: {  	[tilespmem:s26+$0x1B960] =	vst v62  }
0x1ce: {  	[tilespmem:s26+$0x1B970] =	vst v63  }
.Ltmp7:
0x1cf: {  	(pc) =	sbr.rel .LBB2_2-.Ltmp7, $4  }
0x1d0: {  	s26 =	sadd.s32 $0x500, s28  }
0x1d1: {  	[tilespmem:s17], [sflag:$0x3] =	stream.indirect.gather [hbm4b:s2+s8], $0x80, s26, s8, $0xb8;
	[tilespmem:$0x1F800] =	vst v63  }
0x1d2: {  	s31 =	sadd.s32 $0x580, s28;
	s25 =	sadd.s32 $0x1, s25  }
0x1d3: {  	[tilespmem:s19], [sflag:$0x3] =	stream.indirect.gather [hbm4b:s2+s8], $0x80, s31, s8, $0xb8;
	[tilespmem:$0x1F800] =	vst v63  }
.LBB2_16:
0x1d4: {  	_ =	swait.ge [sflag:s20], $0x3200  }
0x1d5: {  	[sflag:s20] =	ssyncset.done $0x0  }
0x1d6: {  	[sflag:s20] =	ssyncadd.s32 $0xFFFFCE00  }
0x1d7: {  	_ =	swait.ge [sflag:s20], $0x3200  }
0x1d8: {  	[sflag:s20] =	ssyncset.done $0x0  }
0x1d9: {  	s25 =	simm.s32 $0x0;
	[sflag:s20] =	ssyncadd.s32 $0xFFFFCE00  }
0x1da: {  	v8 =	vld [tilespmem:s25+$0x8180]  }
0x1db: {  	v11 =	vld [tilespmem:s25+$0x8190]  }
0x1dc: {  	v12 =	vld [tilespmem:s25+$0x81A0]  }
0x1dd: {  	v13 =	vld [tilespmem:s25+$0x81B0]  }
0x1de: {  	v1 =	vld [tilespmem:s25+$0x81C0]  }
0x1df: {  	v3 =	vld [tilespmem:s25+$0x81D0]  }
0x1e0: {  	v22 =	vld [tilespmem:s25+$0x8100]  }
0x1e1: {  	v24 =	vld [tilespmem:s25+$0x8110]  }
0x1e2: {  	v9 =	vld [tilespmem:s25+$0x8120]  }
0x1e3: {  	v23 =	vld [tilespmem:s25+$0x8130]  }
0x1e4: {  	v5 =	vld [tilespmem:s25+$0x8140]  }
0x1e5: {  	v0 =	vld [tilespmem:s25+$0x8080]  }
0x1e6: {  	v2 =	vld [tilespmem:s25+$0x8090]  }
0x1e7: {  	v4 =	vld [tilespmem:s25+$0x8000]  }
0x1e8: {  	v6 =	vld [tilespmem:s25+$0x8010]  }
0x1e9: {  	v7 =	vld [tilespmem:s25+$0x8020]  }
0x1ea: {  	v10 =	vld [tilespmem:s25+$0x8030]  }
0x1eb: {  	v16 =	vld [tilespmem:s25+$0x80A0]  }
0x1ec: {  	v17 =	vld [tilespmem:s25+$0x80B0]  }
0x1ed: {  	v15 =	vimm.f32 $0.0e+00;
	v14 =	vld [tilespmem:s25+$0x8150]  }
0x1ee: {  	v25 =	vld [tilespmem:s25+$0x80C0];
	v4 =	vadd.f32 v4, v15  }
0x1ef: {  	v26 =	vld [tilespmem:s25+$0x80D0];
	v6 =	vadd.f32 v6, v15;
	v7 =	vadd.f32 v7, v15  }
0x1f0: {  	v27 =	vld [tilespmem:s25+$0x8040];
	v10 =	vadd.f32 v10, v15;
	v30 =	vadd.f32 v0, v4  }
0x1f1: {  	v18 =	vimm.f32 $0.0e+00;
	v28 =	vld [tilespmem:s25+$0x8050];
	v31 =	vadd.f32 v2, v6;
	v32 =	vadd.f32 v16, v7  }
0x1f2: {  	s26 =	simm.s32 $0x800;
	v29 =	vld [tilespmem:s25+$0x8060];
	v33 =	vadd.f32 v17, v10;
	v16 =	vimm.f32 $0.0e+00;
	v17 =	vimm.f32 $0.0e+00  }
.LBB2_17:
0x1f3: {  	p0 =	sne.s32 s26, $0xC000;
	v0 =	vld [tilespmem:s25+$0x8070];
	v2 =	vadd.f32 v22, v30;
	v4 =	vadd.f32 v24, v31  }
0x1f4: {  	v6 =	vld [tilespmem:s25+$0x80E0];
	v7 =	vadd.f32 v9, v32;
	v9 =	vadd.f32 v23, v33  }
0x1f5: {  	v10 =	vld [tilespmem:s25+$0x80F0];
	v2 =	vadd.f32 v8, v2;
	v4 =	vadd.f32 v11, v4  }
0x1f6: {  	v19 =	vld [tilespmem:s25+$0x8160];
	v7 =	vadd.f32 v12, v7;
	v20 =	vadd.f32 v13, v9  }
0x1f7: {  	v8 =	vadd.f32 v27, v15;
	v9 =	vadd.f32 v28, v18;
	v13 =	vld [tilespmem:s25+$0x8170]  }
0x1f8: {  	v11 =	vadd.f32 v29, v16;
	v0 =	vadd.f32 v0, v17;
	v16 =	vld [tilespmem:s25+$0x81E0]  }
0x1f9: {  	v12 =	vadd.f32 v25, v8;
	v9 =	vadd.f32 v26, v9;
	v17 =	vld [tilespmem:s25+$0x81F0];
	s25 =	sshra.s32 s26, $0x2  }
0x1fa: {  	v6 =	vadd.f32 v6, v11;
	v8 =	vld [tilespmem:s25+$0x8180];
	v0 =	vadd.f32 v10, v0  }
0x1fb: {  	v5 =	vadd.f32 v5, v12;
	v9 =	vadd.f32 v14, v9;
	v11 =	vld [tilespmem:s25+$0x8190]  }
0x1fc: {  	v6 =	vadd.f32 v19, v6;
	v12 =	vld [tilespmem:s25+$0x81A0];
	v0 =	vadd.f32 v13, v0  }
0x1fd: {  	v15 =	vadd.f32 v1, v5;
	v18 =	vadd.f32 v3, v9;
	v13 =	vld [tilespmem:s25+$0x81B0]  }
0x1fe: {  	v16 =	vadd.f32 v16, v6;
	v1 =	vld [tilespmem:s25+$0x81C0];
	v17 =	vadd.f32 v17, v0  }
0x1ff: {  	v3 =	vld [tilespmem:s25+$0x81D0]  }
0x200: {  	v22 =	vld [tilespmem:s25+$0x8100]  }
0x201: {  	v24 =	vld [tilespmem:s25+$0x8110]  }
0x202: {  	v9 =	vld [tilespmem:s25+$0x8120]  }
0x203: {  	v23 =	vld [tilespmem:s25+$0x8130]  }
0x204: {  	v5 =	vld [tilespmem:s25+$0x8140]  }
0x205: {  	v14 =	vld [tilespmem:s25+$0x8150]  }
0x206: {  	v0 =	vld [tilespmem:s25+$0x8080]  }
0x207: {  	v6 =	vld [tilespmem:s25+$0x8090]  }
0x208: {  	v10 =	vld [tilespmem:s25+$0x8000]  }
0x209: {  	v19 =	vld [tilespmem:s25+$0x8010]  }
0x20a: {  	v21 =	vld [tilespmem:s25+$0x8020]  }
0x20b: {  	v27 =	vld [tilespmem:s25+$0x8030]  }
0x20c: {  	v32 =	vld [tilespmem:s25+$0x80A0]  }
0x20d: {  	v33 =	vld [tilespmem:s25+$0x80B0]  }
.Ltmp8:
0x20e: {  	v25 =	vld [tilespmem:s25+$0x80C0];
	(pc) =	sbr.rel @p0 .LBB2_17-.Ltmp8, $4  }
0x20f: {  	v2 =	vadd.f32 v10, v2;
	v4 =	vadd.f32 v19, v4;
	v26 =	vld [tilespmem:s25+$0x80D0]  }
0x210: {  	v7 =	vadd.f32 v21, v7;
	v10 =	vadd.f32 v27, v20;
	v27 =	vld [tilespmem:s25+$0x8040]  }
0x211: {  	v30 =	vadd.f32 v0, v2;
	v31 =	vadd.f32 v6, v4;
	v28 =	vld [tilespmem:s25+$0x8050]  }
0x212: {  	s26 =	sadd.s32 $0x800, s26;
	v32 =	vadd.f32 v32, v7;
	v29 =	vld [tilespmem:s25+$0x8060];
	v33 =	vadd.f32 v33, v10  }
0x213: {  	v34 =	vld [tilespmem:s25+$0x8070]  }
0x214: {  	v35 =	vld [tilespmem:s25+$0x80E0]  }
0x215: {  	v36 =	vld [tilespmem:s25+$0x80F0]  }
0x216: {  	v37 =	vld [tilespmem:s25+$0x8160]  }
0x217: {  	v38 =	vld [tilespmem:s25+$0x8170]  }
0x218: {  	v39 =	vld [tilespmem:s25+$0x81E0]  }
0x219: {  	v40 =	vld [tilespmem:s25+$0x81F0];
	s25 =	simm.s32 $0x0  }
0x21a: {  	v4 =	vld [tilespmem:s25+$0xB580]  }
0x21b: {  	v6 =	vld [tilespmem:s25+$0xB590]  }
0x21c: {  	v7 =	vld [tilespmem:s25+$0xB5A0]  }
0x21d: {  	v10 =	vld [tilespmem:s25+$0xB5B0]  }
0x21e: {  	v0 =	vld [tilespmem:s25+$0xB5C0]  }
0x21f: {  	v2 =	vld [tilespmem:s25+$0xB5D0]  }
0x220: {  	v20 =	vld [tilespmem:s25+$0xB500]  }
0x221: {  	v21 =	vld [tilespmem:s25+$0xB510]  }
0x222: {  	v19 =	vld [tilespmem:s25+$0xB520]  }
0x223: {  	v30 =	vadd.f32 v22, v30;
	v24 =	vadd.f32 v24, v31;
	v22 =	vld [tilespmem:s25+$0xB530]  }
0x224: {  	v61 =	vadd.f32 v9, v32;
	v23 =	vadd.f32 v23, v33;
	v9 =	vld [tilespmem:s25+$0xB540]  }
0x225: {  	v62 =	vld [tilespmem:s25+$0xB480];
	v30 =	vadd.f32 v8, v30;
	v24 =	vadd.f32 v11, v24  }
0x226: {  	v8 =	vld [tilespmem:s25+$0xB550];
	v11 =	vadd.f32 v27, v15;
	v31 =	vadd.f32 v12, v61  }
0x227: {  	v27 =	vld [tilespmem:s25+$0xB4B0];
	v23 =	vadd.f32 v13, v23;
	v12 =	vadd.f32 v28, v18  }
0x228: {  	v13 =	vadd.f32 v29, v16;
	v16 =	vld [tilespmem:s25+$0xB400];
	v11 =	vadd.f32 v25, v11  }
0x229: {  	v25 =	vld [tilespmem:s25+$0xB420];
	v15 =	vadd.f32 v34, v17;
	v12 =	vadd.f32 v26, v12  }
0x22a: {  	v17 =	vld [tilespmem:s25+$0xB410];
	v13 =	vadd.f32 v35, v13;
	v5 =	vadd.f32 v5, v11  }
0x22b: {  	v15 =	vadd.f32 v36, v15;
	v12 =	vadd.f32 v14, v12;
	v14 =	vld [tilespmem:s25+$0xB430]  }
0x22c: {  	v18 =	vld [tilespmem:s25+$0xB490];
	v13 =	vadd.f32 v37, v13;
	v11 =	vadd.f32 v1, v5  }
0x22d: {  	v26 =	vld [tilespmem:s25+$0xB4A0];
	v15 =	vadd.f32 v38, v15;
	v3 =	vadd.f32 v3, v12  }
0x22e: {  	v12 =	vld [tilespmem:s25+$0xB4C0];
	v16 =	vadd.f32 v16, v30;
	v25 =	vadd.f32 v25, v31  }
0x22f: {  	v5 =	vadd.f32 v39, v13;
	v24 =	vadd.f32 v17, v24;
	v13 =	vld [tilespmem:s25+$0xB4D0]  }
0x230: {  	v1 =	vadd.f32 v40, v15;
	v15 =	vld [tilespmem:s25+$0xB450];
	v63 =	vadd.f32 v14, v23  }
0x231: {  	v17 =	vadd.f32 v62, v16;
	v16 =	vld [tilespmem:s25+$0xB460];
	v18 =	vadd.f32 v18, v24  }
0x232: {  	s26 =	simm.s32 $0x800;
	v14 =	vld [tilespmem:s25+$0xB440];
	v23 =	vadd.f32 v26, v25;
	v24 =	vadd.f32 v27, v63  }
.LBB2_19:
0x233: {  	p0 =	sne.s32 s26, $0xC000;
	v25 =	vld [tilespmem:s25+$0xB470];
	v17 =	vadd.f32 v20, v17;
	v18 =	vadd.f32 v21, v18  }
0x234: {  	v20 =	vld [tilespmem:s25+$0xB4E0];
	v19 =	vadd.f32 v19, v23;
	v21 =	vadd.f32 v22, v24  }
0x235: {  	v22 =	vld [tilespmem:s25+$0xB4F0];
	v17 =	vadd.f32 v4, v17;
	v18 =	vadd.f32 v6, v18  }
0x236: {  	v23 =	vld [tilespmem:s25+$0xB560];
	v24 =	vadd.f32 v7, v19;
	v26 =	vadd.f32 v10, v21  }
0x237: {  	v4 =	vadd.f32 v14, v11;
	v3 =	vadd.f32 v15, v3;
	v10 =	vld [tilespmem:s25+$0xB570]  }
0x238: {  	v5 =	vadd.f32 v16, v5;
	v1 =	vadd.f32 v25, v1;
	v14 =	vld [tilespmem:s25+$0xB5E0]  }
0x239: {  	v7 =	vadd.f32 v12, v4;
	v3 =	vadd.f32 v13, v3;
	v12 =	vld [tilespmem:s25+$0xB5F0];
	s25 =	sshra.s32 s26, $0x2  }
0x23a: {  	v5 =	vadd.f32 v20, v5;
	v4 =	vld [tilespmem:s25+$0xB580];
	v1 =	vadd.f32 v22, v1  }
0x23b: {  	v9 =	vadd.f32 v9, v7;
	v3 =	vadd.f32 v8, v3;
	v6 =	vld [tilespmem:s25+$0xB590]  }
0x23c: {  	v5 =	vadd.f32 v23, v5;
	v7 =	vld [tilespmem:s25+$0xB5A0];
	v1 =	vadd.f32 v10, v1  }
0x23d: {  	v11 =	vadd.f32 v0, v9;
	v3 =	vadd.f32 v2, v3;
	v10 =	vld [tilespmem:s25+$0xB5B0]  }
0x23e: {  	v5 =	vadd.f32 v14, v5;
	v0 =	vld [tilespmem:s25+$0xB5C0];
	v1 =	vadd.f32 v12, v1  }
0x23f: {  	v2 =	vld [tilespmem:s25+$0xB5D0]  }
0x240: {  	v20 =	vld [tilespmem:s25+$0xB500]  }
0x241: {  	v21 =	vld [tilespmem:s25+$0xB510]  }
0x242: {  	v19 =	vld [tilespmem:s25+$0xB520]  }
0x243: {  	v22 =	vld [tilespmem:s25+$0xB530]  }
0x244: {  	v9 =	vld [tilespmem:s25+$0xB540]  }
0x245: {  	v8 =	vld [tilespmem:s25+$0xB550]  }
0x246: {  	v16 =	vld [tilespmem:s25+$0xB480]  }
0x247: {  	v23 =	vld [tilespmem:s25+$0xB490]  }
0x248: {  	v13 =	vld [tilespmem:s25+$0xB400]  }
0x249: {  	v14 =	vld [tilespmem:s25+$0xB410]  }
0x24a: {  	v15 =	vld [tilespmem:s25+$0xB420]  }
0x24b: {  	v25 =	vld [tilespmem:s25+$0xB430]  }
0x24c: {  	v27 =	vld [tilespmem:s25+$0xB4A0]  }
0x24d: {  	v28 =	vld [tilespmem:s25+$0xB4B0]  }
.Ltmp9:
0x24e: {  	v12 =	vld [tilespmem:s25+$0xB4C0];
	(pc) =	sbr.rel @p0 .LBB2_19-.Ltmp9, $4  }
0x24f: {  	v17 =	vadd.f32 v13, v17;
	v18 =	vadd.f32 v14, v18;
	v13 =	vld [tilespmem:s25+$0xB4D0]  }
0x250: {  	v24 =	vadd.f32 v15, v24;
	v25 =	vadd.f32 v25, v26;
	v14 =	vld [tilespmem:s25+$0xB440]  }
0x251: {  	v17 =	vadd.f32 v16, v17;
	v18 =	vadd.f32 v23, v18;
	v15 =	vld [tilespmem:s25+$0xB450]  }
0x252: {  	s26 =	sadd.s32 $0x800, s26;
	v23 =	vadd.f32 v27, v24;
	v16 =	vld [tilespmem:s25+$0xB460];
	v24 =	vadd.f32 v28, v25  }
0x253: {  	v17 =	vadd.f32 v20, v17;
	v18 =	vadd.f32 v21, v18  }
0x254: {  	v25 =	vld [tilespmem:s25+$0xB470];
	v19 =	vadd.f32 v19, v23;
	v21 =	vadd.f32 v22, v24  }
0x255: {  	v20 =	vld [tilespmem:s25+$0xB4E0];
	v4 =	vadd.f32 v4, v17;
	v6 =	vadd.f32 v6, v18  }
0x256: {  	v22 =	vld [tilespmem:s25+$0xB4F0];
	v11 =	vadd.f32 v14, v11;
	v7 =	vadd.f32 v7, v19  }
0x257: {  	v17 =	vld [tilespmem:s25+$0xB560];
	v10 =	vadd.f32 v10, v21;
	v3 =	vadd.f32 v15, v3  }
0x258: {  	v14 =	vld [tilespmem:s25+$0xB570];
	v5 =	vadd.f32 v16, v5;
	v11 =	vadd.f32 v12, v11  }
0x259: {  	v15 =	vld [tilespmem:s25+$0xB5E0];
	v1 =	vadd.f32 v25, v1;
	v3 =	vadd.f32 v13, v3  }
0x25a: {  	v12 =	vld [tilespmem:s25+$0xB5F0];
	[tilespmem:$0x1F700] =	vst v4;
	v5 =	vadd.f32 v20, v5;
	v9 =	vadd.f32 v9, v11  }
0x25b: {  	[tilespmem:$0x1F710] =	vst v6;
	v1 =	vadd.f32 v22, v1;
	v3 =	vadd.f32 v8, v3  }
0x25c: {  	[tilespmem:$0x1F720] =	vst v7;
	v4 =	vadd.f32 v17, v5;
	v0 =	vadd.f32 v0, v9  }
0x25d: {  	[tilespmem:$0x1F730] =	vst v10;
	v1 =	vadd.f32 v14, v1;
	v2 =	vadd.f32 v2, v3  }
0x25e: {  	v3 =	vadd.f32 v15, v4;
	[tilespmem:$0x1F740] =	vst v0  }
0x25f: {  	v0 =	vadd.f32 v12, v1;
	[tilespmem:$0x1F750] =	vst v2  }
0x260: {  	[tilespmem:$0x1F760] =	vst v3  }
0x261: {  	[tilespmem:$0x1F770] =	vst v0  }
0x262: {  	_ =	swait.ge [sflag:s21], $0x3200  }
0x263: {  	[sflag:s21] =	ssyncset.done $0x0  }
0x264: {  	[sflag:s21] =	ssyncadd.s32 $0xFFFFCE00  }
0x265: {  	_ =	swait.ge [sflag:s21], $0x3200  }
0x266: {  	[sflag:s21] =	ssyncset.done $0x0  }
0x267: {  	s25 =	simm.s32 $0x0;
	[sflag:s21] =	ssyncadd.s32 $0xFFFFCE00  }
0x268: {  	v8 =	vld [tilespmem:s25+$0xE980]  }
0x269: {  	v11 =	vld [tilespmem:s25+$0xE990]  }
0x26a: {  	v12 =	vld [tilespmem:s25+$0xE9A0]  }
0x26b: {  	v13 =	vld [tilespmem:s25+$0xE9B0]  }
0x26c: {  	v1 =	vld [tilespmem:s25+$0xE9C0]  }
0x26d: {  	v3 =	vld [tilespmem:s25+$0xE9D0]  }
0x26e: {  	v22 =	vld [tilespmem:s25+$0xE900]  }
0x26f: {  	v24 =	vld [tilespmem:s25+$0xE910]  }
0x270: {  	v9 =	vld [tilespmem:s25+$0xE920]  }
0x271: {  	v23 =	vld [tilespmem:s25+$0xE930]  }
0x272: {  	v5 =	vld [tilespmem:s25+$0xE940]  }
0x273: {  	v0 =	vld [tilespmem:s25+$0xE880]  }
0x274: {  	v2 =	vld [tilespmem:s25+$0xE890]  }
0x275: {  	v4 =	vld [tilespmem:s25+$0xE800]  }
0x276: {  	v6 =	vld [tilespmem:s25+$0xE810]  }
0x277: {  	v7 =	vld [tilespmem:s25+$0xE820]  }
0x278: {  	v10 =	vld [tilespmem:s25+$0xE830]  }
0x279: {  	v16 =	vld [tilespmem:s25+$0xE8A0]  }
0x27a: {  	v17 =	vld [tilespmem:s25+$0xE8B0]  }
0x27b: {  	v15 =	vimm.f32 $0.0e+00;
	v14 =	vld [tilespmem:s25+$0xE950]  }
0x27c: {  	v25 =	vld [tilespmem:s25+$0xE8C0];
	v4 =	vadd.f32 v4, v15  }
0x27d: {  	v26 =	vld [tilespmem:s25+$0xE8D0];
	v6 =	vadd.f32 v6, v15;
	v7 =	vadd.f32 v7, v15  }
0x27e: {  	v27 =	vld [tilespmem:s25+$0xE840];
	v10 =	vadd.f32 v10, v15;
	v30 =	vadd.f32 v0, v4  }
0x27f: {  	v18 =	vimm.f32 $0.0e+00;
	v28 =	vld [tilespmem:s25+$0xE850];
	v31 =	vadd.f32 v2, v6;
	v32 =	vadd.f32 v16, v7  }
0x280: {  	s26 =	simm.s32 $0x800;
	v29 =	vld [tilespmem:s25+$0xE860];
	v33 =	vadd.f32 v17, v10;
	v16 =	vimm.f32 $0.0e+00;
	v17 =	vimm.f32 $0.0e+00  }
.LBB2_21:
0x281: {  	p0 =	sne.s32 s26, $0xC000;
	v0 =	vld [tilespmem:s25+$0xE870];
	v2 =	vadd.f32 v22, v30;
	v4 =	vadd.f32 v24, v31  }
0x282: {  	v6 =	vld [tilespmem:s25+$0xE8E0];
	v7 =	vadd.f32 v9, v32;
	v9 =	vadd.f32 v23, v33  }
0x283: {  	v10 =	vld [tilespmem:s25+$0xE8F0];
	v2 =	vadd.f32 v8, v2;
	v4 =	vadd.f32 v11, v4  }
0x284: {  	v19 =	vld [tilespmem:s25+$0xE960];
	v7 =	vadd.f32 v12, v7;
	v20 =	vadd.f32 v13, v9  }
0x285: {  	v8 =	vadd.f32 v27, v15;
	v9 =	vadd.f32 v28, v18;
	v13 =	vld [tilespmem:s25+$0xE970]  }
0x286: {  	v11 =	vadd.f32 v29, v16;
	v0 =	vadd.f32 v0, v17;
	v16 =	vld [tilespmem:s25+$0xE9E0]  }
0x287: {  	v12 =	vadd.f32 v25, v8;
	v9 =	vadd.f32 v26, v9;
	v17 =	vld [tilespmem:s25+$0xE9F0];
	s25 =	sshra.s32 s26, $0x2  }
0x288: {  	v6 =	vadd.f32 v6, v11;
	v8 =	vld [tilespmem:s25+$0xE980];
	v0 =	vadd.f32 v10, v0  }
0x289: {  	v5 =	vadd.f32 v5, v12;
	v9 =	vadd.f32 v14, v9;
	v11 =	vld [tilespmem:s25+$0xE990]  }
0x28a: {  	v6 =	vadd.f32 v19, v6;
	v12 =	vld [tilespmem:s25+$0xE9A0];
	v0 =	vadd.f32 v13, v0  }
0x28b: {  	v15 =	vadd.f32 v1, v5;
	v18 =	vadd.f32 v3, v9;
	v13 =	vld [tilespmem:s25+$0xE9B0]  }
0x28c: {  	v16 =	vadd.f32 v16, v6;
	v1 =	vld [tilespmem:s25+$0xE9C0];
	v17 =	vadd.f32 v17, v0  }
0x28d: {  	v3 =	vld [tilespmem:s25+$0xE9D0]  }
0x28e: {  	v22 =	vld [tilespmem:s25+$0xE900]  }
0x28f: {  	v24 =	vld [tilespmem:s25+$0xE910]  }
0x290: {  	v9 =	vld [tilespmem:s25+$0xE920]  }
0x291: {  	v23 =	vld [tilespmem:s25+$0xE930]  }
0x292: {  	v5 =	vld [tilespmem:s25+$0xE940]  }
0x293: {  	v14 =	vld [tilespmem:s25+$0xE950]  }
0x294: {  	v0 =	vld [tilespmem:s25+$0xE880]  }
0x295: {  	v6 =	vld [tilespmem:s25+$0xE890]  }
0x296: {  	v10 =	vld [tilespmem:s25+$0xE800]  }
0x297: {  	v19 =	vld [tilespmem:s25+$0xE810]  }
0x298: {  	v21 =	vld [tilespmem:s25+$0xE820]  }
0x299: {  	v27 =	vld [tilespmem:s25+$0xE830]  }
0x29a: {  	v32 =	vld [tilespmem:s25+$0xE8A0]  }
0x29b: {  	v33 =	vld [tilespmem:s25+$0xE8B0]  }
.Ltmp10:
0x29c: {  	v25 =	vld [tilespmem:s25+$0xE8C0];
	(pc) =	sbr.rel @p0 .LBB2_21-.Ltmp10, $4  }
0x29d: {  	v2 =	vadd.f32 v10, v2;
	v4 =	vadd.f32 v19, v4;
	v26 =	vld [tilespmem:s25+$0xE8D0]  }
0x29e: {  	v7 =	vadd.f32 v21, v7;
	v10 =	vadd.f32 v27, v20;
	v27 =	vld [tilespmem:s25+$0xE840]  }
0x29f: {  	v30 =	vadd.f32 v0, v2;
	v31 =	vadd.f32 v6, v4;
	v28 =	vld [tilespmem:s25+$0xE850]  }
0x2a0: {  	s26 =	sadd.s32 $0x800, s26;
	v32 =	vadd.f32 v32, v7;
	v29 =	vld [tilespmem:s25+$0xE860];
	v33 =	vadd.f32 v33, v10  }
0x2a1: {  	v34 =	vld [tilespmem:s25+$0xE870]  }
0x2a2: {  	v35 =	vld [tilespmem:s25+$0xE8E0]  }
0x2a3: {  	v36 =	vld [tilespmem:s25+$0xE8F0]  }
0x2a4: {  	v37 =	vld [tilespmem:s25+$0xE960]  }
0x2a5: {  	v38 =	vld [tilespmem:s25+$0xE970]  }
0x2a6: {  	v39 =	vld [tilespmem:s25+$0xE9E0]  }
0x2a7: {  	v40 =	vld [tilespmem:s25+$0xE9F0];
	s25 =	simm.s32 $0x0  }
0x2a8: {  	v4 =	vld [tilespmem:s25+$0x11D80]  }
0x2a9: {  	v6 =	vld [tilespmem:s25+$0x11D90]  }
0x2aa: {  	v7 =	vld [tilespmem:s25+$0x11DA0]  }
0x2ab: {  	v10 =	vld [tilespmem:s25+$0x11DB0]  }
0x2ac: {  	v0 =	vld [tilespmem:s25+$0x11DC0]  }
0x2ad: {  	v2 =	vld [tilespmem:s25+$0x11DD0]  }
0x2ae: {  	v20 =	vld [tilespmem:s25+$0x11D00]  }
0x2af: {  	v21 =	vld [tilespmem:s25+$0x11D10]  }
0x2b0: {  	v19 =	vld [tilespmem:s25+$0x11D20]  }
0x2b1: {  	v30 =	vadd.f32 v22, v30;
	v24 =	vadd.f32 v24, v31;
	v22 =	vld [tilespmem:s25+$0x11D30]  }
0x2b2: {  	v61 =	vadd.f32 v9, v32;
	v23 =	vadd.f32 v23, v33;
	v9 =	vld [tilespmem:s25+$0x11D40]  }
0x2b3: {  	v62 =	vld [tilespmem:s25+$0x11C80];
	v30 =	vadd.f32 v8, v30;
	v24 =	vadd.f32 v11, v24  }
0x2b4: {  	v8 =	vld [tilespmem:s25+$0x11D50];
	v11 =	vadd.f32 v27, v15;
	v31 =	vadd.f32 v12, v61  }
0x2b5: {  	v27 =	vld [tilespmem:s25+$0x11CB0];
	v23 =	vadd.f32 v13, v23;
	v12 =	vadd.f32 v28, v18  }
0x2b6: {  	v13 =	vadd.f32 v29, v16;
	v16 =	vld [tilespmem:s25+$0x11C00];
	v11 =	vadd.f32 v25, v11  }
0x2b7: {  	v25 =	vld [tilespmem:s25+$0x11C20];
	v15 =	vadd.f32 v34, v17;
	v12 =	vadd.f32 v26, v12  }
0x2b8: {  	v17 =	vld [tilespmem:s25+$0x11C10];
	v13 =	vadd.f32 v35, v13;
	v5 =	vadd.f32 v5, v11  }
0x2b9: {  	v15 =	vadd.f32 v36, v15;
	v12 =	vadd.f32 v14, v12;
	v14 =	vld [tilespmem:s25+$0x11C30]  }
0x2ba: {  	v18 =	vld [tilespmem:s25+$0x11C90];
	v13 =	vadd.f32 v37, v13;
	v11 =	vadd.f32 v1, v5  }
0x2bb: {  	v26 =	vld [tilespmem:s25+$0x11CA0];
	v15 =	vadd.f32 v38, v15;
	v3 =	vadd.f32 v3, v12  }
0x2bc: {  	v12 =	vld [tilespmem:s25+$0x11CC0];
	v16 =	vadd.f32 v16, v30;
	v25 =	vadd.f32 v25, v31  }
0x2bd: {  	v5 =	vadd.f32 v39, v13;
	v24 =	vadd.f32 v17, v24;
	v13 =	vld [tilespmem:s25+$0x11CD0]  }
0x2be: {  	v1 =	vadd.f32 v40, v15;
	v15 =	vld [tilespmem:s25+$0x11C50];
	v63 =	vadd.f32 v14, v23  }
0x2bf: {  	v17 =	vadd.f32 v62, v16;
	v16 =	vld [tilespmem:s25+$0x11C60];
	v18 =	vadd.f32 v18, v24  }
0x2c0: {  	s26 =	simm.s32 $0x800;
	v14 =	vld [tilespmem:s25+$0x11C40];
	v23 =	vadd.f32 v26, v25;
	v24 =	vadd.f32 v27, v63  }
.LBB2_23:
0x2c1: {  	p0 =	sne.s32 s26, $0xC000;
	v25 =	vld [tilespmem:s25+$0x11C70];
	v17 =	vadd.f32 v20, v17;
	v18 =	vadd.f32 v21, v18  }
0x2c2: {  	v20 =	vld [tilespmem:s25+$0x11CE0];
	v19 =	vadd.f32 v19, v23;
	v21 =	vadd.f32 v22, v24  }
0x2c3: {  	v22 =	vld [tilespmem:s25+$0x11CF0];
	v17 =	vadd.f32 v4, v17;
	v18 =	vadd.f32 v6, v18  }
0x2c4: {  	v23 =	vld [tilespmem:s25+$0x11D60];
	v24 =	vadd.f32 v7, v19;
	v26 =	vadd.f32 v10, v21  }
0x2c5: {  	v4 =	vadd.f32 v14, v11;
	v3 =	vadd.f32 v15, v3;
	v10 =	vld [tilespmem:s25+$0x11D70]  }
0x2c6: {  	v5 =	vadd.f32 v16, v5;
	v1 =	vadd.f32 v25, v1;
	v14 =	vld [tilespmem:s25+$0x11DE0]  }
0x2c7: {  	v7 =	vadd.f32 v12, v4;
	v3 =	vadd.f32 v13, v3;
	v12 =	vld [tilespmem:s25+$0x11DF0];
	s25 =	sshra.s32 s26, $0x2  }
0x2c8: {  	v5 =	vadd.f32 v20, v5;
	v4 =	vld [tilespmem:s25+$0x11D80];
	v1 =	vadd.f32 v22, v1  }
0x2c9: {  	v9 =	vadd.f32 v9, v7;
	v3 =	vadd.f32 v8, v3;
	v6 =	vld [tilespmem:s25+$0x11D90]  }
0x2ca: {  	v5 =	vadd.f32 v23, v5;
	v7 =	vld [tilespmem:s25+$0x11DA0];
	v1 =	vadd.f32 v10, v1  }
0x2cb: {  	v11 =	vadd.f32 v0, v9;
	v3 =	vadd.f32 v2, v3;
	v10 =	vld [tilespmem:s25+$0x11DB0]  }
0x2cc: {  	v5 =	vadd.f32 v14, v5;
	v0 =	vld [tilespmem:s25+$0x11DC0];
	v1 =	vadd.f32 v12, v1  }
0x2cd: {  	v2 =	vld [tilespmem:s25+$0x11DD0]  }
0x2ce: {  	v20 =	vld [tilespmem:s25+$0x11D00]  }
0x2cf: {  	v21 =	vld [tilespmem:s25+$0x11D10]  }
0x2d0: {  	v19 =	vld [tilespmem:s25+$0x11D20]  }
0x2d1: {  	v22 =	vld [tilespmem:s25+$0x11D30]  }
0x2d2: {  	v9 =	vld [tilespmem:s25+$0x11D40]  }
0x2d3: {  	v8 =	vld [tilespmem:s25+$0x11D50]  }
0x2d4: {  	v16 =	vld [tilespmem:s25+$0x11C80]  }
0x2d5: {  	v23 =	vld [tilespmem:s25+$0x11C90]  }
0x2d6: {  	v13 =	vld [tilespmem:s25+$0x11C00]  }
0x2d7: {  	v14 =	vld [tilespmem:s25+$0x11C10]  }
0x2d8: {  	v15 =	vld [tilespmem:s25+$0x11C20]  }
0x2d9: {  	v25 =	vld [tilespmem:s25+$0x11C30]  }
0x2da: {  	v27 =	vld [tilespmem:s25+$0x11CA0]  }
0x2db: {  	v28 =	vld [tilespmem:s25+$0x11CB0]  }
.Ltmp11:
0x2dc: {  	v12 =	vld [tilespmem:s25+$0x11CC0];
	(pc) =	sbr.rel @p0 .LBB2_23-.Ltmp11, $4  }
0x2dd: {  	v17 =	vadd.f32 v13, v17;
	v18 =	vadd.f32 v14, v18;
	v13 =	vld [tilespmem:s25+$0x11CD0]  }
0x2de: {  	v24 =	vadd.f32 v15, v24;
	v25 =	vadd.f32 v25, v26;
	v14 =	vld [tilespmem:s25+$0x11C40]  }
0x2df: {  	v17 =	vadd.f32 v16, v17;
	v18 =	vadd.f32 v23, v18;
	v15 =	vld [tilespmem:s25+$0x11C50]  }
0x2e0: {  	s26 =	sadd.s32 $0x800, s26;
	v23 =	vadd.f32 v27, v24;
	v16 =	vld [tilespmem:s25+$0x11C60];
	v24 =	vadd.f32 v28, v25  }
0x2e1: {  	v17 =	vadd.f32 v20, v17;
	v18 =	vadd.f32 v21, v18  }
0x2e2: {  	v25 =	vld [tilespmem:s25+$0x11C70];
	v19 =	vadd.f32 v19, v23;
	v55 =	vadd.f32 v22, v24  }
0x2e3: {  	v54 =	vld [tilespmem:s25+$0x11CE0];
	v4 =	vadd.f32 v4, v17;
	v6 =	vadd.f32 v6, v18  }
0x2e4: {  	v56 =	vld [tilespmem:s25+$0x11CF0];
	v11 =	vadd.f32 v14, v11;
	v7 =	vadd.f32 v7, v19  }
0x2e5: {  	v57 =	vld [tilespmem:s25+$0x11D60];
	v10 =	vadd.f32 v10, v55;
	v3 =	vadd.f32 v15, v3  }
0x2e6: {  	v58 =	vld [tilespmem:s25+$0x11D70];
	v5 =	vadd.f32 v16, v5;
	v11 =	vadd.f32 v12, v11  }
0x2e7: {  	v59 =	vld [tilespmem:s25+$0x11DE0];
	v1 =	vadd.f32 v25, v1;
	v3 =	vadd.f32 v13, v3  }
0x2e8: {  	v60 =	vld [tilespmem:s25+$0x11DF0];
	[tilespmem:$0x1F780] =	vst v4;
	v5 =	vadd.f32 v54, v5;
	v9 =	vadd.f32 v9, v11  }
0x2e9: {  	[tilespmem:$0x1F790] =	vst v6;
	v1 =	vadd.f32 v56, v1;
	v3 =	vadd.f32 v8, v3  }
0x2ea: {  	[tilespmem:$0x1F7A0] =	vst v7;
	v61 =	vadd.f32 v57, v5;
	v0 =	vadd.f32 v0, v9  }
0x2eb: {  	[tilespmem:$0x1F7B0] =	vst v10;
	v1 =	vadd.f32 v58, v1;
	v2 =	vadd.f32 v2, v3  }
0x2ec: {  	v62 =	vadd.f32 v59, v61;
	[tilespmem:$0x1F7C0] =	vst v0  }
0x2ed: {  	s24 =	sadd.s32 $0x1, s24;
	v63 =	vadd.f32 v60, v1;
	[tilespmem:$0x1F7D0] =	vst v2  }
0x2ee: {  	p0 =	sne.s32 s24, s6;
	[tilespmem:$0x1F7E0] =	vst v62  }
.Ltmp12:
0x2ef: {  	[tilespmem:$0x1F7F0] =	vst v63;
	(pc) =	sbr.rel @p0 .LBB2_1-.Ltmp12, $4  }
0x2f0: {  	[hbm4b:s5+s3] =	stream.linear.scatter [tilespmem:s23], [sflag:$0x4], $0x4000, $0x38;
	[tilespmem:$0x1F800] =	vst v63  }
0x2f1: {  	_ =	swait.ge [sflag:s7], $0x4000  }
0x2f2: {  	[sflag:s7] =	ssyncset.done $0x0  }
0x2f3: {  	[sflag:s7] =	ssyncadd.s32 $0xFFFFC000  }
0x2f4: {  	_ =	sfence.sel $0x180000  }
0x2f5: {  	[bflag:$0x0] =	sbarrier.arrive $0xFFFF  }
0x2f6: {  	p0 =	sne.s32 s1, $0x0;
	_ =	strace $0x90000047  }
0x2f7: {  	s0 =	sadd.s32 @!p0 $0x100000, s0;
	[bflag:$0x2] =	sbarrier.arrive $0xFFFF  }
0x2f8: {  	[sflag:s0] =	ssyncadd.tile.s32 @!p0 $0x1;
	_ =	shalt  }
.Lfunc_end2:
_tile_overlayer_lowered:
.L_overlay_start_2:
0x2f9: {  	(tag) =	ssettag $0x2  }
0x2fa: {  	s0 =	rddreg [dreg:$0x0];
	s2 =	stileid.u32  }
0x2fb: {  	s1 =	rddreg [dreg:$0x1];
	p0 =	sne.s32 s2, $0x0  }
0x2fc: {  	s3 =	rddreg [dreg:$0x2];
	[bflag:$0x3] =	sbarrier.arrive $0xFFFF;
	s2 =	simm.s32 @!p0 $0x1C04  }
0x2fd: {  	[timem:s3], [sflag:s2] =	dma.local @!p0 [hbm:s0], s1  }
0x2fe: {  	s0 =	simm.s32 @!p0 $0x4  }
0x2ff: {  	_ =	swait.ge @!p0 [sflag:s0], s1  }
0x300: {  	s1 =	ssub.s32 @!p0 $0x0, s1;
	[sflag:s0] =	ssyncset.done @!p0 $0x0  }
0x301: {  	[sflag:s0] =	ssyncadd.s32 @!p0 s1  }
0x302: {  	[bflag:$0x3] =	sbarrier.arrive $0xFFFF  }
0x303: {  	_ =	shalt  }

</sc_bundles>
